<compile_context>
chip_gen: v7x
topology: tpu7x:2x2x1
jax: 0.10.2.dev20260603
libtpu: 0.0.44.dev20260713+nightly
codegen_flags: <defaults>
</compile_context>

<pallas_src>
import functools

import jax
import jax.numpy as jnp
from jax import lax
from jax.experimental import pallas as pl
from jax.experimental.pallas import tpu as pltpu
from jax.experimental.pallas import tpu_sc as plsc

N_NODE = 10000
N_PAD = 10240
E = 320000
HID = 128
EDIM = 16
NUM_CORES = 2
NUM_SUBCORES = 16
NUM_WORKERS = NUM_CORES * NUM_SUBCORES
GKBLK = 80
GBLKS = (E // NUM_WORKERS) // GKBLK
ROWS_PER_TILE = N_PAD // NUM_SUBCORES
ZCH = 128
NZCH = ROWS_PER_TILE // ZCH

_sc_mesh = lambda: plsc.VectorSubcoreMesh(core_axis_name="c",
                                          subcore_axis_name="s")


def _sc_attr_cnt(dst, z, zw):

    @functools.partial(
        pl.kernel,
        out_type=jax.ShapeDtypeStruct((NUM_CORES * N_PAD, HID), jnp.float32),
        mesh=_sc_mesh(),
        scratch_types=[
            pltpu.VMEM((4, GKBLK), jnp.int32),
            pltpu.VMEM((4, GKBLK, HID), jnp.float32),
            pltpu.SemaphoreType.DMA,
            pltpu.SemaphoreType.DMA,
            pltpu.SemaphoreType.DMA,
            pltpu.SemaphoreType.DMA,
            pltpu.VMEM_SHARED((N_PAD, HID), jnp.float32),
        ],
    )
    def k(dst_h, z_h, zw_h, sz_h, dst_v, rows_v, sem0, sem1, sem2, sem3,
          acc_s):
        c = lax.axis_index("c")
        s = lax.axis_index("s")
        sems = (sem0, sem1, sem2, sem3)

        rbase = s * ROWS_PER_TILE
        for zc in range(NZCH):
            pltpu.sync_copy(zw_h, acc_s.at[pl.ds(rbase + zc * ZCH, ZCH)])
        plsc.subcore_barrier()

        wid = s * NUM_CORES + c
        ebase = wid * (E // NUM_WORKERS)

        def fire(i, bb):
            o = ebase + i * GKBLK
            pltpu.sync_copy(dst_h.at[pl.ds(o, GKBLK)], dst_v.at[bb])
            return pltpu.async_copy(z_h.at[pl.ds(o, GKBLK)], rows_v.at[bb],
                                    sems[bb])

        def drain(bb, cp):
            cp.wait()
            pltpu.sync_copy(rows_v.at[bb], acc_s.at[dst_v.at[bb]], add=True)

        @pl.loop(0, GBLKS // 4)
        def _(i4):
            cps = [fire(i4 * 4 + bb, bb) for bb in range(4)]
            for bb in range(4):
                drain(bb, cps[bb])
        for i in range(GBLKS - (GBLKS % 4), GBLKS):
            drain(0, fire(i, 0))
        plsc.subcore_barrier()

        pltpu.sync_copy(acc_s.at[pl.ds(rbase, ROWS_PER_TILE)],
                        sz_h.at[pl.ds(c * N_PAD + rbase, ROWS_PER_TILE)])

    return k(dst, z, zw).reshape(NUM_CORES, N_PAD, HID)


def _sc_gather_sum(table, src, dst, zw):

    @functools.partial(
        pl.kernel,
        out_type=jax.ShapeDtypeStruct((NUM_CORES * N_PAD, HID), jnp.float32),
        mesh=_sc_mesh(),
        scratch_types=[
            pltpu.VMEM((4, GKBLK), jnp.int32),
            pltpu.VMEM((4, GKBLK), jnp.int32),
            pltpu.VMEM((4, GKBLK, HID), jnp.float32),
            pltpu.SemaphoreType.DMA,
            pltpu.SemaphoreType.DMA,
            pltpu.SemaphoreType.DMA,
            pltpu.SemaphoreType.DMA,
            pltpu.VMEM_SHARED((N_PAD, HID), jnp.float32),
        ],
    )
    def k(table_h, src_h, dst_h, zw_h, sx_h,
          src_v, dst_v, rows_v, sem0, sem1, sem2, sem3, acc_s):
        c = lax.axis_index("c")
        s = lax.axis_index("s")
        sems = (sem0, sem1, sem2, sem3)

        rbase = s * ROWS_PER_TILE
        for z in range(NZCH):
            pltpu.sync_copy(zw_h, acc_s.at[pl.ds(rbase + z * ZCH, ZCH)])
        plsc.subcore_barrier()

        wid = s * NUM_CORES + c
        ebase = wid * (E // NUM_WORKERS)

        def fire(i, bb):
            o = ebase + i * GKBLK
            pltpu.sync_copy(src_h.at[pl.ds(o, GKBLK)], src_v.at[bb])
            pltpu.sync_copy(dst_h.at[pl.ds(o, GKBLK)], dst_v.at[bb])
            return pltpu.async_copy(table_h.at[src_v.at[bb]], rows_v.at[bb],
                                    sems[bb])

        def drain(bb, cp):
            cp.wait()
            pltpu.sync_copy(rows_v.at[bb], acc_s.at[dst_v.at[bb]], add=True)

        @pl.loop(0, GBLKS // 4)
        def _(i4):
            cps = [fire(i4 * 4 + bb, bb) for bb in range(4)]
            for bb in range(4):
                drain(bb, cps[bb])
        for i in range(GBLKS - (GBLKS % 4), GBLKS):
            drain(0, fire(i, 0))
        plsc.subcore_barrier()

        pltpu.sync_copy(acc_s.at[pl.ds(rbase, ROWS_PER_TILE)],
                        sx_h.at[pl.ds(c * N_PAD + rbase, ROWS_PER_TILE)])

    return k(table, src, dst, zw).reshape(NUM_CORES, N_PAD, HID)


_TC_ROWS = 1280


def _tc_body(sx_ref, sz_ref, x_ref, wx_ref, we_ref, b_ref,
             g_ref, beta_ref, o_ref):
    sx = sx_ref[0] + sx_ref[1]
    sz = sz_ref[0] + sz_ref[1]
    sa = sz[:, 0:EDIM]
    cnt = sz[:, EDIM:EDIM + 1]
    agg = (jnp.dot(sx, wx_ref[...], preferred_element_type=jnp.float32)
           + jnp.dot(sa, we_ref[...], preferred_element_type=jnp.float32)
           + cnt * b_ref[...])
    msg = agg / jnp.maximum(cnt, 1.0)
    h = x_ref[...] + msg
    mu = jnp.mean(h, axis=1, keepdims=True)
    var = jnp.mean((h - mu) ** 2, axis=1, keepdims=True)
    o_ref[...] = (h - mu) * lax.rsqrt(var + 1e-5) * g_ref[...] + beta_ref[...]


def _tc_epilogue(sx, sz, x, wx, we, b, g, beta):
    grid = (N_PAD // _TC_ROWS,)
    return pl.pallas_call(
        _tc_body,
        grid=grid,
        in_specs=[
            pl.BlockSpec((NUM_CORES, _TC_ROWS, HID), lambda i: (0, i, 0)),
            pl.BlockSpec((NUM_CORES, _TC_ROWS, HID), lambda i: (0, i, 0)),
            pl.BlockSpec((_TC_ROWS, HID), lambda i: (i, 0)),
            pl.BlockSpec((HID, HID), lambda i: (0, 0)),
            pl.BlockSpec((EDIM, HID), lambda i: (0, 0)),
            pl.BlockSpec((1, HID), lambda i: (0, 0)),
            pl.BlockSpec((1, HID), lambda i: (0, 0)),
            pl.BlockSpec((1, HID), lambda i: (0, 0)),
        ],
        out_specs=pl.BlockSpec((_TC_ROWS, HID), lambda i: (i, 0)),
        out_shape=jax.ShapeDtypeStruct((N_NODE, HID), jnp.float32),
    )(sx, sz, x, wx, we, b, g, beta)


def kernel(row_x, token_x, t2r_edge_index, edge_attr_t2r, r2t_edge_index,
           edge_attr_r2t, W_t2r, b_t2r, W_r2t, b_r2t, g_row, beta_row,
           g_tok, beta_tok):
    src_t2r = t2r_edge_index[0].astype(jnp.int32)
    dst_t2r = t2r_edge_index[1].astype(jnp.int32)
    src_r2t = r2t_edge_index[0].astype(jnp.int32)
    dst_r2t = r2t_edge_index[1].astype(jnp.int32)

    zw = jnp.zeros((ZCH, HID), jnp.float32)
    pad = jnp.concatenate(
        [jnp.ones((E, 1), jnp.float32),
         jnp.zeros((E, HID - EDIM - 1), jnp.float32)], axis=1)
    z1 = jnp.concatenate([edge_attr_t2r, pad], axis=1)
    z2 = jnp.concatenate([edge_attr_r2t, pad], axis=1)

    sz1 = _sc_attr_cnt(dst_t2r, z1, zw)
    sz2 = _sc_attr_cnt(dst_r2t, z2, zw)

    sx1 = _sc_gather_sum(token_x, src_t2r, dst_t2r, zw)
    row_new = _tc_epilogue(sx1, sz1, row_x,
                           W_t2r[:HID], W_t2r[HID:], b_t2r.reshape(1, HID),
                           g_row.reshape(1, HID), beta_row.reshape(1, HID))

    sx2 = _sc_gather_sum(row_new, src_r2t, dst_r2t, zw)
    tok_new = _tc_epilogue(sx2, sz2, token_x,
                           W_r2t[:HID], W_r2t[HID:], b_r2t.reshape(1, HID),
                           g_tok.reshape(1, HID), beta_tok.reshape(1, HID))

    return (row_new, tok_new)

# --- scband reference (transcript-rebuilt; emitter-appended) ---
"""Pipeline reference for scband-gnnlayer-77747497992742 (READ-ONLY COPY).

The authoritative reference and input builder live on the scoring server;
editing this copy changes nothing except your own understanding.
"""

import jax, jax.numpy as jnp
import numpy as np

N_ROW = 10000
N_TOK = 10000
E = 320000
HID = 128
EDIM = 16


def _edge_mean_conv(x_src, n_dst, edge_index, edge_attr, W, b):
    src = edge_index[0]
    dst = edge_index[1]
    msg = jnp.concatenate([x_src[src], edge_attr], axis=-1) @ W + b
    agg = jax.ops.segment_sum(msg, dst, num_segments=n_dst)
    cnt = jax.ops.segment_sum(jnp.ones((msg.shape[0],), msg.dtype), dst, num_segments=n_dst)
    return agg / jnp.clip(cnt, 1.0, None)[:, None]


def _layer_norm(x, g, b, eps=1e-5):
    mu = jnp.mean(x, axis=-1, keepdims=True)
    var = jnp.mean((x - mu) ** 2, axis=-1, keepdims=True)
    return (x - mu) / jnp.sqrt(var + eps) * g + b


def setup_inputs(seed: int = 0):
    key = jax.random.key(seed)
    ks = jax.random.split(key, 10)
    row_x = jax.random.normal(ks[0], (N_ROW, HID), jnp.float32)
    token_x = jax.random.normal(ks[1], (N_TOK, HID), jnp.float32)
    t2r_edge_index = jax.random.randint(ks[2], (2, E), 0, N_ROW)
    edge_attr_t2r = jax.random.normal(ks[3], (E, EDIM), jnp.float32)
    r2t_edge_index = jax.random.randint(ks[4], (2, E), 0, N_TOK)
    edge_attr_r2t = jax.random.normal(ks[5], (E, EDIM), jnp.float32)
    s = 1.0 / np.sqrt(HID + EDIM)
    W_t2r = jax.random.uniform(ks[6], (HID + EDIM, HID), jnp.float32, -s, s)
    b_t2r = jax.random.uniform(ks[7], (HID,), jnp.float32, -s, s)
    W_r2t = jax.random.uniform(ks[8], (HID + EDIM, HID), jnp.float32, -s, s)
    b_r2t = jax.random.uniform(ks[9], (HID,), jnp.float32, -s, s)
    g_row = jnp.ones((HID,), jnp.float32)
    beta_row = jnp.zeros((HID,), jnp.float32)
    g_tok = jnp.ones((HID,), jnp.float32)
    beta_tok = jnp.zeros((HID,), jnp.float32)
    return {
        'row_x': row_x, 'token_x': token_x,
        't2r_edge_index': t2r_edge_index, 'edge_attr_t2r': edge_attr_t2r,
        'r2t_edge_index': r2t_edge_index, 'edge_attr_r2t': edge_attr_r2t,
        'W_t2r': W_t2r, 'b_t2r': b_t2r, 'W_r2t': W_r2t, 'b_r2t': b_r2t,
        'g_row': g_row, 'beta_row': beta_row, 'g_tok': g_tok, 'beta_tok': beta_tok,
    }


def reference(row_x, token_x, t2r_edge_index, edge_attr_t2r, r2t_edge_index, edge_attr_r2t,
              W_t2r, b_t2r, W_r2t, b_r2t, g_row, beta_row, g_tok, beta_tok):
    # token -> row: mean aggregation with edge features, residual + LayerNorm (dropout p=0.0)
    row_msg = _edge_mean_conv(token_x, row_x.shape[0], t2r_edge_index, edge_attr_t2r, W_t2r, b_t2r)
    row_new = _layer_norm(row_x + row_msg, g_row, beta_row)
    # bidirectional: row -> token using the updated row features
    tok_msg = _edge_mean_conv(row_new, token_x.shape[0], r2t_edge_index, edge_attr_r2t, W_r2t, b_r2t)
    tok_new = _layer_norm(token_x + tok_msg, g_tok, beta_tok)
    return (row_new, tok_new)

if __name__ == "__main__":
    import jax
    _d = setup_inputs()
    print(jax.jit(kernel)(*tuple(_d.values())))

</pallas_src>

<mosaic_0001>
#map = affine_map<(d0, d1) -> (0, 0)>
#map1 = affine_map<(d0, d1) -> (0)>
module attributes {stable_mosaic.version = 14 : i64} {
  func.func @k(%arg0: i32, %arg1: i32, %arg2: memref<10000x128xf32, #tpu.memory_space<hbm>>, %arg3: memref<320000xi32, #tpu.memory_space<hbm>>, %arg4: memref<320000xi32, #tpu.memory_space<hbm>>, %arg5: memref<128x128xf32, #tpu.memory_space<hbm>>, %arg6: memref<20480x128xf32, #tpu.memory_space<hbm>>, %arg7: memref<4x80xi32, #tpu.memory_space<vmem>>, %arg8: memref<4x80xi32, #tpu.memory_space<vmem>>, %arg9: memref<4x80x128xf32, #tpu.memory_space<vmem>>, %arg10: memref<!tpu.dma_semaphore, #tpu.memory_space<semaphore_mem>>, %arg11: memref<!tpu.dma_semaphore, #tpu.memory_space<semaphore_mem>>, %arg12: memref<!tpu.dma_semaphore, #tpu.memory_space<semaphore_mem>>, %arg13: memref<!tpu.dma_semaphore, #tpu.memory_space<semaphore_mem>>, %arg14: memref<10240x128xf32, #tpu.memory_space<vmem_shared>>) attributes {dimension_semantics = [#tpu.dimension_semantics<core_parallel>, #tpu.dimension_semantics<subcore_parallel>], iteration_bounds = array<i64: 2, 16>, scalar_prefetch = 0 : i64, scratch_operands = 8 : i64, tpu.core_type = #tpu.core_type<sc_vector_subcore>, window_params = [{transform_indices = #map}, {transform_indices = #map1}, {transform_indices = #map1}, {transform_indices = #map}, {transform_indices = #map}]} {
    %mul3A = arith.constant 640 : i32
    %mul3A_0 = arith.muli %arg1, %mul3A : i32
    %add3A = arith.constant 0 : i32
    %add3A_1 = arith.addi %mul3A_0, %add3A : i32
    "tpu.region"() ({
      %run_scoped3A_50 = tpu.sem_alloc : memref<!tpu.dma_semaphore, #tpu.memory_space<semaphore_mem>>
      %dma_start3A_51 = arith.constant 0 : i32
      %dma_start3A_52 = tpu.memref_slice %arg14[%add3A_1, %dma_start3A_51] : memref<10240x128xf32, #tpu.memory_space<vmem_shared>> -> memref<128x128xf32, #tpu.memory_space<vmem_shared>>
      tpu.enqueue_dma source(%arg5 : memref<128x128xf32, #tpu.memory_space<hbm>>) target(%dma_start3A_52 : memref<128x128xf32, #tpu.memory_space<vmem_shared>>) target_semaphore(%run_scoped3A_50 : memref<!tpu.dma_semaphore, #tpu.memory_space<semaphore_mem>>)
      %dma_wait3A_53 = arith.constant 0 : i32
      %dma_wait3A_54 = tpu.memref_slice %arg14[%add3A_1, %dma_wait3A_53] : memref<10240x128xf32, #tpu.memory_space<vmem_shared>> -> memref<128x128xf32, #tpu.memory_space<vmem_shared>>
      tpu.wait_dma2 semaphore(%run_scoped3A_50 : memref<!tpu.dma_semaphore, #tpu.memory_space<semaphore_mem>>) src(%arg5 : memref<128x128xf32, #tpu.memory_space<hbm>>) dst(%dma_wait3A_54 : memref<128x128xf32, #tpu.memory_space<vmem_shared>>)
      tpu.yield
    }) : () -> ()
    %add3A_2 = arith.constant 128 : i32
    %add3A_3 = arith.addi %mul3A_0, %add3A_2 : i32
    "tpu.region"() ({
      %run_scoped3A_50 = tpu.sem_alloc : memref<!tpu.dma_semaphore, #tpu.memory_space<semaphore_mem>>
      %dma_start3A_51 = arith.constant 0 : i32
      %dma_start3A_52 = tpu.memref_slice %arg14[%add3A_3, %dma_start3A_51] : memref<10240x128xf32, #tpu.memory_space<vmem_shared>> -> memref<128x128xf32, #tpu.memory_space<vmem_shared>>
      tpu.enqueue_dma source(%arg5 : memref<128x128xf32, #tpu.memory_space<hbm>>) target(%dma_start3A_52 : memref<128x128xf32, #tpu.memory_space<vmem_shared>>) target_semaphore(%run_scoped3A_50 : memref<!tpu.dma_semaphore, #tpu.memory_space<semaphore_mem>>)
      %dma_wait3A_53 = arith.constant 0 : i32
      %dma_wait3A_54 = tpu.memref_slice %arg14[%add3A_3, %dma_wait3A_53] : memref<10240x128xf32, #tpu.memory_space<vmem_shared>> -> memref<128x128xf32, #tpu.memory_space<vmem_shared>>
      tpu.wait_dma2 semaphore(%run_scoped3A_50 : memref<!tpu.dma_semaphore, #tpu.memory_space<semaphore_mem>>) src(%arg5 : memref<128x128xf32, #tpu.memory_space<hbm>>) dst(%dma_wait3A_54 : memref<128x128xf32, #tpu.memory_space<vmem_shared>>)
      tpu.yield
    }) : () -> ()
    %add3A_4 = arith.constant 256 : i32
    %add3A_5 = arith.addi %mul3A_0, %add3A_4 : i32
    "tpu.region"() ({
      %run_scoped3A_50 = tpu.sem_alloc : memref<!tpu.dma_semaphore, #tpu.memory_space<semaphore_mem>>
      %dma_start3A_51 = arith.constant 0 : i32
      %dma_start3A_52 = tpu.memref_slice %arg14[%add3A_5, %dma_start3A_51] : memref<10240x128xf32, #tpu.memory_space<vmem_shared>> -> memref<128x128xf32, #tpu.memory_space<vmem_shared>>
      tpu.enqueue_dma source(%arg5 : memref<128x128xf32, #tpu.memory_space<hbm>>) target(%dma_start3A_52 : memref<128x128xf32, #tpu.memory_space<vmem_shared>>) target_semaphore(%run_scoped3A_50 : memref<!tpu.dma_semaphore, #tpu.memory_space<semaphore_mem>>)
      %dma_wait3A_53 = arith.constant 0 : i32
      %dma_wait3A_54 = tpu.memref_slice %arg14[%add3A_5, %dma_wait3A_53] : memref<10240x128xf32, #tpu.memory_space<vmem_shared>> -> memref<128x128xf32, #tpu.memory_space<vmem_shared>>
      tpu.wait_dma2 semaphore(%run_scoped3A_50 : memref<!tpu.dma_semaphore, #tpu.memory_space<semaphore_mem>>) src(%arg5 : memref<128x128xf32, #tpu.memory_space<hbm>>) dst(%dma_wait3A_54 : memref<128x128xf32, #tpu.memory_space<vmem_shared>>)
      tpu.yield
    }) : () -> ()
    %add3A_6 = arith.constant 384 : i32
    %add3A_7 = arith.addi %mul3A_0, %add3A_6 : i32
    "tpu.region"() ({
      %run_scoped3A_50 = tpu.sem_alloc : memref<!tpu.dma_semaphore, #tpu.memory_space<semaphore_mem>>
      %dma_start3A_51 = arith.constant 0 : i32
      %dma_start3A_52 = tpu.memref_slice %arg14[%add3A_7, %dma_start3A_51] : memref<10240x128xf32, #tpu.memory_space<vmem_shared>> -> memref<128x128xf32, #tpu.memory_space<vmem_shared>>
      tpu.enqueue_dma source(%arg5 : memref<128x128xf32, #tpu.memory_space<hbm>>) target(%dma_start3A_52 : memref<128x128xf32, #tpu.memory_space<vmem_shared>>) target_semaphore(%run_scoped3A_50 : memref<!tpu.dma_semaphore, #tpu.memory_space<semaphore_mem>>)
      %dma_wait3A_53 = arith.constant 0 : i32
      %dma_wait3A_54 = tpu.memref_slice %arg14[%add3A_7, %dma_wait3A_53] : memref<10240x128xf32, #tpu.memory_space<vmem_shared>> -> memref<128x128xf32, #tpu.memory_space<vmem_shared>>
      tpu.wait_dma2 semaphore(%run_scoped3A_50 : memref<!tpu.dma_semaphore, #tpu.memory_space<semaphore_mem>>) src(%arg5 : memref<128x128xf32, #tpu.memory_space<hbm>>) dst(%dma_wait3A_54 : memref<128x128xf32, #tpu.memory_space<vmem_shared>>)
      tpu.yield
    }) : () -> ()
    %add3A_8 = arith.constant 512 : i32
    %add3A_9 = arith.addi %mul3A_0, %add3A_8 : i32
    "tpu.region"() ({
      %run_scoped3A_50 = tpu.sem_alloc : memref<!tpu.dma_semaphore, #tpu.memory_space<semaphore_mem>>
      %dma_start3A_51 = arith.constant 0 : i32
      %dma_start3A_52 = tpu.memref_slice %arg14[%add3A_9, %dma_start3A_51] : memref<10240x128xf32, #tpu.memory_space<vmem_shared>> -> memref<128x128xf32, #tpu.memory_space<vmem_shared>>
      tpu.enqueue_dma source(%arg5 : memref<128x128xf32, #tpu.memory_space<hbm>>) target(%dma_start3A_52 : memref<128x128xf32, #tpu.memory_space<vmem_shared>>) target_semaphore(%run_scoped3A_50 : memref<!tpu.dma_semaphore, #tpu.memory_space<semaphore_mem>>)
      %dma_wait3A_53 = arith.constant 0 : i32
      %dma_wait3A_54 = tpu.memref_slice %arg14[%add3A_9, %dma_wait3A_53] : memref<10240x128xf32, #tpu.memory_space<vmem_shared>> -> memref<128x128xf32, #tpu.memory_space<vmem_shared>>
      tpu.wait_dma2 semaphore(%run_scoped3A_50 : memref<!tpu.dma_semaphore, #tpu.memory_space<semaphore_mem>>) src(%arg5 : memref<128x128xf32, #tpu.memory_space<hbm>>) dst(%dma_wait3A_54 : memref<128x128xf32, #tpu.memory_space<vmem_shared>>)
      tpu.yield
    }) : () -> ()
    %barrier3A = arith.constant 0 : index
    tpu.barrier barrier_id(%barrier3A)
    %mul3A_10 = arith.constant 2 : i32
    %mul3A_11 = arith.muli %arg1, %mul3A_10 : i32
    %add3A_12 = arith.addi %mul3A_11, %arg0 : i32
    %mul3A_13 = arith.constant 10000 : i32
    %mul3A_14 = arith.muli %add3A_12, %mul3A_13 : i32
    %scan3A = arith.constant 0 : i32
    %scan3A_15 = arith.constant 31 : i32
    %scan3A_16 = arith.addi %scan3A, %scan3A_15 : i32
    %scan3A_17 = arith.constant 1 : i32
    scf.for %scan3A_50 = %scan3A to %scan3A_16 step %scan3A_17  : i32 {
      %mul3A_51 = arith.constant 1 : i32
      %mul3A_52 = arith.muli %scan3A_50, %mul3A_51 : i32
      %add3A_53 = arith.constant 0 : i32
      %add3A_54 = arith.addi %add3A_53, %mul3A_52 : i32
      %mul3A_55 = arith.constant 4 : i32
      %mul3A_56 = arith.muli %add3A_54, %mul3A_55 : i32
      %add3A_57 = arith.constant 0 : i32
      %add3A_58 = arith.addi %mul3A_56, %add3A_57 : i32
      %mul3A_59 = arith.constant 80 : i32
      %mul3A_60 = arith.muli %add3A_58, %mul3A_59 : i32
      %add3A_61 = arith.addi %mul3A_14, %mul3A_60 : i32
      %run_scoped3A_62 = arith.constant 0 : i32
      "tpu.region"() ({
        %run_scoped3A_195 = tpu.sem_alloc : memref<!tpu.dma_semaphore, #tpu.memory_space<semaphore_mem>>
        %dma_start3A_196 = arith.constant 0 : i32
        %dma_start3A_197 = tpu.memref_slice %arg7[%run_scoped3A_62, %dma_start3A_196] : memref<4x80xi32, #tpu.memory_space<vmem>> -> memref<1x80xi32, #tpu.memory_space<vmem>>
        %dma_start3A_198 = tpu.memref_squeeze %dma_start3A_197 : memref<1x80xi32, #tpu.memory_space<vmem>> -> memref<80xi32, #tpu.memory_space<vmem>>
        %dma_start3A_199 = tpu.memref_slice %arg3[%add3A_61] : memref<320000xi32, #tpu.memory_space<hbm>> -> memref<80xi32, #tpu.memory_space<hbm>>
        %dma_start3A_200 = arith.constant 0 : i32
        %dma_start3A_201 = tpu.memref_slice %arg7[%run_scoped3A_62, %dma_start3A_200] : memref<4x80xi32, #tpu.memory_space<vmem>> -> memref<1x80xi32, #tpu.memory_space<vmem>>
        %dma_start3A_202 = tpu.memref_squeeze %dma_start3A_201 : memref<1x80xi32, #tpu.memory_space<vmem>> -> memref<80xi32, #tpu.memory_space<vmem>>
        %dma_start3A_203 = tpu.memref_slice %arg3[%add3A_61] : memref<320000xi32, #tpu.memory_space<hbm>> -> memref<80xi32, #tpu.memory_space<hbm>>
        tpu.enqueue_dma source(%dma_start3A_203 : memref<80xi32, #tpu.memory_space<hbm>>) target(%dma_start3A_202 : memref<80xi32, #tpu.memory_space<vmem>>) target_semaphore(%run_scoped3A_195 : memref<!tpu.dma_semaphore, #tpu.memory_space<semaphore_mem>>)
        %dma_wait3A_204 = arith.constant 0 : i32
        %dma_wait3A_205 = tpu.memref_slice %arg7[%run_scoped3A_62, %dma_wait3A_204] : memref<4x80xi32, #tpu.memory_space<vmem>> -> memref<1x80xi32, #tpu.memory_space<vmem>>
        %dma_wait3A_206 = tpu.memref_squeeze %dma_wait3A_205 : memref<1x80xi32, #tpu.memory_space<vmem>> -> memref<80xi32, #tpu.memory_space<vmem>>
        %dma_wait3A_207 = tpu.memref_slice %arg3[%add3A_61] : memref<320000xi32, #tpu.memory_space<hbm>> -> memref<80xi32, #tpu.memory_space<hbm>>
        %dma_wait3A_208 = arith.constant 0 : i32
        %dma_wait3A_209 = tpu.memref_slice %arg7[%run_scoped3A_62, %dma_wait3A_208] : memref<4x80xi32, #tpu.memory_space<vmem>> -> memref<1x80xi32, #tpu.memory_space<vmem>>
        %dma_wait3A_210 = tpu.memref_squeeze %dma_wait3A_209 : memref<1x80xi32, #tpu.memory_space<vmem>> -> memref<80xi32, #tpu.memory_space<vmem>>
        %dma_wait3A_211 = tpu.memref_slice %arg3[%add3A_61] : memref<320000xi32, #tpu.memory_space<hbm>> -> memref<80xi32, #tpu.memory_space<hbm>>
        tpu.wait_dma2 semaphore(%run_scoped3A_195 : memref<!tpu.dma_semaphore, #tpu.memory_space<semaphore_mem>>) src(%dma_wait3A_211 : memref<80xi32, #tpu.memory_space<hbm>>) dst(%dma_wait3A_210 : memref<80xi32, #tpu.memory_space<vmem>>)
        tpu.yield
      }) : () -> ()
      %run_scoped3A_63 = arith.constant 0 : i32
      "tpu.region"() ({
        %run_scoped3A_195 = tpu.sem_alloc : memref<!tpu.dma_semaphore, #tpu.memory_space<semaphore_mem>>
        %dma_start3A_196 = arith.constant 0 : i32
        %dma_start3A_197 = tpu.memref_slice %arg8[%run_scoped3A_63, %dma_start3A_196] : memref<4x80xi32, #tpu.memory_space<vmem>> -> memref<1x80xi32, #tpu.memory_space<vmem>>
        %dma_start3A_198 = tpu.memref_squeeze %dma_start3A_197 : memref<1x80xi32, #tpu.memory_space<vmem>> -> memref<80xi32, #tpu.memory_space<vmem>>
        %dma_start3A_199 = tpu.memref_slice %arg4[%add3A_61] : memref<320000xi32, #tpu.memory_space<hbm>> -> memref<80xi32, #tpu.memory_space<hbm>>
        %dma_start3A_200 = arith.constant 0 : i32
        %dma_start3A_201 = tpu.memref_slice %arg8[%run_scoped3A_63, %dma_start3A_200] : memref<4x80xi32, #tpu.memory_space<vmem>> -> memref<1x80xi32, #tpu.memory_space<vmem>>
        %dma_start3A_202 = tpu.memref_squeeze %dma_start3A_201 : memref<1x80xi32, #tpu.memory_space<vmem>> -> memref<80xi32, #tpu.memory_space<vmem>>
        %dma_start3A_203 = tpu.memref_slice %arg4[%add3A_61] : memref<320000xi32, #tpu.memory_space<hbm>> -> memref<80xi32, #tpu.memory_space<hbm>>
        tpu.enqueue_dma source(%dma_start3A_203 : memref<80xi32, #tpu.memory_space<hbm>>) target(%dma_start3A_202 : memref<80xi32, #tpu.memory_space<vmem>>) target_semaphore(%run_scoped3A_195 : memref<!tpu.dma_semaphore, #tpu.memory_space<semaphore_mem>>)
        %dma_wait3A_204 = arith.constant 0 : i32
        %dma_wait3A_205 = tpu.memref_slice %arg8[%run_scoped3A_63, %dma_wait3A_204] : memref<4x80xi32, #tpu.memory_space<vmem>> -> memref<1x80xi32, #tpu.memory_space<vmem>>
        %dma_wait3A_206 = tpu.memref_squeeze %dma_wait3A_205 : memref<1x80xi32, #tpu.memory_space<vmem>> -> memref<80xi32, #tpu.memory_space<vmem>>
        %dma_wait3A_207 = tpu.memref_slice %arg4[%add3A_61] : memref<320000xi32, #tpu.memory_space<hbm>> -> memref<80xi32, #tpu.memory_space<hbm>>
        %dma_wait3A_208 = arith.constant 0 : i32
        %dma_wait3A_209 = tpu.memref_slice %arg8[%run_scoped3A_63, %dma_wait3A_208] : memref<4x80xi32, #tpu.memory_space<vmem>> -> memref<1x80xi32, #tpu.memory_space<vmem>>
        %dma_wait3A_210 = tpu.memref_squeeze %dma_wait3A_209 : memref<1x80xi32, #tpu.memory_space<vmem>> -> memref<80xi32, #tpu.memory_space<vmem>>
        %dma_wait3A_211 = tpu.memref_slice %arg4[%add3A_61] : memref<320000xi32, #tpu.memory_space<hbm>> -> memref<80xi32, #tpu.memory_space<hbm>>
        tpu.wait_dma2 semaphore(%run_scoped3A_195 : memref<!tpu.dma_semaphore, #tpu.memory_space<semaphore_mem>>) src(%dma_wait3A_211 : memref<80xi32, #tpu.memory_space<hbm>>) dst(%dma_wait3A_210 : memref<80xi32, #tpu.memory_space<vmem>>)
        tpu.yield
      }) : () -> ()
      %dma_start3A_64 = arith.constant 0 : i32
      %dma_start3A_65 = arith.constant 0 : i32
      %dma_start3A_66 = arith.constant 0 : i32
      %dma_start3A_67 = arith.constant 0 : i32
      %dma_start3A_68 = tpu.memref_slice %arg9[%dma_start3A_65, %dma_start3A_66, %dma_start3A_67] : memref<4x80x128xf32, #tpu.memory_space<vmem>> -> memref<1x80x128xf32, #tpu.memory_space<vmem>>
      %dma_start3A_69 = tpu.memref_squeeze %dma_start3A_68 : memref<1x80x128xf32, #tpu.memory_space<vmem>> -> memref<80x128xf32, #tpu.memory_space<vmem>>
      %dma_start3A_70 = arith.constant 0 : i32
      %dma_start3A_71 = tpu.memref_slice %arg7[%dma_start3A_64, %dma_start3A_70] : memref<4x80xi32, #tpu.memory_space<vmem>> -> memref<1x80xi32, #tpu.memory_space<vmem>>
      %dma_start3A_72 = tpu.memref_squeeze %dma_start3A_71 : memref<1x80xi32, #tpu.memory_space<vmem>> -> memref<80xi32, #tpu.memory_space<vmem>>
      %dma_start3A_73 = arith.constant 0 : i32
      %dma_start3A_74 = arith.constant 0 : i32
      %dma_start3A_75 = tpu.memref_slice %arg2[%dma_start3A_73, %dma_start3A_74] : memref<10000x128xf32, #tpu.memory_space<hbm>> -> memref<10000x128xf32, #tpu.memory_space<hbm>>
      tpu.enqueue_indirect_dma source(%dma_start3A_75 : memref<10000x128xf32, #tpu.memory_space<hbm>>) target(%dma_start3A_69 : memref<80x128xf32, #tpu.memory_space<vmem>>) offsets(%dma_start3A_72 : memref<80xi32, #tpu.memory_space<vmem>>) semaphore(%arg10 : memref<!tpu.dma_semaphore, #tpu.memory_space<semaphore_mem>>)
      %mul3A_76 = arith.constant 4 : i32
      %mul3A_77 = arith.muli %add3A_54, %mul3A_76 : i32
      %add3A_78 = arith.constant 1 : i32
      %add3A_79 = arith.addi %mul3A_77, %add3A_78 : i32
      %mul3A_80 = arith.constant 80 : i32
      %mul3A_81 = arith.muli %add3A_79, %mul3A_80 : i32
      %add3A_82 = arith.addi %mul3A_14, %mul3A_81 : i32
      %run_scoped3A_83 = arith.constant 1 : i32
      "tpu.region"() ({
        %run_scoped3A_195 = tpu.sem_alloc : memref<!tpu.dma_semaphore, #tpu.memory_space<semaphore_mem>>
        %dma_start3A_196 = arith.constant 0 : i32
        %dma_start3A_197 = tpu.memref_slice %arg7[%run_scoped3A_83, %dma_start3A_196] : memref<4x80xi32, #tpu.memory_space<vmem>> -> memref<1x80xi32, #tpu.memory_space<vmem>>
        %dma_start3A_198 = tpu.memref_squeeze %dma_start3A_197 : memref<1x80xi32, #tpu.memory_space<vmem>> -> memref<80xi32, #tpu.memory_space<vmem>>
        %dma_start3A_199 = tpu.memref_slice %arg3[%add3A_82] : memref<320000xi32, #tpu.memory_space<hbm>> -> memref<80xi32, #tpu.memory_space<hbm>>
        %dma_start3A_200 = arith.constant 0 : i32
        %dma_start3A_201 = tpu.memref_slice %arg7[%run_scoped3A_83, %dma_start3A_200] : memref<4x80xi32, #tpu.memory_space<vmem>> -> memref<1x80xi32, #tpu.memory_space<vmem>>
        %dma_start3A_202 = tpu.memref_squeeze %dma_start3A_201 : memref<1x80xi32, #tpu.memory_space<vmem>> -> memref<80xi32, #tpu.memory_space<vmem>>
        %dma_start3A_203 = tpu.memref_slice %arg3[%add3A_82] : memref<320000xi32, #tpu.memory_space<hbm>> -> memref<80xi32, #tpu.memory_space<hbm>>
        tpu.enqueue_dma source(%dma_start3A_203 : memref<80xi32, #tpu.memory_space<hbm>>) target(%dma_start3A_202 : memref<80xi32, #tpu.memory_space<vmem>>) target_semaphore(%run_scoped3A_195 : memref<!tpu.dma_semaphore, #tpu.memory_space<semaphore_mem>>)
        %dma_wait3A_204 = arith.constant 0 : i32
        %dma_wait3A_205 = tpu.memref_slice %arg7[%run_scoped3A_83, %dma_wait3A_204] : memref<4x80xi32, #tpu.memory_space<vmem>> -> memref<1x80xi32, #tpu.memory_space<vmem>>
        %dma_wait3A_206 = tpu.memref_squeeze %dma_wait3A_205 : memref<1x80xi32, #tpu.memory_space<vmem>> -> memref<80xi32, #tpu.memory_space<vmem>>
        %dma_wait3A_207 = tpu.memref_slice %arg3[%add3A_82] : memref<320000xi32, #tpu.memory_space<hbm>> -> memref<80xi32, #tpu.memory_space<hbm>>
        %dma_wait3A_208 = arith.constant 0 : i32
        %dma_wait3A_209 = tpu.memref_slice %arg7[%run_scoped3A_83, %dma_wait3A_208] : memref<4x80xi32, #tpu.memory_space<vmem>> -> memref<1x80xi32, #tpu.memory_space<vmem>>
        %dma_wait3A_210 = tpu.memref_squeeze %dma_wait3A_209 : memref<1x80xi32, #tpu.memory_space<vmem>> -> memref<80xi32, #tpu.memory_space<vmem>>
        %dma_wait3A_211 = tpu.memref_slice %arg3[%add3A_82] : memref<320000xi32, #tpu.memory_space<hbm>> -> memref<80xi32, #tpu.memory_space<hbm>>
        tpu.wait_dma2 semaphore(%run_scoped3A_195 : memref<!tpu.dma_semaphore, #tpu.memory_space<semaphore_mem>>) src(%dma_wait3A_211 : memref<80xi32, #tpu.memory_space<hbm>>) dst(%dma_wait3A_210 : memref<80xi32, #tpu.memory_space<vmem>>)
        tpu.yield
      }) : () -> ()
      %run_scoped3A_84 = arith.constant 1 : i32
      "tpu.region"() ({
        %run_scoped3A_195 = tpu.sem_alloc : memref<!tpu.dma_semaphore, #tpu.memory_space<semaphore_mem>>
        %dma_start3A_196 = arith.constant 0 : i32
        %dma_start3A_197 = tpu.memref_slice %arg8[%run_scoped3A_84, %dma_start3A_196] : memref<4x80xi32, #tpu.memory_space<vmem>> -> memref<1x80xi32, #tpu.memory_space<vmem>>
        %dma_start3A_198 = tpu.memref_squeeze %dma_start3A_197 : memref<1x80xi32, #tpu.memory_space<vmem>> -> memref<80xi32, #tpu.memory_space<vmem>>
        %dma_start3A_199 = tpu.memref_slice %arg4[%add3A_82] : memref<320000xi32, #tpu.memory_space<hbm>> -> memref<80xi32, #tpu.memory_space<hbm>>
        %dma_start3A_200 = arith.constant 0 : i32
        %dma_start3A_201 = tpu.memref_slice %arg8[%run_scoped3A_84, %dma_start3A_200] : memref<4x80xi32, #tpu.memory_space<vmem>> -> memref<1x80xi32, #tpu.memory_space<vmem>>
        %dma_start3A_202 = tpu.memref_squeeze %dma_start3A_201 : memref<1x80xi32, #tpu.memory_space<vmem>> -> memref<80xi32, #tpu.memory_space<vmem>>
        %dma_start3A_203 = tpu.memref_slice %arg4[%add3A_82] : memref<320000xi32, #tpu.memory_space<hbm>> -> memref<80xi32, #tpu.memory_space<hbm>>
        tpu.enqueue_dma source(%dma_start3A_203 : memref<80xi32, #tpu.memory_space<hbm>>) target(%dma_start3A_202 : memref<80xi32, #tpu.memory_space<vmem>>) target_semaphore(%run_scoped3A_195 : memref<!tpu.dma_semaphore, #tpu.memory_space<semaphore_mem>>)
        %dma_wait3A_204 = arith.constant 0 : i32
        %dma_wait3A_205 = tpu.memref_slice %arg8[%run_scoped3A_84, %dma_wait3A_204] : memref<4x80xi32, #tpu.memory_space<vmem>> -> memref<1x80xi32, #tpu.memory_space<vmem>>
        %dma_wait3A_206 = tpu.memref_squeeze %dma_wait3A_205 : memref<1x80xi32, #tpu.memory_space<vmem>> -> memref<80xi32, #tpu.memory_space<vmem>>
        %dma_wait3A_207 = tpu.memref_slice %arg4[%add3A_82] : memref<320000xi32, #tpu.memory_space<hbm>> -> memref<80xi32, #tpu.memory_space<hbm>>
        %dma_wait3A_208 = arith.constant 0 : i32
        %dma_wait3A_209 = tpu.memref_slice %arg8[%run_scoped3A_84, %dma_wait3A_208] : memref<4x80xi32, #tpu.memory_space<vmem>> -> memref<1x80xi32, #tpu.memory_space<vmem>>
        %dma_wait3A_210 = tpu.memref_squeeze %dma_wait3A_209 : memref<1x80xi32, #tpu.memory_space<vmem>> -> memref<80xi32, #tpu.memory_space<vmem>>
        %dma_wait3A_211 = tpu.memref_slice %arg4[%add3A_82] : memref<320000xi32, #tpu.memory_space<hbm>> -> memref<80xi32, #tpu.memory_space<hbm>>
        tpu.wait_dma2 semaphore(%run_scoped3A_195 : memref<!tpu.dma_semaphore, #tpu.memory_space<semaphore_mem>>) src(%dma_wait3A_211 : memref<80xi32, #tpu.memory_space<hbm>>) dst(%dma_wait3A_210 : memref<80xi32, #tpu.memory_space<vmem>>)
        tpu.yield
      }) : () -> ()
      %dma_start3A_85 = arith.constant 1 : i32
      %dma_start3A_86 = arith.constant 1 : i32
      %dma_start3A_87 = arith.constant 0 : i32
      %dma_start3A_88 = arith.constant 0 : i32
      %dma_start3A_89 = tpu.memref_slice %arg9[%dma_start3A_86, %dma_start3A_87, %dma_start3A_88] : memref<4x80x128xf32, #tpu.memory_space<vmem>> -> memref<1x80x128xf32, #tpu.memory_space<vmem>>
      %dma_start3A_90 = tpu.memref_squeeze %dma_start3A_89 : memref<1x80x128xf32, #tpu.memory_space<vmem>> -> memref<80x128xf32, #tpu.memory_space<vmem>>
      %dma_start3A_91 = arith.constant 0 : i32
      %dma_start3A_92 = tpu.memref_slice %arg7[%dma_start3A_85, %dma_start3A_91] : memref<4x80xi32, #tpu.memory_space<vmem>> -> memref<1x80xi32, #tpu.memory_space<vmem>>
      %dma_start3A_93 = tpu.memref_squeeze %dma_start3A_92 : memref<1x80xi32, #tpu.memory_space<vmem>> -> memref<80xi32, #tpu.memory_space<vmem>>
      %dma_start3A_94 = arith.constant 0 : i32
      %dma_start3A_95 = arith.constant 0 : i32
      %dma_start3A_96 = tpu.memref_slice %arg2[%dma_start3A_94, %dma_start3A_95] : memref<10000x128xf32, #tpu.memory_space<hbm>> -> memref<10000x128xf32, #tpu.memory_space<hbm>>
      tpu.enqueue_indirect_dma source(%dma_start3A_96 : memref<10000x128xf32, #tpu.memory_space<hbm>>) target(%dma_start3A_90 : memref<80x128xf32, #tpu.memory_space<vmem>>) offsets(%dma_start3A_93 : memref<80xi32, #tpu.memory_space<vmem>>) semaphore(%arg11 : memref<!tpu.dma_semaphore, #tpu.memory_space<semaphore_mem>>)
      %mul3A_97 = arith.constant 4 : i32
      %mul3A_98 = arith.muli %add3A_54, %mul3A_97 : i32
      %add3A_99 = arith.constant 2 : i32
      %add3A_100 = arith.addi %mul3A_98, %add3A_99 : i32
      %mul3A_101 = arith.constant 80 : i32
      %mul3A_102 = arith.muli %add3A_100, %mul3A_101 : i32
      %add3A_103 = arith.addi %mul3A_14, %mul3A_102 : i32
      %run_scoped3A_104 = arith.constant 2 : i32
      "tpu.region"() ({
        %run_scoped3A_195 = tpu.sem_alloc : memref<!tpu.dma_semaphore, #tpu.memory_space<semaphore_mem>>
        %dma_start3A_196 = arith.constant 0 : i32
        %dma_start3A_197 = tpu.memref_slice %arg7[%run_scoped3A_104, %dma_start3A_196] : memref<4x80xi32, #tpu.memory_space<vmem>> -> memref<1x80xi32, #tpu.memory_space<vmem>>
        %dma_start3A_198 = tpu.memref_squeeze %dma_start3A_197 : memref<1x80xi32, #tpu.memory_space<vmem>> -> memref<80xi32, #tpu.memory_space<vmem>>
        %dma_start3A_199 = tpu.memref_slice %arg3[%add3A_103] : memref<320000xi32, #tpu.memory_space<hbm>> -> memref<80xi32, #tpu.memory_space<hbm>>
        %dma_start3A_200 = arith.constant 0 : i32
        %dma_start3A_201 = tpu.memref_slice %arg7[%run_scoped3A_104, %dma_start3A_200] : memref<4x80xi32, #tpu.memory_space<vmem>> -> memref<1x80xi32, #tpu.memory_space<vmem>>
        %dma_start3A_202 = tpu.memref_squeeze %dma_start3A_201 : memref<1x80xi32, #tpu.memory_space<vmem>> -> memref<80xi32, #tpu.memory_space<vmem>>
        %dma_start3A_203 = tpu.memref_slice %arg3[%add3A_103] : memref<320000xi32, #tpu.memory_space<hbm>> -> memref<80xi32, #tpu.memory_space<hbm>>
        tpu.enqueue_dma source(%dma_start3A_203 : memref<80xi32, #tpu.memory_space<hbm>>) target(%dma_start3A_202 : memref<80xi32, #tpu.memory_space<vmem>>) target_semaphore(%run_scoped3A_195 : memref<!tpu.dma_semaphore, #tpu.memory_space<semaphore_mem>>)
        %dma_wait3A_204 = arith.constant 0 : i32
        %dma_wait3A_205 = tpu.memref_slice %arg7[%run_scoped3A_104, %dma_wait3A_204] : memref<4x80xi32, #tpu.memory_space<vmem>> -> memref<1x80xi32, #tpu.memory_space<vmem>>
        %dma_wait3A_206 = tpu.memref_squeeze %dma_wait3A_205 : memref<1x80xi32, #tpu.memory_space<vmem>> -> memref<80xi32, #tpu.memory_space<vmem>>
        %dma_wait3A_207 = tpu.memref_slice %arg3[%add3A_103] : memref<320000xi32, #tpu.memory_space<hbm>> -> memref<80xi32, #tpu.memory_space<hbm>>
        %dma_wait3A_208 = arith.constant 0 : i32
        %dma_wait3A_209 = tpu.memref_slice %arg7[%run_scoped3A_104, %dma_wait3A_208] : memref<4x80xi32, #tpu.memory_space<vmem>> -> memref<1x80xi32, #tpu.memory_space<vmem>>
        %dma_wait3A_210 = tpu.memref_squeeze %dma_wait3A_209 : memref<1x80xi32, #tpu.memory_space<vmem>> -> memref<80xi32, #tpu.memory_space<vmem>>
        %dma_wait3A_211 = tpu.memref_slice %arg3[%add3A_103] : memref<320000xi32, #tpu.memory_space<hbm>> -> memref<80xi32, #tpu.memory_space<hbm>>
        tpu.wait_dma2 semaphore(%run_scoped3A_195 : memref<!tpu.dma_semaphore, #tpu.memory_space<semaphore_mem>>) src(%dma_wait3A_211 : memref<80xi32, #tpu.memory_space<hbm>>) dst(%dma_wait3A_210 : memref<80xi32, #tpu.memory_space<vmem>>)
        tpu.yield
      }) : () -> ()
      %run_scoped3A_105 = arith.constant 2 : i32
      "tpu.region"() ({
        %run_scoped3A_195 = tpu.sem_alloc : memref<!tpu.dma_semaphore, #tpu.memory_space<semaphore_mem>>
        %dma_start3A_196 = arith.constant 0 : i32
        %dma_start3A_197 = tpu.memref_slice %arg8[%run_scoped3A_105, %dma_start3A_196] : memref<4x80xi32, #tpu.memory_space<vmem>> -> memref<1x80xi32, #tpu.memory_space<vmem>>
        %dma_start3A_198 = tpu.memref_squeeze %dma_start3A_197 : memref<1x80xi32, #tpu.memory_space<vmem>> -> memref<80xi32, #tpu.memory_space<vmem>>
        %dma_start3A_199 = tpu.memref_slice %arg4[%add3A_103] : memref<320000xi32, #tpu.memory_space<hbm>> -> memref<80xi32, #tpu.memory_space<hbm>>
        %dma_start3A_200 = arith.constant 0 : i32
        %dma_start3A_201 = tpu.memref_slice %arg8[%run_scoped3A_105, %dma_start3A_200] : memref<4x80xi32, #tpu.memory_space<vmem>> -> memref<1x80xi32, #tpu.memory_space<vmem>>
        %dma_start3A_202 = tpu.memref_squeeze %dma_start3A_201 : memref<1x80xi32, #tpu.memory_space<vmem>> -> memref<80xi32, #tpu.memory_space<vmem>>
        %dma_start3A_203 = tpu.memref_slice %arg4[%add3A_103] : memref<320000xi32, #tpu.memory_space<hbm>> -> memref<80xi32, #tpu.memory_space<hbm>>
        tpu.enqueue_dma source(%dma_start3A_203 : memref<80xi32, #tpu.memory_space<hbm>>) target(%dma_start3A_202 : memref<80xi32, #tpu.memory_space<vmem>>) target_semaphore(%run_scoped3A_195 : memref<!tpu.dma_semaphore, #tpu.memory_space<semaphore_mem>>)
        %dma_wait3A_204 = arith.constant 0 : i32
        %dma_wait3A_205 = tpu.memref_slice %arg8[%run_scoped3A_105, %dma_wait3A_204] : memref<4x80xi32, #tpu.memory_space<vmem>> -> memref<1x80xi32, #tpu.memory_space<vmem>>
        %dma_wait3A_206 = tpu.memref_squeeze %dma_wait3A_205 : memref<1x80xi32, #tpu.memory_space<vmem>> -> memref<80xi32, #tpu.memory_space<vmem>>
        %dma_wait3A_207 = tpu.memref_slice %arg4[%add3A_103] : memref<320000xi32, #tpu.memory_space<hbm>> -> memref<80xi32, #tpu.memory_space<hbm>>
        %dma_wait3A_208 = arith.constant 0 : i32
        %dma_wait3A_209 = tpu.memref_slice %arg8[%run_scoped3A_105, %dma_wait3A_208] : memref<4x80xi32, #tpu.memory_space<vmem>> -> memref<1x80xi32, #tpu.memory_space<vmem>>
        %dma_wait3A_210 = tpu.memref_squeeze %dma_wait3A_209 : memref<1x80xi32, #tpu.memory_space<vmem>> -> memref<80xi32, #tpu.memory_space<vmem>>
        %dma_wait3A_211 = tpu.memref_slice %arg4[%add3A_103] : memref<320000xi32, #tpu.memory_space<hbm>> -> memref<80xi32, #tpu.memory_space<hbm>>
        tpu.wait_dma2 semaphore(%run_scoped3A_195 : memref<!tpu.dma_semaphore, #tpu.memory_space<semaphore_mem>>) src(%dma_wait3A_211 : memref<80xi32, #tpu.memory_space<hbm>>) dst(%dma_wait3A_210 : memref<80xi32, #tpu.memory_space<vmem>>)
        tpu.yield
      }) : () -> ()
      %dma_start3A_106 = arith.constant 2 : i32
      %dma_start3A_107 = arith.constant 2 : i32
      %dma_start3A_108 = arith.constant 0 : i32
      %dma_start3A_109 = arith.constant 0 : i32
      %dma_start3A_110 = tpu.memref_slice %arg9[%dma_start3A_107, %dma_start3A_108, %dma_start3A_109] : memref<4x80x128xf32, #tpu.memory_space<vmem>> -> memref<1x80x128xf32, #tpu.memory_space<vmem>>
      %dma_start3A_111 = tpu.memref_squeeze %dma_start3A_110 : memref<1x80x128xf32, #tpu.memory_space<vmem>> -> memref<80x128xf32, #tpu.memory_space<vmem>>
      %dma_start3A_112 = arith.constant 0 : i32
      %dma_start3A_113 = tpu.memref_slice %arg7[%dma_start3A_106, %dma_start3A_112] : memref<4x80xi32, #tpu.memory_space<vmem>> -> memref<1x80xi32, #tpu.memory_space<vmem>>
      %dma_start3A_114 = tpu.memref_squeeze %dma_start3A_113 : memref<1x80xi32, #tpu.memory_space<vmem>> -> memref<80xi32, #tpu.memory_space<vmem>>
      %dma_start3A_115 = arith.constant 0 : i32
      %dma_start3A_116 = arith.constant 0 : i32
      %dma_start3A_117 = tpu.memref_slice %arg2[%dma_start3A_115, %dma_start3A_116] : memref<10000x128xf32, #tpu.memory_space<hbm>> -> memref<10000x128xf32, #tpu.memory_space<hbm>>
      tpu.enqueue_indirect_dma source(%dma_start3A_117 : memref<10000x128xf32, #tpu.memory_space<hbm>>) target(%dma_start3A_111 : memref<80x128xf32, #tpu.memory_space<vmem>>) offsets(%dma_start3A_114 : memref<80xi32, #tpu.memory_space<vmem>>) semaphore(%arg12 : memref<!tpu.dma_semaphore, #tpu.memory_space<semaphore_mem>>)
      %mul3A_118 = arith.constant 4 : i32
      %mul3A_119 = arith.muli %add3A_54, %mul3A_118 : i32
      %add3A_120 = arith.constant 3 : i32
      %add3A_121 = arith.addi %mul3A_119, %add3A_120 : i32
      %mul3A_122 = arith.constant 80 : i32
      %mul3A_123 = arith.muli %add3A_121, %mul3A_122 : i32
      %add3A_124 = arith.addi %mul3A_14, %mul3A_123 : i32
      %run_scoped3A_125 = arith.constant 3 : i32
      "tpu.region"() ({
        %run_scoped3A_195 = tpu.sem_alloc : memref<!tpu.dma_semaphore, #tpu.memory_space<semaphore_mem>>
        %dma_start3A_196 = arith.constant 0 : i32
        %dma_start3A_197 = tpu.memref_slice %arg7[%run_scoped3A_125, %dma_start3A_196] : memref<4x80xi32, #tpu.memory_space<vmem>> -> memref<1x80xi32, #tpu.memory_space<vmem>>
        %dma_start3A_198 = tpu.memref_squeeze %dma_start3A_197 : memref<1x80xi32, #tpu.memory_space<vmem>> -> memref<80xi32, #tpu.memory_space<vmem>>
        %dma_start3A_199 = tpu.memref_slice %arg3[%add3A_124] : memref<320000xi32, #tpu.memory_space<hbm>> -> memref<80xi32, #tpu.memory_space<hbm>>
        %dma_start3A_200 = arith.constant 0 : i32
        %dma_start3A_201 = tpu.memref_slice %arg7[%run_scoped3A_125, %dma_start3A_200] : memref<4x80xi32, #tpu.memory_space<vmem>> -> memref<1x80xi32, #tpu.memory_space<vmem>>
        %dma_start3A_202 = tpu.memref_squeeze %dma_start3A_201 : memref<1x80xi32, #tpu.memory_space<vmem>> -> memref<80xi32, #tpu.memory_space<vmem>>
        %dma_start3A_203 = tpu.memref_slice %arg3[%add3A_124] : memref<320000xi32, #tpu.memory_space<hbm>> -> memref<80xi32, #tpu.memory_space<hbm>>
        tpu.enqueue_dma source(%dma_start3A_203 : memref<80xi32, #tpu.memory_space<hbm>>) target(%dma_start3A_202 : memref<80xi32, #tpu.memory_space<vmem>>) target_semaphore(%run_scoped3A_195 : memref<!tpu.dma_semaphore, #tpu.memory_space<semaphore_mem>>)
        %dma_wait3A_204 = arith.constant 0 : i32
        %dma_wait3A_205 = tpu.memref_slice %arg7[%run_scoped3A_125, %dma_wait3A_204] : memref<4x80xi32, #tpu.memory_space<vmem>> -> memref<1x80xi32, #tpu.memory_space<vmem>>
        %dma_wait3A_206 = tpu.memref_squeeze %dma_wait3A_205 : memref<1x80xi32, #tpu.memory_space<vmem>> -> memref<80xi32, #tpu.memory_space<vmem>>
        %dma_wait3A_207 = tpu.memref_slice %arg3[%add3A_124] : memref<320000xi32, #tpu.memory_space<hbm>> -> memref<80xi32, #tpu.memory_space<hbm>>
        %dma_wait3A_208 = arith.constant 0 : i32
        %dma_wait3A_209 = tpu.memref_slice %arg7[%run_scoped3A_125, %dma_wait3A_208] : memref<4x80xi32, #tpu.memory_space<vmem>> -> memref<1x80xi32, #tpu.memory_space<vmem>>
        %dma_wait3A_210 = tpu.memref_squeeze %dma_wait3A_209 : memref<1x80xi32, #tpu.memory_space<vmem>> -> memref<80xi32, #tpu.memory_space<vmem>>
        %dma_wait3A_211 = tpu.memref_slice %arg3[%add3A_124] : memref<320000xi32, #tpu.memory_space<hbm>> -> memref<80xi32, #tpu.memory_space<hbm>>
        tpu.wait_dma2 semaphore(%run_scoped3A_195 : memref<!tpu.dma_semaphore, #tpu.memory_space<semaphore_mem>>) src(%dma_wait3A_211 : memref<80xi32, #tpu.memory_space<hbm>>) dst(%dma_wait3A_210 : memref<80xi32, #tpu.memory_space<vmem>>)
        tpu.yield
      }) : () -> ()
      %run_scoped3A_126 = arith.constant 3 : i32
      "tpu.region"() ({
        %run_scoped3A_195 = tpu.sem_alloc : memref<!tpu.dma_semaphore, #tpu.memory_space<semaphore_mem>>
        %dma_start3A_196 = arith.constant 0 : i32
        %dma_start3A_197 = tpu.memref_slice %arg8[%run_scoped3A_126, %dma_start3A_196] : memref<4x80xi32, #tpu.memory_space<vmem>> -> memref<1x80xi32, #tpu.memory_space<vmem>>
        %dma_start3A_198 = tpu.memref_squeeze %dma_start3A_197 : memref<1x80xi32, #tpu.memory_space<vmem>> -> memref<80xi32, #tpu.memory_space<vmem>>
        %dma_start3A_199 = tpu.memref_slice %arg4[%add3A_124] : memref<320000xi32, #tpu.memory_space<hbm>> -> memref<80xi32, #tpu.memory_space<hbm>>
        %dma_start3A_200 = arith.constant 0 : i32
        %dma_start3A_201 = tpu.memref_slice %arg8[%run_scoped3A_126, %dma_start3A_200] : memref<4x80xi32, #tpu.memory_space<vmem>> -> memref<1x80xi32, #tpu.memory_space<vmem>>
        %dma_start3A_202 = tpu.memref_squeeze %dma_start3A_201 : memref<1x80xi32, #tpu.memory_space<vmem>> -> memref<80xi32, #tpu.memory_space<vmem>>
        %dma_start3A_203 = tpu.memref_slice %arg4[%add3A_124] : memref<320000xi32, #tpu.memory_space<hbm>> -> memref<80xi32, #tpu.memory_space<hbm>>
        tpu.enqueue_dma source(%dma_start3A_203 : memref<80xi32, #tpu.memory_space<hbm>>) target(%dma_start3A_202 : memref<80xi32, #tpu.memory_space<vmem>>) target_semaphore(%run_scoped3A_195 : memref<!tpu.dma_semaphore, #tpu.memory_space<semaphore_mem>>)
        %dma_wait3A_204 = arith.constant 0 : i32
        %dma_wait3A_205 = tpu.memref_slice %arg8[%run_scoped3A_126, %dma_wait3A_204] : memref<4x80xi32, #tpu.memory_space<vmem>> -> memref<1x80xi32, #tpu.memory_space<vmem>>
        %dma_wait3A_206 = tpu.memref_squeeze %dma_wait3A_205 : memref<1x80xi32, #tpu.memory_space<vmem>> -> memref<80xi32, #tpu.memory_space<vmem>>
        %dma_wait3A_207 = tpu.memref_slice %arg4[%add3A_124] : memref<320000xi32, #tpu.memory_space<hbm>> -> memref<80xi32, #tpu.memory_space<hbm>>
        %dma_wait3A_208 = arith.constant 0 : i32
        %dma_wait3A_209 = tpu.memref_slice %arg8[%run_scoped3A_126, %dma_wait3A_208] : memref<4x80xi32, #tpu.memory_space<vmem>> -> memref<1x80xi32, #tpu.memory_space<vmem>>
        %dma_wait3A_210 = tpu.memref_squeeze %dma_wait3A_209 : memref<1x80xi32, #tpu.memory_space<vmem>> -> memref<80xi32, #tpu.memory_space<vmem>>
        %dma_wait3A_211 = tpu.memref_slice %arg4[%add3A_124] : memref<320000xi32, #tpu.memory_space<hbm>> -> memref<80xi32, #tpu.memory_space<hbm>>
        tpu.wait_dma2 semaphore(%run_scoped3A_195 : memref<!tpu.dma_semaphore, #tpu.memory_space<semaphore_mem>>) src(%dma_wait3A_211 : memref<80xi32, #tpu.memory_space<hbm>>) dst(%dma_wait3A_210 : memref<80xi32, #tpu.memory_space<vmem>>)
        tpu.yield
      }) : () -> ()
      %dma_start3A_127 = arith.constant 3 : i32
      %dma_start3A_128 = arith.constant 3 : i32
      %dma_start3A_129 = arith.constant 0 : i32
      %dma_start3A_130 = arith.constant 0 : i32
      %dma_start3A_131 = tpu.memref_slice %arg9[%dma_start3A_128, %dma_start3A_129, %dma_start3A_130] : memref<4x80x128xf32, #tpu.memory_space<vmem>> -> memref<1x80x128xf32, #tpu.memory_space<vmem>>
      %dma_start3A_132 = tpu.memref_squeeze %dma_start3A_131 : memref<1x80x128xf32, #tpu.memory_space<vmem>> -> memref<80x128xf32, #tpu.memory_space<vmem>>
      %dma_start3A_133 = arith.constant 0 : i32
      %dma_start3A_134 = tpu.memref_slice %arg7[%dma_start3A_127, %dma_start3A_133] : memref<4x80xi32, #tpu.memory_space<vmem>> -> memref<1x80xi32, #tpu.memory_space<vmem>>
      %dma_start3A_135 = tpu.memref_squeeze %dma_start3A_134 : memref<1x80xi32, #tpu.memory_space<vmem>> -> memref<80xi32, #tpu.memory_space<vmem>>
      %dma_start3A_136 = arith.constant 0 : i32
      %dma_start3A_137 = arith.constant 0 : i32
      %dma_start3A_138 = tpu.memref_slice %arg2[%dma_start3A_136, %dma_start3A_137] : memref<10000x128xf32, #tpu.memory_space<hbm>> -> memref<10000x128xf32, #tpu.memory_space<hbm>>
      tpu.enqueue_indirect_dma source(%dma_start3A_138 : memref<10000x128xf32, #tpu.memory_space<hbm>>) target(%dma_start3A_132 : memref<80x128xf32, #tpu.memory_space<vmem>>) offsets(%dma_start3A_135 : memref<80xi32, #tpu.memory_space<vmem>>) semaphore(%arg13 : memref<!tpu.dma_semaphore, #tpu.memory_space<semaphore_mem>>)
      %dma_wait3A_139 = arith.constant 0 : i32
      %dma_wait3A_140 = arith.constant 0 : i32
      %dma_wait3A_141 = arith.constant 0 : i32
      %dma_wait3A_142 = arith.constant 0 : i32
      %dma_wait3A_143 = tpu.memref_slice %arg9[%dma_wait3A_140, %dma_wait3A_141, %dma_wait3A_142] : memref<4x80x128xf32, #tpu.memory_space<vmem>> -> memref<1x80x128xf32, #tpu.memory_space<vmem>>
      %dma_wait3A_144 = tpu.memref_squeeze %dma_wait3A_143 : memref<1x80x128xf32, #tpu.memory_space<vmem>> -> memref<80x128xf32, #tpu.memory_space<vmem>>
      %dma_wait3A_145 = arith.constant 0 : i32
      %dma_wait3A_146 = tpu.memref_slice %arg7[%dma_wait3A_139, %dma_wait3A_145] : memref<4x80xi32, #tpu.memory_space<vmem>> -> memref<1x80xi32, #tpu.memory_space<vmem>>
      %dma_wait3A_147 = tpu.memref_squeeze %dma_wait3A_146 : memref<1x80xi32, #tpu.memory_space<vmem>> -> memref<80xi32, #tpu.memory_space<vmem>>
      %dma_wait3A_148 = arith.constant 0 : i32
      %dma_wait3A_149 = arith.constant 0 : i32
      %dma_wait3A_150 = tpu.memref_slice %arg2[%dma_wait3A_148, %dma_wait3A_149] : memref<10000x128xf32, #tpu.memory_space<hbm>> -> memref<10000x128xf32, #tpu.memory_space<hbm>>
      tpu.wait_indirect_dma semaphore(%arg10 : memref<!tpu.dma_semaphore, #tpu.memory_space<semaphore_mem>>) src(%dma_wait3A_150 : memref<10000x128xf32, #tpu.memory_space<hbm>>) dst(%dma_wait3A_144 : memref<80x128xf32, #tpu.memory_space<vmem>>)
      %run_scoped3A_151 = arith.constant 0 : i32
      %run_scoped3A_152 = arith.constant 0 : i32
      "tpu.region"() ({
        %run_scoped3A_195 = tpu.sem_alloc : memref<!tpu.dma_semaphore, #tpu.memory_space<semaphore_mem>>
        %dma_start3A_196 = arith.constant 0 : i32
        %dma_start3A_197 = arith.constant 0 : i32
        %dma_start3A_198 = tpu.memref_slice %arg9[%run_scoped3A_151, %dma_start3A_196, %dma_start3A_197] : memref<4x80x128xf32, #tpu.memory_space<vmem>> -> memref<1x80x128xf32, #tpu.memory_space<vmem>>
        %dma_start3A_199 = tpu.memref_squeeze %dma_start3A_198 : memref<1x80x128xf32, #tpu.memory_space<vmem>> -> memref<80x128xf32, #tpu.memory_space<vmem>>
        %dma_start3A_200 = arith.constant 0 : i32
        %dma_start3A_201 = tpu.memref_slice %arg8[%run_scoped3A_152, %dma_start3A_200] : memref<4x80xi32, #tpu.memory_space<vmem>> -> memref<1x80xi32, #tpu.memory_space<vmem>>
        %dma_start3A_202 = tpu.memref_squeeze %dma_start3A_201 : memref<1x80xi32, #tpu.memory_space<vmem>> -> memref<80xi32, #tpu.memory_space<vmem>>
        %dma_start3A_203 = arith.constant 0 : i32
        %dma_start3A_204 = arith.constant 0 : i32
        %dma_start3A_205 = tpu.memref_slice %arg14[%dma_start3A_203, %dma_start3A_204] : memref<10240x128xf32, #tpu.memory_space<vmem_shared>> -> memref<10240x128xf32, #tpu.memory_space<vmem_shared>>
        tpu.enqueue_indirect_dma source(%dma_start3A_199 : memref<80x128xf32, #tpu.memory_space<vmem>>) target(%dma_start3A_205 : memref<10240x128xf32, #tpu.memory_space<vmem_shared>>) offsets(%dma_start3A_202 : memref<80xi32, #tpu.memory_space<vmem>>) semaphore(%run_scoped3A_195 : memref<!tpu.dma_semaphore, #tpu.memory_space<semaphore_mem>>) {add = true}
        %dma_wait3A_206 = arith.constant 0 : i32
        %dma_wait3A_207 = arith.constant 0 : i32
        %dma_wait3A_208 = tpu.memref_slice %arg9[%run_scoped3A_151, %dma_wait3A_206, %dma_wait3A_207] : memref<4x80x128xf32, #tpu.memory_space<vmem>> -> memref<1x80x128xf32, #tpu.memory_space<vmem>>
        %dma_wait3A_209 = tpu.memref_squeeze %dma_wait3A_208 : memref<1x80x128xf32, #tpu.memory_space<vmem>> -> memref<80x128xf32, #tpu.memory_space<vmem>>
        %dma_wait3A_210 = arith.constant 0 : i32
        %dma_wait3A_211 = tpu.memref_slice %arg8[%run_scoped3A_152, %dma_wait3A_210] : memref<4x80xi32, #tpu.memory_space<vmem>> -> memref<1x80xi32, #tpu.memory_space<vmem>>
        %dma_wait3A_212 = tpu.memref_squeeze %dma_wait3A_211 : memref<1x80xi32, #tpu.memory_space<vmem>> -> memref<80xi32, #tpu.memory_space<vmem>>
        %dma_wait3A_213 = arith.constant 0 : i32
        %dma_wait3A_214 = arith.constant 0 : i32
        %dma_wait3A_215 = tpu.memref_slice %arg14[%dma_wait3A_213, %dma_wait3A_214] : memref<10240x128xf32, #tpu.memory_space<vmem_shared>> -> memref<10240x128xf32, #tpu.memory_space<vmem_shared>>
        tpu.wait_indirect_dma semaphore(%run_scoped3A_195 : memref<!tpu.dma_semaphore, #tpu.memory_space<semaphore_mem>>) src(%dma_wait3A_209 : memref<80x128xf32, #tpu.memory_space<vmem>>) dst(%dma_wait3A_215 : memref<10240x128xf32, #tpu.memory_space<vmem_shared>>)
        tpu.yield
      }) : () -> ()
      %dma_wait3A_153 = arith.constant 1 : i32
      %dma_wait3A_154 = arith.constant 1 : i32
      %dma_wait3A_155 = arith.constant 0 : i32
      %dma_wait3A_156 = arith.constant 0 : i32
      %dma_wait3A_157 = tpu.memref_slice %arg9[%dma_wait3A_154, %dma_wait3A_155, %dma_wait3A_156] : memref<4x80x128xf32, #tpu.memory_space<vmem>> -> memref<1x80x128xf32, #tpu.memory_space<vmem>>
      %dma_wait3A_158 = tpu.memref_squeeze %dma_wait3A_157 : memref<1x80x128xf32, #tpu.memory_space<vmem>> -> memref<80x128xf32, #tpu.memory_space<vmem>>
      %dma_wait3A_159 = arith.constant 0 : i32
      %dma_wait3A_160 = tpu.memref_slice %arg7[%dma_wait3A_153, %dma_wait3A_159] : memref<4x80xi32, #tpu.memory_space<vmem>> -> memref<1x80xi32, #tpu.memory_space<vmem>>
      %dma_wait3A_161 = tpu.memref_squeeze %dma_wait3A_160 : memref<1x80xi32, #tpu.memory_space<vmem>> -> memref<80xi32, #tpu.memory_space<vmem>>
      %dma_wait3A_162 = arith.constant 0 : i32
      %dma_wait3A_163 = arith.constant 0 : i32
      %dma_wait3A_164 = tpu.memref_slice %arg2[%dma_wait3A_162, %dma_wait3A_163] : memref<10000x128xf32, #tpu.memory_space<hbm>> -> memref<10000x128xf32, #tpu.memory_space<hbm>>
      tpu.wait_indirect_dma semaphore(%arg11 : memref<!tpu.dma_semaphore, #tpu.memory_space<semaphore_mem>>) src(%dma_wait3A_164 : memref<10000x128xf32, #tpu.memory_space<hbm>>) dst(%dma_wait3A_158 : memref<80x128xf32, #tpu.memory_space<vmem>>)
      %run_scoped3A_165 = arith.constant 1 : i32
      %run_scoped3A_166 = arith.constant 1 : i32
      "tpu.region"() ({
        %run_scoped3A_195 = tpu.sem_alloc : memref<!tpu.dma_semaphore, #tpu.memory_space<semaphore_mem>>
        %dma_start3A_196 = arith.constant 0 : i32
        %dma_start3A_197 = arith.constant 0 : i32
        %dma_start3A_198 = tpu.memref_slice %arg9[%run_scoped3A_165, %dma_start3A_196, %dma_start3A_197] : memref<4x80x128xf32, #tpu.memory_space<vmem>> -> memref<1x80x128xf32, #tpu.memory_space<vmem>>
        %dma_start3A_199 = tpu.memref_squeeze %dma_start3A_198 : memref<1x80x128xf32, #tpu.memory_space<vmem>> -> memref<80x128xf32, #tpu.memory_space<vmem>>
        %dma_start3A_200 = arith.constant 0 : i32
        %dma_start3A_201 = tpu.memref_slice %arg8[%run_scoped3A_166, %dma_start3A_200] : memref<4x80xi32, #tpu.memory_space<vmem>> -> memref<1x80xi32, #tpu.memory_space<vmem>>
        %dma_start3A_202 = tpu.memref_squeeze %dma_start3A_201 : memref<1x80xi32, #tpu.memory_space<vmem>> -> memref<80xi32, #tpu.memory_space<vmem>>
        %dma_start3A_203 = arith.constant 0 : i32
        %dma_start3A_204 = arith.constant 0 : i32
        %dma_start3A_205 = tpu.memref_slice %arg14[%dma_start3A_203, %dma_start3A_204] : memref<10240x128xf32, #tpu.memory_space<vmem_shared>> -> memref<10240x128xf32, #tpu.memory_space<vmem_shared>>
        tpu.enqueue_indirect_dma source(%dma_start3A_199 : memref<80x128xf32, #tpu.memory_space<vmem>>) target(%dma_start3A_205 : memref<10240x128xf32, #tpu.memory_space<vmem_shared>>) offsets(%dma_start3A_202 : memref<80xi32, #tpu.memory_space<vmem>>) semaphore(%run_scoped3A_195 : memref<!tpu.dma_semaphore, #tpu.memory_space<semaphore_mem>>) {add = true}
        %dma_wait3A_206 = arith.constant 0 : i32
        %dma_wait3A_207 = arith.constant 0 : i32
        %dma_wait3A_208 = tpu.memref_slice %arg9[%run_scoped3A_165, %dma_wait3A_206, %dma_wait3A_207] : memref<4x80x128xf32, #tpu.memory_space<vmem>> -> memref<1x80x128xf32, #tpu.memory_space<vmem>>
        %dma_wait3A_209 = tpu.memref_squeeze %dma_wait3A_208 : memref<1x80x128xf32, #tpu.memory_space<vmem>> -> memref<80x128xf32, #tpu.memory_space<vmem>>
        %dma_wait3A_210 = arith.constant 0 : i32
        %dma_wait3A_211 = tpu.memref_slice %arg8[%run_scoped3A_166, %dma_wait3A_210] : memref<4x80xi32, #tpu.memory_space<vmem>> -> memref<1x80xi32, #tpu.memory_space<vmem>>
        %dma_wait3A_212 = tpu.memref_squeeze %dma_wait3A_211 : memref<1x80xi32, #tpu.memory_space<vmem>> -> memref<80xi32, #tpu.memory_space<vmem>>
        %dma_wait3A_213 = arith.constant 0 : i32
        %dma_wait3A_214 = arith.constant 0 : i32
        %dma_wait3A_215 = tpu.memref_slice %arg14[%dma_wait3A_213, %dma_wait3A_214] : memref<10240x128xf32, #tpu.memory_space<vmem_shared>> -> memref<10240x128xf32, #tpu.memory_space<vmem_shared>>
        tpu.wait_indirect_dma semaphore(%run_scoped3A_195 : memref<!tpu.dma_semaphore, #tpu.memory_space<semaphore_mem>>) src(%dma_wait3A_209 : memref<80x128xf32, #tpu.memory_space<vmem>>) dst(%dma_wait3A_215 : memref<10240x128xf32, #tpu.memory_space<vmem_shared>>)
        tpu.yield
      }) : () -> ()
      %dma_wait3A_167 = arith.constant 2 : i32
      %dma_wait3A_168 = arith.constant 2 : i32
      %dma_wait3A_169 = arith.constant 0 : i32
      %dma_wait3A_170 = arith.constant 0 : i32
      %dma_wait3A_171 = tpu.memref_slice %arg9[%dma_wait3A_168, %dma_wait3A_169, %dma_wait3A_170] : memref<4x80x128xf32, #tpu.memory_space<vmem>> -> memref<1x80x128xf32, #tpu.memory_space<vmem>>
      %dma_wait3A_172 = tpu.memref_squeeze %dma_wait3A_171 : memref<1x80x128xf32, #tpu.memory_space<vmem>> -> memref<80x128xf32, #tpu.memory_space<vmem>>
      %dma_wait3A_173 = arith.constant 0 : i32
      %dma_wait3A_174 = tpu.memref_slice %arg7[%dma_wait3A_167, %dma_wait3A_173] : memref<4x80xi32, #tpu.memory_space<vmem>> -> memref<1x80xi32, #tpu.memory_space<vmem>>
      %dma_wait3A_175 = tpu.memref_squeeze %dma_wait3A_174 : memref<1x80xi32, #tpu.memory_space<vmem>> -> memref<80xi32, #tpu.memory_space<vmem>>
      %dma_wait3A_176 = arith.constant 0 : i32
      %dma_wait3A_177 = arith.constant 0 : i32
      %dma_wait3A_178 = tpu.memref_slice %arg2[%dma_wait3A_176, %dma_wait3A_177] : memref<10000x128xf32, #tpu.memory_space<hbm>> -> memref<10000x128xf32, #tpu.memory_space<hbm>>
      tpu.wait_indirect_dma semaphore(%arg12 : memref<!tpu.dma_semaphore, #tpu.memory_space<semaphore_mem>>) src(%dma_wait3A_178 : memref<10000x128xf32, #tpu.memory_space<hbm>>) dst(%dma_wait3A_172 : memref<80x128xf32, #tpu.memory_space<vmem>>)
      %run_scoped3A_179 = arith.constant 2 : i32
      %run_scoped3A_180 = arith.constant 2 : i32
      "tpu.region"() ({
        %run_scoped3A_195 = tpu.sem_alloc : memref<!tpu.dma_semaphore, #tpu.memory_space<semaphore_mem>>
        %dma_start3A_196 = arith.constant 0 : i32
        %dma_start3A_197 = arith.constant 0 : i32
        %dma_start3A_198 = tpu.memref_slice %arg9[%run_scoped3A_179, %dma_start3A_196, %dma_start3A_197] : memref<4x80x128xf32, #tpu.memory_space<vmem>> -> memref<1x80x128xf32, #tpu.memory_space<vmem>>
        %dma_start3A_199 = tpu.memref_squeeze %dma_start3A_198 : memref<1x80x128xf32, #tpu.memory_space<vmem>> -> memref<80x128xf32, #tpu.memory_space<vmem>>
        %dma_start3A_200 = arith.constant 0 : i32
        %dma_start3A_201 = tpu.memref_slice %arg8[%run_scoped3A_180, %dma_start3A_200] : memref<4x80xi32, #tpu.memory_space<vmem>> -> memref<1x80xi32, #tpu.memory_space<vmem>>
        %dma_start3A_202 = tpu.memref_squeeze %dma_start3A_201 : memref<1x80xi32, #tpu.memory_space<vmem>> -> memref<80xi32, #tpu.memory_space<vmem>>
        %dma_start3A_203 = arith.constant 0 : i32
        %dma_start3A_204 = arith.constant 0 : i32
        %dma_start3A_205 = tpu.memref_slice %arg14[%dma_start3A_203, %dma_start3A_204] : memref<10240x128xf32, #tpu.memory_space<vmem_shared>> -> memref<10240x128xf32, #tpu.memory_space<vmem_shared>>
        tpu.enqueue_indirect_dma source(%dma_start3A_199 : memref<80x128xf32, #tpu.memory_space<vmem>>) target(%dma_start3A_205 : memref<10240x128xf32, #tpu.memory_space<vmem_shared>>) offsets(%dma_start3A_202 : memref<80xi32, #tpu.memory_space<vmem>>) semaphore(%run_scoped3A_195 : memref<!tpu.dma_semaphore, #tpu.memory_space<semaphore_mem>>) {add = true}
        %dma_wait3A_206 = arith.constant 0 : i32
        %dma_wait3A_207 = arith.constant 0 : i32
        %dma_wait3A_208 = tpu.memref_slice %arg9[%run_scoped3A_179, %dma_wait3A_206, %dma_wait3A_207] : memref<4x80x128xf32, #tpu.memory_space<vmem>> -> memref<1x80x128xf32, #tpu.memory_space<vmem>>
        %dma_wait3A_209 = tpu.memref_squeeze %dma_wait3A_208 : memref<1x80x128xf32, #tpu.memory_space<vmem>> -> memref<80x128xf32, #tpu.memory_space<vmem>>
        %dma_wait3A_210 = arith.constant 0 : i32
        %dma_wait3A_211 = tpu.memref_slice %arg8[%run_scoped3A_180, %dma_wait3A_210] : memref<4x80xi32, #tpu.memory_space<vmem>> -> memref<1x80xi32, #tpu.memory_space<vmem>>
        %dma_wait3A_212 = tpu.memref_squeeze %dma_wait3A_211 : memref<1x80xi32, #tpu.memory_space<vmem>> -> memref<80xi32, #tpu.memory_space<vmem>>
        %dma_wait3A_213 = arith.constant 0 : i32
        %dma_wait3A_214 = arith.constant 0 : i32
        %dma_wait3A_215 = tpu.memref_slice %arg14[%dma_wait3A_213, %dma_wait3A_214] : memref<10240x128xf32, #tpu.memory_space<vmem_shared>> -> memref<10240x128xf32, #tpu.memory_space<vmem_shared>>
        tpu.wait_indirect_dma semaphore(%run_scoped3A_195 : memref<!tpu.dma_semaphore, #tpu.memory_space<semaphore_mem>>) src(%dma_wait3A_209 : memref<80x128xf32, #tpu.memory_space<vmem>>) dst(%dma_wait3A_215 : memref<10240x128xf32, #tpu.memory_space<vmem_shared>>)
        tpu.yield
      }) : () -> ()
      %dma_wait3A_181 = arith.constant 3 : i32
      %dma_wait3A_182 = arith.constant 3 : i32
      %dma_wait3A_183 = arith.constant 0 : i32
      %dma_wait3A_184 = arith.constant 0 : i32
      %dma_wait3A_185 = tpu.memref_slice %arg9[%dma_wait3A_182, %dma_wait3A_183, %dma_wait3A_184] : memref<4x80x128xf32, #tpu.memory_space<vmem>> -> memref<1x80x128xf32, #tpu.memory_space<vmem>>
      %dma_wait3A_186 = tpu.memref_squeeze %dma_wait3A_185 : memref<1x80x128xf32, #tpu.memory_space<vmem>> -> memref<80x128xf32, #tpu.memory_space<vmem>>
      %dma_wait3A_187 = arith.constant 0 : i32
      %dma_wait3A_188 = tpu.memref_slice %arg7[%dma_wait3A_181, %dma_wait3A_187] : memref<4x80xi32, #tpu.memory_space<vmem>> -> memref<1x80xi32, #tpu.memory_space<vmem>>
      %dma_wait3A_189 = tpu.memref_squeeze %dma_wait3A_188 : memref<1x80xi32, #tpu.memory_space<vmem>> -> memref<80xi32, #tpu.memory_space<vmem>>
      %dma_wait3A_190 = arith.constant 0 : i32
      %dma_wait3A_191 = arith.constant 0 : i32
      %dma_wait3A_192 = tpu.memref_slice %arg2[%dma_wait3A_190, %dma_wait3A_191] : memref<10000x128xf32, #tpu.memory_space<hbm>> -> memref<10000x128xf32, #tpu.memory_space<hbm>>
      tpu.wait_indirect_dma semaphore(%arg13 : memref<!tpu.dma_semaphore, #tpu.memory_space<semaphore_mem>>) src(%dma_wait3A_192 : memref<10000x128xf32, #tpu.memory_space<hbm>>) dst(%dma_wait3A_186 : memref<80x128xf32, #tpu.memory_space<vmem>>)
      %run_scoped3A_193 = arith.constant 3 : i32
      %run_scoped3A_194 = arith.constant 3 : i32
      "tpu.region"() ({
        %run_scoped3A_195 = tpu.sem_alloc : memref<!tpu.dma_semaphore, #tpu.memory_space<semaphore_mem>>
        %dma_start3A_196 = arith.constant 0 : i32
        %dma_start3A_197 = arith.constant 0 : i32
        %dma_start3A_198 = tpu.memref_slice %arg9[%run_scoped3A_193, %dma_start3A_196, %dma_start3A_197] : memref<4x80x128xf32, #tpu.memory_space<vmem>> -> memref<1x80x128xf32, #tpu.memory_space<vmem>>
        %dma_start3A_199 = tpu.memref_squeeze %dma_start3A_198 : memref<1x80x128xf32, #tpu.memory_space<vmem>> -> memref<80x128xf32, #tpu.memory_space<vmem>>
        %dma_start3A_200 = arith.constant 0 : i32
        %dma_start3A_201 = tpu.memref_slice %arg8[%run_scoped3A_194, %dma_start3A_200] : memref<4x80xi32, #tpu.memory_space<vmem>> -> memref<1x80xi32, #tpu.memory_space<vmem>>
        %dma_start3A_202 = tpu.memref_squeeze %dma_start3A_201 : memref<1x80xi32, #tpu.memory_space<vmem>> -> memref<80xi32, #tpu.memory_space<vmem>>
        %dma_start3A_203 = arith.constant 0 : i32
        %dma_start3A_204 = arith.constant 0 : i32
        %dma_start3A_205 = tpu.memref_slice %arg14[%dma_start3A_203, %dma_start3A_204] : memref<10240x128xf32, #tpu.memory_space<vmem_shared>> -> memref<10240x128xf32, #tpu.memory_space<vmem_shared>>
        tpu.enqueue_indirect_dma source(%dma_start3A_199 : memref<80x128xf32, #tpu.memory_space<vmem>>) target(%dma_start3A_205 : memref<10240x128xf32, #tpu.memory_space<vmem_shared>>) offsets(%dma_start3A_202 : memref<80xi32, #tpu.memory_space<vmem>>) semaphore(%run_scoped3A_195 : memref<!tpu.dma_semaphore, #tpu.memory_space<semaphore_mem>>) {add = true}
        %dma_wait3A_206 = arith.constant 0 : i32
        %dma_wait3A_207 = arith.constant 0 : i32
        %dma_wait3A_208 = tpu.memref_slice %arg9[%run_scoped3A_193, %dma_wait3A_206, %dma_wait3A_207] : memref<4x80x128xf32, #tpu.memory_space<vmem>> -> memref<1x80x128xf32, #tpu.memory_space<vmem>>
        %dma_wait3A_209 = tpu.memref_squeeze %dma_wait3A_208 : memref<1x80x128xf32, #tpu.memory_space<vmem>> -> memref<80x128xf32, #tpu.memory_space<vmem>>
        %dma_wait3A_210 = arith.constant 0 : i32
        %dma_wait3A_211 = tpu.memref_slice %arg8[%run_scoped3A_194, %dma_wait3A_210] : memref<4x80xi32, #tpu.memory_space<vmem>> -> memref<1x80xi32, #tpu.memory_space<vmem>>
        %dma_wait3A_212 = tpu.memref_squeeze %dma_wait3A_211 : memref<1x80xi32, #tpu.memory_space<vmem>> -> memref<80xi32, #tpu.memory_space<vmem>>
        %dma_wait3A_213 = arith.constant 0 : i32
        %dma_wait3A_214 = arith.constant 0 : i32
        %dma_wait3A_215 = tpu.memref_slice %arg14[%dma_wait3A_213, %dma_wait3A_214] : memref<10240x128xf32, #tpu.memory_space<vmem_shared>> -> memref<10240x128xf32, #tpu.memory_space<vmem_shared>>
        tpu.wait_indirect_dma semaphore(%run_scoped3A_195 : memref<!tpu.dma_semaphore, #tpu.memory_space<semaphore_mem>>) src(%dma_wait3A_209 : memref<80x128xf32, #tpu.memory_space<vmem>>) dst(%dma_wait3A_215 : memref<10240x128xf32, #tpu.memory_space<vmem_shared>>)
        tpu.yield
      }) : () -> ()
    }
    %scan3A_18 = arith.constant 31 : i32
    %add3A_19 = arith.constant 9920 : i32
    %add3A_20 = arith.addi %mul3A_14, %add3A_19 : i32
    %run_scoped3A = arith.constant 0 : i32
    "tpu.region"() ({
      %run_scoped3A_50 = tpu.sem_alloc : memref<!tpu.dma_semaphore, #tpu.memory_space<semaphore_mem>>
      %dma_start3A_51 = arith.constant 0 : i32
      %dma_start3A_52 = tpu.memref_slice %arg7[%run_scoped3A, %dma_start3A_51] : memref<4x80xi32, #tpu.memory_space<vmem>> -> memref<1x80xi32, #tpu.memory_space<vmem>>
      %dma_start3A_53 = tpu.memref_squeeze %dma_start3A_52 : memref<1x80xi32, #tpu.memory_space<vmem>> -> memref<80xi32, #tpu.memory_space<vmem>>
      %dma_start3A_54 = tpu.memref_slice %arg3[%add3A_20] : memref<320000xi32, #tpu.memory_space<hbm>> -> memref<80xi32, #tpu.memory_space<hbm>>
      %dma_start3A_55 = arith.constant 0 : i32
      %dma_start3A_56 = tpu.memref_slice %arg7[%run_scoped3A, %dma_start3A_55] : memref<4x80xi32, #tpu.memory_space<vmem>> -> memref<1x80xi32, #tpu.memory_space<vmem>>
      %dma_start3A_57 = tpu.memref_squeeze %dma_start3A_56 : memref<1x80xi32, #tpu.memory_space<vmem>> -> memref<80xi32, #tpu.memory_space<vmem>>
      %dma_start3A_58 = tpu.memref_slice %arg3[%add3A_20] : memref<320000xi32, #tpu.memory_space<hbm>> -> memref<80xi32, #tpu.memory_space<hbm>>
      tpu.enqueue_dma source(%dma_start3A_58 : memref<80xi32, #tpu.memory_space<hbm>>) target(%dma_start3A_57 : memref<80xi32, #tpu.memory_space<vmem>>) target_semaphore(%run_scoped3A_50 : memref<!tpu.dma_semaphore, #tpu.memory_space<semaphore_mem>>)
      %dma_wait3A_59 = arith.constant 0 : i32
      %dma_wait3A_60 = tpu.memref_slice %arg7[%run_scoped3A, %dma_wait3A_59] : memref<4x80xi32, #tpu.memory_space<vmem>> -> memref<1x80xi32, #tpu.memory_space<vmem>>
      %dma_wait3A_61 = tpu.memref_squeeze %dma_wait3A_60 : memref<1x80xi32, #tpu.memory_space<vmem>> -> memref<80xi32, #tpu.memory_space<vmem>>
      %dma_wait3A_62 = tpu.memref_slice %arg3[%add3A_20] : memref<320000xi32, #tpu.memory_space<hbm>> -> memref<80xi32, #tpu.memory_space<hbm>>
      %dma_wait3A_63 = arith.constant 0 : i32
      %dma_wait3A_64 = tpu.memref_slice %arg7[%run_scoped3A, %dma_wait3A_63] : memref<4x80xi32, #tpu.memory_space<vmem>> -> memref<1x80xi32, #tpu.memory_space<vmem>>
      %dma_wait3A_65 = tpu.memref_squeeze %dma_wait3A_64 : memref<1x80xi32, #tpu.memory_space<vmem>> -> memref<80xi32, #tpu.memory_space<vmem>>
      %dma_wait3A_66 = tpu.memref_slice %arg3[%add3A_20] : memref<320000xi32, #tpu.memory_space<hbm>> -> memref<80xi32, #tpu.memory_space<hbm>>
      tpu.wait_dma2 semaphore(%run_scoped3A_50 : memref<!tpu.dma_semaphore, #tpu.memory_space<semaphore_mem>>) src(%dma_wait3A_66 : memref<80xi32, #tpu.memory_space<hbm>>) dst(%dma_wait3A_65 : memref<80xi32, #tpu.memory_space<vmem>>)
      tpu.yield
    }) : () -> ()
    %run_scoped3A_21 = arith.constant 0 : i32
    "tpu.region"() ({
      %run_scoped3A_50 = tpu.sem_alloc : memref<!tpu.dma_semaphore, #tpu.memory_space<semaphore_mem>>
      %dma_start3A_51 = arith.constant 0 : i32
      %dma_start3A_52 = tpu.memref_slice %arg8[%run_scoped3A_21, %dma_start3A_51] : memref<4x80xi32, #tpu.memory_space<vmem>> -> memref<1x80xi32, #tpu.memory_space<vmem>>
      %dma_start3A_53 = tpu.memref_squeeze %dma_start3A_52 : memref<1x80xi32, #tpu.memory_space<vmem>> -> memref<80xi32, #tpu.memory_space<vmem>>
      %dma_start3A_54 = tpu.memref_slice %arg4[%add3A_20] : memref<320000xi32, #tpu.memory_space<hbm>> -> memref<80xi32, #tpu.memory_space<hbm>>
      %dma_start3A_55 = arith.constant 0 : i32
      %dma_start3A_56 = tpu.memref_slice %arg8[%run_scoped3A_21, %dma_start3A_55] : memref<4x80xi32, #tpu.memory_space<vmem>> -> memref<1x80xi32, #tpu.memory_space<vmem>>
      %dma_start3A_57 = tpu.memref_squeeze %dma_start3A_56 : memref<1x80xi32, #tpu.memory_space<vmem>> -> memref<80xi32, #tpu.memory_space<vmem>>
      %dma_start3A_58 = tpu.memref_slice %arg4[%add3A_20] : memref<320000xi32, #tpu.memory_space<hbm>> -> memref<80xi32, #tpu.memory_space<hbm>>
      tpu.enqueue_dma source(%dma_start3A_58 : memref<80xi32, #tpu.memory_space<hbm>>) target(%dma_start3A_57 : memref<80xi32, #tpu.memory_space<vmem>>) target_semaphore(%run_scoped3A_50 : memref<!tpu.dma_semaphore, #tpu.memory_space<semaphore_mem>>)
      %dma_wait3A_59 = arith.constant 0 : i32
      %dma_wait3A_60 = tpu.memref_slice %arg8[%run_scoped3A_21, %dma_wait3A_59] : memref<4x80xi32, #tpu.memory_space<vmem>> -> memref<1x80xi32, #tpu.memory_space<vmem>>
      %dma_wait3A_61 = tpu.memref_squeeze %dma_wait3A_60 : memref<1x80xi32, #tpu.memory_space<vmem>> -> memref<80xi32, #tpu.memory_space<vmem>>
      %dma_wait3A_62 = tpu.memref_slice %arg4[%add3A_20] : memref<320000xi32, #tpu.memory_space<hbm>> -> memref<80xi32, #tpu.memory_space<hbm>>
      %dma_wait3A_63 = arith.constant 0 : i32
      %dma_wait3A_64 = tpu.memref_slice %arg8[%run_scoped3A_21, %dma_wait3A_63] : memref<4x80xi32, #tpu.memory_space<vmem>> -> memref<1x80xi32, #tpu.memory_space<vmem>>
      %dma_wait3A_65 = tpu.memref_squeeze %dma_wait3A_64 : memref<1x80xi32, #tpu.memory_space<vmem>> -> memref<80xi32, #tpu.memory_space<vmem>>
      %dma_wait3A_66 = tpu.memref_slice %arg4[%add3A_20] : memref<320000xi32, #tpu.memory_space<hbm>> -> memref<80xi32, #tpu.memory_space<hbm>>
      tpu.wait_dma2 semaphore(%run_scoped3A_50 : memref<!tpu.dma_semaphore, #tpu.memory_space<semaphore_mem>>) src(%dma_wait3A_66 : memref<80xi32, #tpu.memory_space<hbm>>) dst(%dma_wait3A_65 : memref<80xi32, #tpu.memory_space<vmem>>)
      tpu.yield
    }) : () -> ()
    %dma_start3A = arith.constant 0 : i32
    %dma_start3A_22 = arith.constant 0 : i32
    %dma_start3A_23 = arith.constant 0 : i32
    %dma_start3A_24 = arith.constant 0 : i32
    %dma_start3A_25 = tpu.memref_slice %arg9[%dma_start3A_22, %dma_start3A_23, %dma_start3A_24] : memref<4x80x128xf32, #tpu.memory_space<vmem>> -> memref<1x80x128xf32, #tpu.memory_space<vmem>>
    %dma_start3A_26 = tpu.memref_squeeze %dma_start3A_25 : memref<1x80x128xf32, #tpu.memory_space<vmem>> -> memref<80x128xf32, #tpu.memory_space<vmem>>
    %dma_start3A_27 = arith.constant 0 : i32
    %dma_start3A_28 = tpu.memref_slice %arg7[%dma_start3A, %dma_start3A_27] : memref<4x80xi32, #tpu.memory_space<vmem>> -> memref<1x80xi32, #tpu.memory_space<vmem>>
    %dma_start3A_29 = tpu.memref_squeeze %dma_start3A_28 : memref<1x80xi32, #tpu.memory_space<vmem>> -> memref<80xi32, #tpu.memory_space<vmem>>
    %dma_start3A_30 = arith.constant 0 : i32
    %dma_start3A_31 = arith.constant 0 : i32
    %dma_start3A_32 = tpu.memref_slice %arg2[%dma_start3A_30, %dma_start3A_31] : memref<10000x128xf32, #tpu.memory_space<hbm>> -> memref<10000x128xf32, #tpu.memory_space<hbm>>
    tpu.enqueue_indirect_dma source(%dma_start3A_32 : memref<10000x128xf32, #tpu.memory_space<hbm>>) target(%dma_start3A_26 : memref<80x128xf32, #tpu.memory_space<vmem>>) offsets(%dma_start3A_29 : memref<80xi32, #tpu.memory_space<vmem>>) semaphore(%arg10 : memref<!tpu.dma_semaphore, #tpu.memory_space<semaphore_mem>>)
    %dma_wait3A = arith.constant 0 : i32
    %dma_wait3A_33 = arith.constant 0 : i32
    %dma_wait3A_34 = arith.constant 0 : i32
    %dma_wait3A_35 = arith.constant 0 : i32
    %dma_wait3A_36 = tpu.memref_slice %arg9[%dma_wait3A_33, %dma_wait3A_34, %dma_wait3A_35] : memref<4x80x128xf32, #tpu.memory_space<vmem>> -> memref<1x80x128xf32, #tpu.memory_space<vmem>>
    %dma_wait3A_37 = tpu.memref_squeeze %dma_wait3A_36 : memref<1x80x128xf32, #tpu.memory_space<vmem>> -> memref<80x128xf32, #tpu.memory_space<vmem>>
    %dma_wait3A_38 = arith.constant 0 : i32
    %dma_wait3A_39 = tpu.memref_slice %arg7[%dma_wait3A, %dma_wait3A_38] : memref<4x80xi32, #tpu.memory_space<vmem>> -> memref<1x80xi32, #tpu.memory_space<vmem>>
    %dma_wait3A_40 = tpu.memref_squeeze %dma_wait3A_39 : memref<1x80xi32, #tpu.memory_space<vmem>> -> memref<80xi32, #tpu.memory_space<vmem>>
    %dma_wait3A_41 = arith.constant 0 : i32
    %dma_wait3A_42 = arith.constant 0 : i32
    %dma_wait3A_43 = tpu.memref_slice %arg2[%dma_wait3A_41, %dma_wait3A_42] : memref<10000x128xf32, #tpu.memory_space<hbm>> -> memref<10000x128xf32, #tpu.memory_space<hbm>>
    tpu.wait_indirect_dma semaphore(%arg10 : memref<!tpu.dma_semaphore, #tpu.memory_space<semaphore_mem>>) src(%dma_wait3A_43 : memref<10000x128xf32, #tpu.memory_space<hbm>>) dst(%dma_wait3A_37 : memref<80x128xf32, #tpu.memory_space<vmem>>)
    %run_scoped3A_44 = arith.constant 0 : i32
    %run_scoped3A_45 = arith.constant 0 : i32
    "tpu.region"() ({
      %run_scoped3A_50 = tpu.sem_alloc : memref<!tpu.dma_semaphore, #tpu.memory_space<semaphore_mem>>
      %dma_start3A_51 = arith.constant 0 : i32
      %dma_start3A_52 = arith.constant 0 : i32
      %dma_start3A_53 = tpu.memref_slice %arg9[%run_scoped3A_44, %dma_start3A_51, %dma_start3A_52] : memref<4x80x128xf32, #tpu.memory_space<vmem>> -> memref<1x80x128xf32, #tpu.memory_space<vmem>>
      %dma_start3A_54 = tpu.memref_squeeze %dma_start3A_53 : memref<1x80x128xf32, #tpu.memory_space<vmem>> -> memref<80x128xf32, #tpu.memory_space<vmem>>
      %dma_start3A_55 = arith.constant 0 : i32
      %dma_start3A_56 = tpu.memref_slice %arg8[%run_scoped3A_45, %dma_start3A_55] : memref<4x80xi32, #tpu.memory_space<vmem>> -> memref<1x80xi32, #tpu.memory_space<vmem>>
      %dma_start3A_57 = tpu.memref_squeeze %dma_start3A_56 : memref<1x80xi32, #tpu.memory_space<vmem>> -> memref<80xi32, #tpu.memory_space<vmem>>
      %dma_start3A_58 = arith.constant 0 : i32
      %dma_start3A_59 = arith.constant 0 : i32
      %dma_start3A_60 = tpu.memref_slice %arg14[%dma_start3A_58, %dma_start3A_59] : memref<10240x128xf32, #tpu.memory_space<vmem_shared>> -> memref<10240x128xf32, #tpu.memory_space<vmem_shared>>
      tpu.enqueue_indirect_dma source(%dma_start3A_54 : memref<80x128xf32, #tpu.memory_space<vmem>>) target(%dma_start3A_60 : memref<10240x128xf32, #tpu.memory_space<vmem_shared>>) offsets(%dma_start3A_57 : memref<80xi32, #tpu.memory_space<vmem>>) semaphore(%run_scoped3A_50 : memref<!tpu.dma_semaphore, #tpu.memory_space<semaphore_mem>>) {add = true}
      %dma_wait3A_61 = arith.constant 0 : i32
      %dma_wait3A_62 = arith.constant 0 : i32
      %dma_wait3A_63 = tpu.memref_slice %arg9[%run_scoped3A_44, %dma_wait3A_61, %dma_wait3A_62] : memref<4x80x128xf32, #tpu.memory_space<vmem>> -> memref<1x80x128xf32, #tpu.memory_space<vmem>>
      %dma_wait3A_64 = tpu.memref_squeeze %dma_wait3A_63 : memref<1x80x128xf32, #tpu.memory_space<vmem>> -> memref<80x128xf32, #tpu.memory_space<vmem>>
      %dma_wait3A_65 = arith.constant 0 : i32
      %dma_wait3A_66 = tpu.memref_slice %arg8[%run_scoped3A_45, %dma_wait3A_65] : memref<4x80xi32, #tpu.memory_space<vmem>> -> memref<1x80xi32, #tpu.memory_space<vmem>>
      %dma_wait3A_67 = tpu.memref_squeeze %dma_wait3A_66 : memref<1x80xi32, #tpu.memory_space<vmem>> -> memref<80xi32, #tpu.memory_space<vmem>>
      %dma_wait3A_68 = arith.constant 0 : i32
      %dma_wait3A_69 = arith.constant 0 : i32
      %dma_wait3A_70 = tpu.memref_slice %arg14[%dma_wait3A_68, %dma_wait3A_69] : memref<10240x128xf32, #tpu.memory_space<vmem_shared>> -> memref<10240x128xf32, #tpu.memory_space<vmem_shared>>
      tpu.wait_indirect_dma semaphore(%run_scoped3A_50 : memref<!tpu.dma_semaphore, #tpu.memory_space<semaphore_mem>>) src(%dma_wait3A_64 : memref<80x128xf32, #tpu.memory_space<vmem>>) dst(%dma_wait3A_70 : memref<10240x128xf32, #tpu.memory_space<vmem_shared>>)
      tpu.yield
    }) : () -> ()
    %barrier3A_46 = arith.constant 0 : index
    tpu.barrier barrier_id(%barrier3A_46)
    %mul3A_47 = arith.constant 10240 : i32
    %mul3A_48 = arith.muli %arg0, %mul3A_47 : i32
    %add3A_49 = arith.addi %mul3A_48, %mul3A_0 : i32
    "tpu.region"() ({
      %run_scoped3A_50 = tpu.sem_alloc : memref<!tpu.dma_semaphore, #tpu.memory_space<semaphore_mem>>
      %dma_start3A_51 = arith.constant 0 : i32
      %dma_start3A_52 = tpu.memref_slice %arg6[%add3A_49, %dma_start3A_51] : memref<20480x128xf32, #tpu.memory_space<hbm>> -> memref<640x128xf32, #tpu.memory_space<hbm>>
      %dma_start3A_53 = arith.constant 0 : i32
      %dma_start3A_54 = tpu.memref_slice %arg14[%mul3A_0, %dma_start3A_53] : memref<10240x128xf32, #tpu.memory_space<vmem_shared>> -> memref<640x128xf32, #tpu.memory_space<vmem_shared>>
      tpu.enqueue_dma source(%dma_start3A_54 : memref<640x128xf32, #tpu.memory_space<vmem_shared>>) target(%dma_start3A_52 : memref<640x128xf32, #tpu.memory_space<hbm>>) target_semaphore(%run_scoped3A_50 : memref<!tpu.dma_semaphore, #tpu.memory_space<semaphore_mem>>)
      %dma_wait3A_55 = arith.constant 0 : i32
      %dma_wait3A_56 = tpu.memref_slice %arg6[%add3A_49, %dma_wait3A_55] : memref<20480x128xf32, #tpu.memory_space<hbm>> -> memref<640x128xf32, #tpu.memory_space<hbm>>
      %dma_wait3A_57 = arith.constant 0 : i32
      %dma_wait3A_58 = tpu.memref_slice %arg14[%mul3A_0, %dma_wait3A_57] : memref<10240x128xf32, #tpu.memory_space<vmem_shared>> -> memref<640x128xf32, #tpu.memory_space<vmem_shared>>
      tpu.wait_dma2 semaphore(%run_scoped3A_50 : memref<!tpu.dma_semaphore, #tpu.memory_space<semaphore_mem>>) src(%dma_wait3A_58 : memref<640x128xf32, #tpu.memory_space<vmem_shared>>) dst(%dma_wait3A_56 : memref<640x128xf32, #tpu.memory_space<hbm>>)
      tpu.yield
    }) : () -> ()
    return
  }
}

#map = affine_map<(d0, d1) -> (0)>
#map1 = affine_map<(d0, d1) -> (0, 0)>
module attributes {stable_mosaic.version = 14 : i64} {
  func.func @k(%arg0: i32, %arg1: i32, %arg2: memref<320000xi32, #tpu.memory_space<hbm>>, %arg3: memref<320000x128xf32, #tpu.memory_space<hbm>>, %arg4: memref<128x128xf32, #tpu.memory_space<hbm>>, %arg5: memref<20480x128xf32, #tpu.memory_space<hbm>>, %arg6: memref<4x80xi32, #tpu.memory_space<vmem>>, %arg7: memref<4x80x128xf32, #tpu.memory_space<vmem>>, %arg8: memref<!tpu.dma_semaphore, #tpu.memory_space<semaphore_mem>>, %arg9: memref<!tpu.dma_semaphore, #tpu.memory_space<semaphore_mem>>, %arg10: memref<!tpu.dma_semaphore, #tpu.memory_space<semaphore_mem>>, %arg11: memref<!tpu.dma_semaphore, #tpu.memory_space<semaphore_mem>>, %arg12: memref<10240x128xf32, #tpu.memory_space<vmem_shared>>) attributes {dimension_semantics = [#tpu.dimension_semantics<core_parallel>, #tpu.dimension_semantics<subcore_parallel>], iteration_bounds = array<i64: 2, 16>, scalar_prefetch = 0 : i64, scratch_operands = 7 : i64, tpu.core_type = #tpu.core_type<sc_vector_subcore>, window_params = [{transform_indices = #map}, {transform_indices = #map1}, {transform_indices = #map1}, {transform_indices = #map1}]} {
    %mul3A = arith.constant 640 : i32
    %mul3A_0 = arith.muli %arg1, %mul3A : i32
    %add3A = arith.constant 0 : i32
    %add3A_1 = arith.addi %mul3A_0, %add3A : i32
    "tpu.region"() ({
      %run_scoped3A_51 = tpu.sem_alloc : memref<!tpu.dma_semaphore, #tpu.memory_space<semaphore_mem>>
      %dma_start3A_52 = arith.constant 0 : i32
      %dma_start3A_53 = tpu.memref_slice %arg12[%add3A_1, %dma_start3A_52] : memref<10240x128xf32, #tpu.memory_space<vmem_shared>> -> memref<128x128xf32, #tpu.memory_space<vmem_shared>>
      tpu.enqueue_dma source(%arg4 : memref<128x128xf32, #tpu.memory_space<hbm>>) target(%dma_start3A_53 : memref<128x128xf32, #tpu.memory_space<vmem_shared>>) target_semaphore(%run_scoped3A_51 : memref<!tpu.dma_semaphore, #tpu.memory_space<semaphore_mem>>)
      %dma_wait3A_54 = arith.constant 0 : i32
      %dma_wait3A_55 = tpu.memref_slice %arg12[%add3A_1, %dma_wait3A_54] : memref<10240x128xf32, #tpu.memory_space<vmem_shared>> -> memref<128x128xf32, #tpu.memory_space<vmem_shared>>
      tpu.wait_dma2 semaphore(%run_scoped3A_51 : memref<!tpu.dma_semaphore, #tpu.memory_space<semaphore_mem>>) src(%arg4 : memref<128x128xf32, #tpu.memory_space<hbm>>) dst(%dma_wait3A_55 : memref<128x128xf32, #tpu.memory_space<vmem_shared>>)
      tpu.yield
    }) : () -> ()
    %add3A_2 = arith.constant 128 : i32
    %add3A_3 = arith.addi %mul3A_0, %add3A_2 : i32
    "tpu.region"() ({
      %run_scoped3A_51 = tpu.sem_alloc : memref<!tpu.dma_semaphore, #tpu.memory_space<semaphore_mem>>
      %dma_start3A_52 = arith.constant 0 : i32
      %dma_start3A_53 = tpu.memref_slice %arg12[%add3A_3, %dma_start3A_52] : memref<10240x128xf32, #tpu.memory_space<vmem_shared>> -> memref<128x128xf32, #tpu.memory_space<vmem_shared>>
      tpu.enqueue_dma source(%arg4 : memref<128x128xf32, #tpu.memory_space<hbm>>) target(%dma_start3A_53 : memref<128x128xf32, #tpu.memory_space<vmem_shared>>) target_semaphore(%run_scoped3A_51 : memref<!tpu.dma_semaphore, #tpu.memory_space<semaphore_mem>>)
      %dma_wait3A_54 = arith.constant 0 : i32
      %dma_wait3A_55 = tpu.memref_slice %arg12[%add3A_3, %dma_wait3A_54] : memref<10240x128xf32, #tpu.memory_space<vmem_shared>> -> memref<128x128xf32, #tpu.memory_space<vmem_shared>>
      tpu.wait_dma2 semaphore(%run_scoped3A_51 : memref<!tpu.dma_semaphore, #tpu.memory_space<semaphore_mem>>) src(%arg4 : memref<128x128xf32, #tpu.memory_space<hbm>>) dst(%dma_wait3A_55 : memref<128x128xf32, #tpu.memory_space<vmem_shared>>)
      tpu.yield
    }) : () -> ()
    %add3A_4 = arith.constant 256 : i32
    %add3A_5 = arith.addi %mul3A_0, %add3A_4 : i32
    "tpu.region"() ({
      %run_scoped3A_51 = tpu.sem_alloc : memref<!tpu.dma_semaphore, #tpu.memory_space<semaphore_mem>>
      %dma_start3A_52 = arith.constant 0 : i32
      %dma_start3A_53 = tpu.memref_slice %arg12[%add3A_5, %dma_start3A_52] : memref<10240x128xf32, #tpu.memory_space<vmem_shared>> -> memref<128x128xf32, #tpu.memory_space<vmem_shared>>
      tpu.enqueue_dma source(%arg4 : memref<128x128xf32, #tpu.memory_space<hbm>>) target(%dma_start3A_53 : memref<128x128xf32, #tpu.memory_space<vmem_shared>>) target_semaphore(%run_scoped3A_51 : memref<!tpu.dma_semaphore, #tpu.memory_space<semaphore_mem>>)
      %dma_wait3A_54 = arith.constant 0 : i32
      %dma_wait3A_55 = tpu.memref_slice %arg12[%add3A_5, %dma_wait3A_54] : memref<10240x128xf32, #tpu.memory_space<vmem_shared>> -> memref<128x128xf32, #tpu.memory_space<vmem_shared>>
      tpu.wait_dma2 semaphore(%run_scoped3A_51 : memref<!tpu.dma_semaphore, #tpu.memory_space<semaphore_mem>>) src(%arg4 : memref<128x128xf32, #tpu.memory_space<hbm>>) dst(%dma_wait3A_55 : memref<128x128xf32, #tpu.memory_space<vmem_shared>>)
      tpu.yield
    }) : () -> ()
    %add3A_6 = arith.constant 384 : i32
    %add3A_7 = arith.addi %mul3A_0, %add3A_6 : i32
    "tpu.region"() ({
      %run_scoped3A_51 = tpu.sem_alloc : memref<!tpu.dma_semaphore, #tpu.memory_space<semaphore_mem>>
      %dma_start3A_52 = arith.constant 0 : i32
      %dma_start3A_53 = tpu.memref_slice %arg12[%add3A_7, %dma_start3A_52] : memref<10240x128xf32, #tpu.memory_space<vmem_shared>> -> memref<128x128xf32, #tpu.memory_space<vmem_shared>>
      tpu.enqueue_dma source(%arg4 : memref<128x128xf32, #tpu.memory_space<hbm>>) target(%dma_start3A_53 : memref<128x128xf32, #tpu.memory_space<vmem_shared>>) target_semaphore(%run_scoped3A_51 : memref<!tpu.dma_semaphore, #tpu.memory_space<semaphore_mem>>)
      %dma_wait3A_54 = arith.constant 0 : i32
      %dma_wait3A_55 = tpu.memref_slice %arg12[%add3A_7, %dma_wait3A_54] : memref<10240x128xf32, #tpu.memory_space<vmem_shared>> -> memref<128x128xf32, #tpu.memory_space<vmem_shared>>
      tpu.wait_dma2 semaphore(%run_scoped3A_51 : memref<!tpu.dma_semaphore, #tpu.memory_space<semaphore_mem>>) src(%arg4 : memref<128x128xf32, #tpu.memory_space<hbm>>) dst(%dma_wait3A_55 : memref<128x128xf32, #tpu.memory_space<vmem_shared>>)
      tpu.yield
    }) : () -> ()
    %add3A_8 = arith.constant 512 : i32
    %add3A_9 = arith.addi %mul3A_0, %add3A_8 : i32
    "tpu.region"() ({
      %run_scoped3A_51 = tpu.sem_alloc : memref<!tpu.dma_semaphore, #tpu.memory_space<semaphore_mem>>
      %dma_start3A_52 = arith.constant 0 : i32
      %dma_start3A_53 = tpu.memref_slice %arg12[%add3A_9, %dma_start3A_52] : memref<10240x128xf32, #tpu.memory_space<vmem_shared>> -> memref<128x128xf32, #tpu.memory_space<vmem_shared>>
      tpu.enqueue_dma source(%arg4 : memref<128x128xf32, #tpu.memory_space<hbm>>) target(%dma_start3A_53 : memref<128x128xf32, #tpu.memory_space<vmem_shared>>) target_semaphore(%run_scoped3A_51 : memref<!tpu.dma_semaphore, #tpu.memory_space<semaphore_mem>>)
      %dma_wait3A_54 = arith.constant 0 : i32
      %dma_wait3A_55 = tpu.memref_slice %arg12[%add3A_9, %dma_wait3A_54] : memref<10240x128xf32, #tpu.memory_space<vmem_shared>> -> memref<128x128xf32, #tpu.memory_space<vmem_shared>>
      tpu.wait_dma2 semaphore(%run_scoped3A_51 : memref<!tpu.dma_semaphore, #tpu.memory_space<semaphore_mem>>) src(%arg4 : memref<128x128xf32, #tpu.memory_space<hbm>>) dst(%dma_wait3A_55 : memref<128x128xf32, #tpu.memory_space<vmem_shared>>)
      tpu.yield
    }) : () -> ()
    %barrier3A = arith.constant 0 : index
    tpu.barrier barrier_id(%barrier3A)
    %mul3A_10 = arith.constant 2 : i32
    %mul3A_11 = arith.muli %arg1, %mul3A_10 : i32
    %add3A_12 = arith.addi %mul3A_11, %arg0 : i32
    %mul3A_13 = arith.constant 10000 : i32
    %mul3A_14 = arith.muli %add3A_12, %mul3A_13 : i32
    %scan3A = arith.constant 0 : i32
    %scan3A_15 = arith.constant 31 : i32
    %scan3A_16 = arith.addi %scan3A, %scan3A_15 : i32
    %scan3A_17 = arith.constant 1 : i32
    scf.for %scan3A_51 = %scan3A to %scan3A_16 step %scan3A_17  : i32 {
      %mul3A_52 = arith.constant 1 : i32
      %mul3A_53 = arith.muli %scan3A_51, %mul3A_52 : i32
      %add3A_54 = arith.constant 0 : i32
      %add3A_55 = arith.addi %add3A_54, %mul3A_53 : i32
      %mul3A_56 = arith.constant 4 : i32
      %mul3A_57 = arith.muli %add3A_55, %mul3A_56 : i32
      %add3A_58 = arith.constant 0 : i32
      %add3A_59 = arith.addi %mul3A_57, %add3A_58 : i32
      %mul3A_60 = arith.constant 80 : i32
      %mul3A_61 = arith.muli %add3A_59, %mul3A_60 : i32
      %add3A_62 = arith.addi %mul3A_14, %mul3A_61 : i32
      %run_scoped3A_63 = arith.constant 0 : i32
      "tpu.region"() ({
        %run_scoped3A_200 = tpu.sem_alloc : memref<!tpu.dma_semaphore, #tpu.memory_space<semaphore_mem>>
        %dma_start3A_201 = arith.constant 0 : i32
        %dma_start3A_202 = tpu.memref_slice %arg6[%run_scoped3A_63, %dma_start3A_201] : memref<4x80xi32, #tpu.memory_space<vmem>> -> memref<1x80xi32, #tpu.memory_space<vmem>>
        %dma_start3A_203 = tpu.memref_squeeze %dma_start3A_202 : memref<1x80xi32, #tpu.memory_space<vmem>> -> memref<80xi32, #tpu.memory_space<vmem>>
        %dma_start3A_204 = tpu.memref_slice %arg2[%add3A_62] : memref<320000xi32, #tpu.memory_space<hbm>> -> memref<80xi32, #tpu.memory_space<hbm>>
        %dma_start3A_205 = arith.constant 0 : i32
        %dma_start3A_206 = tpu.memref_slice %arg6[%run_scoped3A_63, %dma_start3A_205] : memref<4x80xi32, #tpu.memory_space<vmem>> -> memref<1x80xi32, #tpu.memory_space<vmem>>
        %dma_start3A_207 = tpu.memref_squeeze %dma_start3A_206 : memref<1x80xi32, #tpu.memory_space<vmem>> -> memref<80xi32, #tpu.memory_space<vmem>>
        %dma_start3A_208 = tpu.memref_slice %arg2[%add3A_62] : memref<320000xi32, #tpu.memory_space<hbm>> -> memref<80xi32, #tpu.memory_space<hbm>>
        tpu.enqueue_dma source(%dma_start3A_208 : memref<80xi32, #tpu.memory_space<hbm>>) target(%dma_start3A_207 : memref<80xi32, #tpu.memory_space<vmem>>) target_semaphore(%run_scoped3A_200 : memref<!tpu.dma_semaphore, #tpu.memory_space<semaphore_mem>>)
        %dma_wait3A_209 = arith.constant 0 : i32
        %dma_wait3A_210 = tpu.memref_slice %arg6[%run_scoped3A_63, %dma_wait3A_209] : memref<4x80xi32, #tpu.memory_space<vmem>> -> memref<1x80xi32, #tpu.memory_space<vmem>>
        %dma_wait3A_211 = tpu.memref_squeeze %dma_wait3A_210 : memref<1x80xi32, #tpu.memory_space<vmem>> -> memref<80xi32, #tpu.memory_space<vmem>>
        %dma_wait3A_212 = tpu.memref_slice %arg2[%add3A_62] : memref<320000xi32, #tpu.memory_space<hbm>> -> memref<80xi32, #tpu.memory_space<hbm>>
        %dma_wait3A_213 = arith.constant 0 : i32
        %dma_wait3A_214 = tpu.memref_slice %arg6[%run_scoped3A_63, %dma_wait3A_213] : memref<4x80xi32, #tpu.memory_space<vmem>> -> memref<1x80xi32, #tpu.memory_space<vmem>>
        %dma_wait3A_215 = tpu.memref_squeeze %dma_wait3A_214 : memref<1x80xi32, #tpu.memory_space<vmem>> -> memref<80xi32, #tpu.memory_space<vmem>>
        %dma_wait3A_216 = tpu.memref_slice %arg2[%add3A_62] : memref<320000xi32, #tpu.memory_space<hbm>> -> memref<80xi32, #tpu.memory_space<hbm>>
        tpu.wait_dma2 semaphore(%run_scoped3A_200 : memref<!tpu.dma_semaphore, #tpu.memory_space<semaphore_mem>>) src(%dma_wait3A_216 : memref<80xi32, #tpu.memory_space<hbm>>) dst(%dma_wait3A_215 : memref<80xi32, #tpu.memory_space<vmem>>)
        tpu.yield
      }) : () -> ()
      %dma_start3A_64 = arith.constant 0 : i32
      %dma_start3A_65 = arith.constant 0 : i32
      %dma_start3A_66 = arith.constant 0 : i32
      %dma_start3A_67 = tpu.memref_slice %arg7[%dma_start3A_64, %dma_start3A_65, %dma_start3A_66] : memref<4x80x128xf32, #tpu.memory_space<vmem>> -> memref<1x80x128xf32, #tpu.memory_space<vmem>>
      %dma_start3A_68 = tpu.memref_squeeze %dma_start3A_67 : memref<1x80x128xf32, #tpu.memory_space<vmem>> -> memref<80x128xf32, #tpu.memory_space<vmem>>
      %dma_start3A_69 = arith.constant 0 : i32
      %dma_start3A_70 = tpu.memref_slice %arg3[%add3A_62, %dma_start3A_69] : memref<320000x128xf32, #tpu.memory_space<hbm>> -> memref<80x128xf32, #tpu.memory_space<hbm>>
      %dma_start3A_71 = arith.constant 0 : i32
      %dma_start3A_72 = arith.constant 0 : i32
      %dma_start3A_73 = tpu.memref_slice %arg7[%dma_start3A_64, %dma_start3A_71, %dma_start3A_72] : memref<4x80x128xf32, #tpu.memory_space<vmem>> -> memref<1x80x128xf32, #tpu.memory_space<vmem>>
      %dma_start3A_74 = tpu.memref_squeeze %dma_start3A_73 : memref<1x80x128xf32, #tpu.memory_space<vmem>> -> memref<80x128xf32, #tpu.memory_space<vmem>>
      %dma_start3A_75 = arith.constant 0 : i32
      %dma_start3A_76 = tpu.memref_slice %arg3[%add3A_62, %dma_start3A_75] : memref<320000x128xf32, #tpu.memory_space<hbm>> -> memref<80x128xf32, #tpu.memory_space<hbm>>
      tpu.enqueue_dma source(%dma_start3A_76 : memref<80x128xf32, #tpu.memory_space<hbm>>) target(%dma_start3A_74 : memref<80x128xf32, #tpu.memory_space<vmem>>) target_semaphore(%arg8 : memref<!tpu.dma_semaphore, #tpu.memory_space<semaphore_mem>>)
      %mul3A_77 = arith.constant 4 : i32
      %mul3A_78 = arith.muli %add3A_55, %mul3A_77 : i32
      %add3A_79 = arith.constant 1 : i32
      %add3A_80 = arith.addi %mul3A_78, %add3A_79 : i32
      %mul3A_81 = arith.constant 80 : i32
      %mul3A_82 = arith.muli %add3A_80, %mul3A_81 : i32
      %add3A_83 = arith.addi %mul3A_14, %mul3A_82 : i32
      %run_scoped3A_84 = arith.constant 1 : i32
      "tpu.region"() ({
        %run_scoped3A_200 = tpu.sem_alloc : memref<!tpu.dma_semaphore, #tpu.memory_space<semaphore_mem>>
        %dma_start3A_201 = arith.constant 0 : i32
        %dma_start3A_202 = tpu.memref_slice %arg6[%run_scoped3A_84, %dma_start3A_201] : memref<4x80xi32, #tpu.memory_space<vmem>> -> memref<1x80xi32, #tpu.memory_space<vmem>>
        %dma_start3A_203 = tpu.memref_squeeze %dma_start3A_202 : memref<1x80xi32, #tpu.memory_space<vmem>> -> memref<80xi32, #tpu.memory_space<vmem>>
        %dma_start3A_204 = tpu.memref_slice %arg2[%add3A_83] : memref<320000xi32, #tpu.memory_space<hbm>> -> memref<80xi32, #tpu.memory_space<hbm>>
        %dma_start3A_205 = arith.constant 0 : i32
        %dma_start3A_206 = tpu.memref_slice %arg6[%run_scoped3A_84, %dma_start3A_205] : memref<4x80xi32, #tpu.memory_space<vmem>> -> memref<1x80xi32, #tpu.memory_space<vmem>>
        %dma_start3A_207 = tpu.memref_squeeze %dma_start3A_206 : memref<1x80xi32, #tpu.memory_space<vmem>> -> memref<80xi32, #tpu.memory_space<vmem>>
        %dma_start3A_208 = tpu.memref_slice %arg2[%add3A_83] : memref<320000xi32, #tpu.memory_space<hbm>> -> memref<80xi32, #tpu.memory_space<hbm>>
        tpu.enqueue_dma source(%dma_start3A_208 : memref<80xi32, #tpu.memory_space<hbm>>) target(%dma_start3A_207 : memref<80xi32, #tpu.memory_space<vmem>>) target_semaphore(%run_scoped3A_200 : memref<!tpu.dma_semaphore, #tpu.memory_space<semaphore_mem>>)
        %dma_wait3A_209 = arith.constant 0 : i32
        %dma_wait3A_210 = tpu.memref_slice %arg6[%run_scoped3A_84, %dma_wait3A_209] : memref<4x80xi32, #tpu.memory_space<vmem>> -> memref<1x80xi32, #tpu.memory_space<vmem>>
        %dma_wait3A_211 = tpu.memref_squeeze %dma_wait3A_210 : memref<1x80xi32, #tpu.memory_space<vmem>> -> memref<80xi32, #tpu.memory_space<vmem>>
        %dma_wait3A_212 = tpu.memref_slice %arg2[%add3A_83] : memref<320000xi32, #tpu.memory_space<hbm>> -> memref<80xi32, #tpu.memory_space<hbm>>
        %dma_wait3A_213 = arith.constant 0 : i32
        %dma_wait3A_214 = tpu.memref_slice %arg6[%run_scoped3A_84, %dma_wait3A_213] : memref<4x80xi32, #tpu.memory_space<vmem>> -> memref<1x80xi32, #tpu.memory_space<vmem>>
        %dma_wait3A_215 = tpu.memref_squeeze %dma_wait3A_214 : memref<1x80xi32, #tpu.memory_space<vmem>> -> memref<80xi32, #tpu.memory_space<vmem>>
        %dma_wait3A_216 = tpu.memref_slice %arg2[%add3A_83] : memref<320000xi32, #tpu.memory_space<hbm>> -> memref<80xi32, #tpu.memory_space<hbm>>
        tpu.wait_dma2 semaphore(%run_scoped3A_200 : memref<!tpu.dma_semaphore, #tpu.memory_space<semaphore_mem>>) src(%dma_wait3A_216 : memref<80xi32, #tpu.memory_space<hbm>>) dst(%dma_wait3A_215 : memref<80xi32, #tpu.memory_space<vmem>>)
        tpu.yield
      }) : () -> ()
      %dma_start3A_85 = arith.constant 1 : i32
      %dma_start3A_86 = arith.constant 0 : i32
      %dma_start3A_87 = arith.constant 0 : i32
      %dma_start3A_88 = tpu.memref_slice %arg7[%dma_start3A_85, %dma_start3A_86, %dma_start3A_87] : memref<4x80x128xf32, #tpu.memory_space<vmem>> -> memref<1x80x128xf32, #tpu.memory_space<vmem>>
      %dma_start3A_89 = tpu.memref_squeeze %dma_start3A_88 : memref<1x80x128xf32, #tpu.memory_space<vmem>> -> memref<80x128xf32, #tpu.memory_space<vmem>>
      %dma_start3A_90 = arith.constant 0 : i32
      %dma_start3A_91 = tpu.memref_slice %arg3[%add3A_83, %dma_start3A_90] : memref<320000x128xf32, #tpu.memory_space<hbm>> -> memref<80x128xf32, #tpu.memory_space<hbm>>
      %dma_start3A_92 = arith.constant 0 : i32
      %dma_start3A_93 = arith.constant 0 : i32
      %dma_start3A_94 = tpu.memref_slice %arg7[%dma_start3A_85, %dma_start3A_92, %dma_start3A_93] : memref<4x80x128xf32, #tpu.memory_space<vmem>> -> memref<1x80x128xf32, #tpu.memory_space<vmem>>
      %dma_start3A_95 = tpu.memref_squeeze %dma_start3A_94 : memref<1x80x128xf32, #tpu.memory_space<vmem>> -> memref<80x128xf32, #tpu.memory_space<vmem>>
      %dma_start3A_96 = arith.constant 0 : i32
      %dma_start3A_97 = tpu.memref_slice %arg3[%add3A_83, %dma_start3A_96] : memref<320000x128xf32, #tpu.memory_space<hbm>> -> memref<80x128xf32, #tpu.memory_space<hbm>>
      tpu.enqueue_dma source(%dma_start3A_97 : memref<80x128xf32, #tpu.memory_space<hbm>>) target(%dma_start3A_95 : memref<80x128xf32, #tpu.memory_space<vmem>>) target_semaphore(%arg9 : memref<!tpu.dma_semaphore, #tpu.memory_space<semaphore_mem>>)
      %mul3A_98 = arith.constant 4 : i32
      %mul3A_99 = arith.muli %add3A_55, %mul3A_98 : i32
      %add3A_100 = arith.constant 2 : i32
      %add3A_101 = arith.addi %mul3A_99, %add3A_100 : i32
      %mul3A_102 = arith.constant 80 : i32
      %mul3A_103 = arith.muli %add3A_101, %mul3A_102 : i32
      %add3A_104 = arith.addi %mul3A_14, %mul3A_103 : i32
      %run_scoped3A_105 = arith.constant 2 : i32
      "tpu.region"() ({
        %run_scoped3A_200 = tpu.sem_alloc : memref<!tpu.dma_semaphore, #tpu.memory_space<semaphore_mem>>
        %dma_start3A_201 = arith.constant 0 : i32
        %dma_start3A_202 = tpu.memref_slice %arg6[%run_scoped3A_105, %dma_start3A_201] : memref<4x80xi32, #tpu.memory_space<vmem>> -> memref<1x80xi32, #tpu.memory_space<vmem>>
        %dma_start3A_203 = tpu.memref_squeeze %dma_start3A_202 : memref<1x80xi32, #tpu.memory_space<vmem>> -> memref<80xi32, #tpu.memory_space<vmem>>
        %dma_start3A_204 = tpu.memref_slice %arg2[%add3A_104] : memref<320000xi32, #tpu.memory_space<hbm>> -> memref<80xi32, #tpu.memory_space<hbm>>
        %dma_start3A_205 = arith.constant 0 : i32
        %dma_start3A_206 = tpu.memref_slice %arg6[%run_scoped3A_105, %dma_start3A_205] : memref<4x80xi32, #tpu.memory_space<vmem>> -> memref<1x80xi32, #tpu.memory_space<vmem>>
        %dma_start3A_207 = tpu.memref_squeeze %dma_start3A_206 : memref<1x80xi32, #tpu.memory_space<vmem>> -> memref<80xi32, #tpu.memory_space<vmem>>
        %dma_start3A_208 = tpu.memref_slice %arg2[%add3A_104] : memref<320000xi32, #tpu.memory_space<hbm>> -> memref<80xi32, #tpu.memory_space<hbm>>
        tpu.enqueue_dma source(%dma_start3A_208 : memref<80xi32, #tpu.memory_space<hbm>>) target(%dma_start3A_207 : memref<80xi32, #tpu.memory_space<vmem>>) target_semaphore(%run_scoped3A_200 : memref<!tpu.dma_semaphore, #tpu.memory_space<semaphore_mem>>)
        %dma_wait3A_209 = arith.constant 0 : i32
        %dma_wait3A_210 = tpu.memref_slice %arg6[%run_scoped3A_105, %dma_wait3A_209] : memref<4x80xi32, #tpu.memory_space<vmem>> -> memref<1x80xi32, #tpu.memory_space<vmem>>
        %dma_wait3A_211 = tpu.memref_squeeze %dma_wait3A_210 : memref<1x80xi32, #tpu.memory_space<vmem>> -> memref<80xi32, #tpu.memory_space<vmem>>
        %dma_wait3A_212 = tpu.memref_slice %arg2[%add3A_104] : memref<320000xi32, #tpu.memory_space<hbm>> -> memref<80xi32, #tpu.memory_space<hbm>>
        %dma_wait3A_213 = arith.constant 0 : i32
        %dma_wait3A_214 = tpu.memref_slice %arg6[%run_scoped3A_105, %dma_wait3A_213] : memref<4x80xi32, #tpu.memory_space<vmem>> -> memref<1x80xi32, #tpu.memory_space<vmem>>
        %dma_wait3A_215 = tpu.memref_squeeze %dma_wait3A_214 : memref<1x80xi32, #tpu.memory_space<vmem>> -> memref<80xi32, #tpu.memory_space<vmem>>
        %dma_wait3A_216 = tpu.memref_slice %arg2[%add3A_104] : memref<320000xi32, #tpu.memory_space<hbm>> -> memref<80xi32, #tpu.memory_space<hbm>>
        tpu.wait_dma2 semaphore(%run_scoped3A_200 : memref<!tpu.dma_semaphore, #tpu.memory_space<semaphore_mem>>) src(%dma_wait3A_216 : memref<80xi32, #tpu.memory_space<hbm>>) dst(%dma_wait3A_215 : memref<80xi32, #tpu.memory_space<vmem>>)
        tpu.yield
      }) : () -> ()
      %dma_start3A_106 = arith.constant 2 : i32
      %dma_start3A_107 = arith.constant 0 : i32
      %dma_start3A_108 = arith.constant 0 : i32
      %dma_start3A_109 = tpu.memref_slice %arg7[%dma_start3A_106, %dma_start3A_107, %dma_start3A_108] : memref<4x80x128xf32, #tpu.memory_space<vmem>> -> memref<1x80x128xf32, #tpu.memory_space<vmem>>
      %dma_start3A_110 = tpu.memref_squeeze %dma_start3A_109 : memref<1x80x128xf32, #tpu.memory_space<vmem>> -> memref<80x128xf32, #tpu.memory_space<vmem>>
      %dma_start3A_111 = arith.constant 0 : i32
      %dma_start3A_112 = tpu.memref_slice %arg3[%add3A_104, %dma_start3A_111] : memref<320000x128xf32, #tpu.memory_space<hbm>> -> memref<80x128xf32, #tpu.memory_space<hbm>>
      %dma_start3A_113 = arith.constant 0 : i32
      %dma_start3A_114 = arith.constant 0 : i32
      %dma_start3A_115 = tpu.memref_slice %arg7[%dma_start3A_106, %dma_start3A_113, %dma_start3A_114] : memref<4x80x128xf32, #tpu.memory_space<vmem>> -> memref<1x80x128xf32, #tpu.memory_space<vmem>>
      %dma_start3A_116 = tpu.memref_squeeze %dma_start3A_115 : memref<1x80x128xf32, #tpu.memory_space<vmem>> -> memref<80x128xf32, #tpu.memory_space<vmem>>
      %dma_start3A_117 = arith.constant 0 : i32
      %dma_start3A_118 = tpu.memref_slice %arg3[%add3A_104, %dma_start3A_117] : memref<320000x128xf32, #tpu.memory_space<hbm>> -> memref<80x128xf32, #tpu.memory_space<hbm>>
      tpu.enqueue_dma source(%dma_start3A_118 : memref<80x128xf32, #tpu.memory_space<hbm>>) target(%dma_start3A_116 : memref<80x128xf32, #tpu.memory_space<vmem>>) target_semaphore(%arg10 : memref<!tpu.dma_semaphore, #tpu.memory_space<semaphore_mem>>)
      %mul3A_119 = arith.constant 4 : i32
      %mul3A_120 = arith.muli %add3A_55, %mul3A_119 : i32
      %add3A_121 = arith.constant 3 : i32
      %add3A_122 = arith.addi %mul3A_120, %add3A_121 : i32
      %mul3A_123 = arith.constant 80 : i32
      %mul3A_124 = arith.muli %add3A_122, %mul3A_123 : i32
      %add3A_125 = arith.addi %mul3A_14, %mul3A_124 : i32
      %run_scoped3A_126 = arith.constant 3 : i32
      "tpu.region"() ({
        %run_scoped3A_200 = tpu.sem_alloc : memref<!tpu.dma_semaphore, #tpu.memory_space<semaphore_mem>>
        %dma_start3A_201 = arith.constant 0 : i32
        %dma_start3A_202 = tpu.memref_slice %arg6[%run_scoped3A_126, %dma_start3A_201] : memref<4x80xi32, #tpu.memory_space<vmem>> -> memref<1x80xi32, #tpu.memory_space<vmem>>
        %dma_start3A_203 = tpu.memref_squeeze %dma_start3A_202 : memref<1x80xi32, #tpu.memory_space<vmem>> -> memref<80xi32, #tpu.memory_space<vmem>>
        %dma_start3A_204 = tpu.memref_slice %arg2[%add3A_125] : memref<320000xi32, #tpu.memory_space<hbm>> -> memref<80xi32, #tpu.memory_space<hbm>>
        %dma_start3A_205 = arith.constant 0 : i32
        %dma_start3A_206 = tpu.memref_slice %arg6[%run_scoped3A_126, %dma_start3A_205] : memref<4x80xi32, #tpu.memory_space<vmem>> -> memref<1x80xi32, #tpu.memory_space<vmem>>
        %dma_start3A_207 = tpu.memref_squeeze %dma_start3A_206 : memref<1x80xi32, #tpu.memory_space<vmem>> -> memref<80xi32, #tpu.memory_space<vmem>>
        %dma_start3A_208 = tpu.memref_slice %arg2[%add3A_125] : memref<320000xi32, #tpu.memory_space<hbm>> -> memref<80xi32, #tpu.memory_space<hbm>>
        tpu.enqueue_dma source(%dma_start3A_208 : memref<80xi32, #tpu.memory_space<hbm>>) target(%dma_start3A_207 : memref<80xi32, #tpu.memory_space<vmem>>) target_semaphore(%run_scoped3A_200 : memref<!tpu.dma_semaphore, #tpu.memory_space<semaphore_mem>>)
        %dma_wait3A_209 = arith.constant 0 : i32
        %dma_wait3A_210 = tpu.memref_slice %arg6[%run_scoped3A_126, %dma_wait3A_209] : memref<4x80xi32, #tpu.memory_space<vmem>> -> memref<1x80xi32, #tpu.memory_space<vmem>>
        %dma_wait3A_211 = tpu.memref_squeeze %dma_wait3A_210 : memref<1x80xi32, #tpu.memory_space<vmem>> -> memref<80xi32, #tpu.memory_space<vmem>>
        %dma_wait3A_212 = tpu.memref_slice %arg2[%add3A_125] : memref<320000xi32, #tpu.memory_space<hbm>> -> memref<80xi32, #tpu.memory_space<hbm>>
        %dma_wait3A_213 = arith.constant 0 : i32
        %dma_wait3A_214 = tpu.memref_slice %arg6[%run_scoped3A_126, %dma_wait3A_213] : memref<4x80xi32, #tpu.memory_space<vmem>> -> memref<1x80xi32, #tpu.memory_space<vmem>>
        %dma_wait3A_215 = tpu.memref_squeeze %dma_wait3A_214 : memref<1x80xi32, #tpu.memory_space<vmem>> -> memref<80xi32, #tpu.memory_space<vmem>>
        %dma_wait3A_216 = tpu.memref_slice %arg2[%add3A_125] : memref<320000xi32, #tpu.memory_space<hbm>> -> memref<80xi32, #tpu.memory_space<hbm>>
        tpu.wait_dma2 semaphore(%run_scoped3A_200 : memref<!tpu.dma_semaphore, #tpu.memory_space<semaphore_mem>>) src(%dma_wait3A_216 : memref<80xi32, #tpu.memory_space<hbm>>) dst(%dma_wait3A_215 : memref<80xi32, #tpu.memory_space<vmem>>)
        tpu.yield
      }) : () -> ()
      %dma_start3A_127 = arith.constant 3 : i32
      %dma_start3A_128 = arith.constant 0 : i32
      %dma_start3A_129 = arith.constant 0 : i32
      %dma_start3A_130 = tpu.memref_slice %arg7[%dma_start3A_127, %dma_start3A_128, %dma_start3A_129] : memref<4x80x128xf32, #tpu.memory_space<vmem>> -> memref<1x80x128xf32, #tpu.memory_space<vmem>>
      %dma_start3A_131 = tpu.memref_squeeze %dma_start3A_130 : memref<1x80x128xf32, #tpu.memory_space<vmem>> -> memref<80x128xf32, #tpu.memory_space<vmem>>
      %dma_start3A_132 = arith.constant 0 : i32
      %dma_start3A_133 = tpu.memref_slice %arg3[%add3A_125, %dma_start3A_132] : memref<320000x128xf32, #tpu.memory_space<hbm>> -> memref<80x128xf32, #tpu.memory_space<hbm>>
      %dma_start3A_134 = arith.constant 0 : i32
      %dma_start3A_135 = arith.constant 0 : i32
      %dma_start3A_136 = tpu.memref_slice %arg7[%dma_start3A_127, %dma_start3A_134, %dma_start3A_135] : memref<4x80x128xf32, #tpu.memory_space<vmem>> -> memref<1x80x128xf32, #tpu.memory_space<vmem>>
      %dma_start3A_137 = tpu.memref_squeeze %dma_start3A_136 : memref<1x80x128xf32, #tpu.memory_space<vmem>> -> memref<80x128xf32, #tpu.memory_space<vmem>>
      %dma_start3A_138 = arith.constant 0 : i32
      %dma_start3A_139 = tpu.memref_slice %arg3[%add3A_125, %dma_start3A_138] : memref<320000x128xf32, #tpu.memory_space<hbm>> -> memref<80x128xf32, #tpu.memory_space<hbm>>
      tpu.enqueue_dma source(%dma_start3A_139 : memref<80x128xf32, #tpu.memory_space<hbm>>) target(%dma_start3A_137 : memref<80x128xf32, #tpu.memory_space<vmem>>) target_semaphore(%arg11 : memref<!tpu.dma_semaphore, #tpu.memory_space<semaphore_mem>>)
      %dma_wait3A_140 = arith.constant 0 : i32
      %dma_wait3A_141 = arith.constant 0 : i32
      %dma_wait3A_142 = arith.constant 0 : i32
      %dma_wait3A_143 = tpu.memref_slice %arg7[%dma_wait3A_140, %dma_wait3A_141, %dma_wait3A_142] : memref<4x80x128xf32, #tpu.memory_space<vmem>> -> memref<1x80x128xf32, #tpu.memory_space<vmem>>
      %dma_wait3A_144 = tpu.memref_squeeze %dma_wait3A_143 : memref<1x80x128xf32, #tpu.memory_space<vmem>> -> memref<80x128xf32, #tpu.memory_space<vmem>>
      %dma_wait3A_145 = arith.constant 0 : i32
      %dma_wait3A_146 = tpu.memref_slice %arg3[%add3A_62, %dma_wait3A_145] : memref<320000x128xf32, #tpu.memory_space<hbm>> -> memref<80x128xf32, #tpu.memory_space<hbm>>
      %dma_wait3A_147 = arith.constant 0 : i32
      %dma_wait3A_148 = arith.constant 0 : i32
      %dma_wait3A_149 = tpu.memref_slice %arg7[%dma_wait3A_140, %dma_wait3A_147, %dma_wait3A_148] : memref<4x80x128xf32, #tpu.memory_space<vmem>> -> memref<1x80x128xf32, #tpu.memory_space<vmem>>
      %dma_wait3A_150 = tpu.memref_squeeze %dma_wait3A_149 : memref<1x80x128xf32, #tpu.memory_space<vmem>> -> memref<80x128xf32, #tpu.memory_space<vmem>>
      %dma_wait3A_151 = arith.constant 0 : i32
      %dma_wait3A_152 = tpu.memref_slice %arg3[%add3A_62, %dma_wait3A_151] : memref<320000x128xf32, #tpu.memory_space<hbm>> -> memref<80x128xf32, #tpu.memory_space<hbm>>
      tpu.wait_dma2 semaphore(%arg8 : memref<!tpu.dma_semaphore, #tpu.memory_space<semaphore_mem>>) src(%dma_wait3A_152 : memref<80x128xf32, #tpu.memory_space<hbm>>) dst(%dma_wait3A_150 : memref<80x128xf32, #tpu.memory_space<vmem>>)
      %run_scoped3A_153 = arith.constant 0 : i32
      %run_scoped3A_154 = arith.constant 0 : i32
      "tpu.region"() ({
        %run_scoped3A_200 = tpu.sem_alloc : memref<!tpu.dma_semaphore, #tpu.memory_space<semaphore_mem>>
        %dma_start3A_201 = arith.constant 0 : i32
        %dma_start3A_202 = arith.constant 0 : i32
        %dma_start3A_203 = tpu.memref_slice %arg7[%run_scoped3A_153, %dma_start3A_201, %dma_start3A_202] : memref<4x80x128xf32, #tpu.memory_space<vmem>> -> memref<1x80x128xf32, #tpu.memory_space<vmem>>
        %dma_start3A_204 = tpu.memref_squeeze %dma_start3A_203 : memref<1x80x128xf32, #tpu.memory_space<vmem>> -> memref<80x128xf32, #tpu.memory_space<vmem>>
        %dma_start3A_205 = arith.constant 0 : i32
        %dma_start3A_206 = tpu.memref_slice %arg6[%run_scoped3A_154, %dma_start3A_205] : memref<4x80xi32, #tpu.memory_space<vmem>> -> memref<1x80xi32, #tpu.memory_space<vmem>>
        %dma_start3A_207 = tpu.memref_squeeze %dma_start3A_206 : memref<1x80xi32, #tpu.memory_space<vmem>> -> memref<80xi32, #tpu.memory_space<vmem>>
        %dma_start3A_208 = arith.constant 0 : i32
        %dma_start3A_209 = arith.constant 0 : i32
        %dma_start3A_210 = tpu.memref_slice %arg12[%dma_start3A_208, %dma_start3A_209] : memref<10240x128xf32, #tpu.memory_space<vmem_shared>> -> memref<10240x128xf32, #tpu.memory_space<vmem_shared>>
        tpu.enqueue_indirect_dma source(%dma_start3A_204 : memref<80x128xf32, #tpu.memory_space<vmem>>) target(%dma_start3A_210 : memref<10240x128xf32, #tpu.memory_space<vmem_shared>>) offsets(%dma_start3A_207 : memref<80xi32, #tpu.memory_space<vmem>>) semaphore(%run_scoped3A_200 : memref<!tpu.dma_semaphore, #tpu.memory_space<semaphore_mem>>) {add = true}
        %dma_wait3A_211 = arith.constant 0 : i32
        %dma_wait3A_212 = arith.constant 0 : i32
        %dma_wait3A_213 = tpu.memref_slice %arg7[%run_scoped3A_153, %dma_wait3A_211, %dma_wait3A_212] : memref<4x80x128xf32, #tpu.memory_space<vmem>> -> memref<1x80x128xf32, #tpu.memory_space<vmem>>
        %dma_wait3A_214 = tpu.memref_squeeze %dma_wait3A_213 : memref<1x80x128xf32, #tpu.memory_space<vmem>> -> memref<80x128xf32, #tpu.memory_space<vmem>>
        %dma_wait3A_215 = arith.constant 0 : i32
        %dma_wait3A_216 = tpu.memref_slice %arg6[%run_scoped3A_154, %dma_wait3A_215] : memref<4x80xi32, #tpu.memory_space<vmem>> -> memref<1x80xi32, #tpu.memory_space<vmem>>
        %dma_wait3A_217 = tpu.memref_squeeze %dma_wait3A_216 : memref<1x80xi32, #tpu.memory_space<vmem>> -> memref<80xi32, #tpu.memory_space<vmem>>
        %dma_wait3A_218 = arith.constant 0 : i32
        %dma_wait3A_219 = arith.constant 0 : i32
        %dma_wait3A_220 = tpu.memref_slice %arg12[%dma_wait3A_218, %dma_wait3A_219] : memref<10240x128xf32, #tpu.memory_space<vmem_shared>> -> memref<10240x128xf32, #tpu.memory_space<vmem_shared>>
        tpu.wait_indirect_dma semaphore(%run_scoped3A_200 : memref<!tpu.dma_semaphore, #tpu.memory_space<semaphore_mem>>) src(%dma_wait3A_214 : memref<80x128xf32, #tpu.memory_space<vmem>>) dst(%dma_wait3A_220 : memref<10240x128xf32, #tpu.memory_space<vmem_shared>>)
        tpu.yield
      }) : () -> ()
      %dma_wait3A_155 = arith.constant 1 : i32
      %dma_wait3A_156 = arith.constant 0 : i32
      %dma_wait3A_157 = arith.constant 0 : i32
      %dma_wait3A_158 = tpu.memref_slice %arg7[%dma_wait3A_155, %dma_wait3A_156, %dma_wait3A_157] : memref<4x80x128xf32, #tpu.memory_space<vmem>> -> memref<1x80x128xf32, #tpu.memory_space<vmem>>
      %dma_wait3A_159 = tpu.memref_squeeze %dma_wait3A_158 : memref<1x80x128xf32, #tpu.memory_space<vmem>> -> memref<80x128xf32, #tpu.memory_space<vmem>>
      %dma_wait3A_160 = arith.constant 0 : i32
      %dma_wait3A_161 = tpu.memref_slice %arg3[%add3A_83, %dma_wait3A_160] : memref<320000x128xf32, #tpu.memory_space<hbm>> -> memref<80x128xf32, #tpu.memory_space<hbm>>
      %dma_wait3A_162 = arith.constant 0 : i32
      %dma_wait3A_163 = arith.constant 0 : i32
      %dma_wait3A_164 = tpu.memref_slice %arg7[%dma_wait3A_155, %dma_wait3A_162, %dma_wait3A_163] : memref<4x80x128xf32, #tpu.memory_space<vmem>> -> memref<1x80x128xf32, #tpu.memory_space<vmem>>
      %dma_wait3A_165 = tpu.memref_squeeze %dma_wait3A_164 : memref<1x80x128xf32, #tpu.memory_space<vmem>> -> memref<80x128xf32, #tpu.memory_space<vmem>>
      %dma_wait3A_166 = arith.constant 0 : i32
      %dma_wait3A_167 = tpu.memref_slice %arg3[%add3A_83, %dma_wait3A_166] : memref<320000x128xf32, #tpu.memory_space<hbm>> -> memref<80x128xf32, #tpu.memory_space<hbm>>
      tpu.wait_dma2 semaphore(%arg9 : memref<!tpu.dma_semaphore, #tpu.memory_space<semaphore_mem>>) src(%dma_wait3A_167 : memref<80x128xf32, #tpu.memory_space<hbm>>) dst(%dma_wait3A_165 : memref<80x128xf32, #tpu.memory_space<vmem>>)
      %run_scoped3A_168 = arith.constant 1 : i32
      %run_scoped3A_169 = arith.constant 1 : i32
      "tpu.region"() ({
        %run_scoped3A_200 = tpu.sem_alloc : memref<!tpu.dma_semaphore, #tpu.memory_space<semaphore_mem>>
        %dma_start3A_201 = arith.constant 0 : i32
        %dma_start3A_202 = arith.constant 0 : i32
        %dma_start3A_203 = tpu.memref_slice %arg7[%run_scoped3A_168, %dma_start3A_201, %dma_start3A_202] : memref<4x80x128xf32, #tpu.memory_space<vmem>> -> memref<1x80x128xf32, #tpu.memory_space<vmem>>
        %dma_start3A_204 = tpu.memref_squeeze %dma_start3A_203 : memref<1x80x128xf32, #tpu.memory_space<vmem>> -> memref<80x128xf32, #tpu.memory_space<vmem>>
        %dma_start3A_205 = arith.constant 0 : i32
        %dma_start3A_206 = tpu.memref_slice %arg6[%run_scoped3A_169, %dma_start3A_205] : memref<4x80xi32, #tpu.memory_space<vmem>> -> memref<1x80xi32, #tpu.memory_space<vmem>>
        %dma_start3A_207 = tpu.memref_squeeze %dma_start3A_206 : memref<1x80xi32, #tpu.memory_space<vmem>> -> memref<80xi32, #tpu.memory_space<vmem>>
        %dma_start3A_208 = arith.constant 0 : i32
        %dma_start3A_209 = arith.constant 0 : i32
        %dma_start3A_210 = tpu.memref_slice %arg12[%dma_start3A_208, %dma_start3A_209] : memref<10240x128xf32, #tpu.memory_space<vmem_shared>> -> memref<10240x128xf32, #tpu.memory_space<vmem_shared>>
        tpu.enqueue_indirect_dma source(%dma_start3A_204 : memref<80x128xf32, #tpu.memory_space<vmem>>) target(%dma_start3A_210 : memref<10240x128xf32, #tpu.memory_space<vmem_shared>>) offsets(%dma_start3A_207 : memref<80xi32, #tpu.memory_space<vmem>>) semaphore(%run_scoped3A_200 : memref<!tpu.dma_semaphore, #tpu.memory_space<semaphore_mem>>) {add = true}
        %dma_wait3A_211 = arith.constant 0 : i32
        %dma_wait3A_212 = arith.constant 0 : i32
        %dma_wait3A_213 = tpu.memref_slice %arg7[%run_scoped3A_168, %dma_wait3A_211, %dma_wait3A_212] : memref<4x80x128xf32, #tpu.memory_space<vmem>> -> memref<1x80x128xf32, #tpu.memory_space<vmem>>
        %dma_wait3A_214 = tpu.memref_squeeze %dma_wait3A_213 : memref<1x80x128xf32, #tpu.memory_space<vmem>> -> memref<80x128xf32, #tpu.memory_space<vmem>>
        %dma_wait3A_215 = arith.constant 0 : i32
        %dma_wait3A_216 = tpu.memref_slice %arg6[%run_scoped3A_169, %dma_wait3A_215] : memref<4x80xi32, #tpu.memory_space<vmem>> -> memref<1x80xi32, #tpu.memory_space<vmem>>
        %dma_wait3A_217 = tpu.memref_squeeze %dma_wait3A_216 : memref<1x80xi32, #tpu.memory_space<vmem>> -> memref<80xi32, #tpu.memory_space<vmem>>
        %dma_wait3A_218 = arith.constant 0 : i32
        %dma_wait3A_219 = arith.constant 0 : i32
        %dma_wait3A_220 = tpu.memref_slice %arg12[%dma_wait3A_218, %dma_wait3A_219] : memref<10240x128xf32, #tpu.memory_space<vmem_shared>> -> memref<10240x128xf32, #tpu.memory_space<vmem_shared>>
        tpu.wait_indirect_dma semaphore(%run_scoped3A_200 : memref<!tpu.dma_semaphore, #tpu.memory_space<semaphore_mem>>) src(%dma_wait3A_214 : memref<80x128xf32, #tpu.memory_space<vmem>>) dst(%dma_wait3A_220 : memref<10240x128xf32, #tpu.memory_space<vmem_shared>>)
        tpu.yield
      }) : () -> ()
      %dma_wait3A_170 = arith.constant 2 : i32
      %dma_wait3A_171 = arith.constant 0 : i32
      %dma_wait3A_172 = arith.constant 0 : i32
      %dma_wait3A_173 = tpu.memref_slice %arg7[%dma_wait3A_170, %dma_wait3A_171, %dma_wait3A_172] : memref<4x80x128xf32, #tpu.memory_space<vmem>> -> memref<1x80x128xf32, #tpu.memory_space<vmem>>
      %dma_wait3A_174 = tpu.memref_squeeze %dma_wait3A_173 : memref<1x80x128xf32, #tpu.memory_space<vmem>> -> memref<80x128xf32, #tpu.memory_space<vmem>>
      %dma_wait3A_175 = arith.constant 0 : i32
      %dma_wait3A_176 = tpu.memref_slice %arg3[%add3A_104, %dma_wait3A_175] : memref<320000x128xf32, #tpu.memory_space<hbm>> -> memref<80x128xf32, #tpu.memory_space<hbm>>
      %dma_wait3A_177 = arith.constant 0 : i32
      %dma_wait3A_178 = arith.constant 0 : i32
      %dma_wait3A_179 = tpu.memref_slice %arg7[%dma_wait3A_170, %dma_wait3A_177, %dma_wait3A_178] : memref<4x80x128xf32, #tpu.memory_space<vmem>> -> memref<1x80x128xf32, #tpu.memory_space<vmem>>
      %dma_wait3A_180 = tpu.memref_squeeze %dma_wait3A_179 : memref<1x80x128xf32, #tpu.memory_space<vmem>> -> memref<80x128xf32, #tpu.memory_space<vmem>>
      %dma_wait3A_181 = arith.constant 0 : i32
      %dma_wait3A_182 = tpu.memref_slice %arg3[%add3A_104, %dma_wait3A_181] : memref<320000x128xf32, #tpu.memory_space<hbm>> -> memref<80x128xf32, #tpu.memory_space<hbm>>
      tpu.wait_dma2 semaphore(%arg10 : memref<!tpu.dma_semaphore, #tpu.memory_space<semaphore_mem>>) src(%dma_wait3A_182 : memref<80x128xf32, #tpu.memory_space<hbm>>) dst(%dma_wait3A_180 : memref<80x128xf32, #tpu.memory_space<vmem>>)
      %run_scoped3A_183 = arith.constant 2 : i32
      %run_scoped3A_184 = arith.constant 2 : i32
      "tpu.region"() ({
        %run_scoped3A_200 = tpu.sem_alloc : memref<!tpu.dma_semaphore, #tpu.memory_space<semaphore_mem>>
        %dma_start3A_201 = arith.constant 0 : i32
        %dma_start3A_202 = arith.constant 0 : i32
        %dma_start3A_203 = tpu.memref_slice %arg7[%run_scoped3A_183, %dma_start3A_201, %dma_start3A_202] : memref<4x80x128xf32, #tpu.memory_space<vmem>> -> memref<1x80x128xf32, #tpu.memory_space<vmem>>
        %dma_start3A_204 = tpu.memref_squeeze %dma_start3A_203 : memref<1x80x128xf32, #tpu.memory_space<vmem>> -> memref<80x128xf32, #tpu.memory_space<vmem>>
        %dma_start3A_205 = arith.constant 0 : i32
        %dma_start3A_206 = tpu.memref_slice %arg6[%run_scoped3A_184, %dma_start3A_205] : memref<4x80xi32, #tpu.memory_space<vmem>> -> memref<1x80xi32, #tpu.memory_space<vmem>>
        %dma_start3A_207 = tpu.memref_squeeze %dma_start3A_206 : memref<1x80xi32, #tpu.memory_space<vmem>> -> memref<80xi32, #tpu.memory_space<vmem>>
        %dma_start3A_208 = arith.constant 0 : i32
        %dma_start3A_209 = arith.constant 0 : i32
        %dma_start3A_210 = tpu.memref_slice %arg12[%dma_start3A_208, %dma_start3A_209] : memref<10240x128xf32, #tpu.memory_space<vmem_shared>> -> memref<10240x128xf32, #tpu.memory_space<vmem_shared>>
        tpu.enqueue_indirect_dma source(%dma_start3A_204 : memref<80x128xf32, #tpu.memory_space<vmem>>) target(%dma_start3A_210 : memref<10240x128xf32, #tpu.memory_space<vmem_shared>>) offsets(%dma_start3A_207 : memref<80xi32, #tpu.memory_space<vmem>>) semaphore(%run_scoped3A_200 : memref<!tpu.dma_semaphore, #tpu.memory_space<semaphore_mem>>) {add = true}
        %dma_wait3A_211 = arith.constant 0 : i32
        %dma_wait3A_212 = arith.constant 0 : i32
        %dma_wait3A_213 = tpu.memref_slice %arg7[%run_scoped3A_183, %dma_wait3A_211, %dma_wait3A_212] : memref<4x80x128xf32, #tpu.memory_space<vmem>> -> memref<1x80x128xf32, #tpu.memory_space<vmem>>
        %dma_wait3A_214 = tpu.memref_squeeze %dma_wait3A_213 : memref<1x80x128xf32, #tpu.memory_space<vmem>> -> memref<80x128xf32, #tpu.memory_space<vmem>>
        %dma_wait3A_215 = arith.constant 0 : i32
        %dma_wait3A_216 = tpu.memref_slice %arg6[%run_scoped3A_184, %dma_wait3A_215] : memref<4x80xi32, #tpu.memory_space<vmem>> -> memref<1x80xi32, #tpu.memory_space<vmem>>
        %dma_wait3A_217 = tpu.memref_squeeze %dma_wait3A_216 : memref<1x80xi32, #tpu.memory_space<vmem>> -> memref<80xi32, #tpu.memory_space<vmem>>
        %dma_wait3A_218 = arith.constant 0 : i32
        %dma_wait3A_219 = arith.constant 0 : i32
        %dma_wait3A_220 = tpu.memref_slice %arg12[%dma_wait3A_218, %dma_wait3A_219] : memref<10240x128xf32, #tpu.memory_space<vmem_shared>> -> memref<10240x128xf32, #tpu.memory_space<vmem_shared>>
        tpu.wait_indirect_dma semaphore(%run_scoped3A_200 : memref<!tpu.dma_semaphore, #tpu.memory_space<semaphore_mem>>) src(%dma_wait3A_214 : memref<80x128xf32, #tpu.memory_space<vmem>>) dst(%dma_wait3A_220 : memref<10240x128xf32, #tpu.memory_space<vmem_shared>>)
        tpu.yield
      }) : () -> ()
      %dma_wait3A_185 = arith.constant 3 : i32
      %dma_wait3A_186 = arith.constant 0 : i32
      %dma_wait3A_187 = arith.constant 0 : i32
      %dma_wait3A_188 = tpu.memref_slice %arg7[%dma_wait3A_185, %dma_wait3A_186, %dma_wait3A_187] : memref<4x80x128xf32, #tpu.memory_space<vmem>> -> memref<1x80x128xf32, #tpu.memory_space<vmem>>
      %dma_wait3A_189 = tpu.memref_squeeze %dma_wait3A_188 : memref<1x80x128xf32, #tpu.memory_space<vmem>> -> memref<80x128xf32, #tpu.memory_space<vmem>>
      %dma_wait3A_190 = arith.constant 0 : i32
      %dma_wait3A_191 = tpu.memref_slice %arg3[%add3A_125, %dma_wait3A_190] : memref<320000x128xf32, #tpu.memory_space<hbm>> -> memref<80x128xf32, #tpu.memory_space<hbm>>
      %dma_wait3A_192 = arith.constant 0 : i32
      %dma_wait3A_193 = arith.constant 0 : i32
      %dma_wait3A_194 = tpu.memref_slice %arg7[%dma_wait3A_185, %dma_wait3A_192, %dma_wait3A_193] : memref<4x80x128xf32, #tpu.memory_space<vmem>> -> memref<1x80x128xf32, #tpu.memory_space<vmem>>
      %dma_wait3A_195 = tpu.memref_squeeze %dma_wait3A_194 : memref<1x80x128xf32, #tpu.memory_space<vmem>> -> memref<80x128xf32, #tpu.memory_space<vmem>>
      %dma_wait3A_196 = arith.constant 0 : i32
      %dma_wait3A_197 = tpu.memref_slice %arg3[%add3A_125, %dma_wait3A_196] : memref<320000x128xf32, #tpu.memory_space<hbm>> -> memref<80x128xf32, #tpu.memory_space<hbm>>
      tpu.wait_dma2 semaphore(%arg11 : memref<!tpu.dma_semaphore, #tpu.memory_space<semaphore_mem>>) src(%dma_wait3A_197 : memref<80x128xf32, #tpu.memory_space<hbm>>) dst(%dma_wait3A_195 : memref<80x128xf32, #tpu.memory_space<vmem>>)
      %run_scoped3A_198 = arith.constant 3 : i32
      %run_scoped3A_199 = arith.constant 3 : i32
      "tpu.region"() ({
        %run_scoped3A_200 = tpu.sem_alloc : memref<!tpu.dma_semaphore, #tpu.memory_space<semaphore_mem>>
        %dma_start3A_201 = arith.constant 0 : i32
        %dma_start3A_202 = arith.constant 0 : i32
        %dma_start3A_203 = tpu.memref_slice %arg7[%run_scoped3A_198, %dma_start3A_201, %dma_start3A_202] : memref<4x80x128xf32, #tpu.memory_space<vmem>> -> memref<1x80x128xf32, #tpu.memory_space<vmem>>
        %dma_start3A_204 = tpu.memref_squeeze %dma_start3A_203 : memref<1x80x128xf32, #tpu.memory_space<vmem>> -> memref<80x128xf32, #tpu.memory_space<vmem>>
        %dma_start3A_205 = arith.constant 0 : i32
        %dma_start3A_206 = tpu.memref_slice %arg6[%run_scoped3A_199, %dma_start3A_205] : memref<4x80xi32, #tpu.memory_space<vmem>> -> memref<1x80xi32, #tpu.memory_space<vmem>>
        %dma_start3A_207 = tpu.memref_squeeze %dma_start3A_206 : memref<1x80xi32, #tpu.memory_space<vmem>> -> memref<80xi32, #tpu.memory_space<vmem>>
        %dma_start3A_208 = arith.constant 0 : i32
        %dma_start3A_209 = arith.constant 0 : i32
        %dma_start3A_210 = tpu.memref_slice %arg12[%dma_start3A_208, %dma_start3A_209] : memref<10240x128xf32, #tpu.memory_space<vmem_shared>> -> memref<10240x128xf32, #tpu.memory_space<vmem_shared>>
        tpu.enqueue_indirect_dma source(%dma_start3A_204 : memref<80x128xf32, #tpu.memory_space<vmem>>) target(%dma_start3A_210 : memref<10240x128xf32, #tpu.memory_space<vmem_shared>>) offsets(%dma_start3A_207 : memref<80xi32, #tpu.memory_space<vmem>>) semaphore(%run_scoped3A_200 : memref<!tpu.dma_semaphore, #tpu.memory_space<semaphore_mem>>) {add = true}
        %dma_wait3A_211 = arith.constant 0 : i32
        %dma_wait3A_212 = arith.constant 0 : i32
        %dma_wait3A_213 = tpu.memref_slice %arg7[%run_scoped3A_198, %dma_wait3A_211, %dma_wait3A_212] : memref<4x80x128xf32, #tpu.memory_space<vmem>> -> memref<1x80x128xf32, #tpu.memory_space<vmem>>
        %dma_wait3A_214 = tpu.memref_squeeze %dma_wait3A_213 : memref<1x80x128xf32, #tpu.memory_space<vmem>> -> memref<80x128xf32, #tpu.memory_space<vmem>>
        %dma_wait3A_215 = arith.constant 0 : i32
        %dma_wait3A_216 = tpu.memref_slice %arg6[%run_scoped3A_199, %dma_wait3A_215] : memref<4x80xi32, #tpu.memory_space<vmem>> -> memref<1x80xi32, #tpu.memory_space<vmem>>
        %dma_wait3A_217 = tpu.memref_squeeze %dma_wait3A_216 : memref<1x80xi32, #tpu.memory_space<vmem>> -> memref<80xi32, #tpu.memory_space<vmem>>
        %dma_wait3A_218 = arith.constant 0 : i32
        %dma_wait3A_219 = arith.constant 0 : i32
        %dma_wait3A_220 = tpu.memref_slice %arg12[%dma_wait3A_218, %dma_wait3A_219] : memref<10240x128xf32, #tpu.memory_space<vmem_shared>> -> memref<10240x128xf32, #tpu.memory_space<vmem_shared>>
        tpu.wait_indirect_dma semaphore(%run_scoped3A_200 : memref<!tpu.dma_semaphore, #tpu.memory_space<semaphore_mem>>) src(%dma_wait3A_214 : memref<80x128xf32, #tpu.memory_space<vmem>>) dst(%dma_wait3A_220 : memref<10240x128xf32, #tpu.memory_space<vmem_shared>>)
        tpu.yield
      }) : () -> ()
    }
    %scan3A_18 = arith.constant 31 : i32
    %add3A_19 = arith.constant 9920 : i32
    %add3A_20 = arith.addi %mul3A_14, %add3A_19 : i32
    %run_scoped3A = arith.constant 0 : i32
    "tpu.region"() ({
      %run_scoped3A_51 = tpu.sem_alloc : memref<!tpu.dma_semaphore, #tpu.memory_space<semaphore_mem>>
      %dma_start3A_52 = arith.constant 0 : i32
      %dma_start3A_53 = tpu.memref_slice %arg6[%run_scoped3A, %dma_start3A_52] : memref<4x80xi32, #tpu.memory_space<vmem>> -> memref<1x80xi32, #tpu.memory_space<vmem>>
      %dma_start3A_54 = tpu.memref_squeeze %dma_start3A_53 : memref<1x80xi32, #tpu.memory_space<vmem>> -> memref<80xi32, #tpu.memory_space<vmem>>
      %dma_start3A_55 = tpu.memref_slice %arg2[%add3A_20] : memref<320000xi32, #tpu.memory_space<hbm>> -> memref<80xi32, #tpu.memory_space<hbm>>
      %dma_start3A_56 = arith.constant 0 : i32
      %dma_start3A_57 = tpu.memref_slice %arg6[%run_scoped3A, %dma_start3A_56] : memref<4x80xi32, #tpu.memory_space<vmem>> -> memref<1x80xi32, #tpu.memory_space<vmem>>
      %dma_start3A_58 = tpu.memref_squeeze %dma_start3A_57 : memref<1x80xi32, #tpu.memory_space<vmem>> -> memref<80xi32, #tpu.memory_space<vmem>>
      %dma_start3A_59 = tpu.memref_slice %arg2[%add3A_20] : memref<320000xi32, #tpu.memory_space<hbm>> -> memref<80xi32, #tpu.memory_space<hbm>>
      tpu.enqueue_dma source(%dma_start3A_59 : memref<80xi32, #tpu.memory_space<hbm>>) target(%dma_start3A_58 : memref<80xi32, #tpu.memory_space<vmem>>) target_semaphore(%run_scoped3A_51 : memref<!tpu.dma_semaphore, #tpu.memory_space<semaphore_mem>>)
      %dma_wait3A_60 = arith.constant 0 : i32
      %dma_wait3A_61 = tpu.memref_slice %arg6[%run_scoped3A, %dma_wait3A_60] : memref<4x80xi32, #tpu.memory_space<vmem>> -> memref<1x80xi32, #tpu.memory_space<vmem>>
      %dma_wait3A_62 = tpu.memref_squeeze %dma_wait3A_61 : memref<1x80xi32, #tpu.memory_space<vmem>> -> memref<80xi32, #tpu.memory_space<vmem>>
      %dma_wait3A_63 = tpu.memref_slice %arg2[%add3A_20] : memref<320000xi32, #tpu.memory_space<hbm>> -> memref<80xi32, #tpu.memory_space<hbm>>
      %dma_wait3A_64 = arith.constant 0 : i32
      %dma_wait3A_65 = tpu.memref_slice %arg6[%run_scoped3A, %dma_wait3A_64] : memref<4x80xi32, #tpu.memory_space<vmem>> -> memref<1x80xi32, #tpu.memory_space<vmem>>
      %dma_wait3A_66 = tpu.memref_squeeze %dma_wait3A_65 : memref<1x80xi32, #tpu.memory_space<vmem>> -> memref<80xi32, #tpu.memory_space<vmem>>
      %dma_wait3A_67 = tpu.memref_slice %arg2[%add3A_20] : memref<320000xi32, #tpu.memory_space<hbm>> -> memref<80xi32, #tpu.memory_space<hbm>>
      tpu.wait_dma2 semaphore(%run_scoped3A_51 : memref<!tpu.dma_semaphore, #tpu.memory_space<semaphore_mem>>) src(%dma_wait3A_67 : memref<80xi32, #tpu.memory_space<hbm>>) dst(%dma_wait3A_66 : memref<80xi32, #tpu.memory_space<vmem>>)
      tpu.yield
    }) : () -> ()
    %dma_start3A = arith.constant 0 : i32
    %dma_start3A_21 = arith.constant 0 : i32
    %dma_start3A_22 = arith.constant 0 : i32
    %dma_start3A_23 = tpu.memref_slice %arg7[%dma_start3A, %dma_start3A_21, %dma_start3A_22] : memref<4x80x128xf32, #tpu.memory_space<vmem>> -> memref<1x80x128xf32, #tpu.memory_space<vmem>>
    %dma_start3A_24 = tpu.memref_squeeze %dma_start3A_23 : memref<1x80x128xf32, #tpu.memory_space<vmem>> -> memref<80x128xf32, #tpu.memory_space<vmem>>
    %dma_start3A_25 = arith.constant 0 : i32
    %dma_start3A_26 = tpu.memref_slice %arg3[%add3A_20, %dma_start3A_25] : memref<320000x128xf32, #tpu.memory_space<hbm>> -> memref<80x128xf32, #tpu.memory_space<hbm>>
    %dma_start3A_27 = arith.constant 0 : i32
    %dma_start3A_28 = arith.constant 0 : i32
    %dma_start3A_29 = tpu.memref_slice %arg7[%dma_start3A, %dma_start3A_27, %dma_start3A_28] : memref<4x80x128xf32, #tpu.memory_space<vmem>> -> memref<1x80x128xf32, #tpu.memory_space<vmem>>
    %dma_start3A_30 = tpu.memref_squeeze %dma_start3A_29 : memref<1x80x128xf32, #tpu.memory_space<vmem>> -> memref<80x128xf32, #tpu.memory_space<vmem>>
    %dma_start3A_31 = arith.constant 0 : i32
    %dma_start3A_32 = tpu.memref_slice %arg3[%add3A_20, %dma_start3A_31] : memref<320000x128xf32, #tpu.memory_space<hbm>> -> memref<80x128xf32, #tpu.memory_space<hbm>>
    tpu.enqueue_dma source(%dma_start3A_32 : memref<80x128xf32, #tpu.memory_space<hbm>>) target(%dma_start3A_30 : memref<80x128xf32, #tpu.memory_space<vmem>>) target_semaphore(%arg8 : memref<!tpu.dma_semaphore, #tpu.memory_space<semaphore_mem>>)
    %dma_wait3A = arith.constant 0 : i32
    %dma_wait3A_33 = arith.constant 0 : i32
    %dma_wait3A_34 = arith.constant 0 : i32
    %dma_wait3A_35 = tpu.memref_slice %arg7[%dma_wait3A, %dma_wait3A_33, %dma_wait3A_34] : memref<4x80x128xf32, #tpu.memory_space<vmem>> -> memref<1x80x128xf32, #tpu.memory_space<vmem>>
    %dma_wait3A_36 = tpu.memref_squeeze %dma_wait3A_35 : memref<1x80x128xf32, #tpu.memory_space<vmem>> -> memref<80x128xf32, #tpu.memory_space<vmem>>
    %dma_wait3A_37 = arith.constant 0 : i32
    %dma_wait3A_38 = tpu.memref_slice %arg3[%add3A_20, %dma_wait3A_37] : memref<320000x128xf32, #tpu.memory_space<hbm>> -> memref<80x128xf32, #tpu.memory_space<hbm>>
    %dma_wait3A_39 = arith.constant 0 : i32
    %dma_wait3A_40 = arith.constant 0 : i32
    %dma_wait3A_41 = tpu.memref_slice %arg7[%dma_wait3A, %dma_wait3A_39, %dma_wait3A_40] : memref<4x80x128xf32, #tpu.memory_space<vmem>> -> memref<1x80x128xf32, #tpu.memory_space<vmem>>
    %dma_wait3A_42 = tpu.memref_squeeze %dma_wait3A_41 : memref<1x80x128xf32, #tpu.memory_space<vmem>> -> memref<80x128xf32, #tpu.memory_space<vmem>>
    %dma_wait3A_43 = arith.constant 0 : i32
    %dma_wait3A_44 = tpu.memref_slice %arg3[%add3A_20, %dma_wait3A_43] : memref<320000x128xf32, #tpu.memory_space<hbm>> -> memref<80x128xf32, #tpu.memory_space<hbm>>
    tpu.wait_dma2 semaphore(%arg8 : memref<!tpu.dma_semaphore, #tpu.memory_space<semaphore_mem>>) src(%dma_wait3A_44 : memref<80x128xf32, #tpu.memory_space<hbm>>) dst(%dma_wait3A_42 : memref<80x128xf32, #tpu.memory_space<vmem>>)
    %run_scoped3A_45 = arith.constant 0 : i32
    %run_scoped3A_46 = arith.constant 0 : i32
    "tpu.region"() ({
      %run_scoped3A_51 = tpu.sem_alloc : memref<!tpu.dma_semaphore, #tpu.memory_space<semaphore_mem>>
      %dma_start3A_52 = arith.constant 0 : i32
      %dma_start3A_53 = arith.constant 0 : i32
      %dma_start3A_54 = tpu.memref_slice %arg7[%run_scoped3A_45, %dma_start3A_52, %dma_start3A_53] : memref<4x80x128xf32, #tpu.memory_space<vmem>> -> memref<1x80x128xf32, #tpu.memory_space<vmem>>
      %dma_start3A_55 = tpu.memref_squeeze %dma_start3A_54 : memref<1x80x128xf32, #tpu.memory_space<vmem>> -> memref<80x128xf32, #tpu.memory_space<vmem>>
      %dma_start3A_56 = arith.constant 0 : i32
      %dma_start3A_57 = tpu.memref_slice %arg6[%run_scoped3A_46, %dma_start3A_56] : memref<4x80xi32, #tpu.memory_space<vmem>> -> memref<1x80xi32, #tpu.memory_space<vmem>>
      %dma_start3A_58 = tpu.memref_squeeze %dma_start3A_57 : memref<1x80xi32, #tpu.memory_space<vmem>> -> memref<80xi32, #tpu.memory_space<vmem>>
      %dma_start3A_59 = arith.constant 0 : i32
      %dma_start3A_60 = arith.constant 0 : i32
      %dma_start3A_61 = tpu.memref_slice %arg12[%dma_start3A_59, %dma_start3A_60] : memref<10240x128xf32, #tpu.memory_space<vmem_shared>> -> memref<10240x128xf32, #tpu.memory_space<vmem_shared>>
      tpu.enqueue_indirect_dma source(%dma_start3A_55 : memref<80x128xf32, #tpu.memory_space<vmem>>) target(%dma_start3A_61 : memref<10240x128xf32, #tpu.memory_space<vmem_shared>>) offsets(%dma_start3A_58 : memref<80xi32, #tpu.memory_space<vmem>>) semaphore(%run_scoped3A_51 : memref<!tpu.dma_semaphore, #tpu.memory_space<semaphore_mem>>) {add = true}
      %dma_wait3A_62 = arith.constant 0 : i32
      %dma_wait3A_63 = arith.constant 0 : i32
      %dma_wait3A_64 = tpu.memref_slice %arg7[%run_scoped3A_45, %dma_wait3A_62, %dma_wait3A_63] : memref<4x80x128xf32, #tpu.memory_space<vmem>> -> memref<1x80x128xf32, #tpu.memory_space<vmem>>
      %dma_wait3A_65 = tpu.memref_squeeze %dma_wait3A_64 : memref<1x80x128xf32, #tpu.memory_space<vmem>> -> memref<80x128xf32, #tpu.memory_space<vmem>>
      %dma_wait3A_66 = arith.constant 0 : i32
      %dma_wait3A_67 = tpu.memref_slice %arg6[%run_scoped3A_46, %dma_wait3A_66] : memref<4x80xi32, #tpu.memory_space<vmem>> -> memref<1x80xi32, #tpu.memory_space<vmem>>
      %dma_wait3A_68 = tpu.memref_squeeze %dma_wait3A_67 : memref<1x80xi32, #tpu.memory_space<vmem>> -> memref<80xi32, #tpu.memory_space<vmem>>
      %dma_wait3A_69 = arith.constant 0 : i32
      %dma_wait3A_70 = arith.constant 0 : i32
      %dma_wait3A_71 = tpu.memref_slice %arg12[%dma_wait3A_69, %dma_wait3A_70] : memref<10240x128xf32, #tpu.memory_space<vmem_shared>> -> memref<10240x128xf32, #tpu.memory_space<vmem_shared>>
      tpu.wait_indirect_dma semaphore(%run_scoped3A_51 : memref<!tpu.dma_semaphore, #tpu.memory_space<semaphore_mem>>) src(%dma_wait3A_65 : memref<80x128xf32, #tpu.memory_space<vmem>>) dst(%dma_wait3A_71 : memref<10240x128xf32, #tpu.memory_space<vmem_shared>>)
      tpu.yield
    }) : () -> ()
    %barrier3A_47 = arith.constant 0 : index
    tpu.barrier barrier_id(%barrier3A_47)
    %mul3A_48 = arith.constant 10240 : i32
    %mul3A_49 = arith.muli %arg0, %mul3A_48 : i32
    %add3A_50 = arith.addi %mul3A_49, %mul3A_0 : i32
    "tpu.region"() ({
      %run_scoped3A_51 = tpu.sem_alloc : memref<!tpu.dma_semaphore, #tpu.memory_space<semaphore_mem>>
      %dma_start3A_52 = arith.constant 0 : i32
      %dma_start3A_53 = tpu.memref_slice %arg5[%add3A_50, %dma_start3A_52] : memref<20480x128xf32, #tpu.memory_space<hbm>> -> memref<640x128xf32, #tpu.memory_space<hbm>>
      %dma_start3A_54 = arith.constant 0 : i32
      %dma_start3A_55 = tpu.memref_slice %arg12[%mul3A_0, %dma_start3A_54] : memref<10240x128xf32, #tpu.memory_space<vmem_shared>> -> memref<640x128xf32, #tpu.memory_space<vmem_shared>>
      tpu.enqueue_dma source(%dma_start3A_55 : memref<640x128xf32, #tpu.memory_space<vmem_shared>>) target(%dma_start3A_53 : memref<640x128xf32, #tpu.memory_space<hbm>>) target_semaphore(%run_scoped3A_51 : memref<!tpu.dma_semaphore, #tpu.memory_space<semaphore_mem>>)
      %dma_wait3A_56 = arith.constant 0 : i32
      %dma_wait3A_57 = tpu.memref_slice %arg5[%add3A_50, %dma_wait3A_56] : memref<20480x128xf32, #tpu.memory_space<hbm>> -> memref<640x128xf32, #tpu.memory_space<hbm>>
      %dma_wait3A_58 = arith.constant 0 : i32
      %dma_wait3A_59 = tpu.memref_slice %arg12[%mul3A_0, %dma_wait3A_58] : memref<10240x128xf32, #tpu.memory_space<vmem_shared>> -> memref<640x128xf32, #tpu.memory_space<vmem_shared>>
      tpu.wait_dma2 semaphore(%run_scoped3A_51 : memref<!tpu.dma_semaphore, #tpu.memory_space<semaphore_mem>>) src(%dma_wait3A_59 : memref<640x128xf32, #tpu.memory_space<vmem_shared>>) dst(%dma_wait3A_57 : memref<640x128xf32, #tpu.memory_space<hbm>>)
      tpu.yield
    }) : () -> ()
    return
  }
}

#map = affine_map<(d0, d1) -> (0, 0)>
#map1 = affine_map<(d0, d1) -> (0)>
module attributes {stable_mosaic.version = 14 : i64} {
  func.func @k(%arg0: i32, %arg1: i32, %arg2: memref<10000x128xf32, #tpu.memory_space<hbm>>, %arg3: memref<320000xi32, #tpu.memory_space<hbm>>, %arg4: memref<320000xi32, #tpu.memory_space<hbm>>, %arg5: memref<128x128xf32, #tpu.memory_space<hbm>>, %arg6: memref<20480x128xf32, #tpu.memory_space<hbm>>, %arg7: memref<4x80xi32, #tpu.memory_space<vmem>>, %arg8: memref<4x80xi32, #tpu.memory_space<vmem>>, %arg9: memref<4x80x128xf32, #tpu.memory_space<vmem>>, %arg10: memref<!tpu.dma_semaphore, #tpu.memory_space<semaphore_mem>>, %arg11: memref<!tpu.dma_semaphore, #tpu.memory_space<semaphore_mem>>, %arg12: memref<!tpu.dma_semaphore, #tpu.memory_space<semaphore_mem>>, %arg13: memref<!tpu.dma_semaphore, #tpu.memory_space<semaphore_mem>>, %arg14: memref<10240x128xf32, #tpu.memory_space<vmem_shared>>) attributes {dimension_semantics = [#tpu.dimension_semantics<core_parallel>, #tpu.dimension_semantics<subcore_parallel>], iteration_bounds = array<i64: 2, 16>, scalar_prefetch = 0 : i64, scratch_operands = 8 : i64, tpu.core_type = #tpu.core_type<sc_vector_subcore>, window_params = [{transform_indices = #map}, {transform_indices = #map1}, {transform_indices = #map1}, {transform_indices = #map}, {transform_indices = #map}]} {
    %mul3A = arith.constant 640 : i32
    %mul3A_0 = arith.muli %arg1, %mul3A : i32
    %add3A = arith.constant 0 : i32
    %add3A_1 = arith.addi %mul3A_0, %add3A : i32
    "tpu.region"() ({
      %run_scoped3A_50 = tpu.sem_alloc : memref<!tpu.dma_semaphore, #tpu.memory_space<semaphore_mem>>
      %dma_start3A_51 = arith.constant 0 : i32
      %dma_start3A_52 = tpu.memref_slice %arg14[%add3A_1, %dma_start3A_51] : memref<10240x128xf32, #tpu.memory_space<vmem_shared>> -> memref<128x128xf32, #tpu.memory_space<vmem_shared>>
      tpu.enqueue_dma source(%arg5 : memref<128x128xf32, #tpu.memory_space<hbm>>) target(%dma_start3A_52 : memref<128x128xf32, #tpu.memory_space<vmem_shared>>) target_semaphore(%run_scoped3A_50 : memref<!tpu.dma_semaphore, #tpu.memory_space<semaphore_mem>>)
      %dma_wait3A_53 = arith.constant 0 : i32
      %dma_wait3A_54 = tpu.memref_slice %arg14[%add3A_1, %dma_wait3A_53] : memref<10240x128xf32, #tpu.memory_space<vmem_shared>> -> memref<128x128xf32, #tpu.memory_space<vmem_shared>>
      tpu.wait_dma2 semaphore(%run_scoped3A_50 : memref<!tpu.dma_semaphore, #tpu.memory_space<semaphore_mem>>) src(%arg5 : memref<128x128xf32, #tpu.memory_space<hbm>>) dst(%dma_wait3A_54 : memref<128x128xf32, #tpu.memory_space<vmem_shared>>)
      tpu.yield
    }) : () -> ()
    %add3A_2 = arith.constant 128 : i32
    %add3A_3 = arith.addi %mul3A_0, %add3A_2 : i32
    "tpu.region"() ({
      %run_scoped3A_50 = tpu.sem_alloc : memref<!tpu.dma_semaphore, #tpu.memory_space<semaphore_mem>>
      %dma_start3A_51 = arith.constant 0 : i32
      %dma_start3A_52 = tpu.memref_slice %arg14[%add3A_3, %dma_start3A_51] : memref<10240x128xf32, #tpu.memory_space<vmem_shared>> -> memref<128x128xf32, #tpu.memory_space<vmem_shared>>
      tpu.enqueue_dma source(%arg5 : memref<128x128xf32, #tpu.memory_space<hbm>>) target(%dma_start3A_52 : memref<128x128xf32, #tpu.memory_space<vmem_shared>>) target_semaphore(%run_scoped3A_50 : memref<!tpu.dma_semaphore, #tpu.memory_space<semaphore_mem>>)
      %dma_wait3A_53 = arith.constant 0 : i32
      %dma_wait3A_54 = tpu.memref_slice %arg14[%add3A_3, %dma_wait3A_53] : memref<10240x128xf32, #tpu.memory_space<vmem_shared>> -> memref<128x128xf32, #tpu.memory_space<vmem_shared>>
      tpu.wait_dma2 semaphore(%run_scoped3A_50 : memref<!tpu.dma_semaphore, #tpu.memory_space<semaphore_mem>>) src(%arg5 : memref<128x128xf32, #tpu.memory_space<hbm>>) dst(%dma_wait3A_54 : memref<128x128xf32, #tpu.memory_space<vmem_shared>>)
      tpu.yield
    }) : () -> ()
    %add3A_4 = arith.constant 256 : i32
    %add3A_5 = arith.addi %mul3A_0, %add3A_4 : i32
    "tpu.region"() ({
      %run_scoped3A_50 = tpu.sem_alloc : memref<!tpu.dma_semaphore, #tpu.memory_space<semaphore_mem>>
      %dma_start3A_51 = arith.constant 0 : i32
      %dma_start3A_52 = tpu.memref_slice %arg14[%add3A_5, %dma_start3A_51] : memref<10240x128xf32, #tpu.memory_space<vmem_shared>> -> memref<128x128xf32, #tpu.memory_space<vmem_shared>>
      tpu.enqueue_dma source(%arg5 : memref<128x128xf32, #tpu.memory_space<hbm>>) target(%dma_start3A_52 : memref<128x128xf32, #tpu.memory_space<vmem_shared>>) target_semaphore(%run_scoped3A_50 : memref<!tpu.dma_semaphore, #tpu.memory_space<semaphore_mem>>)
      %dma_wait3A_53 = arith.constant 0 : i32
      %dma_wait3A_54 = tpu.memref_slice %arg14[%add3A_5, %dma_wait3A_53] : memref<10240x128xf32, #tpu.memory_space<vmem_shared>> -> memref<128x128xf32, #tpu.memory_space<vmem_shared>>
      tpu.wait_dma2 semaphore(%run_scoped3A_50 : memref<!tpu.dma_semaphore, #tpu.memory_space<semaphore_mem>>) src(%arg5 : memref<128x128xf32, #tpu.memory_space<hbm>>) dst(%dma_wait3A_54 : memref<128x128xf32, #tpu.memory_space<vmem_shared>>)
      tpu.yield
    }) : () -> ()
    %add3A_6 = arith.constant 384 : i32
    %add3A_7 = arith.addi %mul3A_0, %add3A_6 : i32
    "tpu.region"() ({
      %run_scoped3A_50 = tpu.sem_alloc : memref<!tpu.dma_semaphore, #tpu.memory_space<semaphore_mem>>
      %dma_start3A_51 = arith.constant 0 : i32
      %dma_start3A_52 = tpu.memref_slice %arg14[%add3A_7, %dma_start3A_51] : memref<10240x128xf32, #tpu.memory_space<vmem_shared>> -> memref<128x128xf32, #tpu.memory_space<vmem_shared>>
      tpu.enqueue_dma source(%arg5 : memref<128x128xf32, #tpu.memory_space<hbm>>) target(%dma_start3A_52 : memref<128x128xf32, #tpu.memory_space<vmem_shared>>) target_semaphore(%run_scoped3A_50 : memref<!tpu.dma_semaphore, #tpu.memory_space<semaphore_mem>>)
      %dma_wait3A_53 = arith.constant 0 : i32
      %dma_wait3A_54 = tpu.memref_slice %arg14[%add3A_7, %dma_wait3A_53] : memref<10240x128xf32, #tpu.memory_space<vmem_shared>> -> memref<128x128xf32, #tpu.memory_space<vmem_shared>>
      tpu.wait_dma2 semaphore(%run_scoped3A_50 : memref<!tpu.dma_semaphore, #tpu.memory_space<semaphore_mem>>) src(%arg5 : memref<128x128xf32, #tpu.memory_space<hbm>>) dst(%dma_wait3A_54 : memref<128x128xf32, #tpu.memory_space<vmem_shared>>)
      tpu.yield
    }) : () -> ()
    %add3A_8 = arith.constant 512 : i32
    %add3A_9 = arith.addi %mul3A_0, %add3A_8 : i32
    "tpu.region"() ({
      %run_scoped3A_50 = tpu.sem_alloc : memref<!tpu.dma_semaphore, #tpu.memory_space<semaphore_mem>>
      %dma_start3A_51 = arith.constant 0 : i32
      %dma_start3A_52 = tpu.memref_slice %arg14[%add3A_9, %dma_start3A_51] : memref<10240x128xf32, #tpu.memory_space<vmem_shared>> -> memref<128x128xf32, #tpu.memory_space<vmem_shared>>
      tpu.enqueue_dma source(%arg5 : memref<128x128xf32, #tpu.memory_space<hbm>>) target(%dma_start3A_52 : memref<128x128xf32, #tpu.memory_space<vmem_shared>>) target_semaphore(%run_scoped3A_50 : memref<!tpu.dma_semaphore, #tpu.memory_space<semaphore_mem>>)
      %dma_wait3A_53 = arith.constant 0 : i32
      %dma_wait3A_54 = tpu.memref_slice %arg14[%add3A_9, %dma_wait3A_53] : memref<10240x128xf32, #tpu.memory_space<vmem_shared>> -> memref<128x128xf32, #tpu.memory_space<vmem_shared>>
      tpu.wait_dma2 semaphore(%run_scoped3A_50 : memref<!tpu.dma_semaphore, #tpu.memory_space<semaphore_mem>>) src(%arg5 : memref<128x128xf32, #tpu.memory_space<hbm>>) dst(%dma_wait3A_54 : memref<128x128xf32, #tpu.memory_space<vmem_shared>>)
      tpu.yield
    }) : () -> ()
    %barrier3A = arith.constant 0 : index
    tpu.barrier barrier_id(%barrier3A)
    %mul3A_10 = arith.constant 2 : i32
    %mul3A_11 = arith.muli %arg1, %mul3A_10 : i32
    %add3A_12 = arith.addi %mul3A_11, %arg0 : i32
    %mul3A_13 = arith.constant 10000 : i32
    %mul3A_14 = arith.muli %add3A_12, %mul3A_13 : i32
    %scan3A = arith.constant 0 : i32
    %scan3A_15 = arith.constant 31 : i32
    %scan3A_16 = arith.addi %scan3A, %scan3A_15 : i32
    %scan3A_17 = arith.constant 1 : i32
    scf.for %scan3A_50 = %scan3A to %scan3A_16 step %scan3A_17  : i32 {
      %mul3A_51 = arith.constant 1 : i32
      %mul3A_52 = arith.muli %scan3A_50, %mul3A_51 : i32
      %add3A_53 = arith.constant 0 : i32
      %add3A_54 = arith.addi %add3A_53, %mul3A_52 : i32
      %mul3A_55 = arith.constant 4 : i32
      %mul3A_56 = arith.muli %add3A_54, %mul3A_55 : i32
      %add3A_57 = arith.constant 0 : i32
      %add3A_58 = arith.addi %mul3A_56, %add3A_57 : i32
      %mul3A_59 = arith.constant 80 : i32
      %mul3A_60 = arith.muli %add3A_58, %mul3A_59 : i32
      %add3A_61 = arith.addi %mul3A_14, %mul3A_60 : i32
      %run_scoped3A_62 = arith.constant 0 : i32
      "tpu.region"() ({
        %run_scoped3A_195 = tpu.sem_alloc : memref<!tpu.dma_semaphore, #tpu.memory_space<semaphore_mem>>
        %dma_start3A_196 = arith.constant 0 : i32
        %dma_start3A_197 = tpu.memref_slice %arg7[%run_scoped3A_62, %dma_start3A_196] : memref<4x80xi32, #tpu.memory_space<vmem>> -> memref<1x80xi32, #tpu.memory_space<vmem>>
        %dma_start3A_198 = tpu.memref_squeeze %dma_start3A_197 : memref<1x80xi32, #tpu.memory_space<vmem>> -> memref<80xi32, #tpu.memory_space<vmem>>
        %dma_start3A_199 = tpu.memref_slice %arg3[%add3A_61] : memref<320000xi32, #tpu.memory_space<hbm>> -> memref<80xi32, #tpu.memory_space<hbm>>
        %dma_start3A_200 = arith.constant 0 : i32
        %dma_start3A_201 = tpu.memref_slice %arg7[%run_scoped3A_62, %dma_start3A_200] : memref<4x80xi32, #tpu.memory_space<vmem>> -> memref<1x80xi32, #tpu.memory_space<vmem>>
        %dma_start3A_202 = tpu.memref_squeeze %dma_start3A_201 : memref<1x80xi32, #tpu.memory_space<vmem>> -> memref<80xi32, #tpu.memory_space<vmem>>
        %dma_start3A_203 = tpu.memref_slice %arg3[%add3A_61] : memref<320000xi32, #tpu.memory_space<hbm>> -> memref<80xi32, #tpu.memory_space<hbm>>
        tpu.enqueue_dma source(%dma_start3A_203 : memref<80xi32, #tpu.memory_space<hbm>>) target(%dma_start3A_202 : memref<80xi32, #tpu.memory_space<vmem>>) target_semaphore(%run_scoped3A_195 : memref<!tpu.dma_semaphore, #tpu.memory_space<semaphore_mem>>)
        %dma_wait3A_204 = arith.constant 0 : i32
        %dma_wait3A_205 = tpu.memref_slice %arg7[%run_scoped3A_62, %dma_wait3A_204] : memref<4x80xi32, #tpu.memory_space<vmem>> -> memref<1x80xi32, #tpu.memory_space<vmem>>
        %dma_wait3A_206 = tpu.memref_squeeze %dma_wait3A_205 : memref<1x80xi32, #tpu.memory_space<vmem>> -> memref<80xi32, #tpu.memory_space<vmem>>
        %dma_wait3A_207 = tpu.memref_slice %arg3[%add3A_61] : memref<320000xi32, #tpu.memory_space<hbm>> -> memref<80xi32, #tpu.memory_space<hbm>>
        %dma_wait3A_208 = arith.constant 0 : i32
        %dma_wait3A_209 = tpu.memref_slice %arg7[%run_scoped3A_62, %dma_wait3A_208] : memref<4x80xi32, #tpu.memory_space<vmem>> -> memref<1x80xi32, #tpu.memory_space<vmem>>
        %dma_wait3A_210 = tpu.memref_squeeze %dma_wait3A_209 : memref<1x80xi32, #tpu.memory_space<vmem>> -> memref<80xi32, #tpu.memory_space<vmem>>
        %dma_wait3A_211 = tpu.memref_slice %arg3[%add3A_61] : memref<320000xi32, #tpu.memory_space<hbm>> -> memref<80xi32, #tpu.memory_space<hbm>>
        tpu.wait_dma2 semaphore(%run_scoped3A_195 : memref<!tpu.dma_semaphore, #tpu.memory_space<semaphore_mem>>) src(%dma_wait3A_211 : memref<80xi32, #tpu.memory_space<hbm>>) dst(%dma_wait3A_210 : memref<80xi32, #tpu.memory_space<vmem>>)
        tpu.yield
      }) : () -> ()
      %run_scoped3A_63 = arith.constant 0 : i32
      "tpu.region"() ({
        %run_scoped3A_195 = tpu.sem_alloc : memref<!tpu.dma_semaphore, #tpu.memory_space<semaphore_mem>>
        %dma_start3A_196 = arith.constant 0 : i32
        %dma_start3A_197 = tpu.memref_slice %arg8[%run_scoped3A_63, %dma_start3A_196] : memref<4x80xi32, #tpu.memory_space<vmem>> -> memref<1x80xi32, #tpu.memory_space<vmem>>
        %dma_start3A_198 = tpu.memref_squeeze %dma_start3A_197 : memref<1x80xi32, #tpu.memory_space<vmem>> -> memref<80xi32, #tpu.memory_space<vmem>>
        %dma_start3A_199 = tpu.memref_slice %arg4[%add3A_61] : memref<320000xi32, #tpu.memory_space<hbm>> -> memref<80xi32, #tpu.memory_space<hbm>>
        %dma_start3A_200 = arith.constant 0 : i32
        %dma_start3A_201 = tpu.memref_slice %arg8[%run_scoped3A_63, %dma_start3A_200] : memref<4x80xi32, #tpu.memory_space<vmem>> -> memref<1x80xi32, #tpu.memory_space<vmem>>
        %dma_start3A_202 = tpu.memref_squeeze %dma_start3A_201 : memref<1x80xi32, #tpu.memory_space<vmem>> -> memref<80xi32, #tpu.memory_space<vmem>>
        %dma_start3A_203 = tpu.memref_slice %arg4[%add3A_61] : memref<320000xi32, #tpu.memory_space<hbm>> -> memref<80xi32, #tpu.memory_space<hbm>>
        tpu.enqueue_dma source(%dma_start3A_203 : memref<80xi32, #tpu.memory_space<hbm>>) target(%dma_start3A_202 : memref<80xi32, #tpu.memory_space<vmem>>) target_semaphore(%run_scoped3A_195 : memref<!tpu.dma_semaphore, #tpu.memory_space<semaphore_mem>>)
        %dma_wait3A_204 = arith.constant 0 : i32
        %dma_wait3A_205 = tpu.memref_slice %arg8[%run_scoped3A_63, %dma_wait3A_204] : memref<4x80xi32, #tpu.memory_space<vmem>> -> memref<1x80xi32, #tpu.memory_space<vmem>>
        %dma_wait3A_206 = tpu.memref_squeeze %dma_wait3A_205 : memref<1x80xi32, #tpu.memory_space<vmem>> -> memref<80xi32, #tpu.memory_space<vmem>>
        %dma_wait3A_207 = tpu.memref_slice %arg4[%add3A_61] : memref<320000xi32, #tpu.memory_space<hbm>> -> memref<80xi32, #tpu.memory_space<hbm>>
        %dma_wait3A_208 = arith.constant 0 : i32
        %dma_wait3A_209 = tpu.memref_slice %arg8[%run_scoped3A_63, %dma_wait3A_208] : memref<4x80xi32, #tpu.memory_space<vmem>> -> memref<1x80xi32, #tpu.memory_space<vmem>>
        %dma_wait3A_210 = tpu.memref_squeeze %dma_wait3A_209 : memref<1x80xi32, #tpu.memory_space<vmem>> -> memref<80xi32, #tpu.memory_space<vmem>>
        %dma_wait3A_211 = tpu.memref_slice %arg4[%add3A_61] : memref<320000xi32, #tpu.memory_space<hbm>> -> memref<80xi32, #tpu.memory_space<hbm>>
        tpu.wait_dma2 semaphore(%run_scoped3A_195 : memref<!tpu.dma_semaphore, #tpu.memory_space<semaphore_mem>>) src(%dma_wait3A_211 : memref<80xi32, #tpu.memory_space<hbm>>) dst(%dma_wait3A_210 : memref<80xi32, #tpu.memory_space<vmem>>)
        tpu.yield
      }) : () -> ()
      %dma_start3A_64 = arith.constant 0 : i32
      %dma_start3A_65 = arith.constant 0 : i32
      %dma_start3A_66 = arith.constant 0 : i32
      %dma_start3A_67 = arith.constant 0 : i32
      %dma_start3A_68 = tpu.memref_slice %arg9[%dma_start3A_65, %dma_start3A_66, %dma_start3A_67] : memref<4x80x128xf32, #tpu.memory_space<vmem>> -> memref<1x80x128xf32, #tpu.memory_space<vmem>>
      %dma_start3A_69 = tpu.memref_squeeze %dma_start3A_68 : memref<1x80x128xf32, #tpu.memory_space<vmem>> -> memref<80x128xf32, #tpu.memory_space<vmem>>
      %dma_start3A_70 = arith.constant 0 : i32
      %dma_start3A_71 = tpu.memref_slice %arg7[%dma_start3A_64, %dma_start3A_70] : memref<4x80xi32, #tpu.memory_space<vmem>> -> memref<1x80xi32, #tpu.memory_space<vmem>>
      %dma_start3A_72 = tpu.memref_squeeze %dma_start3A_71 : memref<1x80xi32, #tpu.memory_space<vmem>> -> memref<80xi32, #tpu.memory_space<vmem>>
      %dma_start3A_73 = arith.constant 0 : i32
      %dma_start3A_74 = arith.constant 0 : i32
      %dma_start3A_75 = tpu.memref_slice %arg2[%dma_start3A_73, %dma_start3A_74] : memref<10000x128xf32, #tpu.memory_space<hbm>> -> memref<10000x128xf32, #tpu.memory_space<hbm>>
      tpu.enqueue_indirect_dma source(%dma_start3A_75 : memref<10000x128xf32, #tpu.memory_space<hbm>>) target(%dma_start3A_69 : memref<80x128xf32, #tpu.memory_space<vmem>>) offsets(%dma_start3A_72 : memref<80xi32, #tpu.memory_space<vmem>>) semaphore(%arg10 : memref<!tpu.dma_semaphore, #tpu.memory_space<semaphore_mem>>)
      %mul3A_76 = arith.constant 4 : i32
      %mul3A_77 = arith.muli %add3A_54, %mul3A_76 : i32
      %add3A_78 = arith.constant 1 : i32
      %add3A_79 = arith.addi %mul3A_77, %add3A_78 : i32
      %mul3A_80 = arith.constant 80 : i32
      %mul3A_81 = arith.muli %add3A_79, %mul3A_80 : i32
      %add3A_82 = arith.addi %mul3A_14, %mul3A_81 : i32
      %run_scoped3A_83 = arith.constant 1 : i32
      "tpu.region"() ({
        %run_scoped3A_195 = tpu.sem_alloc : memref<!tpu.dma_semaphore, #tpu.memory_space<semaphore_mem>>
        %dma_start3A_196 = arith.constant 0 : i32
        %dma_start3A_197 = tpu.memref_slice %arg7[%run_scoped3A_83, %dma_start3A_196] : memref<4x80xi32, #tpu.memory_space<vmem>> -> memref<1x80xi32, #tpu.memory_space<vmem>>
        %dma_start3A_198 = tpu.memref_squeeze %dma_start3A_197 : memref<1x80xi32, #tpu.memory_space<vmem>> -> memref<80xi32, #tpu.memory_space<vmem>>
        %dma_start3A_199 = tpu.memref_slice %arg3[%add3A_82] : memref<320000xi32, #tpu.memory_space<hbm>> -> memref<80xi32, #tpu.memory_space<hbm>>
        %dma_start3A_200 = arith.constant 0 : i32
        %dma_start3A_201 = tpu.memref_slice %arg7[%run_scoped3A_83, %dma_start3A_200] : memref<4x80xi32, #tpu.memory_space<vmem>> -> memref<1x80xi32, #tpu.memory_space<vmem>>
        %dma_start3A_202 = tpu.memref_squeeze %dma_start3A_201 : memref<1x80xi32, #tpu.memory_space<vmem>> -> memref<80xi32, #tpu.memory_space<vmem>>
        %dma_start3A_203 = tpu.memref_slice %arg3[%add3A_82] : memref<320000xi32, #tpu.memory_space<hbm>> -> memref<80xi32, #tpu.memory_space<hbm>>
        tpu.enqueue_dma source(%dma_start3A_203 : memref<80xi32, #tpu.memory_space<hbm>>) target(%dma_start3A_202 : memref<80xi32, #tpu.memory_space<vmem>>) target_semaphore(%run_scoped3A_195 : memref<!tpu.dma_semaphore, #tpu.memory_space<semaphore_mem>>)
        %dma_wait3A_204 = arith.constant 0 : i32
        %dma_wait3A_205 = tpu.memref_slice %arg7[%run_scoped3A_83, %dma_wait3A_204] : memref<4x80xi32, #tpu.memory_space<vmem>> -> memref<1x80xi32, #tpu.memory_space<vmem>>
        %dma_wait3A_206 = tpu.memref_squeeze %dma_wait3A_205 : memref<1x80xi32, #tpu.memory_space<vmem>> -> memref<80xi32, #tpu.memory_space<vmem>>
        %dma_wait3A_207 = tpu.memref_slice %arg3[%add3A_82] : memref<320000xi32, #tpu.memory_space<hbm>> -> memref<80xi32, #tpu.memory_space<hbm>>
        %dma_wait3A_208 = arith.constant 0 : i32
        %dma_wait3A_209 = tpu.memref_slice %arg7[%run_scoped3A_83, %dma_wait3A_208] : memref<4x80xi32, #tpu.memory_space<vmem>> -> memref<1x80xi32, #tpu.memory_space<vmem>>
        %dma_wait3A_210 = tpu.memref_squeeze %dma_wait3A_209 : memref<1x80xi32, #tpu.memory_space<vmem>> -> memref<80xi32, #tpu.memory_space<vmem>>
        %dma_wait3A_211 = tpu.memref_slice %arg3[%add3A_82] : memref<320000xi32, #tpu.memory_space<hbm>> -> memref<80xi32, #tpu.memory_space<hbm>>
        tpu.wait_dma2 semaphore(%run_scoped3A_195 : memref<!tpu.dma_semaphore, #tpu.memory_space<semaphore_mem>>) src(%dma_wait3A_211 : memref<80xi32, #tpu.memory_space<hbm>>) dst(%dma_wait3A_210 : memref<80xi32, #tpu.memory_space<vmem>>)
        tpu.yield
      }) : () -> ()
      %run_scoped3A_84 = arith.constant 1 : i32
      "tpu.region"() ({
        %run_scoped3A_195 = tpu.sem_alloc : memref<!tpu.dma_semaphore, #tpu.memory_space<semaphore_mem>>
        %dma_start3A_196 = arith.constant 0 : i32
        %dma_start3A_197 = tpu.memref_slice %arg8[%run_scoped3A_84, %dma_start3A_196] : memref<4x80xi32, #tpu.memory_space<vmem>> -> memref<1x80xi32, #tpu.memory_space<vmem>>
        %dma_start3A_198 = tpu.memref_squeeze %dma_start3A_197 : memref<1x80xi32, #tpu.memory_space<vmem>> -> memref<80xi32, #tpu.memory_space<vmem>>
        %dma_start3A_199 = tpu.memref_slice %arg4[%add3A_82] : memref<320000xi32, #tpu.memory_space<hbm>> -> memref<80xi32, #tpu.memory_space<hbm>>
        %dma_start3A_200 = arith.constant 0 : i32
        %dma_start3A_201 = tpu.memref_slice %arg8[%run_scoped3A_84, %dma_start3A_200] : memref<4x80xi32, #tpu.memory_space<vmem>> -> memref<1x80xi32, #tpu.memory_space<vmem>>
        %dma_start3A_202 = tpu.memref_squeeze %dma_start3A_201 : memref<1x80xi32, #tpu.memory_space<vmem>> -> memref<80xi32, #tpu.memory_space<vmem>>
        %dma_start3A_203 = tpu.memref_slice %arg4[%add3A_82] : memref<320000xi32, #tpu.memory_space<hbm>> -> memref<80xi32, #tpu.memory_space<hbm>>
        tpu.enqueue_dma source(%dma_start3A_203 : memref<80xi32, #tpu.memory_space<hbm>>) target(%dma_start3A_202 : memref<80xi32, #tpu.memory_space<vmem>>) target_semaphore(%run_scoped3A_195 : memref<!tpu.dma_semaphore, #tpu.memory_space<semaphore_mem>>)
        %dma_wait3A_204 = arith.constant 0 : i32
        %dma_wait3A_205 = tpu.memref_slice %arg8[%run_scoped3A_84, %dma_wait3A_204] : memref<4x80xi32, #tpu.memory_space<vmem>> -> memref<1x80xi32, #tpu.memory_space<vmem>>
        %dma_wait3A_206 = tpu.memref_squeeze %dma_wait3A_205 : memref<1x80xi32, #tpu.memory_space<vmem>> -> memref<80xi32, #tpu.memory_space<vmem>>
        %dma_wait3A_207 = tpu.memref_slice %arg4[%add3A_82] : memref<320000xi32, #tpu.memory_space<hbm>> -> memref<80xi32, #tpu.memory_space<hbm>>
        %dma_wait3A_208 = arith.constant 0 : i32
        %dma_wait3A_209 = tpu.memref_slice %arg8[%run_scoped3A_84, %dma_wait3A_208] : memref<4x80xi32, #tpu.memory_space<vmem>> -> memref<1x80xi32, #tpu.memory_space<vmem>>
        %dma_wait3A_210 = tpu.memref_squeeze %dma_wait3A_209 : memref<1x80xi32, #tpu.memory_space<vmem>> -> memref<80xi32, #tpu.memory_space<vmem>>
        %dma_wait3A_211 = tpu.memref_slice %arg4[%add3A_82] : memref<320000xi32, #tpu.memory_space<hbm>> -> memref<80xi32, #tpu.memory_space<hbm>>
        tpu.wait_dma2 semaphore(%run_scoped3A_195 : memref<!tpu.dma_semaphore, #tpu.memory_space<semaphore_mem>>) src(%dma_wait3A_211 : memref<80xi32, #tpu.memory_space<hbm>>) dst(%dma_wait3A_210 : memref<80xi32, #tpu.memory_space<vmem>>)
        tpu.yield
      }) : () -> ()
      %dma_start3A_85 = arith.constant 1 : i32
      %dma_start3A_86 = arith.constant 1 : i32
      %dma_start3A_87 = arith.constant 0 : i32
      %dma_start3A_88 = arith.constant 0 : i32
      %dma_start3A_89 = tpu.memref_slice %arg9[%dma_start3A_86, %dma_start3A_87, %dma_start3A_88] : memref<4x80x128xf32, #tpu.memory_space<vmem>> -> memref<1x80x128xf32, #tpu.memory_space<vmem>>
      %dma_start3A_90 = tpu.memref_squeeze %dma_start3A_89 : memref<1x80x128xf32, #tpu.memory_space<vmem>> -> memref<80x128xf32, #tpu.memory_space<vmem>>
      %dma_start3A_91 = arith.constant 0 : i32
      %dma_start3A_92 = tpu.memref_slice %arg7[%dma_start3A_85, %dma_start3A_91] : memref<4x80xi32, #tpu.memory_space<vmem>> -> memref<1x80xi32, #tpu.memory_space<vmem>>
      %dma_start3A_93 = tpu.memref_squeeze %dma_start3A_92 : memref<1x80xi32, #tpu.memory_space<vmem>> -> memref<80xi32, #tpu.memory_space<vmem>>
      %dma_start3A_94 = arith.constant 0 : i32
      %dma_start3A_95 = arith.constant 0 : i32
      %dma_start3A_96 = tpu.memref_slice %arg2[%dma_start3A_94, %dma_start3A_95] : memref<10000x128xf32, #tpu.memory_space<hbm>> -> memref<10000x128xf32, #tpu.memory_space<hbm>>
      tpu.enqueue_indirect_dma source(%dma_start3A_96 : memref<10000x128xf32, #tpu.memory_space<hbm>>) target(%dma_start3A_90 : memref<80x128xf32, #tpu.memory_space<vmem>>) offsets(%dma_start3A_93 : memref<80xi32, #tpu.memory_space<vmem>>) semaphore(%arg11 : memref<!tpu.dma_semaphore, #tpu.memory_space<semaphore_mem>>)
      %mul3A_97 = arith.constant 4 : i32
      %mul3A_98 = arith.muli %add3A_54, %mul3A_97 : i32
      %add3A_99 = arith.constant 2 : i32
      %add3A_100 = arith.addi %mul3A_98, %add3A_99 : i32
      %mul3A_101 = arith.constant 80 : i32
      %mul3A_102 = arith.muli %add3A_100, %mul3A_101 : i32
      %add3A_103 = arith.addi %mul3A_14, %mul3A_102 : i32
      %run_scoped3A_104 = arith.constant 2 : i32
      "tpu.region"() ({
        %run_scoped3A_195 = tpu.sem_alloc : memref<!tpu.dma_semaphore, #tpu.memory_space<semaphore_mem>>
        %dma_start3A_196 = arith.constant 0 : i32
        %dma_start3A_197 = tpu.memref_slice %arg7[%run_scoped3A_104, %dma_start3A_196] : memref<4x80xi32, #tpu.memory_space<vmem>> -> memref<1x80xi32, #tpu.memory_space<vmem>>
        %dma_start3A_198 = tpu.memref_squeeze %dma_start3A_197 : memref<1x80xi32, #tpu.memory_space<vmem>> -> memref<80xi32, #tpu.memory_space<vmem>>
        %dma_start3A_199 = tpu.memref_slice %arg3[%add3A_103] : memref<320000xi32, #tpu.memory_space<hbm>> -> memref<80xi32, #tpu.memory_space<hbm>>
        %dma_start3A_200 = arith.constant 0 : i32
        %dma_start3A_201 = tpu.memref_slice %arg7[%run_scoped3A_104, %dma_start3A_200] : memref<4x80xi32, #tpu.memory_space<vmem>> -> memref<1x80xi32, #tpu.memory_space<vmem>>
        %dma_start3A_202 = tpu.memref_squeeze %dma_start3A_201 : memref<1x80xi32, #tpu.memory_space<vmem>> -> memref<80xi32, #tpu.memory_space<vmem>>
        %dma_start3A_203 = tpu.memref_slice %arg3[%add3A_103] : memref<320000xi32, #tpu.memory_space<hbm>> -> memref<80xi32, #tpu.memory_space<hbm>>
        tpu.enqueue_dma source(%dma_start3A_203 : memref<80xi32, #tpu.memory_space<hbm>>) target(%dma_start3A_202 : memref<80xi32, #tpu.memory_space<vmem>>) target_semaphore(%run_scoped3A_195 : memref<!tpu.dma_semaphore, #tpu.memory_space<semaphore_mem>>)
        %dma_wait3A_204 = arith.constant 0 : i32
        %dma_wait3A_205 = tpu.memref_slice %arg7[%run_scoped3A_104, %dma_wait3A_204] : memref<4x80xi32, #tpu.memory_space<vmem>> -> memref<1x80xi32, #tpu.memory_space<vmem>>
        %dma_wait3A_206 = tpu.memref_squeeze %dma_wait3A_205 : memref<1x80xi32, #tpu.memory_space<vmem>> -> memref<80xi32, #tpu.memory_space<vmem>>
        %dma_wait3A_207 = tpu.memref_slice %arg3[%add3A_103] : memref<320000xi32, #tpu.memory_space<hbm>> -> memref<80xi32, #tpu.memory_space<hbm>>
        %dma_wait3A_208 = arith.constant 0 : i32
        %dma_wait3A_209 = tpu.memref_slice %arg7[%run_scoped3A_104, %dma_wait3A_208] : memref<4x80xi32, #tpu.memory_space<vmem>> -> memref<1x80xi32, #tpu.memory_space<vmem>>
        %dma_wait3A_210 = tpu.memref_squeeze %dma_wait3A_209 : memref<1x80xi32, #tpu.memory_space<vmem>> -> memref<80xi32, #tpu.memory_space<vmem>>
        %dma_wait3A_211 = tpu.memref_slice %arg3[%add3A_103] : memref<320000xi32, #tpu.memory_space<hbm>> -> memref<80xi32, #tpu.memory_space<hbm>>
        tpu.wait_dma2 semaphore(%run_scoped3A_195 : memref<!tpu.dma_semaphore, #tpu.memory_space<semaphore_mem>>) src(%dma_wait3A_211 : memref<80xi32, #tpu.memory_space<hbm>>) dst(%dma_wait3A_210 : memref<80xi32, #tpu.memory_space<vmem>>)
        tpu.yield
      }) : () -> ()
      %run_scoped3A_105 = arith.constant 2 : i32
      "tpu.region"() ({
        %run_scoped3A_195 = tpu.sem_alloc : memref<!tpu.dma_semaphore, #tpu.memory_space<semaphore_mem>>
        %dma_start3A_196 = arith.constant 0 : i32
        %dma_start3A_197 = tpu.memref_slice %arg8[%run_scoped3A_105, %dma_start3A_196] : memref<4x80xi32, #tpu.memory_space<vmem>> -> memref<1x80xi32, #tpu.memory_space<vmem>>
        %dma_start3A_198 = tpu.memref_squeeze %dma_start3A_197 : memref<1x80xi32, #tpu.memory_space<vmem>> -> memref<80xi32, #tpu.memory_space<vmem>>
        %dma_start3A_199 = tpu.memref_slice %arg4[%add3A_103] : memref<320000xi32, #tpu.memory_space<hbm>> -> memref<80xi32, #tpu.memory_space<hbm>>
        %dma_start3A_200 = arith.constant 0 : i32
        %dma_start3A_201 = tpu.memref_slice %arg8[%run_scoped3A_105, %dma_start3A_200] : memref<4x80xi32, #tpu.memory_space<vmem>> -> memref<1x80xi32, #tpu.memory_space<vmem>>
        %dma_start3A_202 = tpu.memref_squeeze %dma_start3A_201 : memref<1x80xi32, #tpu.memory_space<vmem>> -> memref<80xi32, #tpu.memory_space<vmem>>
        %dma_start3A_203 = tpu.memref_slice %arg4[%add3A_103] : memref<320000xi32, #tpu.memory_space<hbm>> -> memref<80xi32, #tpu.memory_space<hbm>>
        tpu.enqueue_dma source(%dma_start3A_203 : memref<80xi32, #tpu.memory_space<hbm>>) target(%dma_start3A_202 : memref<80xi32, #tpu.memory_space<vmem>>) target_semaphore(%run_scoped3A_195 : memref<!tpu.dma_semaphore, #tpu.memory_space<semaphore_mem>>)
        %dma_wait3A_204 = arith.constant 0 : i32
        %dma_wait3A_205 = tpu.memref_slice %arg8[%run_scoped3A_105, %dma_wait3A_204] : memref<4x80xi32, #tpu.memory_space<vmem>> -> memref<1x80xi32, #tpu.memory_space<vmem>>
        %dma_wait3A_206 = tpu.memref_squeeze %dma_wait3A_205 : memref<1x80xi32, #tpu.memory_space<vmem>> -> memref<80xi32, #tpu.memory_space<vmem>>
        %dma_wait3A_207 = tpu.memref_slice %arg4[%add3A_103] : memref<320000xi32, #tpu.memory_space<hbm>> -> memref<80xi32, #tpu.memory_space<hbm>>
        %dma_wait3A_208 = arith.constant 0 : i32
        %dma_wait3A_209 = tpu.memref_slice %arg8[%run_scoped3A_105, %dma_wait3A_208] : memref<4x80xi32, #tpu.memory_space<vmem>> -> memref<1x80xi32, #tpu.memory_space<vmem>>
        %dma_wait3A_210 = tpu.memref_squeeze %dma_wait3A_209 : memref<1x80xi32, #tpu.memory_space<vmem>> -> memref<80xi32, #tpu.memory_space<vmem>>
        %dma_wait3A_211 = tpu.memref_slice %arg4[%add3A_103] : memref<320000xi32, #tpu.memory_space<hbm>> -> memref<80xi32, #tpu.memory_space<hbm>>
        tpu.wait_dma2 semaphore(%run_scoped3A_195 : memref<!tpu.dma_semaphore, #tpu.memory_space<semaphore_mem>>) src(%dma_wait3A_211 : memref<80xi32, #tpu.memory_space<hbm>>) dst(%dma_wait3A_210 : memref<80xi32, #tpu.memory_space<vmem>>)
        tpu.yield
      }) : () -> ()
      %dma_start3A_106 = arith.constant 2 : i32
      %dma_start3A_107 = arith.constant 2 : i32
      %dma_start3A_108 = arith.constant 0 : i32
      %dma_start3A_109 = arith.constant 0 : i32
      %dma_start3A_110 = tpu.memref_slice %arg9[%dma_start3A_107, %dma_start3A_108, %dma_start3A_109] : memref<4x80x128xf32, #tpu.memory_space<vmem>> -> memref<1x80x128xf32, #tpu.memory_space<vmem>>
      %dma_start3A_111 = tpu.memref_squeeze %dma_start3A_110 : memref<1x80x128xf32, #tpu.memory_space<vmem>> -> memref<80x128xf32, #tpu.memory_space<vmem>>
      %dma_start3A_112 = arith.constant 0 : i32
      %dma_start3A_113 = tpu.memref_slice %arg7[%dma_start3A_106, %dma_start3A_112] : memref<4x80xi32, #tpu.memory_space<vmem>> -> memref<1x80xi32, #tpu.memory_space<vmem>>
      %dma_start3A_114 = tpu.memref_squeeze %dma_start3A_113 : memref<1x80xi32, #tpu.memory_space<vmem>> -> memref<80xi32, #tpu.memory_space<vmem>>
      %dma_start3A_115 = arith.constant 0 : i32
      %dma_start3A_116 = arith.constant 0 : i32
      %dma_start3A_117 = tpu.memref_slice %arg2[%dma_start3A_115, %dma_start3A_116] : memref<10000x128xf32, #tpu.memory_space<hbm>> -> memref<10000x128xf32, #tpu.memory_space<hbm>>
      tpu.enqueue_indirect_dma source(%dma_start3A_117 : memref<10000x128xf32, #tpu.memory_space<hbm>>) target(%dma_start3A_111 : memref<80x128xf32, #tpu.memory_space<vmem>>) offsets(%dma_start3A_114 : memref<80xi32, #tpu.memory_space<vmem>>) semaphore(%arg12 : memref<!tpu.dma_semaphore, #tpu.memory_space<semaphore_mem>>)
      %mul3A_118 = arith.constant 4 : i32
      %mul3A_119 = arith.muli %add3A_54, %mul3A_118 : i32
      %add3A_120 = arith.constant 3 : i32
      %add3A_121 = arith.addi %mul3A_119, %add3A_120 : i32
      %mul3A_122 = arith.constant 80 : i32
      %mul3A_123 = arith.muli %add3A_121, %mul3A_122 : i32
      %add3A_124 = arith.addi %mul3A_14, %mul3A_123 : i32
      %run_scoped3A_125 = arith.constant 3 : i32
      "tpu.region"() ({
        %run_scoped3A_195 = tpu.sem_alloc : memref<!tpu.dma_semaphore, #tpu.memory_space<semaphore_mem>>
        %dma_start3A_196 = arith.constant 0 : i32
        %dma_start3A_197 = tpu.memref_slice %arg7[%run_scoped3A_125, %dma_start3A_196] : memref<4x80xi32, #tpu.memory_space<vmem>> -> memref<1x80xi32, #tpu.memory_space<vmem>>
        %dma_start3A_198 = tpu.memref_squeeze %dma_start3A_197 : memref<1x80xi32, #tpu.memory_space<vmem>> -> memref<80xi32, #tpu.memory_space<vmem>>
        %dma_start3A_199 = tpu.memref_slice %arg3[%add3A_124] : memref<320000xi32, #tpu.memory_space<hbm>> -> memref<80xi32, #tpu.memory_space<hbm>>
        %dma_start3A_200 = arith.constant 0 : i32
        %dma_start3A_201 = tpu.memref_slice %arg7[%run_scoped3A_125, %dma_start3A_200] : memref<4x80xi32, #tpu.memory_space<vmem>> -> memref<1x80xi32, #tpu.memory_space<vmem>>
        %dma_start3A_202 = tpu.memref_squeeze %dma_start3A_201 : memref<1x80xi32, #tpu.memory_space<vmem>> -> memref<80xi32, #tpu.memory_space<vmem>>
        %dma_start3A_203 = tpu.memref_slice %arg3[%add3A_124] : memref<320000xi32, #tpu.memory_space<hbm>> -> memref<80xi32, #tpu.memory_space<hbm>>
        tpu.enqueue_dma source(%dma_start3A_203 : memref<80xi32, #tpu.memory_space<hbm>>) target(%dma_start3A_202 : memref<80xi32, #tpu.memory_space<vmem>>) target_semaphore(%run_scoped3A_195 : memref<!tpu.dma_semaphore, #tpu.memory_space<semaphore_mem>>)
        %dma_wait3A_204 = arith.constant 0 : i32
        %dma_wait3A_205 = tpu.memref_slice %arg7[%run_scoped3A_125, %dma_wait3A_204] : memref<4x80xi32, #tpu.memory_space<vmem>> -> memref<1x80xi32, #tpu.memory_space<vmem>>
        %dma_wait3A_206 = tpu.memref_squeeze %dma_wait3A_205 : memref<1x80xi32, #tpu.memory_space<vmem>> -> memref<80xi32, #tpu.memory_space<vmem>>
        %dma_wait3A_207 = tpu.memref_slice %arg3[%add3A_124] : memref<320000xi32, #tpu.memory_space<hbm>> -> memref<80xi32, #tpu.memory_space<hbm>>
        %dma_wait3A_208 = arith.constant 0 : i32
        %dma_wait3A_209 = tpu.memref_slice %arg7[%run_scoped3A_125, %dma_wait3A_208] : memref<4x80xi32, #tpu.memory_space<vmem>> -> memref<1x80xi32, #tpu.memory_space<vmem>>
        %dma_wait3A_210 = tpu.memref_squeeze %dma_wait3A_209 : memref<1x80xi32, #tpu.memory_space<vmem>> -> memref<80xi32, #tpu.memory_space<vmem>>
        %dma_wait3A_211 = tpu.memref_slice %arg3[%add3A_124] : memref<320000xi32, #tpu.memory_space<hbm>> -> memref<80xi32, #tpu.memory_space<hbm>>
        tpu.wait_dma2 semaphore(%run_scoped3A_195 : memref<!tpu.dma_semaphore, #tpu.memory_space<semaphore_mem>>) src(%dma_wait3A_211 : memref<80xi32, #tpu.memory_space<hbm>>) dst(%dma_wait3A_210 : memref<80xi32, #tpu.memory_space<vmem>>)
        tpu.yield
      }) : () -> ()
      %run_scoped3A_126 = arith.constant 3 : i32
      "tpu.region"() ({
        %run_scoped3A_195 = tpu.sem_alloc : memref<!tpu.dma_semaphore, #tpu.memory_space<semaphore_mem>>
        %dma_start3A_196 = arith.constant 0 : i32
        %dma_start3A_197 = tpu.memref_slice %arg8[%run_scoped3A_126, %dma_start3A_196] : memref<4x80xi32, #tpu.memory_space<vmem>> -> memref<1x80xi32, #tpu.memory_space<vmem>>
        %dma_start3A_198 = tpu.memref_squeeze %dma_start3A_197 : memref<1x80xi32, #tpu.memory_space<vmem>> -> memref<80xi32, #tpu.memory_space<vmem>>
        %dma_start3A_199 = tpu.memref_slice %arg4[%add3A_124] : memref<320000xi32, #tpu.memory_space<hbm>> -> memref<80xi32, #tpu.memory_space<hbm>>
        %dma_start3A_200 = arith.constant 0 : i32
        %dma_start3A_201 = tpu.memref_slice %arg8[%run_scoped3A_126, %dma_start3A_200] : memref<4x80xi32, #tpu.memory_space<vmem>> -> memref<1x80xi32, #tpu.memory_space<vmem>>
        %dma_start3A_202 = tpu.memref_squeeze %dma_start3A_201 : memref<1x80xi32, #tpu.memory_space<vmem>> -> memref<80xi32, #tpu.memory_space<vmem>>
        %dma_start3A_203 = tpu.memref_slice %arg4[%add3A_124] : memref<320000xi32, #tpu.memory_space<hbm>> -> memref<80xi32, #tpu.memory_space<hbm>>
        tpu.enqueue_dma source(%dma_start3A_203 : memref<80xi32, #tpu.memory_space<hbm>>) target(%dma_start3A_202 : memref<80xi32, #tpu.memory_space<vmem>>) target_semaphore(%run_scoped3A_195 : memref<!tpu.dma_semaphore, #tpu.memory_space<semaphore_mem>>)
        %dma_wait3A_204 = arith.constant 0 : i32
        %dma_wait3A_205 = tpu.memref_slice %arg8[%run_scoped3A_126, %dma_wait3A_204] : memref<4x80xi32, #tpu.memory_space<vmem>> -> memref<1x80xi32, #tpu.memory_space<vmem>>
        %dma_wait3A_206 = tpu.memref_squeeze %dma_wait3A_205 : memref<1x80xi32, #tpu.memory_space<vmem>> -> memref<80xi32, #tpu.memory_space<vmem>>
        %dma_wait3A_207 = tpu.memref_slice %arg4[%add3A_124] : memref<320000xi32, #tpu.memory_space<hbm>> -> memref<80xi32, #tpu.memory_space<hbm>>
        %dma_wait3A_208 = arith.constant 0 : i32
        %dma_wait3A_209 = tpu.memref_slice %arg8[%run_scoped3A_126, %dma_wait3A_208] : memref<4x80xi32, #tpu.memory_space<vmem>> -> memref<1x80xi32, #tpu.memory_space<vmem>>
        %dma_wait3A_210 = tpu.memref_squeeze %dma_wait3A_209 : memref<1x80xi32, #tpu.memory_space<vmem>> -> memref<80xi32, #tpu.memory_space<vmem>>
        %dma_wait3A_211 = tpu.memref_slice %arg4[%add3A_124] : memref<320000xi32, #tpu.memory_space<hbm>> -> memref<80xi32, #tpu.memory_space<hbm>>
        tpu.wait_dma2 semaphore(%run_scoped3A_195 : memref<!tpu.dma_semaphore, #tpu.memory_space<semaphore_mem>>) src(%dma_wait3A_211 : memref<80xi32, #tpu.memory_space<hbm>>) dst(%dma_wait3A_210 : memref<80xi32, #tpu.memory_space<vmem>>)
        tpu.yield
      }) : () -> ()
      %dma_start3A_127 = arith.constant 3 : i32
      %dma_start3A_128 = arith.constant 3 : i32
      %dma_start3A_129 = arith.constant 0 : i32
      %dma_start3A_130 = arith.constant 0 : i32
      %dma_start3A_131 = tpu.memref_slice %arg9[%dma_start3A_128, %dma_start3A_129, %dma_start3A_130] : memref<4x80x128xf32, #tpu.memory_space<vmem>> -> memref<1x80x128xf32, #tpu.memory_space<vmem>>
      %dma_start3A_132 = tpu.memref_squeeze %dma_start3A_131 : memref<1x80x128xf32, #tpu.memory_space<vmem>> -> memref<80x128xf32, #tpu.memory_space<vmem>>
      %dma_start3A_133 = arith.constant 0 : i32
      %dma_start3A_134 = tpu.memref_slice %arg7[%dma_start3A_127, %dma_start3A_133] : memref<4x80xi32, #tpu.memory_space<vmem>> -> memref<1x80xi32, #tpu.memory_space<vmem>>
      %dma_start3A_135 = tpu.memref_squeeze %dma_start3A_134 : memref<1x80xi32, #tpu.memory_space<vmem>> -> memref<80xi32, #tpu.memory_space<vmem>>
      %dma_start3A_136 = arith.constant 0 : i32
      %dma_start3A_137 = arith.constant 0 : i32
      %dma_start3A_138 = tpu.memref_slice %arg2[%dma_start3A_136, %dma_start3A_137] : memref<10000x128xf32, #tpu.memory_space<hbm>> -> memref<10000x128xf32, #tpu.memory_space<hbm>>
      tpu.enqueue_indirect_dma source(%dma_start3A_138 : memref<10000x128xf32, #tpu.memory_space<hbm>>) target(%dma_start3A_132 : memref<80x128xf32, #tpu.memory_space<vmem>>) offsets(%dma_start3A_135 : memref<80xi32, #tpu.memory_space<vmem>>) semaphore(%arg13 : memref<!tpu.dma_semaphore, #tpu.memory_space<semaphore_mem>>)
      %dma_wait3A_139 = arith.constant 0 : i32
      %dma_wait3A_140 = arith.constant 0 : i32
      %dma_wait3A_141 = arith.constant 0 : i32
      %dma_wait3A_142 = arith.constant 0 : i32
      %dma_wait3A_143 = tpu.memref_slice %arg9[%dma_wait3A_140, %dma_wait3A_141, %dma_wait3A_142] : memref<4x80x128xf32, #tpu.memory_space<vmem>> -> memref<1x80x128xf32, #tpu.memory_space<vmem>>
      %dma_wait3A_144 = tpu.memref_squeeze %dma_wait3A_143 : memref<1x80x128xf32, #tpu.memory_space<vmem>> -> memref<80x128xf32, #tpu.memory_space<vmem>>
      %dma_wait3A_145 = arith.constant 0 : i32
      %dma_wait3A_146 = tpu.memref_slice %arg7[%dma_wait3A_139, %dma_wait3A_145] : memref<4x80xi32, #tpu.memory_space<vmem>> -> memref<1x80xi32, #tpu.memory_space<vmem>>
      %dma_wait3A_147 = tpu.memref_squeeze %dma_wait3A_146 : memref<1x80xi32, #tpu.memory_space<vmem>> -> memref<80xi32, #tpu.memory_space<vmem>>
      %dma_wait3A_148 = arith.constant 0 : i32
      %dma_wait3A_149 = arith.constant 0 : i32
      %dma_wait3A_150 = tpu.memref_slice %arg2[%dma_wait3A_148, %dma_wait3A_149] : memref<10000x128xf32, #tpu.memory_space<hbm>> -> memref<10000x128xf32, #tpu.memory_space<hbm>>
      tpu.wait_indirect_dma semaphore(%arg10 : memref<!tpu.dma_semaphore, #tpu.memory_space<semaphore_mem>>) src(%dma_wait3A_150 : memref<10000x128xf32, #tpu.memory_space<hbm>>) dst(%dma_wait3A_144 : memref<80x128xf32, #tpu.memory_space<vmem>>)
      %run_scoped3A_151 = arith.constant 0 : i32
      %run_scoped3A_152 = arith.constant 0 : i32
      "tpu.region"() ({
        %run_scoped3A_195 = tpu.sem_alloc : memref<!tpu.dma_semaphore, #tpu.memory_space<semaphore_mem>>
        %dma_start3A_196 = arith.constant 0 : i32
        %dma_start3A_197 = arith.constant 0 : i32
        %dma_start3A_198 = tpu.memref_slice %arg9[%run_scoped3A_151, %dma_start3A_196, %dma_start3A_197] : memref<4x80x128xf32, #tpu.memory_space<vmem>> -> memref<1x80x128xf32, #tpu.memory_space<vmem>>
        %dma_start3A_199 = tpu.memref_squeeze %dma_start3A_198 : memref<1x80x128xf32, #tpu.memory_space<vmem>> -> memref<80x128xf32, #tpu.memory_space<vmem>>
        %dma_start3A_200 = arith.constant 0 : i32
        %dma_start3A_201 = tpu.memref_slice %arg8[%run_scoped3A_152, %dma_start3A_200] : memref<4x80xi32, #tpu.memory_space<vmem>> -> memref<1x80xi32, #tpu.memory_space<vmem>>
        %dma_start3A_202 = tpu.memref_squeeze %dma_start3A_201 : memref<1x80xi32, #tpu.memory_space<vmem>> -> memref<80xi32, #tpu.memory_space<vmem>>
        %dma_start3A_203 = arith.constant 0 : i32
        %dma_start3A_204 = arith.constant 0 : i32
        %dma_start3A_205 = tpu.memref_slice %arg14[%dma_start3A_203, %dma_start3A_204] : memref<10240x128xf32, #tpu.memory_space<vmem_shared>> -> memref<10240x128xf32, #tpu.memory_space<vmem_shared>>
        tpu.enqueue_indirect_dma source(%dma_start3A_199 : memref<80x128xf32, #tpu.memory_space<vmem>>) target(%dma_start3A_205 : memref<10240x128xf32, #tpu.memory_space<vmem_shared>>) offsets(%dma_start3A_202 : memref<80xi32, #tpu.memory_space<vmem>>) semaphore(%run_scoped3A_195 : memref<!tpu.dma_semaphore, #tpu.memory_space<semaphore_mem>>) {add = true}
        %dma_wait3A_206 = arith.constant 0 : i32
        %dma_wait3A_207 = arith.constant 0 : i32
        %dma_wait3A_208 = tpu.memref_slice %arg9[%run_scoped3A_151, %dma_wait3A_206, %dma_wait3A_207] : memref<4x80x128xf32, #tpu.memory_space<vmem>> -> memref<1x80x128xf32, #tpu.memory_space<vmem>>
        %dma_wait3A_209 = tpu.memref_squeeze %dma_wait3A_208 : memref<1x80x128xf32, #tpu.memory_space<vmem>> -> memref<80x128xf32, #tpu.memory_space<vmem>>
        %dma_wait3A_210 = arith.constant 0 : i32
        %dma_wait3A_211 = tpu.memref_slice %arg8[%run_scoped3A_152, %dma_wait3A_210] : memref<4x80xi32, #tpu.memory_space<vmem>> -> memref<1x80xi32, #tpu.memory_space<vmem>>
        %dma_wait3A_212 = tpu.memref_squeeze %dma_wait3A_211 : memref<1x80xi32, #tpu.memory_space<vmem>> -> memref<80xi32, #tpu.memory_space<vmem>>
        %dma_wait3A_213 = arith.constant 0 : i32
        %dma_wait3A_214 = arith.constant 0 : i32
        %dma_wait3A_215 = tpu.memref_slice %arg14[%dma_wait3A_213, %dma_wait3A_214] : memref<10240x128xf32, #tpu.memory_space<vmem_shared>> -> memref<10240x128xf32, #tpu.memory_space<vmem_shared>>
        tpu.wait_indirect_dma semaphore(%run_scoped3A_195 : memref<!tpu.dma_semaphore, #tpu.memory_space<semaphore_mem>>) src(%dma_wait3A_209 : memref<80x128xf32, #tpu.memory_space<vmem>>) dst(%dma_wait3A_215 : memref<10240x128xf32, #tpu.memory_space<vmem_shared>>)
        tpu.yield
      }) : () -> ()
      %dma_wait3A_153 = arith.constant 1 : i32
      %dma_wait3A_154 = arith.constant 1 : i32
      %dma_wait3A_155 = arith.constant 0 : i32
      %dma_wait3A_156 = arith.constant 0 : i32
      %dma_wait3A_157 = tpu.memref_slice %arg9[%dma_wait3A_154, %dma_wait3A_155, %dma_wait3A_156] : memref<4x80x128xf32, #tpu.memory_space<vmem>> -> memref<1x80x128xf32, #tpu.memory_space<vmem>>
      %dma_wait3A_158 = tpu.memref_squeeze %dma_wait3A_157 : memref<1x80x128xf32, #tpu.memory_space<vmem>> -> memref<80x128xf32, #tpu.memory_space<vmem>>
      %dma_wait3A_159 = arith.constant 0 : i32
      %dma_wait3A_160 = tpu.memref_slice %arg7[%dma_wait3A_153, %dma_wait3A_159] : memref<4x80xi32, #tpu.memory_space<vmem>> -> memref<1x80xi32, #tpu.memory_space<vmem>>
      %dma_wait3A_161 = tpu.memref_squeeze %dma_wait3A_160 : memref<1x80xi32, #tpu.memory_space<vmem>> -> memref<80xi32, #tpu.memory_space<vmem>>
      %dma_wait3A_162 = arith.constant 0 : i32
      %dma_wait3A_163 = arith.constant 0 : i32
      %dma_wait3A_164 = tpu.memref_slice %arg2[%dma_wait3A_162, %dma_wait3A_163] : memref<10000x128xf32, #tpu.memory_space<hbm>> -> memref<10000x128xf32, #tpu.memory_space<hbm>>
      tpu.wait_indirect_dma semaphore(%arg11 : memref<!tpu.dma_semaphore, #tpu.memory_space<semaphore_mem>>) src(%dma_wait3A_164 : memref<10000x128xf32, #tpu.memory_space<hbm>>) dst(%dma_wait3A_158 : memref<80x128xf32, #tpu.memory_space<vmem>>)
      %run_scoped3A_165 = arith.constant 1 : i32
      %run_scoped3A_166 = arith.constant 1 : i32
      "tpu.region"() ({
        %run_scoped3A_195 = tpu.sem_alloc : memref<!tpu.dma_semaphore, #tpu.memory_space<semaphore_mem>>
        %dma_start3A_196 = arith.constant 0 : i32
        %dma_start3A_197 = arith.constant 0 : i32
        %dma_start3A_198 = tpu.memref_slice %arg9[%run_scoped3A_165, %dma_start3A_196, %dma_start3A_197] : memref<4x80x128xf32, #tpu.memory_space<vmem>> -> memref<1x80x128xf32, #tpu.memory_space<vmem>>
        %dma_start3A_199 = tpu.memref_squeeze %dma_start3A_198 : memref<1x80x128xf32, #tpu.memory_space<vmem>> -> memref<80x128xf32, #tpu.memory_space<vmem>>
        %dma_start3A_200 = arith.constant 0 : i32
        %dma_start3A_201 = tpu.memref_slice %arg8[%run_scoped3A_166, %dma_start3A_200] : memref<4x80xi32, #tpu.memory_space<vmem>> -> memref<1x80xi32, #tpu.memory_space<vmem>>
        %dma_start3A_202 = tpu.memref_squeeze %dma_start3A_201 : memref<1x80xi32, #tpu.memory_space<vmem>> -> memref<80xi32, #tpu.memory_space<vmem>>
        %dma_start3A_203 = arith.constant 0 : i32
        %dma_start3A_204 = arith.constant 0 : i32
        %dma_start3A_205 = tpu.memref_slice %arg14[%dma_start3A_203, %dma_start3A_204] : memref<10240x128xf32, #tpu.memory_space<vmem_shared>> -> memref<10240x128xf32, #tpu.memory_space<vmem_shared>>
        tpu.enqueue_indirect_dma source(%dma_start3A_199 : memref<80x128xf32, #tpu.memory_space<vmem>>) target(%dma_start3A_205 : memref<10240x128xf32, #tpu.memory_space<vmem_shared>>) offsets(%dma_start3A_202 : memref<80xi32, #tpu.memory_space<vmem>>) semaphore(%run_scoped3A_195 : memref<!tpu.dma_semaphore, #tpu.memory_space<semaphore_mem>>) {add = true}
        %dma_wait3A_206 = arith.constant 0 : i32
        %dma_wait3A_207 = arith.constant 0 : i32
        %dma_wait3A_208 = tpu.memref_slice %arg9[%run_scoped3A_165, %dma_wait3A_206, %dma_wait3A_207] : memref<4x80x128xf32, #tpu.memory_space<vmem>> -> memref<1x80x128xf32, #tpu.memory_space<vmem>>
        %dma_wait3A_209 = tpu.memref_squeeze %dma_wait3A_208 : memref<1x80x128xf32, #tpu.memory_space<vmem>> -> memref<80x128xf32, #tpu.memory_space<vmem>>
        %dma_wait3A_210 = arith.constant 0 : i32
        %dma_wait3A_211 = tpu.memref_slice %arg8[%run_scoped3A_166, %dma_wait3A_210] : memref<4x80xi32, #tpu.memory_space<vmem>> -> memref<1x80xi32, #tpu.memory_space<vmem>>
        %dma_wait3A_212 = tpu.memref_squeeze %dma_wait3A_211 : memref<1x80xi32, #tpu.memory_space<vmem>> -> memref<80xi32, #tpu.memory_space<vmem>>
        %dma_wait3A_213 = arith.constant 0 : i32
        %dma_wait3A_214 = arith.constant 0 : i32
        %dma_wait3A_215 = tpu.memref_slice %arg14[%dma_wait3A_213, %dma_wait3A_214] : memref<10240x128xf32, #tpu.memory_space<vmem_shared>> -> memref<10240x128xf32, #tpu.memory_space<vmem_shared>>
        tpu.wait_indirect_dma semaphore(%run_scoped3A_195 : memref<!tpu.dma_semaphore, #tpu.memory_space<semaphore_mem>>) src(%dma_wait3A_209 : memref<80x128xf32, #tpu.memory_space<vmem>>) dst(%dma_wait3A_215 : memref<10240x128xf32, #tpu.memory_space<vmem_shared>>)
        tpu.yield
      }) : () -> ()
      %dma_wait3A_167 = arith.constant 2 : i32
      %dma_wait3A_168 = arith.constant 2 : i32
      %dma_wait3A_169 = arith.constant 0 : i32
      %dma_wait3A_170 = arith.constant 0 : i32
      %dma_wait3A_171 = tpu.memref_slice %arg9[%dma_wait3A_168, %dma_wait3A_169, %dma_wait3A_170] : memref<4x80x128xf32, #tpu.memory_space<vmem>> -> memref<1x80x128xf32, #tpu.memory_space<vmem>>
      %dma_wait3A_172 = tpu.memref_squeeze %dma_wait3A_171 : memref<1x80x128xf32, #tpu.memory_space<vmem>> -> memref<80x128xf32, #tpu.memory_space<vmem>>
      %dma_wait3A_173 = arith.constant 0 : i32
      %dma_wait3A_174 = tpu.memref_slice %arg7[%dma_wait3A_167, %dma_wait3A_173] : memref<4x80xi32, #tpu.memory_space<vmem>> -> memref<1x80xi32, #tpu.memory_space<vmem>>
      %dma_wait3A_175 = tpu.memref_squeeze %dma_wait3A_174 : memref<1x80xi32, #tpu.memory_space<vmem>> -> memref<80xi32, #tpu.memory_space<vmem>>
      %dma_wait3A_176 = arith.constant 0 : i32
      %dma_wait3A_177 = arith.constant 0 : i32
      %dma_wait3A_178 = tpu.memref_slice %arg2[%dma_wait3A_176, %dma_wait3A_177] : memref<10000x128xf32, #tpu.memory_space<hbm>> -> memref<10000x128xf32, #tpu.memory_space<hbm>>
      tpu.wait_indirect_dma semaphore(%arg12 : memref<!tpu.dma_semaphore, #tpu.memory_space<semaphore_mem>>) src(%dma_wait3A_178 : memref<10000x128xf32, #tpu.memory_space<hbm>>) dst(%dma_wait3A_172 : memref<80x128xf32, #tpu.memory_space<vmem>>)
      %run_scoped3A_179 = arith.constant 2 : i32
      %run_scoped3A_180 = arith.constant 2 : i32
      "tpu.region"() ({
        %run_scoped3A_195 = tpu.sem_alloc : memref<!tpu.dma_semaphore, #tpu.memory_space<semaphore_mem>>
        %dma_start3A_196 = arith.constant 0 : i32
        %dma_start3A_197 = arith.constant 0 : i32
        %dma_start3A_198 = tpu.memref_slice %arg9[%run_scoped3A_179, %dma_start3A_196, %dma_start3A_197] : memref<4x80x128xf32, #tpu.memory_space<vmem>> -> memref<1x80x128xf32, #tpu.memory_space<vmem>>
        %dma_start3A_199 = tpu.memref_squeeze %dma_start3A_198 : memref<1x80x128xf32, #tpu.memory_space<vmem>> -> memref<80x128xf32, #tpu.memory_space<vmem>>
        %dma_start3A_200 = arith.constant 0 : i32
        %dma_start3A_201 = tpu.memref_slice %arg8[%run_scoped3A_180, %dma_start3A_200] : memref<4x80xi32, #tpu.memory_space<vmem>> -> memref<1x80xi32, #tpu.memory_space<vmem>>
        %dma_start3A_202 = tpu.memref_squeeze %dma_start3A_201 : memref<1x80xi32, #tpu.memory_space<vmem>> -> memref<80xi32, #tpu.memory_space<vmem>>
        %dma_start3A_203 = arith.constant 0 : i32
        %dma_start3A_204 = arith.constant 0 : i32
        %dma_start3A_205 = tpu.memref_slice %arg14[%dma_start3A_203, %dma_start3A_204] : memref<10240x128xf32, #tpu.memory_space<vmem_shared>> -> memref<10240x128xf32, #tpu.memory_space<vmem_shared>>
        tpu.enqueue_indirect_dma source(%dma_start3A_199 : memref<80x128xf32, #tpu.memory_space<vmem>>) target(%dma_start3A_205 : memref<10240x128xf32, #tpu.memory_space<vmem_shared>>) offsets(%dma_start3A_202 : memref<80xi32, #tpu.memory_space<vmem>>) semaphore(%run_scoped3A_195 : memref<!tpu.dma_semaphore, #tpu.memory_space<semaphore_mem>>) {add = true}
        %dma_wait3A_206 = arith.constant 0 : i32
        %dma_wait3A_207 = arith.constant 0 : i32
        %dma_wait3A_208 = tpu.memref_slice %arg9[%run_scoped3A_179, %dma_wait3A_206, %dma_wait3A_207] : memref<4x80x128xf32, #tpu.memory_space<vmem>> -> memref<1x80x128xf32, #tpu.memory_space<vmem>>
        %dma_wait3A_209 = tpu.memref_squeeze %dma_wait3A_208 : memref<1x80x128xf32, #tpu.memory_space<vmem>> -> memref<80x128xf32, #tpu.memory_space<vmem>>
        %dma_wait3A_210 = arith.constant 0 : i32
        %dma_wait3A_211 = tpu.memref_slice %arg8[%run_scoped3A_180, %dma_wait3A_210] : memref<4x80xi32, #tpu.memory_space<vmem>> -> memref<1x80xi32, #tpu.memory_space<vmem>>
        %dma_wait3A_212 = tpu.memref_squeeze %dma_wait3A_211 : memref<1x80xi32, #tpu.memory_space<vmem>> -> memref<80xi32, #tpu.memory_space<vmem>>
        %dma_wait3A_213 = arith.constant 0 : i32
        %dma_wait3A_214 = arith.constant 0 : i32
        %dma_wait3A_215 = tpu.memref_slice %arg14[%dma_wait3A_213, %dma_wait3A_214] : memref<10240x128xf32, #tpu.memory_space<vmem_shared>> -> memref<10240x128xf32, #tpu.memory_space<vmem_shared>>
        tpu.wait_indirect_dma semaphore(%run_scoped3A_195 : memref<!tpu.dma_semaphore, #tpu.memory_space<semaphore_mem>>) src(%dma_wait3A_209 : memref<80x128xf32, #tpu.memory_space<vmem>>) dst(%dma_wait3A_215 : memref<10240x128xf32, #tpu.memory_space<vmem_shared>>)
        tpu.yield
      }) : () -> ()
      %dma_wait3A_181 = arith.constant 3 : i32
      %dma_wait3A_182 = arith.constant 3 : i32
      %dma_wait3A_183 = arith.constant 0 : i32
      %dma_wait3A_184 = arith.constant 0 : i32
      %dma_wait3A_185 = tpu.memref_slice %arg9[%dma_wait3A_182, %dma_wait3A_183, %dma_wait3A_184] : memref<4x80x128xf32, #tpu.memory_space<vmem>> -> memref<1x80x128xf32, #tpu.memory_space<vmem>>
      %dma_wait3A_186 = tpu.memref_squeeze %dma_wait3A_185 : memref<1x80x128xf32, #tpu.memory_space<vmem>> -> memref<80x128xf32, #tpu.memory_space<vmem>>
      %dma_wait3A_187 = arith.constant 0 : i32
      %dma_wait3A_188 = tpu.memref_slice %arg7[%dma_wait3A_181, %dma_wait3A_187] : memref<4x80xi32, #tpu.memory_space<vmem>> -> memref<1x80xi32, #tpu.memory_space<vmem>>
      %dma_wait3A_189 = tpu.memref_squeeze %dma_wait3A_188 : memref<1x80xi32, #tpu.memory_space<vmem>> -> memref<80xi32, #tpu.memory_space<vmem>>
      %dma_wait3A_190 = arith.constant 0 : i32
      %dma_wait3A_191 = arith.constant 0 : i32
      %dma_wait3A_192 = tpu.memref_slice %arg2[%dma_wait3A_190, %dma_wait3A_191] : memref<10000x128xf32, #tpu.memory_space<hbm>> -> memref<10000x128xf32, #tpu.memory_space<hbm>>
      tpu.wait_indirect_dma semaphore(%arg13 : memref<!tpu.dma_semaphore, #tpu.memory_space<semaphore_mem>>) src(%dma_wait3A_192 : memref<10000x128xf32, #tpu.memory_space<hbm>>) dst(%dma_wait3A_186 : memref<80x128xf32, #tpu.memory_space<vmem>>)
      %run_scoped3A_193 = arith.constant 3 : i32
      %run_scoped3A_194 = arith.constant 3 : i32
      "tpu.region"() ({
        %run_scoped3A_195 = tpu.sem_alloc : memref<!tpu.dma_semaphore, #tpu.memory_space<semaphore_mem>>
        %dma_start3A_196 = arith.constant 0 : i32
        %dma_start3A_197 = arith.constant 0 : i32
        %dma_start3A_198 = tpu.memref_slice %arg9[%run_scoped3A_193, %dma_start3A_196, %dma_start3A_197] : memref<4x80x128xf32, #tpu.memory_space<vmem>> -> memref<1x80x128xf32, #tpu.memory_space<vmem>>
        %dma_start3A_199 = tpu.memref_squeeze %dma_start3A_198 : memref<1x80x128xf32, #tpu.memory_space<vmem>> -> memref<80x128xf32, #tpu.memory_space<vmem>>
        %dma_start3A_200 = arith.constant 0 : i32
        %dma_start3A_201 = tpu.memref_slice %arg8[%run_scoped3A_194, %dma_start3A_200] : memref<4x80xi32, #tpu.memory_space<vmem>> -> memref<1x80xi32, #tpu.memory_space<vmem>>
        %dma_start3A_202 = tpu.memref_squeeze %dma_start3A_201 : memref<1x80xi32, #tpu.memory_space<vmem>> -> memref<80xi32, #tpu.memory_space<vmem>>
        %dma_start3A_203 = arith.constant 0 : i32
        %dma_start3A_204 = arith.constant 0 : i32
        %dma_start3A_205 = tpu.memref_slice %arg14[%dma_start3A_203, %dma_start3A_204] : memref<10240x128xf32, #tpu.memory_space<vmem_shared>> -> memref<10240x128xf32, #tpu.memory_space<vmem_shared>>
        tpu.enqueue_indirect_dma source(%dma_start3A_199 : memref<80x128xf32, #tpu.memory_space<vmem>>) target(%dma_start3A_205 : memref<10240x128xf32, #tpu.memory_space<vmem_shared>>) offsets(%dma_start3A_202 : memref<80xi32, #tpu.memory_space<vmem>>) semaphore(%run_scoped3A_195 : memref<!tpu.dma_semaphore, #tpu.memory_space<semaphore_mem>>) {add = true}
        %dma_wait3A_206 = arith.constant 0 : i32
        %dma_wait3A_207 = arith.constant 0 : i32
        %dma_wait3A_208 = tpu.memref_slice %arg9[%run_scoped3A_193, %dma_wait3A_206, %dma_wait3A_207] : memref<4x80x128xf32, #tpu.memory_space<vmem>> -> memref<1x80x128xf32, #tpu.memory_space<vmem>>
        %dma_wait3A_209 = tpu.memref_squeeze %dma_wait3A_208 : memref<1x80x128xf32, #tpu.memory_space<vmem>> -> memref<80x128xf32, #tpu.memory_space<vmem>>
        %dma_wait3A_210 = arith.constant 0 : i32
        %dma_wait3A_211 = tpu.memref_slice %arg8[%run_scoped3A_194, %dma_wait3A_210] : memref<4x80xi32, #tpu.memory_space<vmem>> -> memref<1x80xi32, #tpu.memory_space<vmem>>
        %dma_wait3A_212 = tpu.memref_squeeze %dma_wait3A_211 : memref<1x80xi32, #tpu.memory_space<vmem>> -> memref<80xi32, #tpu.memory_space<vmem>>
        %dma_wait3A_213 = arith.constant 0 : i32
        %dma_wait3A_214 = arith.constant 0 : i32
        %dma_wait3A_215 = tpu.memref_slice %arg14[%dma_wait3A_213, %dma_wait3A_214] : memref<10240x128xf32, #tpu.memory_space<vmem_shared>> -> memref<10240x128xf32, #tpu.memory_space<vmem_shared>>
        tpu.wait_indirect_dma semaphore(%run_scoped3A_195 : memref<!tpu.dma_semaphore, #tpu.memory_space<semaphore_mem>>) src(%dma_wait3A_209 : memref<80x128xf32, #tpu.memory_space<vmem>>) dst(%dma_wait3A_215 : memref<10240x128xf32, #tpu.memory_space<vmem_shared>>)
        tpu.yield
      }) : () -> ()
    }
    %scan3A_18 = arith.constant 31 : i32
    %add3A_19 = arith.constant 9920 : i32
    %add3A_20 = arith.addi %mul3A_14, %add3A_19 : i32
    %run_scoped3A = arith.constant 0 : i32
    "tpu.region"() ({
      %run_scoped3A_50 = tpu.sem_alloc : memref<!tpu.dma_semaphore, #tpu.memory_space<semaphore_mem>>
      %dma_start3A_51 = arith.constant 0 : i32
      %dma_start3A_52 = tpu.memref_slice %arg7[%run_scoped3A, %dma_start3A_51] : memref<4x80xi32, #tpu.memory_space<vmem>> -> memref<1x80xi32, #tpu.memory_space<vmem>>
      %dma_start3A_53 = tpu.memref_squeeze %dma_start3A_52 : memref<1x80xi32, #tpu.memory_space<vmem>> -> memref<80xi32, #tpu.memory_space<vmem>>
      %dma_start3A_54 = tpu.memref_slice %arg3[%add3A_20] : memref<320000xi32, #tpu.memory_space<hbm>> -> memref<80xi32, #tpu.memory_space<hbm>>
      %dma_start3A_55 = arith.constant 0 : i32
      %dma_start3A_56 = tpu.memref_slice %arg7[%run_scoped3A, %dma_start3A_55] : memref<4x80xi32, #tpu.memory_space<vmem>> -> memref<1x80xi32, #tpu.memory_space<vmem>>
      %dma_start3A_57 = tpu.memref_squeeze %dma_start3A_56 : memref<1x80xi32, #tpu.memory_space<vmem>> -> memref<80xi32, #tpu.memory_space<vmem>>
      %dma_start3A_58 = tpu.memref_slice %arg3[%add3A_20] : memref<320000xi32, #tpu.memory_space<hbm>> -> memref<80xi32, #tpu.memory_space<hbm>>
      tpu.enqueue_dma source(%dma_start3A_58 : memref<80xi32, #tpu.memory_space<hbm>>) target(%dma_start3A_57 : memref<80xi32, #tpu.memory_space<vmem>>) target_semaphore(%run_scoped3A_50 : memref<!tpu.dma_semaphore, #tpu.memory_space<semaphore_mem>>)
      %dma_wait3A_59 = arith.constant 0 : i32
      %dma_wait3A_60 = tpu.memref_slice %arg7[%run_scoped3A, %dma_wait3A_59] : memref<4x80xi32, #tpu.memory_space<vmem>> -> memref<1x80xi32, #tpu.memory_space<vmem>>
      %dma_wait3A_61 = tpu.memref_squeeze %dma_wait3A_60 : memref<1x80xi32, #tpu.memory_space<vmem>> -> memref<80xi32, #tpu.memory_space<vmem>>
      %dma_wait3A_62 = tpu.memref_slice %arg3[%add3A_20] : memref<320000xi32, #tpu.memory_space<hbm>> -> memref<80xi32, #tpu.memory_space<hbm>>
      %dma_wait3A_63 = arith.constant 0 : i32
      %dma_wait3A_64 = tpu.memref_slice %arg7[%run_scoped3A, %dma_wait3A_63] : memref<4x80xi32, #tpu.memory_space<vmem>> -> memref<1x80xi32, #tpu.memory_space<vmem>>
      %dma_wait3A_65 = tpu.memref_squeeze %dma_wait3A_64 : memref<1x80xi32, #tpu.memory_space<vmem>> -> memref<80xi32, #tpu.memory_space<vmem>>
      %dma_wait3A_66 = tpu.memref_slice %arg3[%add3A_20] : memref<320000xi32, #tpu.memory_space<hbm>> -> memref<80xi32, #tpu.memory_space<hbm>>
      tpu.wait_dma2 semaphore(%run_scoped3A_50 : memref<!tpu.dma_semaphore, #tpu.memory_space<semaphore_mem>>) src(%dma_wait3A_66 : memref<80xi32, #tpu.memory_space<hbm>>) dst(%dma_wait3A_65 : memref<80xi32, #tpu.memory_space<vmem>>)
      tpu.yield
    }) : () -> ()
    %run_scoped3A_21 = arith.constant 0 : i32
    "tpu.region"() ({
      %run_scoped3A_50 = tpu.sem_alloc : memref<!tpu.dma_semaphore, #tpu.memory_space<semaphore_mem>>
      %dma_start3A_51 = arith.constant 0 : i32
      %dma_start3A_52 = tpu.memref_slice %arg8[%run_scoped3A_21, %dma_start3A_51] : memref<4x80xi32, #tpu.memory_space<vmem>> -> memref<1x80xi32, #tpu.memory_space<vmem>>
      %dma_start3A_53 = tpu.memref_squeeze %dma_start3A_52 : memref<1x80xi32, #tpu.memory_space<vmem>> -> memref<80xi32, #tpu.memory_space<vmem>>
      %dma_start3A_54 = tpu.memref_slice %arg4[%add3A_20] : memref<320000xi32, #tpu.memory_space<hbm>> -> memref<80xi32, #tpu.memory_space<hbm>>
      %dma_start3A_55 = arith.constant 0 : i32
      %dma_start3A_56 = tpu.memref_slice %arg8[%run_scoped3A_21, %dma_start3A_55] : memref<4x80xi32, #tpu.memory_space<vmem>> -> memref<1x80xi32, #tpu.memory_space<vmem>>
      %dma_start3A_57 = tpu.memref_squeeze %dma_start3A_56 : memref<1x80xi32, #tpu.memory_space<vmem>> -> memref<80xi32, #tpu.memory_space<vmem>>
      %dma_start3A_58 = tpu.memref_slice %arg4[%add3A_20] : memref<320000xi32, #tpu.memory_space<hbm>> -> memref<80xi32, #tpu.memory_space<hbm>>
      tpu.enqueue_dma source(%dma_start3A_58 : memref<80xi32, #tpu.memory_space<hbm>>) target(%dma_start3A_57 : memref<80xi32, #tpu.memory_space<vmem>>) target_semaphore(%run_scoped3A_50 : memref<!tpu.dma_semaphore, #tpu.memory_space<semaphore_mem>>)
      %dma_wait3A_59 = arith.constant 0 : i32
      %dma_wait3A_60 = tpu.memref_slice %arg8[%run_scoped3A_21, %dma_wait3A_59] : memref<4x80xi32, #tpu.memory_space<vmem>> -> memref<1x80xi32, #tpu.memory_space<vmem>>
      %dma_wait3A_61 = tpu.memref_squeeze %dma_wait3A_60 : memref<1x80xi32, #tpu.memory_space<vmem>> -> memref<80xi32, #tpu.memory_space<vmem>>
      %dma_wait3A_62 = tpu.memref_slice %arg4[%add3A_20] : memref<320000xi32, #tpu.memory_space<hbm>> -> memref<80xi32, #tpu.memory_space<hbm>>
      %dma_wait3A_63 = arith.constant 0 : i32
      %dma_wait3A_64 = tpu.memref_slice %arg8[%run_scoped3A_21, %dma_wait3A_63] : memref<4x80xi32, #tpu.memory_space<vmem>> -> memref<1x80xi32, #tpu.memory_space<vmem>>
      %dma_wait3A_65 = tpu.memref_squeeze %dma_wait3A_64 : memref<1x80xi32, #tpu.memory_space<vmem>> -> memref<80xi32, #tpu.memory_space<vmem>>
      %dma_wait3A_66 = tpu.memref_slice %arg4[%add3A_20] : memref<320000xi32, #tpu.memory_space<hbm>> -> memref<80xi32, #tpu.memory_space<hbm>>
      tpu.wait_dma2 semaphore(%run_scoped3A_50 : memref<!tpu.dma_semaphore, #tpu.memory_space<semaphore_mem>>) src(%dma_wait3A_66 : memref<80xi32, #tpu.memory_space<hbm>>) dst(%dma_wait3A_65 : memref<80xi32, #tpu.memory_space<vmem>>)
      tpu.yield
    }) : () -> ()
    %dma_start3A = arith.constant 0 : i32
    %dma_start3A_22 = arith.constant 0 : i32
    %dma_start3A_23 = arith.constant 0 : i32
    %dma_start3A_24 = arith.constant 0 : i32
    %dma_start3A_25 = tpu.memref_slice %arg9[%dma_start3A_22, %dma_start3A_23, %dma_start3A_24] : memref<4x80x128xf32, #tpu.memory_space<vmem>> -> memref<1x80x128xf32, #tpu.memory_space<vmem>>
    %dma_start3A_26 = tpu.memref_squeeze %dma_start3A_25 : memref<1x80x128xf32, #tpu.memory_space<vmem>> -> memref<80x128xf32, #tpu.memory_space<vmem>>
    %dma_start3A_27 = arith.constant 0 : i32
    %dma_start3A_28 = tpu.memref_slice %arg7[%dma_start3A, %dma_start3A_27] : memref<4x80xi32, #tpu.memory_space<vmem>> -> memref<1x80xi32, #tpu.memory_space<vmem>>
    %dma_start3A_29 = tpu.memref_squeeze %dma_start3A_28 : memref<1x80xi32, #tpu.memory_space<vmem>> -> memref<80xi32, #tpu.memory_space<vmem>>
    %dma_start3A_30 = arith.constant 0 : i32
    %dma_start3A_31 = arith.constant 0 : i32
    %dma_start3A_32 = tpu.memref_slice %arg2[%dma_start3A_30, %dma_start3A_31] : memref<10000x128xf32, #tpu.memory_space<hbm>> -> memref<10000x128xf32, #tpu.memory_space<hbm>>
    tpu.enqueue_indirect_dma source(%dma_start3A_32 : memref<10000x128xf32, #tpu.memory_space<hbm>>) target(%dma_start3A_26 : memref<80x128xf32, #tpu.memory_space<vmem>>) offsets(%dma_start3A_29 : memref<80xi32, #tpu.memory_space<vmem>>) semaphore(%arg10 : memref<!tpu.dma_semaphore, #tpu.memory_space<semaphore_mem>>)
    %dma_wait3A = arith.constant 0 : i32
    %dma_wait3A_33 = arith.constant 0 : i32
    %dma_wait3A_34 = arith.constant 0 : i32
    %dma_wait3A_35 = arith.constant 0 : i32
    %dma_wait3A_36 = tpu.memref_slice %arg9[%dma_wait3A_33, %dma_wait3A_34, %dma_wait3A_35] : memref<4x80x128xf32, #tpu.memory_space<vmem>> -> memref<1x80x128xf32, #tpu.memory_space<vmem>>
    %dma_wait3A_37 = tpu.memref_squeeze %dma_wait3A_36 : memref<1x80x128xf32, #tpu.memory_space<vmem>> -> memref<80x128xf32, #tpu.memory_space<vmem>>
    %dma_wait3A_38 = arith.constant 0 : i32
    %dma_wait3A_39 = tpu.memref_slice %arg7[%dma_wait3A, %dma_wait3A_38] : memref<4x80xi32, #tpu.memory_space<vmem>> -> memref<1x80xi32, #tpu.memory_space<vmem>>
    %dma_wait3A_40 = tpu.memref_squeeze %dma_wait3A_39 : memref<1x80xi32, #tpu.memory_space<vmem>> -> memref<80xi32, #tpu.memory_space<vmem>>
    %dma_wait3A_41 = arith.constant 0 : i32
    %dma_wait3A_42 = arith.constant 0 : i32
    %dma_wait3A_43 = tpu.memref_slice %arg2[%dma_wait3A_41, %dma_wait3A_42] : memref<10000x128xf32, #tpu.memory_space<hbm>> -> memref<10000x128xf32, #tpu.memory_space<hbm>>
    tpu.wait_indirect_dma semaphore(%arg10 : memref<!tpu.dma_semaphore, #tpu.memory_space<semaphore_mem>>) src(%dma_wait3A_43 : memref<10000x128xf32, #tpu.memory_space<hbm>>) dst(%dma_wait3A_37 : memref<80x128xf32, #tpu.memory_space<vmem>>)
    %run_scoped3A_44 = arith.constant 0 : i32
    %run_scoped3A_45 = arith.constant 0 : i32
    "tpu.region"() ({
      %run_scoped3A_50 = tpu.sem_alloc : memref<!tpu.dma_semaphore, #tpu.memory_space<semaphore_mem>>
      %dma_start3A_51 = arith.constant 0 : i32
      %dma_start3A_52 = arith.constant 0 : i32
      %dma_start3A_53 = tpu.memref_slice %arg9[%run_scoped3A_44, %dma_start3A_51, %dma_start3A_52] : memref<4x80x128xf32, #tpu.memory_space<vmem>> -> memref<1x80x128xf32, #tpu.memory_space<vmem>>
      %dma_start3A_54 = tpu.memref_squeeze %dma_start3A_53 : memref<1x80x128xf32, #tpu.memory_space<vmem>> -> memref<80x128xf32, #tpu.memory_space<vmem>>
      %dma_start3A_55 = arith.constant 0 : i32
      %dma_start3A_56 = tpu.memref_slice %arg8[%run_scoped3A_45, %dma_start3A_55] : memref<4x80xi32, #tpu.memory_space<vmem>> -> memref<1x80xi32, #tpu.memory_space<vmem>>
      %dma_start3A_57 = tpu.memref_squeeze %dma_start3A_56 : memref<1x80xi32, #tpu.memory_space<vmem>> -> memref<80xi32, #tpu.memory_space<vmem>>
      %dma_start3A_58 = arith.constant 0 : i32
      %dma_start3A_59 = arith.constant 0 : i32
      %dma_start3A_60 = tpu.memref_slice %arg14[%dma_start3A_58, %dma_start3A_59] : memref<10240x128xf32, #tpu.memory_space<vmem_shared>> -> memref<10240x128xf32, #tpu.memory_space<vmem_shared>>
      tpu.enqueue_indirect_dma source(%dma_start3A_54 : memref<80x128xf32, #tpu.memory_space<vmem>>) target(%dma_start3A_60 : memref<10240x128xf32, #tpu.memory_space<vmem_shared>>) offsets(%dma_start3A_57 : memref<80xi32, #tpu.memory_space<vmem>>) semaphore(%run_scoped3A_50 : memref<!tpu.dma_semaphore, #tpu.memory_space<semaphore_mem>>) {add = true}
      %dma_wait3A_61 = arith.constant 0 : i32
      %dma_wait3A_62 = arith.constant 0 : i32
      %dma_wait3A_63 = tpu.memref_slice %arg9[%run_scoped3A_44, %dma_wait3A_61, %dma_wait3A_62] : memref<4x80x128xf32, #tpu.memory_space<vmem>> -> memref<1x80x128xf32, #tpu.memory_space<vmem>>
      %dma_wait3A_64 = tpu.memref_squeeze %dma_wait3A_63 : memref<1x80x128xf32, #tpu.memory_space<vmem>> -> memref<80x128xf32, #tpu.memory_space<vmem>>
      %dma_wait3A_65 = arith.constant 0 : i32
      %dma_wait3A_66 = tpu.memref_slice %arg8[%run_scoped3A_45, %dma_wait3A_65] : memref<4x80xi32, #tpu.memory_space<vmem>> -> memref<1x80xi32, #tpu.memory_space<vmem>>
      %dma_wait3A_67 = tpu.memref_squeeze %dma_wait3A_66 : memref<1x80xi32, #tpu.memory_space<vmem>> -> memref<80xi32, #tpu.memory_space<vmem>>
      %dma_wait3A_68 = arith.constant 0 : i32
      %dma_wait3A_69 = arith.constant 0 : i32
      %dma_wait3A_70 = tpu.memref_slice %arg14[%dma_wait3A_68, %dma_wait3A_69] : memref<10240x128xf32, #tpu.memory_space<vmem_shared>> -> memref<10240x128xf32, #tpu.memory_space<vmem_shared>>
      tpu.wait_indirect_dma semaphore(%run_scoped3A_50 : memref<!tpu.dma_semaphore, #tpu.memory_space<semaphore_mem>>) src(%dma_wait3A_64 : memref<80x128xf32, #tpu.memory_space<vmem>>) dst(%dma_wait3A_70 : memref<10240x128xf32, #tpu.memory_space<vmem_shared>>)
      tpu.yield
    }) : () -> ()
    %barrier3A_46 = arith.constant 0 : index
    tpu.barrier barrier_id(%barrier3A_46)
    %mul3A_47 = arith.constant 10240 : i32
    %mul3A_48 = arith.muli %arg0, %mul3A_47 : i32
    %add3A_49 = arith.addi %mul3A_48, %mul3A_0 : i32
    "tpu.region"() ({
      %run_scoped3A_50 = tpu.sem_alloc : memref<!tpu.dma_semaphore, #tpu.memory_space<semaphore_mem>>
      %dma_start3A_51 = arith.constant 0 : i32
      %dma_start3A_52 = tpu.memref_slice %arg6[%add3A_49, %dma_start3A_51] : memref<20480x128xf32, #tpu.memory_space<hbm>> -> memref<640x128xf32, #tpu.memory_space<hbm>>
      %dma_start3A_53 = arith.constant 0 : i32
      %dma_start3A_54 = tpu.memref_slice %arg14[%mul3A_0, %dma_start3A_53] : memref<10240x128xf32, #tpu.memory_space<vmem_shared>> -> memref<640x128xf32, #tpu.memory_space<vmem_shared>>
      tpu.enqueue_dma source(%dma_start3A_54 : memref<640x128xf32, #tpu.memory_space<vmem_shared>>) target(%dma_start3A_52 : memref<640x128xf32, #tpu.memory_space<hbm>>) target_semaphore(%run_scoped3A_50 : memref<!tpu.dma_semaphore, #tpu.memory_space<semaphore_mem>>)
      %dma_wait3A_55 = arith.constant 0 : i32
      %dma_wait3A_56 = tpu.memref_slice %arg6[%add3A_49, %dma_wait3A_55] : memref<20480x128xf32, #tpu.memory_space<hbm>> -> memref<640x128xf32, #tpu.memory_space<hbm>>
      %dma_wait3A_57 = arith.constant 0 : i32
      %dma_wait3A_58 = tpu.memref_slice %arg14[%mul3A_0, %dma_wait3A_57] : memref<10240x128xf32, #tpu.memory_space<vmem_shared>> -> memref<640x128xf32, #tpu.memory_space<vmem_shared>>
      tpu.wait_dma2 semaphore(%run_scoped3A_50 : memref<!tpu.dma_semaphore, #tpu.memory_space<semaphore_mem>>) src(%dma_wait3A_58 : memref<640x128xf32, #tpu.memory_space<vmem_shared>>) dst(%dma_wait3A_56 : memref<640x128xf32, #tpu.memory_space<hbm>>)
      tpu.yield
    }) : () -> ()
    return
  }
}

#map = affine_map<(d0, d1) -> (0)>
#map1 = affine_map<(d0, d1) -> (0, 0)>
module attributes {stable_mosaic.version = 14 : i64} {
  func.func @k(%arg0: i32, %arg1: i32, %arg2: memref<320000xi32, #tpu.memory_space<hbm>>, %arg3: memref<320000x128xf32, #tpu.memory_space<hbm>>, %arg4: memref<128x128xf32, #tpu.memory_space<hbm>>, %arg5: memref<20480x128xf32, #tpu.memory_space<hbm>>, %arg6: memref<4x80xi32, #tpu.memory_space<vmem>>, %arg7: memref<4x80x128xf32, #tpu.memory_space<vmem>>, %arg8: memref<!tpu.dma_semaphore, #tpu.memory_space<semaphore_mem>>, %arg9: memref<!tpu.dma_semaphore, #tpu.memory_space<semaphore_mem>>, %arg10: memref<!tpu.dma_semaphore, #tpu.memory_space<semaphore_mem>>, %arg11: memref<!tpu.dma_semaphore, #tpu.memory_space<semaphore_mem>>, %arg12: memref<10240x128xf32, #tpu.memory_space<vmem_shared>>) attributes {dimension_semantics = [#tpu.dimension_semantics<core_parallel>, #tpu.dimension_semantics<subcore_parallel>], iteration_bounds = array<i64: 2, 16>, scalar_prefetch = 0 : i64, scratch_operands = 7 : i64, tpu.core_type = #tpu.core_type<sc_vector_subcore>, window_params = [{transform_indices = #map}, {transform_indices = #map1}, {transform_indices = #map1}, {transform_indices = #map1}]} {
    %mul3A = arith.constant 640 : i32
    %mul3A_0 = arith.muli %arg1, %mul3A : i32
    %add3A = arith.constant 0 : i32
    %add3A_1 = arith.addi %mul3A_0, %add3A : i32
    "tpu.region"() ({
      %run_scoped3A_51 = tpu.sem_alloc : memref<!tpu.dma_semaphore, #tpu.memory_space<semaphore_mem>>
      %dma_start3A_52 = arith.constant 0 : i32
      %dma_start3A_53 = tpu.memref_slice %arg12[%add3A_1, %dma_start3A_52] : memref<10240x128xf32, #tpu.memory_space<vmem_shared>> -> memref<128x128xf32, #tpu.memory_space<vmem_shared>>
      tpu.enqueue_dma source(%arg4 : memref<128x128xf32, #tpu.memory_space<hbm>>) target(%dma_start3A_53 : memref<128x128xf32, #tpu.memory_space<vmem_shared>>) target_semaphore(%run_scoped3A_51 : memref<!tpu.dma_semaphore, #tpu.memory_space<semaphore_mem>>)
      %dma_wait3A_54 = arith.constant 0 : i32
      %dma_wait3A_55 = tpu.memref_slice %arg12[%add3A_1, %dma_wait3A_54] : memref<10240x128xf32, #tpu.memory_space<vmem_shared>> -> memref<128x128xf32, #tpu.memory_space<vmem_shared>>
      tpu.wait_dma2 semaphore(%run_scoped3A_51 : memref<!tpu.dma_semaphore, #tpu.memory_space<semaphore_mem>>) src(%arg4 : memref<128x128xf32, #tpu.memory_space<hbm>>) dst(%dma_wait3A_55 : memref<128x128xf32, #tpu.memory_space<vmem_shared>>)
      tpu.yield
    }) : () -> ()
    %add3A_2 = arith.constant 128 : i32
    %add3A_3 = arith.addi %mul3A_0, %add3A_2 : i32
    "tpu.region"() ({
      %run_scoped3A_51 = tpu.sem_alloc : memref<!tpu.dma_semaphore, #tpu.memory_space<semaphore_mem>>
      %dma_start3A_52 = arith.constant 0 : i32
      %dma_start3A_53 = tpu.memref_slice %arg12[%add3A_3, %dma_start3A_52] : memref<10240x128xf32, #tpu.memory_space<vmem_shared>> -> memref<128x128xf32, #tpu.memory_space<vmem_shared>>
      tpu.enqueue_dma source(%arg4 : memref<128x128xf32, #tpu.memory_space<hbm>>) target(%dma_start3A_53 : memref<128x128xf32, #tpu.memory_space<vmem_shared>>) target_semaphore(%run_scoped3A_51 : memref<!tpu.dma_semaphore, #tpu.memory_space<semaphore_mem>>)
      %dma_wait3A_54 = arith.constant 0 : i32
      %dma_wait3A_55 = tpu.memref_slice %arg12[%add3A_3, %dma_wait3A_54] : memref<10240x128xf32, #tpu.memory_space<vmem_shared>> -> memref<128x128xf32, #tpu.memory_space<vmem_shared>>
      tpu.wait_dma2 semaphore(%run_scoped3A_51 : memref<!tpu.dma_semaphore, #tpu.memory_space<semaphore_mem>>) src(%arg4 : memref<128x128xf32, #tpu.memory_space<hbm>>) dst(%dma_wait3A_55 : memref<128x128xf32, #tpu.memory_space<vmem_shared>>)
      tpu.yield
    }) : () -> ()
    %add3A_4 = arith.constant 256 : i32
    %add3A_5 = arith.addi %mul3A_0, %add3A_4 : i32
    "tpu.region"() ({
      %run_scoped3A_51 = tpu.sem_alloc : memref<!tpu.dma_semaphore, #tpu.memory_space<semaphore_mem>>
      %dma_start3A_52 = arith.constant 0 : i32
      %dma_start3A_53 = tpu.memref_slice %arg12[%add3A_5, %dma_start3A_52] : memref<10240x128xf32, #tpu.memory_space<vmem_shared>> -> memref<128x128xf32, #tpu.memory_space<vmem_shared>>
      tpu.enqueue_dma source(%arg4 : memref<128x128xf32, #tpu.memory_space<hbm>>) target(%dma_start3A_53 : memref<128x128xf32, #tpu.memory_space<vmem_shared>>) target_semaphore(%run_scoped3A_51 : memref<!tpu.dma_semaphore, #tpu.memory_space<semaphore_mem>>)
      %dma_wait3A_54 = arith.constant 0 : i32
      %dma_wait3A_55 = tpu.memref_slice %arg12[%add3A_5, %dma_wait3A_54] : memref<10240x128xf32, #tpu.memory_space<vmem_shared>> -> memref<128x128xf32, #tpu.memory_space<vmem_shared>>
      tpu.wait_dma2 semaphore(%run_scoped3A_51 : memref<!tpu.dma_semaphore, #tpu.memory_space<semaphore_mem>>) src(%arg4 : memref<128x128xf32, #tpu.memory_space<hbm>>) dst(%dma_wait3A_55 : memref<128x128xf32, #tpu.memory_space<vmem_shared>>)
      tpu.yield
    }) : () -> ()
    %add3A_6 = arith.constant 384 : i32
    %add3A_7 = arith.addi %mul3A_0, %add3A_6 : i32
    "tpu.region"() ({
      %run_scoped3A_51 = tpu.sem_alloc : memref<!tpu.dma_semaphore, #tpu.memory_space<semaphore_mem>>
      %dma_start3A_52 = arith.constant 0 : i32
      %dma_start3A_53 = tpu.memref_slice %arg12[%add3A_7, %dma_start3A_52] : memref<10240x128xf32, #tpu.memory_space<vmem_shared>> -> memref<128x128xf32, #tpu.memory_space<vmem_shared>>
      tpu.enqueue_dma source(%arg4 : memref<128x128xf32, #tpu.memory_space<hbm>>) target(%dma_start3A_53 : memref<128x128xf32, #tpu.memory_space<vmem_shared>>) target_semaphore(%run_scoped3A_51 : memref<!tpu.dma_semaphore, #tpu.memory_space<semaphore_mem>>)
      %dma_wait3A_54 = arith.constant 0 : i32
      %dma_wait3A_55 = tpu.memref_slice %arg12[%add3A_7, %dma_wait3A_54] : memref<10240x128xf32, #tpu.memory_space<vmem_shared>> -> memref<128x128xf32, #tpu.memory_space<vmem_shared>>
      tpu.wait_dma2 semaphore(%run_scoped3A_51 : memref<!tpu.dma_semaphore, #tpu.memory_space<semaphore_mem>>) src(%arg4 : memref<128x128xf32, #tpu.memory_space<hbm>>) dst(%dma_wait3A_55 : memref<128x128xf32, #tpu.memory_space<vmem_shared>>)
      tpu.yield
    }) : () -> ()
    %add3A_8 = arith.constant 512 : i32
    %add3A_9 = arith.addi %mul3A_0, %add3A_8 : i32
    "tpu.region"() ({
      %run_scoped3A_51 = tpu.sem_alloc : memref<!tpu.dma_semaphore, #tpu.memory_space<semaphore_mem>>
      %dma_start3A_52 = arith.constant 0 : i32
      %dma_start3A_53 = tpu.memref_slice %arg12[%add3A_9, %dma_start3A_52] : memref<10240x128xf32, #tpu.memory_space<vmem_shared>> -> memref<128x128xf32, #tpu.memory_space<vmem_shared>>
      tpu.enqueue_dma source(%arg4 : memref<128x128xf32, #tpu.memory_space<hbm>>) target(%dma_start3A_53 : memref<128x128xf32, #tpu.memory_space<vmem_shared>>) target_semaphore(%run_scoped3A_51 : memref<!tpu.dma_semaphore, #tpu.memory_space<semaphore_mem>>)
      %dma_wait3A_54 = arith.constant 0 : i32
      %dma_wait3A_55 = tpu.memref_slice %arg12[%add3A_9, %dma_wait3A_54] : memref<10240x128xf32, #tpu.memory_space<vmem_shared>> -> memref<128x128xf32, #tpu.memory_space<vmem_shared>>
      tpu.wait_dma2 semaphore(%run_scoped3A_51 : memref<!tpu.dma_semaphore, #tpu.memory_space<semaphore_mem>>) src(%arg4 : memref<128x128xf32, #tpu.memory_space<hbm>>) dst(%dma_wait3A_55 : memref<128x128xf32, #tpu.memory_space<vmem_shared>>)
      tpu.yield
    }) : () -> ()
    %barrier3A = arith.constant 0 : index
    tpu.barrier barrier_id(%barrier3A)
    %mul3A_10 = arith.constant 2 : i32
    %mul3A_11 = arith.muli %arg1, %mul3A_10 : i32
    %add3A_12 = arith.addi %mul3A_11, %arg0 : i32
    %mul3A_13 = arith.constant 10000 : i32
    %mul3A_14 = arith.muli %add3A_12, %mul3A_13 : i32
    %scan3A = arith.constant 0 : i32
    %scan3A_15 = arith.constant 31 : i32
    %scan3A_16 = arith.addi %scan3A, %scan3A_15 : i32
    %scan3A_17 = arith.constant 1 : i32
    scf.for %scan3A_51 = %scan3A to %scan3A_16 step %scan3A_17  : i32 {
      %mul3A_52 = arith.constant 1 : i32
      %mul3A_53 = arith.muli %scan3A_51, %mul3A_52 : i32
      %add3A_54 = arith.constant 0 : i32
      %add3A_55 = arith.addi %add3A_54, %mul3A_53 : i32
      %mul3A_56 = arith.constant 4 : i32
      %mul3A_57 = arith.muli %add3A_55, %mul3A_56 : i32
      %add3A_58 = arith.constant 0 : i32
      %add3A_59 = arith.addi %mul3A_57, %add3A_58 : i32
      %mul3A_60 = arith.constant 80 : i32
      %mul3A_61 = arith.muli %add3A_59, %mul3A_60 : i32
      %add3A_62 = arith.addi %mul3A_14, %mul3A_61 : i32
      %run_scoped3A_63 = arith.constant 0 : i32
      "tpu.region"() ({
        %run_scoped3A_200 = tpu.sem_alloc : memref<!tpu.dma_semaphore, #tpu.memory_space<semaphore_mem>>
        %dma_start3A_201 = arith.constant 0 : i32
        %dma_start3A_202 = tpu.memref_slice %arg6[%run_scoped3A_63, %dma_start3A_201] : memref<4x80xi32, #tpu.memory_space<vmem>> -> memref<1x80xi32, #tpu.memory_space<vmem>>
        %dma_start3A_203 = tpu.memref_squeeze %dma_start3A_202 : memref<1x80xi32, #tpu.memory_space<vmem>> -> memref<80xi32, #tpu.memory_space<vmem>>
        %dma_start3A_204 = tpu.memref_slice %arg2[%add3A_62] : memref<320000xi32, #tpu.memory_space<hbm>> -> memref<80xi32, #tpu.memory_space<hbm>>
        %dma_start3A_205 = arith.constant 0 : i32
        %dma_start3A_206 = tpu.memref_slice %arg6[%run_scoped3A_63, %dma_start3A_205] : memref<4x80xi32, #tpu.memory_space<vmem>> -> memref<1x80xi32, #tpu.memory_space<vmem>>
        %dma_start3A_207 = tpu.memref_squeeze %dma_start3A_206 : memref<1x80xi32, #tpu.memory_space<vmem>> -> memref<80xi32, #tpu.memory_space<vmem>>
        %dma_start3A_208 = tpu.memref_slice %arg2[%add3A_62] : memref<320000xi32, #tpu.memory_space<hbm>> -> memref<80xi32, #tpu.memory_space<hbm>>
        tpu.enqueue_dma source(%dma_start3A_208 : memref<80xi32, #tpu.memory_space<hbm>>) target(%dma_start3A_207 : memref<80xi32, #tpu.memory_space<vmem>>) target_semaphore(%run_scoped3A_200 : memref<!tpu.dma_semaphore, #tpu.memory_space<semaphore_mem>>)
        %dma_wait3A_209 = arith.constant 0 : i32
        %dma_wait3A_210 = tpu.memref_slice %arg6[%run_scoped3A_63, %dma_wait3A_209] : memref<4x80xi32, #tpu.memory_space<vmem>> -> memref<1x80xi32, #tpu.memory_space<vmem>>
        %dma_wait3A_211 = tpu.memref_squeeze %dma_wait3A_210 : memref<1x80xi32, #tpu.memory_space<vmem>> -> memref<80xi32, #tpu.memory_space<vmem>>
        %dma_wait3A_212 = tpu.memref_slice %arg2[%add3A_62] : memref<320000xi32, #tpu.memory_space<hbm>> -> memref<80xi32, #tpu.memory_space<hbm>>
        %dma_wait3A_213 = arith.constant 0 : i32
        %dma_wait3A_214 = tpu.memref_slice %arg6[%run_scoped3A_63, %dma_wait3A_213] : memref<4x80xi32, #tpu.memory_space<vmem>> -> memref<1x80xi32, #tpu.memory_space<vmem>>
        %dma_wait3A_215 = tpu.memref_squeeze %dma_wait3A_214 : memref<1x80xi32, #tpu.memory_space<vmem>> -> memref<80xi32, #tpu.memory_space<vmem>>
        %dma_wait3A_216 = tpu.memref_slice %arg2[%add3A_62] : memref<320000xi32, #tpu.memory_space<hbm>> -> memref<80xi32, #tpu.memory_space<hbm>>
        tpu.wait_dma2 semaphore(%run_scoped3A_200 : memref<!tpu.dma_semaphore, #tpu.memory_space<semaphore_mem>>) src(%dma_wait3A_216 : memref<80xi32, #tpu.memory_space<hbm>>) dst(%dma_wait3A_215 : memref<80xi32, #tpu.memory_space<vmem>>)
        tpu.yield
      }) : () -> ()
      %dma_start3A_64 = arith.constant 0 : i32
      %dma_start3A_65 = arith.constant 0 : i32
      %dma_start3A_66 = arith.constant 0 : i32
      %dma_start3A_67 = tpu.memref_slice %arg7[%dma_start3A_64, %dma_start3A_65, %dma_start3A_66] : memref<4x80x128xf32, #tpu.memory_space<vmem>> -> memref<1x80x128xf32, #tpu.memory_space<vmem>>
      %dma_start3A_68 = tpu.memref_squeeze %dma_start3A_67 : memref<1x80x128xf32, #tpu.memory_space<vmem>> -> memref<80x128xf32, #tpu.memory_space<vmem>>
      %dma_start3A_69 = arith.constant 0 : i32
      %dma_start3A_70 = tpu.memref_slice %arg3[%add3A_62, %dma_start3A_69] : memref<320000x128xf32, #tpu.memory_space<hbm>> -> memref<80x128xf32, #tpu.memory_space<hbm>>
      %dma_start3A_71 = arith.constant 0 : i32
      %dma_start3A_72 = arith.constant 0 : i32
      %dma_start3A_73 = tpu.memref_slice %arg7[%dma_start3A_64, %dma_start3A_71, %dma_start3A_72] : memref<4x80x128xf32, #tpu.memory_space<vmem>> -> memref<1x80x128xf32, #tpu.memory_space<vmem>>
      %dma_start3A_74 = tpu.memref_squeeze %dma_start3A_73 : memref<1x80x128xf32, #tpu.memory_space<vmem>> -> memref<80x128xf32, #tpu.memory_space<vmem>>
      %dma_start3A_75 = arith.constant 0 : i32
      %dma_start3A_76 = tpu.memref_slice %arg3[%add3A_62, %dma_start3A_75] : memref<320000x128xf32, #tpu.memory_space<hbm>> -> memref<80x128xf32, #tpu.memory_space<hbm>>
      tpu.enqueue_dma source(%dma_start3A_76 : memref<80x128xf32, #tpu.memory_space<hbm>>) target(%dma_start3A_74 : memref<80x128xf32, #tpu.memory_space<vmem>>) target_semaphore(%arg8 : memref<!tpu.dma_semaphore, #tpu.memory_space<semaphore_mem>>)
      %mul3A_77 = arith.constant 4 : i32
      %mul3A_78 = arith.muli %add3A_55, %mul3A_77 : i32
      %add3A_79 = arith.constant 1 : i32
      %add3A_80 = arith.addi %mul3A_78, %add3A_79 : i32
      %mul3A_81 = arith.constant 80 : i32
      %mul3A_82 = arith.muli %add3A_80, %mul3A_81 : i32
      %add3A_83 = arith.addi %mul3A_14, %mul3A_82 : i32
      %run_scoped3A_84 = arith.constant 1 : i32
      "tpu.region"() ({
        %run_scoped3A_200 = tpu.sem_alloc : memref<!tpu.dma_semaphore, #tpu.memory_space<semaphore_mem>>
        %dma_start3A_201 = arith.constant 0 : i32
        %dma_start3A_202 = tpu.memref_slice %arg6[%run_scoped3A_84, %dma_start3A_201] : memref<4x80xi32, #tpu.memory_space<vmem>> -> memref<1x80xi32, #tpu.memory_space<vmem>>
        %dma_start3A_203 = tpu.memref_squeeze %dma_start3A_202 : memref<1x80xi32, #tpu.memory_space<vmem>> -> memref<80xi32, #tpu.memory_space<vmem>>
        %dma_start3A_204 = tpu.memref_slice %arg2[%add3A_83] : memref<320000xi32, #tpu.memory_space<hbm>> -> memref<80xi32, #tpu.memory_space<hbm>>
        %dma_start3A_205 = arith.constant 0 : i32
        %dma_start3A_206 = tpu.memref_slice %arg6[%run_scoped3A_84, %dma_start3A_205] : memref<4x80xi32, #tpu.memory_space<vmem>> -> memref<1x80xi32, #tpu.memory_space<vmem>>
        %dma_start3A_207 = tpu.memref_squeeze %dma_start3A_206 : memref<1x80xi32, #tpu.memory_space<vmem>> -> memref<80xi32, #tpu.memory_space<vmem>>
        %dma_start3A_208 = tpu.memref_slice %arg2[%add3A_83] : memref<320000xi32, #tpu.memory_space<hbm>> -> memref<80xi32, #tpu.memory_space<hbm>>
        tpu.enqueue_dma source(%dma_start3A_208 : memref<80xi32, #tpu.memory_space<hbm>>) target(%dma_start3A_207 : memref<80xi32, #tpu.memory_space<vmem>>) target_semaphore(%run_scoped3A_200 : memref<!tpu.dma_semaphore, #tpu.memory_space<semaphore_mem>>)
        %dma_wait3A_209 = arith.constant 0 : i32
        %dma_wait3A_210 = tpu.memref_slice %arg6[%run_scoped3A_84, %dma_wait3A_209] : memref<4x80xi32, #tpu.memory_space<vmem>> -> memref<1x80xi32, #tpu.memory_space<vmem>>
        %dma_wait3A_211 = tpu.memref_squeeze %dma_wait3A_210 : memref<1x80xi32, #tpu.memory_space<vmem>> -> memref<80xi32, #tpu.memory_space<vmem>>
        %dma_wait3A_212 = tpu.memref_slice %arg2[%add3A_83] : memref<320000xi32, #tpu.memory_space<hbm>> -> memref<80xi32, #tpu.memory_space<hbm>>
        %dma_wait3A_213 = arith.constant 0 : i32
        %dma_wait3A_214 = tpu.memref_slice %arg6[%run_scoped3A_84, %dma_wait3A_213] : memref<4x80xi32, #tpu.memory_space<vmem>> -> memref<1x80xi32, #tpu.memory_space<vmem>>
        %dma_wait3A_215 = tpu.memref_squeeze %dma_wait3A_214 : memref<1x80xi32, #tpu.memory_space<vmem>> -> memref<80xi32, #tpu.memory_space<vmem>>
        %dma_wait3A_216 = tpu.memref_slice %arg2[%add3A_83] : memref<320000xi32, #tpu.memory_space<hbm>> -> memref<80xi32, #tpu.memory_space<hbm>>
        tpu.wait_dma2 semaphore(%run_scoped3A_200 : memref<!tpu.dma_semaphore, #tpu.memory_space<semaphore_mem>>) src(%dma_wait3A_216 : memref<80xi32, #tpu.memory_space<hbm>>) dst(%dma_wait3A_215 : memref<80xi32, #tpu.memory_space<vmem>>)
        tpu.yield
      }) : () -> ()
      %dma_start3A_85 = arith.constant 1 : i32
      %dma_start3A_86 = arith.constant 0 : i32
      %dma_start3A_87 = arith.constant 0 : i32
      %dma_start3A_88 = tpu.memref_slice %arg7[%dma_start3A_85, %dma_start3A_86, %dma_start3A_87] : memref<4x80x128xf32, #tpu.memory_space<vmem>> -> memref<1x80x128xf32, #tpu.memory_space<vmem>>
      %dma_start3A_89 = tpu.memref_squeeze %dma_start3A_88 : memref<1x80x128xf32, #tpu.memory_space<vmem>> -> memref<80x128xf32, #tpu.memory_space<vmem>>
      %dma_start3A_90 = arith.constant 0 : i32
      %dma_start3A_91 = tpu.memref_slice %arg3[%add3A_83, %dma_start3A_90] : memref<320000x128xf32, #tpu.memory_space<hbm>> -> memref<80x128xf32, #tpu.memory_space<hbm>>
      %dma_start3A_92 = arith.constant 0 : i32
      %dma_start3A_93 = arith.constant 0 : i32
      %dma_start3A_94 = tpu.memref_slice %arg7[%dma_start3A_85, %dma_start3A_92, %dma_start3A_93] : memref<4x80x128xf32, #tpu.memory_space<vmem>> -> memref<1x80x128xf32, #tpu.memory_space<vmem>>
      %dma_start3A_95 = tpu.memref_squeeze %dma_start3A_94 : memref<1x80x128xf32, #tpu.memory_space<vmem>> -> memref<80x128xf32, #tpu.memory_space<vmem>>
      %dma_start3A_96 = arith.constant 0 : i32
      %dma_start3A_97 = tpu.memref_slice %arg3[%add3A_83, %dma_start3A_96] : memref<320000x128xf32, #tpu.memory_space<hbm>> -> memref<80x128xf32, #tpu.memory_space<hbm>>
      tpu.enqueue_dma source(%dma_start3A_97 : memref<80x128xf32, #tpu.memory_space<hbm>>) target(%dma_start3A_95 : memref<80x128xf32, #tpu.memory_space<vmem>>) target_semaphore(%arg9 : memref<!tpu.dma_semaphore, #tpu.memory_space<semaphore_mem>>)
      %mul3A_98 = arith.constant 4 : i32
      %mul3A_99 = arith.muli %add3A_55, %mul3A_98 : i32
      %add3A_100 = arith.constant 2 : i32
      %add3A_101 = arith.addi %mul3A_99, %add3A_100 : i32
      %mul3A_102 = arith.constant 80 : i32
      %mul3A_103 = arith.muli %add3A_101, %mul3A_102 : i32
      %add3A_104 = arith.addi %mul3A_14, %mul3A_103 : i32
      %run_scoped3A_105 = arith.constant 2 : i32
      "tpu.region"() ({
        %run_scoped3A_200 = tpu.sem_alloc : memref<!tpu.dma_semaphore, #tpu.memory_space<semaphore_mem>>
        %dma_start3A_201 = arith.constant 0 : i32
        %dma_start3A_202 = tpu.memref_slice %arg6[%run_scoped3A_105, %dma_start3A_201] : memref<4x80xi32, #tpu.memory_space<vmem>> -> memref<1x80xi32, #tpu.memory_space<vmem>>
        %dma_start3A_203 = tpu.memref_squeeze %dma_start3A_202 : memref<1x80xi32, #tpu.memory_space<vmem>> -> memref<80xi32, #tpu.memory_space<vmem>>
        %dma_start3A_204 = tpu.memref_slice %arg2[%add3A_104] : memref<320000xi32, #tpu.memory_space<hbm>> -> memref<80xi32, #tpu.memory_space<hbm>>
        %dma_start3A_205 = arith.constant 0 : i32
        %dma_start3A_206 = tpu.memref_slice %arg6[%run_scoped3A_105, %dma_start3A_205] : memref<4x80xi32, #tpu.memory_space<vmem>> -> memref<1x80xi32, #tpu.memory_space<vmem>>
        %dma_start3A_207 = tpu.memref_squeeze %dma_start3A_206 : memref<1x80xi32, #tpu.memory_space<vmem>> -> memref<80xi32, #tpu.memory_space<vmem>>
        %dma_start3A_208 = tpu.memref_slice %arg2[%add3A_104] : memref<320000xi32, #tpu.memory_space<hbm>> -> memref<80xi32, #tpu.memory_space<hbm>>
        tpu.enqueue_dma source(%dma_start3A_208 : memref<80xi32, #tpu.memory_space<hbm>>) target(%dma_start3A_207 : memref<80xi32, #tpu.memory_space<vmem>>) target_semaphore(%run_scoped3A_200 : memref<!tpu.dma_semaphore, #tpu.memory_space<semaphore_mem>>)
        %dma_wait3A_209 = arith.constant 0 : i32
        %dma_wait3A_210 = tpu.memref_slice %arg6[%run_scoped3A_105, %dma_wait3A_209] : memref<4x80xi32, #tpu.memory_space<vmem>> -> memref<1x80xi32, #tpu.memory_space<vmem>>
        %dma_wait3A_211 = tpu.memref_squeeze %dma_wait3A_210 : memref<1x80xi32, #tpu.memory_space<vmem>> -> memref<80xi32, #tpu.memory_space<vmem>>
        %dma_wait3A_212 = tpu.memref_slice %arg2[%add3A_104] : memref<320000xi32, #tpu.memory_space<hbm>> -> memref<80xi32, #tpu.memory_space<hbm>>
        %dma_wait3A_213 = arith.constant 0 : i32
        %dma_wait3A_214 = tpu.memref_slice %arg6[%run_scoped3A_105, %dma_wait3A_213] : memref<4x80xi32, #tpu.memory_space<vmem>> -> memref<1x80xi32, #tpu.memory_space<vmem>>
        %dma_wait3A_215 = tpu.memref_squeeze %dma_wait3A_214 : memref<1x80xi32, #tpu.memory_space<vmem>> -> memref<80xi32, #tpu.memory_space<vmem>>
        %dma_wait3A_216 = tpu.memref_slice %arg2[%add3A_104] : memref<320000xi32, #tpu.memory_space<hbm>> -> memref<80xi32, #tpu.memory_space<hbm>>
        tpu.wait_dma2 semaphore(%run_scoped3A_200 : memref<!tpu.dma_semaphore, #tpu.memory_space<semaphore_mem>>) src(%dma_wait3A_216 : memref<80xi32, #tpu.memory_space<hbm>>) dst(%dma_wait3A_215 : memref<80xi32, #tpu.memory_space<vmem>>)
        tpu.yield
      }) : () -> ()
      %dma_start3A_106 = arith.constant 2 : i32
      %dma_start3A_107 = arith.constant 0 : i32
      %dma_start3A_108 = arith.constant 0 : i32
      %dma_start3A_109 = tpu.memref_slice %arg7[%dma_start3A_106, %dma_start3A_107, %dma_start3A_108] : memref<4x80x128xf32, #tpu.memory_space<vmem>> -> memref<1x80x128xf32, #tpu.memory_space<vmem>>
      %dma_start3A_110 = tpu.memref_squeeze %dma_start3A_109 : memref<1x80x128xf32, #tpu.memory_space<vmem>> -> memref<80x128xf32, #tpu.memory_space<vmem>>
      %dma_start3A_111 = arith.constant 0 : i32
      %dma_start3A_112 = tpu.memref_slice %arg3[%add3A_104, %dma_start3A_111] : memref<320000x128xf32, #tpu.memory_space<hbm>> -> memref<80x128xf32, #tpu.memory_space<hbm>>
      %dma_start3A_113 = arith.constant 0 : i32
      %dma_start3A_114 = arith.constant 0 : i32
      %dma_start3A_115 = tpu.memref_slice %arg7[%dma_start3A_106, %dma_start3A_113, %dma_start3A_114] : memref<4x80x128xf32, #tpu.memory_space<vmem>> -> memref<1x80x128xf32, #tpu.memory_space<vmem>>
      %dma_start3A_116 = tpu.memref_squeeze %dma_start3A_115 : memref<1x80x128xf32, #tpu.memory_space<vmem>> -> memref<80x128xf32, #tpu.memory_space<vmem>>
      %dma_start3A_117 = arith.constant 0 : i32
      %dma_start3A_118 = tpu.memref_slice %arg3[%add3A_104, %dma_start3A_117] : memref<320000x128xf32, #tpu.memory_space<hbm>> -> memref<80x128xf32, #tpu.memory_space<hbm>>
      tpu.enqueue_dma source(%dma_start3A_118 : memref<80x128xf32, #tpu.memory_space<hbm>>) target(%dma_start3A_116 : memref<80x128xf32, #tpu.memory_space<vmem>>) target_semaphore(%arg10 : memref<!tpu.dma_semaphore, #tpu.memory_space<semaphore_mem>>)
      %mul3A_119 = arith.constant 4 : i32
      %mul3A_120 = arith.muli %add3A_55, %mul3A_119 : i32
      %add3A_121 = arith.constant 3 : i32
      %add3A_122 = arith.addi %mul3A_120, %add3A_121 : i32
      %mul3A_123 = arith.constant 80 : i32
      %mul3A_124 = arith.muli %add3A_122, %mul3A_123 : i32
      %add3A_125 = arith.addi %mul3A_14, %mul3A_124 : i32
      %run_scoped3A_126 = arith.constant 3 : i32
      "tpu.region"() ({
        %run_scoped3A_200 = tpu.sem_alloc : memref<!tpu.dma_semaphore, #tpu.memory_space<semaphore_mem>>
        %dma_start3A_201 = arith.constant 0 : i32
        %dma_start3A_202 = tpu.memref_slice %arg6[%run_scoped3A_126, %dma_start3A_201] : memref<4x80xi32, #tpu.memory_space<vmem>> -> memref<1x80xi32, #tpu.memory_space<vmem>>
        %dma_start3A_203 = tpu.memref_squeeze %dma_start3A_202 : memref<1x80xi32, #tpu.memory_space<vmem>> -> memref<80xi32, #tpu.memory_space<vmem>>
        %dma_start3A_204 = tpu.memref_slice %arg2[%add3A_125] : memref<320000xi32, #tpu.memory_space<hbm>> -> memref<80xi32, #tpu.memory_space<hbm>>
        %dma_start3A_205 = arith.constant 0 : i32
        %dma_start3A_206 = tpu.memref_slice %arg6[%run_scoped3A_126, %dma_start3A_205] : memref<4x80xi32, #tpu.memory_space<vmem>> -> memref<1x80xi32, #tpu.memory_space<vmem>>
        %dma_start3A_207 = tpu.memref_squeeze %dma_start3A_206 : memref<1x80xi32, #tpu.memory_space<vmem>> -> memref<80xi32, #tpu.memory_space<vmem>>
        %dma_start3A_208 = tpu.memref_slice %arg2[%add3A_125] : memref<320000xi32, #tpu.memory_space<hbm>> -> memref<80xi32, #tpu.memory_space<hbm>>
        tpu.enqueue_dma source(%dma_start3A_208 : memref<80xi32, #tpu.memory_space<hbm>>) target(%dma_start3A_207 : memref<80xi32, #tpu.memory_space<vmem>>) target_semaphore(%run_scoped3A_200 : memref<!tpu.dma_semaphore, #tpu.memory_space<semaphore_mem>>)
        %dma_wait3A_209 = arith.constant 0 : i32
        %dma_wait3A_210 = tpu.memref_slice %arg6[%run_scoped3A_126, %dma_wait3A_209] : memref<4x80xi32, #tpu.memory_space<vmem>> -> memref<1x80xi32, #tpu.memory_space<vmem>>
        %dma_wait3A_211 = tpu.memref_squeeze %dma_wait3A_210 : memref<1x80xi32, #tpu.memory_space<vmem>> -> memref<80xi32, #tpu.memory_space<vmem>>
        %dma_wait3A_212 = tpu.memref_slice %arg2[%add3A_125] : memref<320000xi32, #tpu.memory_space<hbm>> -> memref<80xi32, #tpu.memory_space<hbm>>
        %dma_wait3A_213 = arith.constant 0 : i32
        %dma_wait3A_214 = tpu.memref_slice %arg6[%run_scoped3A_126, %dma_wait3A_213] : memref<4x80xi32, #tpu.memory_space<vmem>> -> memref<1x80xi32, #tpu.memory_space<vmem>>
        %dma_wait3A_215 = tpu.memref_squeeze %dma_wait3A_214 : memref<1x80xi32, #tpu.memory_space<vmem>> -> memref<80xi32, #tpu.memory_space<vmem>>
        %dma_wait3A_216 = tpu.memref_slice %arg2[%add3A_125] : memref<320000xi32, #tpu.memory_space<hbm>> -> memref<80xi32, #tpu.memory_space<hbm>>
        tpu.wait_dma2 semaphore(%run_scoped3A_200 : memref<!tpu.dma_semaphore, #tpu.memory_space<semaphore_mem>>) src(%dma_wait3A_216 : memref<80xi32, #tpu.memory_space<hbm>>) dst(%dma_wait3A_215 : memref<80xi32, #tpu.memory_space<vmem>>)
        tpu.yield
      }) : () -> ()
      %dma_start3A_127 = arith.constant 3 : i32
      %dma_start3A_128 = arith.constant 0 : i32
      %dma_start3A_129 = arith.constant 0 : i32
      %dma_start3A_130 = tpu.memref_slice %arg7[%dma_start3A_127, %dma_start3A_128, %dma_start3A_129] : memref<4x80x128xf32, #tpu.memory_space<vmem>> -> memref<1x80x128xf32, #tpu.memory_space<vmem>>
      %dma_start3A_131 = tpu.memref_squeeze %dma_start3A_130 : memref<1x80x128xf32, #tpu.memory_space<vmem>> -> memref<80x128xf32, #tpu.memory_space<vmem>>
      %dma_start3A_132 = arith.constant 0 : i32
      %dma_start3A_133 = tpu.memref_slice %arg3[%add3A_125, %dma_start3A_132] : memref<320000x128xf32, #tpu.memory_space<hbm>> -> memref<80x128xf32, #tpu.memory_space<hbm>>
      %dma_start3A_134 = arith.constant 0 : i32
      %dma_start3A_135 = arith.constant 0 : i32
      %dma_start3A_136 = tpu.memref_slice %arg7[%dma_start3A_127, %dma_start3A_134, %dma_start3A_135] : memref<4x80x128xf32, #tpu.memory_space<vmem>> -> memref<1x80x128xf32, #tpu.memory_space<vmem>>
      %dma_start3A_137 = tpu.memref_squeeze %dma_start3A_136 : memref<1x80x128xf32, #tpu.memory_space<vmem>> -> memref<80x128xf32, #tpu.memory_space<vmem>>
      %dma_start3A_138 = arith.constant 0 : i32
      %dma_start3A_139 = tpu.memref_slice %arg3[%add3A_125, %dma_start3A_138] : memref<320000x128xf32, #tpu.memory_space<hbm>> -> memref<80x128xf32, #tpu.memory_space<hbm>>
      tpu.enqueue_dma source(%dma_start3A_139 : memref<80x128xf32, #tpu.memory_space<hbm>>) target(%dma_start3A_137 : memref<80x128xf32, #tpu.memory_space<vmem>>) target_semaphore(%arg11 : memref<!tpu.dma_semaphore, #tpu.memory_space<semaphore_mem>>)
      %dma_wait3A_140 = arith.constant 0 : i32
      %dma_wait3A_141 = arith.constant 0 : i32
      %dma_wait3A_142 = arith.constant 0 : i32
      %dma_wait3A_143 = tpu.memref_slice %arg7[%dma_wait3A_140, %dma_wait3A_141, %dma_wait3A_142] : memref<4x80x128xf32, #tpu.memory_space<vmem>> -> memref<1x80x128xf32, #tpu.memory_space<vmem>>
      %dma_wait3A_144 = tpu.memref_squeeze %dma_wait3A_143 : memref<1x80x128xf32, #tpu.memory_space<vmem>> -> memref<80x128xf32, #tpu.memory_space<vmem>>
      %dma_wait3A_145 = arith.constant 0 : i32
      %dma_wait3A_146 = tpu.memref_slice %arg3[%add3A_62, %dma_wait3A_145] : memref<320000x128xf32, #tpu.memory_space<hbm>> -> memref<80x128xf32, #tpu.memory_space<hbm>>
      %dma_wait3A_147 = arith.constant 0 : i32
      %dma_wait3A_148 = arith.constant 0 : i32
      %dma_wait3A_149 = tpu.memref_slice %arg7[%dma_wait3A_140, %dma_wait3A_147, %dma_wait3A_148] : memref<4x80x128xf32, #tpu.memory_space<vmem>> -> memref<1x80x128xf32, #tpu.memory_space<vmem>>
      %dma_wait3A_150 = tpu.memref_squeeze %dma_wait3A_149 : memref<1x80x128xf32, #tpu.memory_space<vmem>> -> memref<80x128xf32, #tpu.memory_space<vmem>>
      %dma_wait3A_151 = arith.constant 0 : i32
      %dma_wait3A_152 = tpu.memref_slice %arg3[%add3A_62, %dma_wait3A_151] : memref<320000x128xf32, #tpu.memory_space<hbm>> -> memref<80x128xf32, #tpu.memory_space<hbm>>
      tpu.wait_dma2 semaphore(%arg8 : memref<!tpu.dma_semaphore, #tpu.memory_space<semaphore_mem>>) src(%dma_wait3A_152 : memref<80x128xf32, #tpu.memory_space<hbm>>) dst(%dma_wait3A_150 : memref<80x128xf32, #tpu.memory_space<vmem>>)
      %run_scoped3A_153 = arith.constant 0 : i32
      %run_scoped3A_154 = arith.constant 0 : i32
      "tpu.region"() ({
        %run_scoped3A_200 = tpu.sem_alloc : memref<!tpu.dma_semaphore, #tpu.memory_space<semaphore_mem>>
        %dma_start3A_201 = arith.constant 0 : i32
        %dma_start3A_202 = arith.constant 0 : i32
        %dma_start3A_203 = tpu.memref_slice %arg7[%run_scoped3A_153, %dma_start3A_201, %dma_start3A_202] : memref<4x80x128xf32, #tpu.memory_space<vmem>> -> memref<1x80x128xf32, #tpu.memory_space<vmem>>
        %dma_start3A_204 = tpu.memref_squeeze %dma_start3A_203 : memref<1x80x128xf32, #tpu.memory_space<vmem>> -> memref<80x128xf32, #tpu.memory_space<vmem>>
        %dma_start3A_205 = arith.constant 0 : i32
        %dma_start3A_206 = tpu.memref_slice %arg6[%run_scoped3A_154, %dma_start3A_205] : memref<4x80xi32, #tpu.memory_space<vmem>> -> memref<1x80xi32, #tpu.memory_space<vmem>>
        %dma_start3A_207 = tpu.memref_squeeze %dma_start3A_206 : memref<1x80xi32, #tpu.memory_space<vmem>> -> memref<80xi32, #tpu.memory_space<vmem>>
        %dma_start3A_208 = arith.constant 0 : i32
        %dma_start3A_209 = arith.constant 0 : i32
        %dma_start3A_210 = tpu.memref_slice %arg12[%dma_start3A_208, %dma_start3A_209] : memref<10240x128xf32, #tpu.memory_space<vmem_shared>> -> memref<10240x128xf32, #tpu.memory_space<vmem_shared>>
        tpu.enqueue_indirect_dma source(%dma_start3A_204 : memref<80x128xf32, #tpu.memory_space<vmem>>) target(%dma_start3A_210 : memref<10240x128xf32, #tpu.memory_space<vmem_shared>>) offsets(%dma_start3A_207 : memref<80xi32, #tpu.memory_space<vmem>>) semaphore(%run_scoped3A_200 : memref<!tpu.dma_semaphore, #tpu.memory_space<semaphore_mem>>) {add = true}
        %dma_wait3A_211 = arith.constant 0 : i32
        %dma_wait3A_212 = arith.constant 0 : i32
        %dma_wait3A_213 = tpu.memref_slice %arg7[%run_scoped3A_153, %dma_wait3A_211, %dma_wait3A_212] : memref<4x80x128xf32, #tpu.memory_space<vmem>> -> memref<1x80x128xf32, #tpu.memory_space<vmem>>
        %dma_wait3A_214 = tpu.memref_squeeze %dma_wait3A_213 : memref<1x80x128xf32, #tpu.memory_space<vmem>> -> memref<80x128xf32, #tpu.memory_space<vmem>>
        %dma_wait3A_215 = arith.constant 0 : i32
        %dma_wait3A_216 = tpu.memref_slice %arg6[%run_scoped3A_154, %dma_wait3A_215] : memref<4x80xi32, #tpu.memory_space<vmem>> -> memref<1x80xi32, #tpu.memory_space<vmem>>
        %dma_wait3A_217 = tpu.memref_squeeze %dma_wait3A_216 : memref<1x80xi32, #tpu.memory_space<vmem>> -> memref<80xi32, #tpu.memory_space<vmem>>
        %dma_wait3A_218 = arith.constant 0 : i32
        %dma_wait3A_219 = arith.constant 0 : i32
        %dma_wait3A_220 = tpu.memref_slice %arg12[%dma_wait3A_218, %dma_wait3A_219] : memref<10240x128xf32, #tpu.memory_space<vmem_shared>> -> memref<10240x128xf32, #tpu.memory_space<vmem_shared>>
        tpu.wait_indirect_dma semaphore(%run_scoped3A_200 : memref<!tpu.dma_semaphore, #tpu.memory_space<semaphore_mem>>) src(%dma_wait3A_214 : memref<80x128xf32, #tpu.memory_space<vmem>>) dst(%dma_wait3A_220 : memref<10240x128xf32, #tpu.memory_space<vmem_shared>>)
        tpu.yield
      }) : () -> ()
      %dma_wait3A_155 = arith.constant 1 : i32
      %dma_wait3A_156 = arith.constant 0 : i32
      %dma_wait3A_157 = arith.constant 0 : i32
      %dma_wait3A_158 = tpu.memref_slice %arg7[%dma_wait3A_155, %dma_wait3A_156, %dma_wait3A_157] : memref<4x80x128xf32, #tpu.memory_space<vmem>> -> memref<1x80x128xf32, #tpu.memory_space<vmem>>
      %dma_wait3A_159 = tpu.memref_squeeze %dma_wait3A_158 : memref<1x80x128xf32, #tpu.memory_space<vmem>> -> memref<80x128xf32, #tpu.memory_space<vmem>>
      %dma_wait3A_160 = arith.constant 0 : i32
      %dma_wait3A_161 = tpu.memref_slice %arg3[%add3A_83, %dma_wait3A_160] : memref<320000x128xf32, #tpu.memory_space<hbm>> -> memref<80x128xf32, #tpu.memory_space<hbm>>
      %dma_wait3A_162 = arith.constant 0 : i32
      %dma_wait3A_163 = arith.constant 0 : i32
      %dma_wait3A_164 = tpu.memref_slice %arg7[%dma_wait3A_155, %dma_wait3A_162, %dma_wait3A_163] : memref<4x80x128xf32, #tpu.memory_space<vmem>> -> memref<1x80x128xf32, #tpu.memory_space<vmem>>
      %dma_wait3A_165 = tpu.memref_squeeze %dma_wait3A_164 : memref<1x80x128xf32, #tpu.memory_space<vmem>> -> memref<80x128xf32, #tpu.memory_space<vmem>>
      %dma_wait3A_166 = arith.constant 0 : i32
      %dma_wait3A_167 = tpu.memref_slice %arg3[%add3A_83, %dma_wait3A_166] : memref<320000x128xf32, #tpu.memory_space<hbm>> -> memref<80x128xf32, #tpu.memory_space<hbm>>
      tpu.wait_dma2 semaphore(%arg9 : memref<!tpu.dma_semaphore, #tpu.memory_space<semaphore_mem>>) src(%dma_wait3A_167 : memref<80x128xf32, #tpu.memory_space<hbm>>) dst(%dma_wait3A_165 : memref<80x128xf32, #tpu.memory_space<vmem>>)
      %run_scoped3A_168 = arith.constant 1 : i32
      %run_scoped3A_169 = arith.constant 1 : i32
      "tpu.region"() ({
        %run_scoped3A_200 = tpu.sem_alloc : memref<!tpu.dma_semaphore, #tpu.memory_space<semaphore_mem>>
        %dma_start3A_201 = arith.constant 0 : i32
        %dma_start3A_202 = arith.constant 0 : i32
        %dma_start3A_203 = tpu.memref_slice %arg7[%run_scoped3A_168, %dma_start3A_201, %dma_start3A_202] : memref<4x80x128xf32, #tpu.memory_space<vmem>> -> memref<1x80x128xf32, #tpu.memory_space<vmem>>
        %dma_start3A_204 = tpu.memref_squeeze %dma_start3A_203 : memref<1x80x128xf32, #tpu.memory_space<vmem>> -> memref<80x128xf32, #tpu.memory_space<vmem>>
        %dma_start3A_205 = arith.constant 0 : i32
        %dma_start3A_206 = tpu.memref_slice %arg6[%run_scoped3A_169, %dma_start3A_205] : memref<4x80xi32, #tpu.memory_space<vmem>> -> memref<1x80xi32, #tpu.memory_space<vmem>>
        %dma_start3A_207 = tpu.memref_squeeze %dma_start3A_206 : memref<1x80xi32, #tpu.memory_space<vmem>> -> memref<80xi32, #tpu.memory_space<vmem>>
        %dma_start3A_208 = arith.constant 0 : i32
        %dma_start3A_209 = arith.constant 0 : i32
        %dma_start3A_210 = tpu.memref_slice %arg12[%dma_start3A_208, %dma_start3A_209] : memref<10240x128xf32, #tpu.memory_space<vmem_shared>> -> memref<10240x128xf32, #tpu.memory_space<vmem_shared>>
        tpu.enqueue_indirect_dma source(%dma_start3A_204 : memref<80x128xf32, #tpu.memory_space<vmem>>) target(%dma_start3A_210 : memref<10240x128xf32, #tpu.memory_space<vmem_shared>>) offsets(%dma_start3A_207 : memref<80xi32, #tpu.memory_space<vmem>>) semaphore(%run_scoped3A_200 : memref<!tpu.dma_semaphore, #tpu.memory_space<semaphore_mem>>) {add = true}
        %dma_wait3A_211 = arith.constant 0 : i32
        %dma_wait3A_212 = arith.constant 0 : i32
        %dma_wait3A_213 = tpu.memref_slice %arg7[%run_scoped3A_168, %dma_wait3A_211, %dma_wait3A_212] : memref<4x80x128xf32, #tpu.memory_space<vmem>> -> memref<1x80x128xf32, #tpu.memory_space<vmem>>
        %dma_wait3A_214 = tpu.memref_squeeze %dma_wait3A_213 : memref<1x80x128xf32, #tpu.memory_space<vmem>> -> memref<80x128xf32, #tpu.memory_space<vmem>>
        %dma_wait3A_215 = arith.constant 0 : i32
        %dma_wait3A_216 = tpu.memref_slice %arg6[%run_scoped3A_169, %dma_wait3A_215] : memref<4x80xi32, #tpu.memory_space<vmem>> -> memref<1x80xi32, #tpu.memory_space<vmem>>
        %dma_wait3A_217 = tpu.memref_squeeze %dma_wait3A_216 : memref<1x80xi32, #tpu.memory_space<vmem>> -> memref<80xi32, #tpu.memory_space<vmem>>
        %dma_wait3A_218 = arith.constant 0 : i32
        %dma_wait3A_219 = arith.constant 0 : i32
        %dma_wait3A_220 = tpu.memref_slice %arg12[%dma_wait3A_218, %dma_wait3A_219] : memref<10240x128xf32, #tpu.memory_space<vmem_shared>> -> memref<10240x128xf32, #tpu.memory_space<vmem_shared>>
        tpu.wait_indirect_dma semaphore(%run_scoped3A_200 : memref<!tpu.dma_semaphore, #tpu.memory_space<semaphore_mem>>) src(%dma_wait3A_214 : memref<80x128xf32, #tpu.memory_space<vmem>>) dst(%dma_wait3A_220 : memref<10240x128xf32, #tpu.memory_space<vmem_shared>>)
        tpu.yield
      }) : () -> ()
      %dma_wait3A_170 = arith.constant 2 : i32
      %dma_wait3A_171 = arith.constant 0 : i32
      %dma_wait3A_172 = arith.constant 0 : i32
      %dma_wait3A_173 = tpu.memref_slice %arg7[%dma_wait3A_170, %dma_wait3A_171, %dma_wait3A_172] : memref<4x80x128xf32, #tpu.memory_space<vmem>> -> memref<1x80x128xf32, #tpu.memory_space<vmem>>
      %dma_wait3A_174 = tpu.memref_squeeze %dma_wait3A_173 : memref<1x80x128xf32, #tpu.memory_space<vmem>> -> memref<80x128xf32, #tpu.memory_space<vmem>>
      %dma_wait3A_175 = arith.constant 0 : i32
      %dma_wait3A_176 = tpu.memref_slice %arg3[%add3A_104, %dma_wait3A_175] : memref<320000x128xf32, #tpu.memory_space<hbm>> -> memref<80x128xf32, #tpu.memory_space<hbm>>
      %dma_wait3A_177 = arith.constant 0 : i32
      %dma_wait3A_178 = arith.constant 0 : i32
      %dma_wait3A_179 = tpu.memref_slice %arg7[%dma_wait3A_170, %dma_wait3A_177, %dma_wait3A_178] : memref<4x80x128xf32, #tpu.memory_space<vmem>> -> memref<1x80x128xf32, #tpu.memory_space<vmem>>
      %dma_wait3A_180 = tpu.memref_squeeze %dma_wait3A_179 : memref<1x80x128xf32, #tpu.memory_space<vmem>> -> memref<80x128xf32, #tpu.memory_space<vmem>>
      %dma_wait3A_181 = arith.constant 0 : i32
      %dma_wait3A_182 = tpu.memref_slice %arg3[%add3A_104, %dma_wait3A_181] : memref<320000x128xf32, #tpu.memory_space<hbm>> -> memref<80x128xf32, #tpu.memory_space<hbm>>
      tpu.wait_dma2 semaphore(%arg10 : memref<!tpu.dma_semaphore, #tpu.memory_space<semaphore_mem>>) src(%dma_wait3A_182 : memref<80x128xf32, #tpu.memory_space<hbm>>) dst(%dma_wait3A_180 : memref<80x128xf32, #tpu.memory_space<vmem>>)
      %run_scoped3A_183 = arith.constant 2 : i32
      %run_scoped3A_184 = arith.constant 2 : i32
      "tpu.region"() ({
        %run_scoped3A_200 = tpu.sem_alloc : memref<!tpu.dma_semaphore, #tpu.memory_space<semaphore_mem>>
        %dma_start3A_201 = arith.constant 0 : i32
        %dma_start3A_202 = arith.constant 0 : i32
        %dma_start3A_203 = tpu.memref_slice %arg7[%run_scoped3A_183, %dma_start3A_201, %dma_start3A_202] : memref<4x80x128xf32, #tpu.memory_space<vmem>> -> memref<1x80x128xf32, #tpu.memory_space<vmem>>
        %dma_start3A_204 = tpu.memref_squeeze %dma_start3A_203 : memref<1x80x128xf32, #tpu.memory_space<vmem>> -> memref<80x128xf32, #tpu.memory_space<vmem>>
        %dma_start3A_205 = arith.constant 0 : i32
        %dma_start3A_206 = tpu.memref_slice %arg6[%run_scoped3A_184, %dma_start3A_205] : memref<4x80xi32, #tpu.memory_space<vmem>> -> memref<1x80xi32, #tpu.memory_space<vmem>>
        %dma_start3A_207 = tpu.memref_squeeze %dma_start3A_206 : memref<1x80xi32, #tpu.memory_space<vmem>> -> memref<80xi32, #tpu.memory_space<vmem>>
        %dma_start3A_208 = arith.constant 0 : i32
        %dma_start3A_209 = arith.constant 0 : i32
        %dma_start3A_210 = tpu.memref_slice %arg12[%dma_start3A_208, %dma_start3A_209] : memref<10240x128xf32, #tpu.memory_space<vmem_shared>> -> memref<10240x128xf32, #tpu.memory_space<vmem_shared>>
        tpu.enqueue_indirect_dma source(%dma_start3A_204 : memref<80x128xf32, #tpu.memory_space<vmem>>) target(%dma_start3A_210 : memref<10240x128xf32, #tpu.memory_space<vmem_shared>>) offsets(%dma_start3A_207 : memref<80xi32, #tpu.memory_space<vmem>>) semaphore(%run_scoped3A_200 : memref<!tpu.dma_semaphore, #tpu.memory_space<semaphore_mem>>) {add = true}
        %dma_wait3A_211 = arith.constant 0 : i32
        %dma_wait3A_212 = arith.constant 0 : i32
        %dma_wait3A_213 = tpu.memref_slice %arg7[%run_scoped3A_183, %dma_wait3A_211, %dma_wait3A_212] : memref<4x80x128xf32, #tpu.memory_space<vmem>> -> memref<1x80x128xf32, #tpu.memory_space<vmem>>
        %dma_wait3A_214 = tpu.memref_squeeze %dma_wait3A_213 : memref<1x80x128xf32, #tpu.memory_space<vmem>> -> memref<80x128xf32, #tpu.memory_space<vmem>>
        %dma_wait3A_215 = arith.constant 0 : i32
        %dma_wait3A_216 = tpu.memref_slice %arg6[%run_scoped3A_184, %dma_wait3A_215] : memref<4x80xi32, #tpu.memory_space<vmem>> -> memref<1x80xi32, #tpu.memory_space<vmem>>
        %dma_wait3A_217 = tpu.memref_squeeze %dma_wait3A_216 : memref<1x80xi32, #tpu.memory_space<vmem>> -> memref<80xi32, #tpu.memory_space<vmem>>
        %dma_wait3A_218 = arith.constant 0 : i32
        %dma_wait3A_219 = arith.constant 0 : i32
        %dma_wait3A_220 = tpu.memref_slice %arg12[%dma_wait3A_218, %dma_wait3A_219] : memref<10240x128xf32, #tpu.memory_space<vmem_shared>> -> memref<10240x128xf32, #tpu.memory_space<vmem_shared>>
        tpu.wait_indirect_dma semaphore(%run_scoped3A_200 : memref<!tpu.dma_semaphore, #tpu.memory_space<semaphore_mem>>) src(%dma_wait3A_214 : memref<80x128xf32, #tpu.memory_space<vmem>>) dst(%dma_wait3A_220 : memref<10240x128xf32, #tpu.memory_space<vmem_shared>>)
        tpu.yield
      }) : () -> ()
      %dma_wait3A_185 = arith.constant 3 : i32
      %dma_wait3A_186 = arith.constant 0 : i32
      %dma_wait3A_187 = arith.constant 0 : i32
      %dma_wait3A_188 = tpu.memref_slice %arg7[%dma_wait3A_185, %dma_wait3A_186, %dma_wait3A_187] : memref<4x80x128xf32, #tpu.memory_space<vmem>> -> memref<1x80x128xf32, #tpu.memory_space<vmem>>
      %dma_wait3A_189 = tpu.memref_squeeze %dma_wait3A_188 : memref<1x80x128xf32, #tpu.memory_space<vmem>> -> memref<80x128xf32, #tpu.memory_space<vmem>>
      %dma_wait3A_190 = arith.constant 0 : i32
      %dma_wait3A_191 = tpu.memref_slice %arg3[%add3A_125, %dma_wait3A_190] : memref<320000x128xf32, #tpu.memory_space<hbm>> -> memref<80x128xf32, #tpu.memory_space<hbm>>
      %dma_wait3A_192 = arith.constant 0 : i32
      %dma_wait3A_193 = arith.constant 0 : i32
      %dma_wait3A_194 = tpu.memref_slice %arg7[%dma_wait3A_185, %dma_wait3A_192, %dma_wait3A_193] : memref<4x80x128xf32, #tpu.memory_space<vmem>> -> memref<1x80x128xf32, #tpu.memory_space<vmem>>
      %dma_wait3A_195 = tpu.memref_squeeze %dma_wait3A_194 : memref<1x80x128xf32, #tpu.memory_space<vmem>> -> memref<80x128xf32, #tpu.memory_space<vmem>>
      %dma_wait3A_196 = arith.constant 0 : i32
      %dma_wait3A_197 = tpu.memref_slice %arg3[%add3A_125, %dma_wait3A_196] : memref<320000x128xf32, #tpu.memory_space<hbm>> -> memref<80x128xf32, #tpu.memory_space<hbm>>
      tpu.wait_dma2 semaphore(%arg11 : memref<!tpu.dma_semaphore, #tpu.memory_space<semaphore_mem>>) src(%dma_wait3A_197 : memref<80x128xf32, #tpu.memory_space<hbm>>) dst(%dma_wait3A_195 : memref<80x128xf32, #tpu.memory_space<vmem>>)
      %run_scoped3A_198 = arith.constant 3 : i32
      %run_scoped3A_199 = arith.constant 3 : i32
      "tpu.region"() ({
        %run_scoped3A_200 = tpu.sem_alloc : memref<!tpu.dma_semaphore, #tpu.memory_space<semaphore_mem>>
        %dma_start3A_201 = arith.constant 0 : i32
        %dma_start3A_202 = arith.constant 0 : i32
        %dma_start3A_203 = tpu.memref_slice %arg7[%run_scoped3A_198, %dma_start3A_201, %dma_start3A_202] : memref<4x80x128xf32, #tpu.memory_space<vmem>> -> memref<1x80x128xf32, #tpu.memory_space<vmem>>
        %dma_start3A_204 = tpu.memref_squeeze %dma_start3A_203 : memref<1x80x128xf32, #tpu.memory_space<vmem>> -> memref<80x128xf32, #tpu.memory_space<vmem>>
        %dma_start3A_205 = arith.constant 0 : i32
        %dma_start3A_206 = tpu.memref_slice %arg6[%run_scoped3A_199, %dma_start3A_205] : memref<4x80xi32, #tpu.memory_space<vmem>> -> memref<1x80xi32, #tpu.memory_space<vmem>>
        %dma_start3A_207 = tpu.memref_squeeze %dma_start3A_206 : memref<1x80xi32, #tpu.memory_space<vmem>> -> memref<80xi32, #tpu.memory_space<vmem>>
        %dma_start3A_208 = arith.constant 0 : i32
        %dma_start3A_209 = arith.constant 0 : i32
        %dma_start3A_210 = tpu.memref_slice %arg12[%dma_start3A_208, %dma_start3A_209] : memref<10240x128xf32, #tpu.memory_space<vmem_shared>> -> memref<10240x128xf32, #tpu.memory_space<vmem_shared>>
        tpu.enqueue_indirect_dma source(%dma_start3A_204 : memref<80x128xf32, #tpu.memory_space<vmem>>) target(%dma_start3A_210 : memref<10240x128xf32, #tpu.memory_space<vmem_shared>>) offsets(%dma_start3A_207 : memref<80xi32, #tpu.memory_space<vmem>>) semaphore(%run_scoped3A_200 : memref<!tpu.dma_semaphore, #tpu.memory_space<semaphore_mem>>) {add = true}
        %dma_wait3A_211 = arith.constant 0 : i32
        %dma_wait3A_212 = arith.constant 0 : i32
        %dma_wait3A_213 = tpu.memref_slice %arg7[%run_scoped3A_198, %dma_wait3A_211, %dma_wait3A_212] : memref<4x80x128xf32, #tpu.memory_space<vmem>> -> memref<1x80x128xf32, #tpu.memory_space<vmem>>
        %dma_wait3A_214 = tpu.memref_squeeze %dma_wait3A_213 : memref<1x80x128xf32, #tpu.memory_space<vmem>> -> memref<80x128xf32, #tpu.memory_space<vmem>>
        %dma_wait3A_215 = arith.constant 0 : i32
        %dma_wait3A_216 = tpu.memref_slice %arg6[%run_scoped3A_199, %dma_wait3A_215] : memref<4x80xi32, #tpu.memory_space<vmem>> -> memref<1x80xi32, #tpu.memory_space<vmem>>
        %dma_wait3A_217 = tpu.memref_squeeze %dma_wait3A_216 : memref<1x80xi32, #tpu.memory_space<vmem>> -> memref<80xi32, #tpu.memory_space<vmem>>
        %dma_wait3A_218 = arith.constant 0 : i32
        %dma_wait3A_219 = arith.constant 0 : i32
        %dma_wait3A_220 = tpu.memref_slice %arg12[%dma_wait3A_218, %dma_wait3A_219] : memref<10240x128xf32, #tpu.memory_space<vmem_shared>> -> memref<10240x128xf32, #tpu.memory_space<vmem_shared>>
        tpu.wait_indirect_dma semaphore(%run_scoped3A_200 : memref<!tpu.dma_semaphore, #tpu.memory_space<semaphore_mem>>) src(%dma_wait3A_214 : memref<80x128xf32, #tpu.memory_space<vmem>>) dst(%dma_wait3A_220 : memref<10240x128xf32, #tpu.memory_space<vmem_shared>>)
        tpu.yield
      }) : () -> ()
    }
    %scan3A_18 = arith.constant 31 : i32
    %add3A_19 = arith.constant 9920 : i32
    %add3A_20 = arith.addi %mul3A_14, %add3A_19 : i32
    %run_scoped3A = arith.constant 0 : i32
    "tpu.region"() ({
      %run_scoped3A_51 = tpu.sem_alloc : memref<!tpu.dma_semaphore, #tpu.memory_space<semaphore_mem>>
      %dma_start3A_52 = arith.constant 0 : i32
      %dma_start3A_53 = tpu.memref_slice %arg6[%run_scoped3A, %dma_start3A_52] : memref<4x80xi32, #tpu.memory_space<vmem>> -> memref<1x80xi32, #tpu.memory_space<vmem>>
      %dma_start3A_54 = tpu.memref_squeeze %dma_start3A_53 : memref<1x80xi32, #tpu.memory_space<vmem>> -> memref<80xi32, #tpu.memory_space<vmem>>
      %dma_start3A_55 = tpu.memref_slice %arg2[%add3A_20] : memref<320000xi32, #tpu.memory_space<hbm>> -> memref<80xi32, #tpu.memory_space<hbm>>
      %dma_start3A_56 = arith.constant 0 : i32
      %dma_start3A_57 = tpu.memref_slice %arg6[%run_scoped3A, %dma_start3A_56] : memref<4x80xi32, #tpu.memory_space<vmem>> -> memref<1x80xi32, #tpu.memory_space<vmem>>
      %dma_start3A_58 = tpu.memref_squeeze %dma_start3A_57 : memref<1x80xi32, #tpu.memory_space<vmem>> -> memref<80xi32, #tpu.memory_space<vmem>>
      %dma_start3A_59 = tpu.memref_slice %arg2[%add3A_20] : memref<320000xi32, #tpu.memory_space<hbm>> -> memref<80xi32, #tpu.memory_space<hbm>>
      tpu.enqueue_dma source(%dma_start3A_59 : memref<80xi32, #tpu.memory_space<hbm>>) target(%dma_start3A_58 : memref<80xi32, #tpu.memory_space<vmem>>) target_semaphore(%run_scoped3A_51 : memref<!tpu.dma_semaphore, #tpu.memory_space<semaphore_mem>>)
      %dma_wait3A_60 = arith.constant 0 : i32
      %dma_wait3A_61 = tpu.memref_slice %arg6[%run_scoped3A, %dma_wait3A_60] : memref<4x80xi32, #tpu.memory_space<vmem>> -> memref<1x80xi32, #tpu.memory_space<vmem>>
      %dma_wait3A_62 = tpu.memref_squeeze %dma_wait3A_61 : memref<1x80xi32, #tpu.memory_space<vmem>> -> memref<80xi32, #tpu.memory_space<vmem>>
      %dma_wait3A_63 = tpu.memref_slice %arg2[%add3A_20] : memref<320000xi32, #tpu.memory_space<hbm>> -> memref<80xi32, #tpu.memory_space<hbm>>
      %dma_wait3A_64 = arith.constant 0 : i32
      %dma_wait3A_65 = tpu.memref_slice %arg6[%run_scoped3A, %dma_wait3A_64] : memref<4x80xi32, #tpu.memory_space<vmem>> -> memref<1x80xi32, #tpu.memory_space<vmem>>
      %dma_wait3A_66 = tpu.memref_squeeze %dma_wait3A_65 : memref<1x80xi32, #tpu.memory_space<vmem>> -> memref<80xi32, #tpu.memory_space<vmem>>
      %dma_wait3A_67 = tpu.memref_slice %arg2[%add3A_20] : memref<320000xi32, #tpu.memory_space<hbm>> -> memref<80xi32, #tpu.memory_space<hbm>>
      tpu.wait_dma2 semaphore(%run_scoped3A_51 : memref<!tpu.dma_semaphore, #tpu.memory_space<semaphore_mem>>) src(%dma_wait3A_67 : memref<80xi32, #tpu.memory_space<hbm>>) dst(%dma_wait3A_66 : memref<80xi32, #tpu.memory_space<vmem>>)
      tpu.yield
    }) : () -> ()
    %dma_start3A = arith.constant 0 : i32
    %dma_start3A_21 = arith.constant 0 : i32
    %dma_start3A_22 = arith.constant 0 : i32
    %dma_start3A_23 = tpu.memref_slice %arg7[%dma_start3A, %dma_start3A_21, %dma_start3A_22] : memref<4x80x128xf32, #tpu.memory_space<vmem>> -> memref<1x80x128xf32, #tpu.memory_space<vmem>>
    %dma_start3A_24 = tpu.memref_squeeze %dma_start3A_23 : memref<1x80x128xf32, #tpu.memory_space<vmem>> -> memref<80x128xf32, #tpu.memory_space<vmem>>
    %dma_start3A_25 = arith.constant 0 : i32
    %dma_start3A_26 = tpu.memref_slice %arg3[%add3A_20, %dma_start3A_25] : memref<320000x128xf32, #tpu.memory_space<hbm>> -> memref<80x128xf32, #tpu.memory_space<hbm>>
    %dma_start3A_27 = arith.constant 0 : i32
    %dma_start3A_28 = arith.constant 0 : i32
    %dma_start3A_29 = tpu.memref_slice %arg7[%dma_start3A, %dma_start3A_27, %dma_start3A_28] : memref<4x80x128xf32, #tpu.memory_space<vmem>> -> memref<1x80x128xf32, #tpu.memory_space<vmem>>
    %dma_start3A_30 = tpu.memref_squeeze %dma_start3A_29 : memref<1x80x128xf32, #tpu.memory_space<vmem>> -> memref<80x128xf32, #tpu.memory_space<vmem>>
    %dma_start3A_31 = arith.constant 0 : i32
    %dma_start3A_32 = tpu.memref_slice %arg3[%add3A_20, %dma_start3A_31] : memref<320000x128xf32, #tpu.memory_space<hbm>> -> memref<80x128xf32, #tpu.memory_space<hbm>>
    tpu.enqueue_dma source(%dma_start3A_32 : memref<80x128xf32, #tpu.memory_space<hbm>>) target(%dma_start3A_30 : memref<80x128xf32, #tpu.memory_space<vmem>>) target_semaphore(%arg8 : memref<!tpu.dma_semaphore, #tpu.memory_space<semaphore_mem>>)
    %dma_wait3A = arith.constant 0 : i32
    %dma_wait3A_33 = arith.constant 0 : i32
    %dma_wait3A_34 = arith.constant 0 : i32
    %dma_wait3A_35 = tpu.memref_slice %arg7[%dma_wait3A, %dma_wait3A_33, %dma_wait3A_34] : memref<4x80x128xf32, #tpu.memory_space<vmem>> -> memref<1x80x128xf32, #tpu.memory_space<vmem>>
    %dma_wait3A_36 = tpu.memref_squeeze %dma_wait3A_35 : memref<1x80x128xf32, #tpu.memory_space<vmem>> -> memref<80x128xf32, #tpu.memory_space<vmem>>
    %dma_wait3A_37 = arith.constant 0 : i32
    %dma_wait3A_38 = tpu.memref_slice %arg3[%add3A_20, %dma_wait3A_37] : memref<320000x128xf32, #tpu.memory_space<hbm>> -> memref<80x128xf32, #tpu.memory_space<hbm>>
    %dma_wait3A_39 = arith.constant 0 : i32
    %dma_wait3A_40 = arith.constant 0 : i32
    %dma_wait3A_41 = tpu.memref_slice %arg7[%dma_wait3A, %dma_wait3A_39, %dma_wait3A_40] : memref<4x80x128xf32, #tpu.memory_space<vmem>> -> memref<1x80x128xf32, #tpu.memory_space<vmem>>
    %dma_wait3A_42 = tpu.memref_squeeze %dma_wait3A_41 : memref<1x80x128xf32, #tpu.memory_space<vmem>> -> memref<80x128xf32, #tpu.memory_space<vmem>>
    %dma_wait3A_43 = arith.constant 0 : i32
    %dma_wait3A_44 = tpu.memref_slice %arg3[%add3A_20, %dma_wait3A_43] : memref<320000x128xf32, #tpu.memory_space<hbm>> -> memref<80x128xf32, #tpu.memory_space<hbm>>
    tpu.wait_dma2 semaphore(%arg8 : memref<!tpu.dma_semaphore, #tpu.memory_space<semaphore_mem>>) src(%dma_wait3A_44 : memref<80x128xf32, #tpu.memory_space<hbm>>) dst(%dma_wait3A_42 : memref<80x128xf32, #tpu.memory_space<vmem>>)
    %run_scoped3A_45 = arith.constant 0 : i32
    %run_scoped3A_46 = arith.constant 0 : i32
    "tpu.region"() ({
      %run_scoped3A_51 = tpu.sem_alloc : memref<!tpu.dma_semaphore, #tpu.memory_space<semaphore_mem>>
      %dma_start3A_52 = arith.constant 0 : i32
      %dma_start3A_53 = arith.constant 0 : i32
      %dma_start3A_54 = tpu.memref_slice %arg7[%run_scoped3A_45, %dma_start3A_52, %dma_start3A_53] : memref<4x80x128xf32, #tpu.memory_space<vmem>> -> memref<1x80x128xf32, #tpu.memory_space<vmem>>
      %dma_start3A_55 = tpu.memref_squeeze %dma_start3A_54 : memref<1x80x128xf32, #tpu.memory_space<vmem>> -> memref<80x128xf32, #tpu.memory_space<vmem>>
      %dma_start3A_56 = arith.constant 0 : i32
      %dma_start3A_57 = tpu.memref_slice %arg6[%run_scoped3A_46, %dma_start3A_56] : memref<4x80xi32, #tpu.memory_space<vmem>> -> memref<1x80xi32, #tpu.memory_space<vmem>>
      %dma_start3A_58 = tpu.memref_squeeze %dma_start3A_57 : memref<1x80xi32, #tpu.memory_space<vmem>> -> memref<80xi32, #tpu.memory_space<vmem>>
      %dma_start3A_59 = arith.constant 0 : i32
      %dma_start3A_60 = arith.constant 0 : i32
      %dma_start3A_61 = tpu.memref_slice %arg12[%dma_start3A_59, %dma_start3A_60] : memref<10240x128xf32, #tpu.memory_space<vmem_shared>> -> memref<10240x128xf32, #tpu.memory_space<vmem_shared>>
      tpu.enqueue_indirect_dma source(%dma_start3A_55 : memref<80x128xf32, #tpu.memory_space<vmem>>) target(%dma_start3A_61 : memref<10240x128xf32, #tpu.memory_space<vmem_shared>>) offsets(%dma_start3A_58 : memref<80xi32, #tpu.memory_space<vmem>>) semaphore(%run_scoped3A_51 : memref<!tpu.dma_semaphore, #tpu.memory_space<semaphore_mem>>) {add = true}
      %dma_wait3A_62 = arith.constant 0 : i32
      %dma_wait3A_63 = arith.constant 0 : i32
      %dma_wait3A_64 = tpu.memref_slice %arg7[%run_scoped3A_45, %dma_wait3A_62, %dma_wait3A_63] : memref<4x80x128xf32, #tpu.memory_space<vmem>> -> memref<1x80x128xf32, #tpu.memory_space<vmem>>
      %dma_wait3A_65 = tpu.memref_squeeze %dma_wait3A_64 : memref<1x80x128xf32, #tpu.memory_space<vmem>> -> memref<80x128xf32, #tpu.memory_space<vmem>>
      %dma_wait3A_66 = arith.constant 0 : i32
      %dma_wait3A_67 = tpu.memref_slice %arg6[%run_scoped3A_46, %dma_wait3A_66] : memref<4x80xi32, #tpu.memory_space<vmem>> -> memref<1x80xi32, #tpu.memory_space<vmem>>
      %dma_wait3A_68 = tpu.memref_squeeze %dma_wait3A_67 : memref<1x80xi32, #tpu.memory_space<vmem>> -> memref<80xi32, #tpu.memory_space<vmem>>
      %dma_wait3A_69 = arith.constant 0 : i32
      %dma_wait3A_70 = arith.constant 0 : i32
      %dma_wait3A_71 = tpu.memref_slice %arg12[%dma_wait3A_69, %dma_wait3A_70] : memref<10240x128xf32, #tpu.memory_space<vmem_shared>> -> memref<10240x128xf32, #tpu.memory_space<vmem_shared>>
      tpu.wait_indirect_dma semaphore(%run_scoped3A_51 : memref<!tpu.dma_semaphore, #tpu.memory_space<semaphore_mem>>) src(%dma_wait3A_65 : memref<80x128xf32, #tpu.memory_space<vmem>>) dst(%dma_wait3A_71 : memref<10240x128xf32, #tpu.memory_space<vmem_shared>>)
      tpu.yield
    }) : () -> ()
    %barrier3A_47 = arith.constant 0 : index
    tpu.barrier barrier_id(%barrier3A_47)
    %mul3A_48 = arith.constant 10240 : i32
    %mul3A_49 = arith.muli %arg0, %mul3A_48 : i32
    %add3A_50 = arith.addi %mul3A_49, %mul3A_0 : i32
    "tpu.region"() ({
      %run_scoped3A_51 = tpu.sem_alloc : memref<!tpu.dma_semaphore, #tpu.memory_space<semaphore_mem>>
      %dma_start3A_52 = arith.constant 0 : i32
      %dma_start3A_53 = tpu.memref_slice %arg5[%add3A_50, %dma_start3A_52] : memref<20480x128xf32, #tpu.memory_space<hbm>> -> memref<640x128xf32, #tpu.memory_space<hbm>>
      %dma_start3A_54 = arith.constant 0 : i32
      %dma_start3A_55 = tpu.memref_slice %arg12[%mul3A_0, %dma_start3A_54] : memref<10240x128xf32, #tpu.memory_space<vmem_shared>> -> memref<640x128xf32, #tpu.memory_space<vmem_shared>>
      tpu.enqueue_dma source(%dma_start3A_55 : memref<640x128xf32, #tpu.memory_space<vmem_shared>>) target(%dma_start3A_53 : memref<640x128xf32, #tpu.memory_space<hbm>>) target_semaphore(%run_scoped3A_51 : memref<!tpu.dma_semaphore, #tpu.memory_space<semaphore_mem>>)
      %dma_wait3A_56 = arith.constant 0 : i32
      %dma_wait3A_57 = tpu.memref_slice %arg5[%add3A_50, %dma_wait3A_56] : memref<20480x128xf32, #tpu.memory_space<hbm>> -> memref<640x128xf32, #tpu.memory_space<hbm>>
      %dma_wait3A_58 = arith.constant 0 : i32
      %dma_wait3A_59 = tpu.memref_slice %arg12[%mul3A_0, %dma_wait3A_58] : memref<10240x128xf32, #tpu.memory_space<vmem_shared>> -> memref<640x128xf32, #tpu.memory_space<vmem_shared>>
      tpu.wait_dma2 semaphore(%run_scoped3A_51 : memref<!tpu.dma_semaphore, #tpu.memory_space<semaphore_mem>>) src(%dma_wait3A_59 : memref<640x128xf32, #tpu.memory_space<vmem_shared>>) dst(%dma_wait3A_57 : memref<640x128xf32, #tpu.memory_space<hbm>>)
      tpu.yield
    }) : () -> ()
    return
  }
}

module attributes {stable_mosaic.version = 14 : i64} {
  func.func @_tc_body(%arg0: i32, %arg1: memref<2x1280x128xf32, #tpu.memory_space<vmem>>, %arg2: memref<2x1280x128xf32, #tpu.memory_space<vmem>>, %arg3: memref<1280x128xf32, #tpu.memory_space<vmem>>, %arg4: memref<128x128xf32, #tpu.memory_space<vmem>>, %arg5: memref<16x128xf32, #tpu.memory_space<vmem>>, %arg6: memref<1x128xf32, #tpu.memory_space<vmem>>, %arg7: memref<1x128xf32, #tpu.memory_space<vmem>>, %arg8: memref<1x128xf32, #tpu.memory_space<vmem>>, %arg9: memref<1280x128xf32, #tpu.memory_space<vmem>>) attributes {dimension_semantics = [#tpu.dimension_semantics<arbitrary>], iteration_bounds = array<i64: 8>, scalar_prefetch = 0 : i64, scratch_operands = 0 : i64, tpu.core_type = #tpu.core_type<tc>, window_params = [{transform_indices = @transform_0, window_bounds = array<i64: 2, 1280, 128>}, {transform_indices = @transform_1, window_bounds = array<i64: 2, 1280, 128>}, {transform_indices = @transform_2, window_bounds = array<i64: 1280, 128>}, {pipeline_mode = #tpu.pipeline_mode<synchronous>, transform_indices = @transform_3, window_bounds = array<i64: 128, 128>}, {pipeline_mode = #tpu.pipeline_mode<synchronous>, transform_indices = @transform_4, window_bounds = array<i64: 16, 128>}, {pipeline_mode = #tpu.pipeline_mode<synchronous>, transform_indices = @transform_5, window_bounds = array<i64: 1, 128>}, {pipeline_mode = #tpu.pipeline_mode<synchronous>, transform_indices = @transform_6, window_bounds = array<i64: 1, 128>}, {pipeline_mode = #tpu.pipeline_mode<synchronous>, transform_indices = @transform_7, window_bounds = array<i64: 1, 128>}, {transform_indices = @transform_8, window_bounds = array<i64: 1280, 128>}]} {
    %get3A = arith.constant 0 : index
    %get3A_0 = arith.constant 0 : index
    %get3A_1 = arith.constant 0 : index
    %get3A_2 = vector.load %arg1[%get3A, %get3A_0, %get3A_1] : memref<2x1280x128xf32, #tpu.memory_space<vmem>>, vector<1x1280x128xf32>
    %get3A_3 = vector.shape_cast %get3A_2 : vector<1x1280x128xf32> to vector<1280x128xf32>
    %get3A_4 = arith.constant 1 : index
    %get3A_5 = arith.constant 0 : index
    %get3A_6 = arith.constant 0 : index
    %get3A_7 = vector.load %arg1[%get3A_4, %get3A_5, %get3A_6] : memref<2x1280x128xf32, #tpu.memory_space<vmem>>, vector<1x1280x128xf32>
    %get3A_8 = vector.shape_cast %get3A_7 : vector<1x1280x128xf32> to vector<1280x128xf32>
    %add3A = arith.addf %get3A_3, %get3A_8 : vector<1280x128xf32>
    %get3A_9 = arith.constant 0 : index
    %get3A_10 = arith.constant 0 : index
    %get3A_11 = arith.constant 0 : index
    %get3A_12 = vector.load %arg2[%get3A_9, %get3A_10, %get3A_11] : memref<2x1280x128xf32, #tpu.memory_space<vmem>>, vector<1x1280x128xf32>
    %get3A_13 = vector.shape_cast %get3A_12 : vector<1x1280x128xf32> to vector<1280x128xf32>
    %get3A_14 = arith.constant 1 : index
    %get3A_15 = arith.constant 0 : index
    %get3A_16 = arith.constant 0 : index
    %get3A_17 = vector.load %arg2[%get3A_14, %get3A_15, %get3A_16] : memref<2x1280x128xf32, #tpu.memory_space<vmem>>, vector<1x1280x128xf32>
    %get3A_18 = vector.shape_cast %get3A_17 : vector<1x1280x128xf32> to vector<1280x128xf32>
    %add3A_19 = arith.addf %get3A_13, %get3A_18 : vector<1280x128xf32>
    %slice3A = vector.extract_strided_slice %add3A_19 {offsets = [0, 0], sizes = [1280, 16], strides = [1, 1]} : vector<1280x128xf32> to vector<1280x16xf32>
    %slice3A_20 = vector.extract_strided_slice %add3A_19 {offsets = [0, 16], sizes = [1280, 1], strides = [1, 1]} : vector<1280x128xf32> to vector<1280x1xf32>
    %get3A_21 = arith.constant 0 : index
    %get3A_22 = arith.constant 0 : index
    %get3A_23 = vector.load %arg4[%get3A_21, %get3A_22] : memref<128x128xf32, #tpu.memory_space<vmem>>, vector<128x128xf32>
    %dot_general3A = arith.constant dense<0.000000e+00> : vector<1280x128xf32>
    %dot_general3A_24 = tpu.matmul %add3A, %get3A_23, %dot_general3A {dimension_numbers = #tpu.dot_dimension_numbers<[1], [0], [0], [1], [0, 0, 1, 1], [], []>, transpose_lhs_hint = false} : vector<1280x128xf32>, vector<128x128xf32>, vector<1280x128xf32> -> vector<1280x128xf32>
    %get3A_25 = arith.constant 0 : index
    %get3A_26 = arith.constant 0 : index
    %get3A_27 = vector.load %arg5[%get3A_25, %get3A_26] : memref<16x128xf32, #tpu.memory_space<vmem>>, vector<16x128xf32>
    %dot_general3A_28 = arith.constant dense<0.000000e+00> : vector<1280x128xf32>
    %dot_general3A_29 = tpu.matmul %slice3A, %get3A_27, %dot_general3A_28 {dimension_numbers = #tpu.dot_dimension_numbers<[1], [0], [0], [1], [0, 0, 1, 1], [], []>, transpose_lhs_hint = false} : vector<1280x16xf32>, vector<16x128xf32>, vector<1280x128xf32> -> vector<1280x128xf32>
    %add3A_30 = arith.addf %dot_general3A_24, %dot_general3A_29 : vector<1280x128xf32>
    %get3A_31 = arith.constant 0 : index
    %get3A_32 = arith.constant 0 : index
    %get3A_33 = vector.load %arg6[%get3A_31, %get3A_32] : memref<1x128xf32, #tpu.memory_space<vmem>>, vector<1x128xf32>
    %mul3A = vector.broadcast %slice3A_20 : vector<1280x1xf32> to vector<1280x128xf32>
    %mul3A_34 = vector.broadcast %get3A_33 : vector<1x128xf32> to vector<1280x128xf32>
    %mul3A_35 = arith.mulf %mul3A, %mul3A_34 : vector<1280x128xf32>
    %add3A_36 = arith.addf %add3A_30, %mul3A_35 : vector<1280x128xf32>
    %max3A = arith.constant 1.000000e+00 : f32
    %max3A_37 = vector.broadcast %max3A : f32 to vector<1280x1xf32>
    %max3A_38 = arith.maximumf %slice3A_20, %max3A_37 : vector<1280x1xf32>
    %div3A = vector.broadcast %max3A_38 : vector<1280x1xf32> to vector<1280x128xf32>
    %div3A_39 = arith.divf %add3A_36, %div3A : vector<1280x128xf32>
    %get3A_40 = arith.constant 0 : index
    %get3A_41 = arith.constant 0 : index
    %get3A_42 = vector.load %arg3[%get3A_40, %get3A_41] : memref<1280x128xf32, #tpu.memory_space<vmem>>, vector<1280x128xf32>
    %add3A_43 = arith.addf %get3A_42, %div3A_39 : vector<1280x128xf32>
    %reduce_sum3A = arith.constant dense<0.000000e+00> : vector<1280xf32>
    %reduce_sum3A_44 = vector.multi_reduction <add>, %add3A_43, %reduce_sum3A [1] : vector<1280x128xf32> to vector<1280xf32>
    %broadcast_in_dim3A = vector.shape_cast %reduce_sum3A_44 : vector<1280xf32> to vector<1280x1xf32>
    %div3A_45 = arith.constant 1.280000e+02 : f32
    %div3A_46 = vector.broadcast %div3A_45 : f32 to vector<1280x1xf32>
    %div3A_47 = arith.divf %broadcast_in_dim3A, %div3A_46 : vector<1280x1xf32>
    %sub3A = vector.broadcast %div3A_47 : vector<1280x1xf32> to vector<1280x128xf32>
    %sub3A_48 = arith.subf %add3A_43, %sub3A : vector<1280x128xf32>
    %integer_pow3A = arith.mulf %sub3A_48, %sub3A_48 : vector<1280x128xf32>
    %reduce_sum3A_49 = arith.constant dense<0.000000e+00> : vector<1280xf32>
    %reduce_sum3A_50 = vector.multi_reduction <add>, %integer_pow3A, %reduce_sum3A_49 [1] : vector<1280x128xf32> to vector<1280xf32>
    %broadcast_in_dim3A_51 = vector.shape_cast %reduce_sum3A_50 : vector<1280xf32> to vector<1280x1xf32>
    %div3A_52 = arith.constant 1.280000e+02 : f32
    %div3A_53 = vector.broadcast %div3A_52 : f32 to vector<1280x1xf32>
    %div3A_54 = arith.divf %broadcast_in_dim3A_51, %div3A_53 : vector<1280x1xf32>
    %sub3A_55 = vector.broadcast %div3A_47 : vector<1280x1xf32> to vector<1280x128xf32>
    %sub3A_56 = arith.subf %add3A_43, %sub3A_55 : vector<1280x128xf32>
    %add3A_57 = arith.constant 9.99999974E-6 : f32
    %add3A_58 = vector.broadcast %add3A_57 : f32 to vector<1280x1xf32>
    %add3A_59 = arith.addf %div3A_54, %add3A_58 : vector<1280x1xf32>
    %rsqrt3A = math.rsqrt %add3A_59 : vector<1280x1xf32>
    %mul3A_60 = vector.broadcast %rsqrt3A : vector<1280x1xf32> to vector<1280x128xf32>
    %mul3A_61 = arith.mulf %sub3A_56, %mul3A_60 : vector<1280x128xf32>
    %get3A_62 = arith.constant 0 : index
    %get3A_63 = arith.constant 0 : index
    %get3A_64 = vector.load %arg7[%get3A_62, %get3A_63] : memref<1x128xf32, #tpu.memory_space<vmem>>, vector<1x128xf32>
    %mul3A_65 = vector.broadcast %get3A_64 : vector<1x128xf32> to vector<1280x128xf32>
    %mul3A_66 = arith.mulf %mul3A_61, %mul3A_65 : vector<1280x128xf32>
    %get3A_67 = arith.constant 0 : index
    %get3A_68 = arith.constant 0 : index
    %get3A_69 = vector.load %arg8[%get3A_67, %get3A_68] : memref<1x128xf32, #tpu.memory_space<vmem>>, vector<1x128xf32>
    %add3A_70 = vector.broadcast %get3A_69 : vector<1x128xf32> to vector<1280x128xf32>
    %add3A_71 = arith.addf %mul3A_66, %add3A_70 : vector<1280x128xf32>
    %swap3A = arith.constant 0 : index
    %swap3A_72 = arith.constant 0 : index
    %swap3A_73 = vector.load %arg9[%swap3A, %swap3A_72] : memref<1280x128xf32, #tpu.memory_space<vmem>>, vector<1280x128xf32>
    tpu.vector_store %arg9[%swap3A, %swap3A_72], %add3A_71 {strides = array<i32>} : memref<1280x128xf32, #tpu.memory_space<vmem>>, vector<1280x128xf32>,
    return
  }
  func.func @transform_0(%arg0: i32) -> (i32, i32, i32) {
    %c0_i32 = arith.constant 0 : i32
    %c0_i32_0 = arith.constant 0 : i32
    %c0_i32_1 = arith.constant 0 : i32
    return %c0_i32, %arg0, %c0_i32_0 : i32, i32, i32
  }
  func.func @transform_1(%arg0: i32) -> (i32, i32, i32) {
    %c0_i32 = arith.constant 0 : i32
    %c0_i32_0 = arith.constant 0 : i32
    %c0_i32_1 = arith.constant 0 : i32
    return %c0_i32, %arg0, %c0_i32_0 : i32, i32, i32
  }
  func.func @transform_2(%arg0: i32) -> (i32, i32) {
    %c0_i32 = arith.constant 0 : i32
    %c0_i32_0 = arith.constant 0 : i32
    return %arg0, %c0_i32 : i32, i32
  }
  func.func @transform_3(%arg0: i32) -> (i32, i32) {
    %c0_i32 = arith.constant 0 : i32
    %c0_i32_0 = arith.constant 0 : i32
    %c0_i32_1 = arith.constant 0 : i32
    return %c0_i32, %c0_i32_0 : i32, i32
  }
  func.func @transform_4(%arg0: i32) -> (i32, i32) {
    %c0_i32 = arith.constant 0 : i32
    %c0_i32_0 = arith.constant 0 : i32
    %c0_i32_1 = arith.constant 0 : i32
    return %c0_i32, %c0_i32_0 : i32, i32
  }
  func.func @transform_5(%arg0: i32) -> (i32, i32) {
    %c0_i32 = arith.constant 0 : i32
    %c0_i32_0 = arith.constant 0 : i32
    %c0_i32_1 = arith.constant 0 : i32
    return %c0_i32, %c0_i32_0 : i32, i32
  }
  func.func @transform_6(%arg0: i32) -> (i32, i32) {
    %c0_i32 = arith.constant 0 : i32
    %c0_i32_0 = arith.constant 0 : i32
    %c0_i32_1 = arith.constant 0 : i32
    return %c0_i32, %c0_i32_0 : i32, i32
  }
  func.func @transform_7(%arg0: i32) -> (i32, i32) {
    %c0_i32 = arith.constant 0 : i32
    %c0_i32_0 = arith.constant 0 : i32
    %c0_i32_1 = arith.constant 0 : i32
    return %c0_i32, %c0_i32_0 : i32, i32
  }
  func.func @transform_8(%arg0: i32) -> (i32, i32) {
    %c0_i32 = arith.constant 0 : i32
    %c0_i32_0 = arith.constant 0 : i32
    return %arg0, %c0_i32 : i32, i32
  }
}

</mosaic_0001>

<sc_bundles>
// kernel: kernel.11.cloned.1.call-start
scs
__scs_entry_jumppad:
0x0: {  	(pc) =	sbr.rel $0x88, $3  }
0x1: {  	(tag) =	ssettag $0x0;
	lr =	simm.s32 $0x1  }
0x2: {  	[smem:$0x3F93] =	sst lr;
	_ =	strace $0xD0000000  }
0x3: {  	_ = 	snop  }
0x4: {  	_ = 	snop  }
0x5: {  	_ = 	snop  }
0x6: {  	_ = 	snop  }
0x7: {  	_ = 	snop  }
__scs_overlays_trampoline_lowered:
0x8: {  	[smem:$0x3FA2] =	sst s0  }
0x9: {  	[smem:$0x3FA3] =	sst s1  }
0xa: {  	[smem:$0x3FA4] =	sst s2  }
0xb: {  	[smem:$0x3FA5] =	sst s3  }
0xc: {  	[smem:$0x3FA6] =	sst s4  }
0xd: {  	[smem:$0x3FA7] =	sst s5  }
0xe: {  	[smem:$0x3FA8] =	sst s6  }
0xf: {  	[smem:$0x3FA9] =	sst s7  }
0x10: {  	[smem:$0x3FAA] =	sst s8  }
0x11: {  	[smem:$0x3FAB] =	sst s9;
	s0 =	simm.s32 @!p0 $0x0  }
0x12: {  	s1 =	sld [smem:$0x3F91];
	s0 =	simm.s32 @p0 $0x1  }
0x13: {  	[smem:$0x3FAC] =	sst s0;
	s0 =	simm.s32 @!p1 $0x0  }
0x14: {  	s2 =	sld [smem:$0x3F90];
	s0 =	simm.s32 @p1 $0x1  }
0x15: {  	[smem:$0x3FAD] =	sst s0;
	s0 =	simm.s32 @!p2 $0x0  }
0x16: {  	s3 =	sld [smem:$0x3FDB];
	s0 =	simm.s32 @p2 $0x1  }
0x17: {  	s4 =	simm.s32 $0x1BF5;
	[smem:$0x3FAF] =	sst s0  }
0x18: {  	s0 =	sld [smem:$0x3F92];
	_ =	swait.ge [sflag:s4], $0x0  }
0x19: {  	s7 =	sld [smem:$0x3F93]  }
0x1a: {  	s8 =	sadd.s32 $0xFFFFE003, lr  }
0x1b: {  	s9 =	sadd.s32 $0xFFFFFEF7, lr;
	s5 =	simm.s32 $0xFFFFFFFF;
	p2 =	slt.u32 s8, $0xFFFFF086  }
0x1c: {  	p1 =	slt.u32 s9, $0xF7A;
	s5 =	simm.s32 @!p2 $0x0  }
0x1d: {  	s5 =	simm.s32 @p1 $0x1;
	p0 =	seq.s32 s7, s2  }
0x1e: {  	s7 =	smul.u32 @!p0 $0xF7A, s2;
	p2 =	seq.s32 @!p0 s5, $0x0  }
0x1f: {  	s9 =	smul.u32 $0xF7A, s1;
	s8 =	simm.s32 @!p0 $0x1BF5;
	p2 =	por !p2, p0  }
0x20: {  	[sflag:s8] =	ssyncset.s32 @!p0 $0xFFFFF086;
	s6 =	sadd.s32 @!p0 s3, s7;
	s7 =	simm.s32 @!p0 $0x108  }
0x21: {  	s3 =	sadd.s32 s3, s9;
	s6 =	sadd.s32 @!p0 $0x88, s6;
	s7 =	simm.s32 @p2 $0x1082  }
0x22: {  	[simem:s7], [sflag:s8] =	dma.local @!p0 [hbm:s6], $0xF7A  }
0x23: {  	s9 =	sor.u32 $0xD0000000, s2;
	s6 =	simm.s32 $0x108;
	_ =	swait.ge @!p0 [sflag:s8], $0x0  }
0x24: {  	s3 =	sadd.s32 $0x88, s3;
	s6 =	simm.s32 @!p1 $0x1082;
	[sflag:s4] =	ssyncset.s32 $0xFFFFF086  }
0x25: {  	[simem:s6], [sflag:s4] =	dma.local [hbm:s3], $0xF7A  }
0x26: {  	[smem:$0x3F93] =	sst s1;
	(tag) =	ssettag s2;
	_ =	strace s9  }
0x27: {  	s1 =	sld [smem:$0x3FA3]  }
0x28: {  	s2 =	sld [smem:$0x3FA4]  }
0x29: {  	s4 =	sld [smem:$0x3FA6]  }
0x2a: {  	p0 =	seq.s32 s5, $0x0;
	s5 =	sld [smem:$0x3FA7]  }
0x2b: {  	s6 =	sld [smem:$0x3FA8]  }
0x2c: {  	s7 =	sld [smem:$0x3FA9]  }
0x2d: {  	s3 =	simm.s32 $0x108;
	s8 =	sld [smem:$0x3FAA]  }
0x2e: {  	s3 =	simm.s32 @!p0 $0x1082;
	s9 =	sld [smem:$0x3FAB]  }
0x2f: {  	lr =	sadd.s32 s0, s3;
	s0 =	sld [smem:$0x3FA2]  }
0x30: {  	s3 =	sld [smem:$0x3FA5]  }
0x31: {  	[smem:$0x3FAE] =	sst s10  }
0x32: {  	s10 =	sld [smem:$0x3FAC];
	_ =	sdelay $0x3  }
0x33: {  	p0 =	seq.s32 s10, $0x1;
	s10 =	sld [smem:$0x3FAE];
	_ =	sdelay $0x3  }
0x34: {  	[smem:$0x3FAE] =	sst s10  }
0x35: {  	s10 =	sld [smem:$0x3FAD];
	_ =	sdelay $0x3  }
0x36: {  	p1 =	seq.s32 s10, $0x1;
	s10 =	sld [smem:$0x3FAE];
	_ =	sdelay $0x3  }
0x37: {  	[smem:$0x3FAE] =	sst s10  }
0x38: {  	s10 =	sld [smem:$0x3FAF]  }
0x39: {  	_ = 	snop;
	(pc) =	sbr.ind lr, $3  }
0x3a: {  	_ = 	snop  }
0x3b: {  	_ = 	snop  }
0x3c: {  	p2 =	seq.s32 s10, $0x1;
	s10 =	sld [smem:$0x3FAE]  }
0x3d: {  	_ =	shalt  }
0x3e: {  	_ =	shalt  }
0x3f: {  	_ =	shalt  }
0x40: {  	_ =	shalt  }
0x41: {  	_ =	shalt  }
0x42: {  	_ =	shalt  }
0x43: {  	_ =	shalt  }
0x44: {  	_ =	shalt  }
0x45: {  	_ =	shalt  }
0x46: {  	_ =	shalt  }
0x47: {  	_ =	shalt  }
0x48: {  	_ =	shalt  }
0x49: {  	_ =	shalt  }
0x4a: {  	_ =	shalt  }
0x4b: {  	_ =	shalt  }
0x4c: {  	_ =	shalt  }
0x4d: {  	_ =	shalt  }
0x4e: {  	_ =	shalt  }
0x4f: {  	_ =	shalt  }
0x50: {  	_ =	shalt  }
0x51: {  	_ =	shalt  }
0x52: {  	_ =	shalt  }
0x53: {  	_ =	shalt  }
0x54: {  	_ =	shalt  }
0x55: {  	_ =	shalt  }
0x56: {  	_ =	shalt  }
0x57: {  	_ =	shalt  }
0x58: {  	_ =	shalt  }
0x59: {  	_ =	shalt  }
0x5a: {  	_ =	shalt  }
0x5b: {  	_ =	shalt  }
0x5c: {  	_ =	shalt  }
0x5d: {  	_ =	shalt  }
0x5e: {  	_ =	shalt  }
0x5f: {  	_ =	shalt  }
0x60: {  	_ =	shalt  }
0x61: {  	_ =	shalt  }
0x62: {  	_ =	shalt  }
0x63: {  	_ =	shalt  }
0x64: {  	_ =	shalt  }
0x65: {  	_ =	shalt  }
0x66: {  	_ =	shalt  }
0x67: {  	_ =	shalt  }
0x68: {  	_ =	shalt  }
0x69: {  	_ =	shalt  }
0x6a: {  	_ =	shalt  }
0x6b: {  	_ =	shalt  }
0x6c: {  	_ =	shalt  }
0x6d: {  	_ =	shalt  }
0x6e: {  	_ =	shalt  }
0x6f: {  	_ =	shalt  }
0x70: {  	_ =	shalt  }
0x71: {  	_ =	shalt  }
0x72: {  	_ =	shalt  }
0x73: {  	_ =	shalt  }
0x74: {  	_ =	shalt  }
0x75: {  	_ =	shalt  }
0x76: {  	_ =	shalt  }
0x77: {  	_ =	shalt  }
0x78: {  	_ =	shalt  }
0x79: {  	_ =	shalt  }
0x7a: {  	_ =	shalt  }
0x7b: {  	_ =	shalt  }
0x7c: {  	_ =	shalt  }
0x7d: {  	_ =	shalt  }
0x7e: {  	_ =	shalt  }
0x7f: {  	_ =	shalt  }
0x80: {  	_ =	shalt  }
0x81: {  	_ =	shalt  }
0x82: {  	_ =	shalt  }
0x83: {  	_ =	shalt  }
0x84: {  	_ =	shalt  }
0x85: {  	_ =	shalt  }
0x86: {  	_ =	shalt  }
0x87: {  	_ =	shalt  }
.Lfunc_end0:
.L_simem_size_0:
called_computation.1_lowered:
.L_overlay_start_0:
0x88: {  	s2 =	sld [smem:$0x3FD9]  }
0x89: {  	s3 =	sld [smem:$0x3FFE];
	_ =	sdelay $0x1  }
0x8a: {  	s1 =	srdreg.scid  }
0x8b: {  	s0 =	sand.u32 $0x1, s1  }
0x8c: {  	s17 =	sshll.u32 s0, $0xA;
	s2 =	sadd.s32 s3, s2  }
0x8d: {  	s2 =	sadd.s32 s2, s17  }
0x8e: {  	[smem:$0x3FBA] =	sst s2  }
0x8f: {  	_ = 	snop  }
0x90: {  	(tm) =	ssettm $0x1  }
0x91: {  	s18 =	sld [smem:$0x3FFB];
	_ =	sdelay $0x3  }
0x92: {  	_ =	strace s18  }
0x93: {  	s2 =	sld [smem:$0x3FFC];
	_ =	sdelay $0x3  }
0x94: {  	_ =	strace s2  }
0x95: {  	s2 =	sld [smem:$0x3FFD];
	_ =	sdelay $0x3  }
0x96: {  	_ =	strace s2  }
0x97: {  	_ =	strace $0x8FFFFFFF  }
0x98: {  	s19 =	sld [smem:$0x3FDB];
	_ =	sdelay $0x1  }
0x99: {  	s20 =	simm.s32 $_scs_section_size  }
0x9a: {  	s4 =	simm.s32 $_size__tile_overlayer_lowered;
	s5 =	simm.s32 $_tile_overlayer_lowered  }
0x9b: {  	s6 =	simm.s32 $0x1BFF;
	s21 =	sshll.u32 s5, $0x1;
	s3 =	sadd.s32 s20, s19  }
0x9c: {  	s22 =	simm.s32 $0x0;
	s4 =	sshll.u32 s4, $0x1;
	s5 =	sadd.s32 s21, s3  }
0x9d: {  	[timem:s22], [sflag:s6] =	dma.local [hbm:s5], s4  }
0x9e: {  	_ =	swait.ge [sflag:s6], s4  }
0x9f: {  	s4 =	ssub.s32 $0x0, s4;
	[sflag:s6] =	ssyncset.done $0x0  }
0xa0: {  	[sflag:s6] =	ssyncadd.s32 s4;
	_ =	sdelay $0x1  }
0xa1: {  	s23 =	simm.s32 $0x1B8B  }
0xa2: {  	_ =	swait.ge [sflag:s23], $0x1  }
0xa3: {  	[sflag:s23] =	ssyncset.done $0x0  }
0xa4: {  	[sflag:s23] =	ssyncadd.s32 $0xFFFFFFFF  }
0xa5: {  	s4 =	sld [smem:$0x0]  }
0xa6: {  	s5 =	sand.u32 $0xFFFFFFFE, s1  }
0xa7: {  	p0 =	sne.s32 s1, s5  }
0xa8: {  	s5 =	sshll.u32 @p0 s5, $0xE  }
0xa9: {  	s5 =	sadd.s32 @p0 $0x11B8D, s5;
	s6 =	sshll.u32 @p0 s4, $0x11  }
0xaa: {  	s5 =	sor.u32 @p0 s6, s5  }
0xab: {  	[sflag:s5] =	ssyncadd.remote.s32 @p0 $0x1;
	_ =	sdelay $0x1  }
0xac: {  	s5 =	simm.s32 @p0 $0x1B8D  }
0xad: {  	_ =	swait.eq @p0 [sflag:s5], $0x1  }
0xae: {  	[sflag:s5] =	ssyncadd.s32 @p0 $0xFFFFFFFF  }
0xaf: {  	s6 =	sshll.u32 @!p0 s1, $0xE  }
0xb0: {  	s6 =	sor.u32 @!p0 $0x4000, s6;
	s5 =	simm.s32 @!p0 $0x1B8D  }
0xb1: {  	s4 =	sshll.u32 @!p0 s4, $0x11;
	s6 =	sadd.s32 @!p0 $0x11B8D, s6;
	_ =	swait.eq @!p0 [sflag:s5], $0x1  }
0xb2: {  	s4 =	sor.u32 @!p0 s4, s6;
	[sflag:s5] =	ssyncadd.s32 @!p0 $0xFFFFFFFF  }
0xb3: {  	s25 =	simm.s32 $0x1B8E;
	s24 =	sld [smem:$0x3FFE];
	[sflag:s4] =	ssyncadd.remote.s32 @!p0 $0x1  }
0xb4: {  	s26 =	simm.s32 $execute0_lowered;
	[smem:$0x3FD2] =	sst s25  }
0xb5: {  	s5 =	sshll.u32 s26, $0x1;
	_ =	strace $0x8000004C;
	[dreg:$0x1] =	wrdreg $0xFFFFFFFF  }
0xb6: {  	s28 =	simm.s32 $_size_execute0_lowered;
	s3 =	sadd.s32 s3, s5;
	[dreg:$0x0] =	wrdreg $0x0  }
0xb7: {  	s5 =	sshll.u32 s28, $0x1;
	[dreg:$0x2] =	wrdreg s3  }
0xb8: {  	[dreg:$0x3] =	wrdreg s5  }
0xb9: {  	[dreg:$0x4] =	wrdreg $0xC0  }
0xba: {  	_ =	task [dreg:s22], $0x5FFFF  }
0xbb: {  	[dreg:$0x1] =	wrdreg $0xFFFFFFFF  }
0xbc: {  	[dreg:$0x0] =	wrdreg $0x60  }
0xbd: {  	[dreg:$0x2] =	wrdreg s24  }
0xbe: {  	[dreg:$0x3] =	wrdreg $0xA2000  }
0xbf: {  	[dreg:$0x4] =	wrdreg $0x9  }
0xc0: {  	_ =	task.clear_ibuf [dreg:s22], $0x5FFFF;
	_ =	strace $0x9000004C  }
0xc1: {  	s29 =	simm.s32 $0x9;
	_ =	strace $0x8000004E  }
0xc2: {  	_ =	swait.ge [sflag:s29], $0x1  }
0xc3: {  	[sflag:s29] =	ssyncadd.s32 $0xFFFFFFFF  }
0xc4: {  	_ =	strace $0x9000004E  }
0xc5: {  	_ =	sfence  }
0xc6: {  	s30 =	sld [smem:$0x0];
	_ =	sdelay $0x2  }
0xc7: {  	s31 =	sshll.u32 s1, $0xD;
	s1 =	sshrl.u32 s1, $0x2  }
0xc8: {  	s4 =	sand.u32 $0x4000, s31;
	s1 =	sadd.s32 s1, s30  }
0xc9: {  	s0 =	sor.u32 s4, s0;
	s1 =	sshll.u32 s1, $0x11  }
0xca: {  	s0 =	sor.u32 s1, s0  }
0xcb: {  	s0 =	sadd.s32 $0x8F2B, s0  }
0xcc: {  	[sflag:s0] =	ssyncadd.remote.s32 $0x1  }
0xcd: {  	_ =	sfence.sel $0xFFFF  }
0xce: {  	[dreg:$0x0] =	wrdreg $0xFFFFFFFF;
	(pc) =	sbr.abs _section_cstart, $3  }
0xcf: {  	[dreg:$0x1] =	wrdreg $0xFFFFFFFF  }
0xd0: {  	_ =	task.clear_ibuf [dreg:s22], $0x2FFFF;
	_ =	strace $0x9FFFFFFF  }
0xd1: {  	(tm) =	ssettm $0x7FFFFFFF  }
tec
execute0_lowered:
.L_overlay_start_1:
0x0: {  	(tag) =	ssettag $0x1  }
0x1: {  	s0 =	rddreg [dreg:$0x0]  }
0x2: {  	s2 =	rddreg [dreg:$0x1];
	s3 =	simm.s32 $0x0;
	s1 =	srdreg.scid  }
0x3: {  	s16 =	stileid.u32;
	s28 =	simm.s32 $0x7A00;
	s29 =	simm.s32 $0x1  }
0x4: {  	s30 =	simm.s32 $0x50;
	s31 =	simm.s32 $0x2;
	s5 =	smul.u32 $0x2800, s16  }
0x5: {  	[smem:$0x7FF] =	sst s3;
	s1 =	sand.u32 $0x1, s1;
	s10 =	smul.u32 $0x50000, s16  }
0x6: {  	s6 =	sadd.s32 $0xA3C00, s0;
	s8 =	sadd.s32 $0xEA9400, s0;
	s13 =	smul.u32 $0x4E20, s16  }
0x7: {  	s4 =	sadd.s32 $0x3400, s0;
	s19 =	sshll.u32 s16, $0x1;
	s24 =	smul.u32 $0x4E200, s16  }
0x8: {  	s21 =	sshll.u32 s16, $0x6;
	_ =	strace $0x8000004D;
	s7 =	smul.u32 $0x28000, s1  }
0x9: {  	s9 =	ssub.s32 $0x2, s1;
	s11 =	sor.u32 s1, s19;
	s15 =	smul.u32 $0x2710, s1  }
0xa: {  	s25 =	smul.u32 $0x27100, s1;
	s18 =	sshrl.u32 s9, $0x1;
	s20 =	sshrl.u32 s10, $0x2  }
0xb: {  	s22 =	smul.u32 $0x2710, s11;
	s5 =	sadd.s32 s5, s7;
	s7 =	ssub.s32 s9, s18  }
0xc: {  	s9 =	sadd.s32 s20, s2;
	s26 =	sadd.s32 s15, s13;
	s13 =	sadd.s32 s24, s8  }
0xd: {  	s0 =	sadd.s32 s5, s0;
	s5 =	sor.u32 $0x1C05, s21;
	s23 =	sadd.s32 $0x4000, s9  }
0xe: {  	s12 =	sadd.s32 $0x8000, s9;
	s19 =	sadd.s32 $0xC000, s9;
	s20 =	sadd.s32 $0x10000, s9  }
0xf: {  	s10 =	sadd.s32 $0x26C0, s22;
	s7 =	smax.u32 s7, $0x1;
	s16 =	sadd.s32 $0xA0, s26  }
0x10: {  	s21 =	sadd.s32 $0x50, s26;
	s1 =	sshrl.u32 s26, $0x3;
	s14 =	sshrl.u32 s10, $0x3  }
0x11: {  	s10 =	sshll.u32 s10, $0x4;
	s0 =	sadd.s32 $0xB7800, s0;
	[dreg:$0x6] =	wrdreg s7  }
0x12: {  	s18 =	sshrl.u32 s16, $0x3;
	s22 =	sshrl.u32 s21, $0x3;
	s16 =	simm.s32 $0x5  }
0x13: {  	s23 =	sshrl.u32 s23, $0x3;
	s24 =	sshrl.u32 s12, $0x3;
	[dreg:$0x5] =	wrdreg s0  }
0x14: {  	s21 =	simm.s32 $0x200;
	s14 =	sadd.s32 s6, s14;
	[dreg:$0x7] =	wrdreg s23  }
0x15: {  	s10 =	sadd.s32 s8, s10;
	s18 =	sadd.s32 s18, s6;
	[dreg:$0x8] =	wrdreg s24  }
0x16: {  	s23 =	simm.s32 $0x2A00;
	s24 =	simm.s32 $0x100;
	[dreg:$0x3] =	wrdreg s14  }
0x17: {  	s0 =	simm.s32 $0x3;
	[dreg:$0x4] =	wrdreg s10;
	s14 =	sadd.s32 $0xF0, s26  }
0x18: {  	s10 =	sadd.s32 s25, s13;
	s13 =	sadd.s32 s22, s6;
	s25 =	sshrl.u32 s19, $0x3  }
0x19: {  	s26 =	sshrl.u32 s20, $0x3;
	s22 =	simm.s32 $0x80;
	[dreg:$0x9] =	wrdreg s25  }
0x1a: {  	s15 =	sshrl.u32 s14, $0x3;
	s14 =	sadd.s32 s1, s6;
	[dreg:$0xa] =	wrdreg s26  }
0x1b: {  	s25 =	simm.s32 $0x5200;
	s26 =	simm.s32 $0x180;
	s1 =	simm.s32 $0x4  }
0x1c: {  	s17 =	sadd.s32 s15, s6;
	s15 =	sshrl.u32 s9, $0x3;
	s6 =	simm.s32 $0x0  }
.LBB2_1:
0x1d: {  	[spmem:s15], [sflag:s5] =	dma.local [hbm:s4], $0x800  }
0x1e: {  	_ =	swait.ge [sflag:s16], $0x800  }
0x1f: {  	[sflag:s16] =	ssyncset.done $0x0  }
0x20: {  	s7 =	rddreg [dreg:$0x7];
	[sflag:s16] =	ssyncadd.s32 $0xFFFFF800  }
0x21: {  	[spmem:s7], [sflag:s5] =	dma.local [hbm:s4], $0x800  }
0x22: {  	_ =	swait.ge [sflag:s16], $0x800  }
0x23: {  	[sflag:s16] =	ssyncset.done $0x0  }
0x24: {  	s9 =	rddreg [dreg:$0x8];
	[sflag:s16] =	ssyncadd.s32 $0xFFFFF800  }
0x25: {  	[spmem:s9], [sflag:s5] =	dma.local [hbm:s4], $0x800  }
0x26: {  	_ =	swait.ge [sflag:s16], $0x800  }
0x27: {  	[sflag:s16] =	ssyncset.done $0x0  }
0x28: {  	s11 =	rddreg [dreg:$0x9];
	[sflag:s16] =	ssyncadd.s32 $0xFFFFF800  }
0x29: {  	[spmem:s11], [sflag:s5] =	dma.local [hbm:s4], $0x800  }
0x2a: {  	_ =	swait.ge [sflag:s16], $0x800  }
0x2b: {  	[sflag:s16] =	ssyncset.done $0x0  }
0x2c: {  	s12 =	rddreg [dreg:$0xa];
	[sflag:s16] =	ssyncadd.s32 $0xFFFFF800  }
0x2d: {  	[spmem:s12], [sflag:s5] =	dma.local [hbm:s4], $0x800  }
0x2e: {  	_ =	swait.ge [sflag:s16], $0x800  }
0x2f: {  	[sflag:s16] =	ssyncset.done $0x0  }
0x30: {  	[sflag:s16] =	ssyncadd.s32 $0xFFFFF800  }
0x31: {  	[bflag:$0x0] =	sbarrier.arrive $0xFFFF  }
0x32: {  	[tilespmem:s3], [sflag:$0x5] =	stream.linear.gather [hbm4b:s14+s3], $0x50, $0x38;
	[tilespmem:$0x1E200] =	vst v63  }
0x33: {  	_ =	swait.ge [sflag:s16], $0x50  }
0x34: {  	[sflag:s16] =	ssyncset.done $0x0  }
0x35: {  	s19 =	sadd.s32 $0x0, s10;
	[sflag:s16] =	ssyncadd.s32 $0xFFFFFFB0  }
0x36: {  	[tilespmem:s21], [sflag:$0x1] =	stream.linear.gather [hbm4b:s19+s3], $0x2800, $0x38;
	[tilespmem:$0x1E200] =	vst v63  }
0x37: {  	_ = 	snop  }
0x38: {  	[tilespmem:s22], [sflag:$0x5] =	stream.linear.gather [hbm4b:s13+s3], $0x50, $0x38;
	[tilespmem:$0x1E200] =	vst v63  }
0x39: {  	_ =	swait.ge [sflag:s16], $0x50  }
0x3a: {  	[sflag:s16] =	ssyncset.done $0x0  }
0x3b: {  	s8 =	sadd.s32 $0x500, s19;
	[sflag:s16] =	ssyncadd.s32 $0xFFFFFFB0  }
0x3c: {  	[tilespmem:s23], [sflag:$0x2] =	stream.linear.gather [hbm4b:s8+s3], $0x2800, $0x38;
	[tilespmem:$0x1E200] =	vst v63  }
0x3d: {  	_ = 	snop  }
0x3e: {  	[tilespmem:s24], [sflag:$0x5] =	stream.linear.gather [hbm4b:s18+s3], $0x50, $0x38;
	[tilespmem:$0x1E200] =	vst v63  }
0x3f: {  	_ =	swait.ge [sflag:s16], $0x50  }
0x40: {  	[sflag:s16] =	ssyncset.done $0x0  }
0x41: {  	s20 =	sadd.s32 $0xA00, s19;
	[sflag:s16] =	ssyncadd.s32 $0xFFFFFFB0  }
0x42: {  	[tilespmem:s25], [sflag:$0x3] =	stream.linear.gather [hbm4b:s20+s3], $0x2800, $0x38;
	[tilespmem:$0x1E200] =	vst v63  }
0x43: {  	_ = 	snop  }
0x44: {  	[tilespmem:s26], [sflag:$0x5] =	stream.linear.gather [hbm4b:s17+s3], $0x50, $0x38;
	[tilespmem:$0x1E200] =	vst v63  }
0x45: {  	_ =	swait.ge [sflag:s16], $0x50  }
0x46: {  	[sflag:s16] =	ssyncset.done $0x0  }
0x47: {  	s7 =	sadd.s32 $0xF00, s19;
	[sflag:s16] =	ssyncadd.s32 $0xFFFFFFB0  }
0x48: {  	[tilespmem:s28], [sflag:$0x4] =	stream.linear.gather [hbm4b:s7+s3], $0x2800, $0x38;
	[tilespmem:$0x1E200] =	vst v63  }
0x49: {  	_ =	swait.ge [sflag:s29], $0x2800  }
0x4a: {  	[sflag:s29] =	ssyncset.done $0x0  }
0x4b: {  	[sflag:s29] =	ssyncadd.s32 $0xFFFFD800  }
0x4c: {  	[spmem:s2] =	stream.indirect.scatter.add.f32 [tilespmem:s21], [sflag:$0x5], $0x80, s3, s30, $0xb8;
	[tilespmem:$0x1E200] =	vst v63  }
0x4d: {  	_ =	swait.ge [sflag:s16], $0x2800  }
0x4e: {  	[sflag:s16] =	ssyncset.done $0x0  }
0x4f: {  	[sflag:s16] =	ssyncadd.s32 $0xFFFFD800  }
0x50: {  	_ =	swait.ge [sflag:s31], $0x2800  }
0x51: {  	[sflag:s31] =	ssyncset.done $0x0  }
0x52: {  	[sflag:s31] =	ssyncadd.s32 $0xFFFFD800  }
0x53: {  	[spmem:s2] =	stream.indirect.scatter.add.f32 [tilespmem:s23], [sflag:$0x5], $0x80, s22, s30, $0xb8;
	[tilespmem:$0x1E200] =	vst v63  }
0x54: {  	_ =	swait.ge [sflag:s16], $0x2800  }
0x55: {  	[sflag:s16] =	ssyncset.done $0x0  }
0x56: {  	[sflag:s16] =	ssyncadd.s32 $0xFFFFD800  }
0x57: {  	_ =	swait.ge [sflag:s0], $0x2800  }
0x58: {  	[sflag:s0] =	ssyncset.done $0x0  }
0x59: {  	[sflag:s0] =	ssyncadd.s32 $0xFFFFD800  }
0x5a: {  	[spmem:s2] =	stream.indirect.scatter.add.f32 [tilespmem:s25], [sflag:$0x5], $0x80, s24, s30, $0xb8;
	[tilespmem:$0x1E200] =	vst v63  }
0x5b: {  	_ =	swait.ge [sflag:s16], $0x2800  }
0x5c: {  	[sflag:s16] =	ssyncset.done $0x0  }
0x5d: {  	[sflag:s16] =	ssyncadd.s32 $0xFFFFD800  }
0x5e: {  	_ =	swait.ge [sflag:s1], $0x2800  }
0x5f: {  	[sflag:s1] =	ssyncset.done $0x0  }
0x60: {  	s9 =	sadd.s32 $0x28, s14;
	[sflag:s1] =	ssyncadd.s32 $0xFFFFD800  }
0x61: {  	[spmem:s2] =	stream.indirect.scatter.add.f32 [tilespmem:s28], [sflag:$0x5], $0x80, s26, s30, $0xb8;
	[tilespmem:$0x1E200] =	vst v63  }
0x62: {  	s11 =	smov.u32 s17;
	s12 =	smov.u32 s18;
	_ =	swait.ge [sflag:s16], $0x2800  }
0x63: {  	s8 =	sadd.s32 $0x28, s13;
	s7 =	simm.s32 $0x1400;
	[sflag:s16] =	ssyncset.done $0x0  }
.LBB2_2:
0x64: {  	[sflag:s16] =	ssyncadd.s32 $0xFFFFD800  }
0x65: {  	s11 =	sadd.s32 $0x28, s11;
	s12 =	sadd.s32 $0x28, s12;
	s19 =	smov.u32 s7  }
0x66: {  	[tilespmem:s3], [sflag:$0x5] =	stream.linear.gather [hbm4b:s9+s3], $0x50, $0x38;
	[tilespmem:$0x1E200] =	vst v63  }
0x67: {  	p0 =	sne.s32 s7, $0x25800;
	s7 =	sadd.s32 $0x1400, s7;
	_ =	swait.ge [sflag:s16], $0x50  }
0x68: {  	[sflag:s16] =	ssyncset.done $0x0  }
0x69: {  	s19 =	sadd.s32 s19, s10;
	[sflag:s16] =	ssyncadd.s32 $0xFFFFFFB0  }
0x6a: {  	[tilespmem:s21], [sflag:$0x1] =	stream.linear.gather [hbm4b:s19+s3], $0x2800, $0x38;
	[tilespmem:$0x1E200] =	vst v63  }
0x6b: {  	_ = 	snop  }
0x6c: {  	[tilespmem:s22], [sflag:$0x5] =	stream.linear.gather [hbm4b:s8+s3], $0x50, $0x38;
	[tilespmem:$0x1E200] =	vst v63  }
0x6d: {  	_ =	swait.ge [sflag:s16], $0x50  }
0x6e: {  	[sflag:s16] =	ssyncset.done $0x0  }
0x6f: {  	s20 =	sadd.s32 $0x500, s19;
	[sflag:s16] =	ssyncadd.s32 $0xFFFFFFB0  }
0x70: {  	[tilespmem:s23], [sflag:$0x2] =	stream.linear.gather [hbm4b:s20+s3], $0x2800, $0x38;
	[tilespmem:$0x1E200] =	vst v63  }
0x71: {  	_ = 	snop  }
0x72: {  	[tilespmem:s24], [sflag:$0x5] =	stream.linear.gather [hbm4b:s12+s3], $0x50, $0x38;
	[tilespmem:$0x1E200] =	vst v63  }
0x73: {  	_ =	swait.ge [sflag:s16], $0x50  }
0x74: {  	[sflag:s16] =	ssyncset.done $0x0  }
0x75: {  	s20 =	sadd.s32 $0xA00, s19;
	[sflag:s16] =	ssyncadd.s32 $0xFFFFFFB0  }
0x76: {  	[tilespmem:s25], [sflag:$0x3] =	stream.linear.gather [hbm4b:s20+s3], $0x2800, $0x38;
	[tilespmem:$0x1E200] =	vst v63  }
0x77: {  	_ = 	snop  }
0x78: {  	[tilespmem:s26], [sflag:$0x5] =	stream.linear.gather [hbm4b:s11+s3], $0x50, $0x38;
	[tilespmem:$0x1E200] =	vst v63  }
0x79: {  	_ =	swait.ge [sflag:s16], $0x50  }
0x7a: {  	[sflag:s16] =	ssyncset.done $0x0  }
0x7b: {  	s19 =	sadd.s32 $0xF00, s19;
	[sflag:s16] =	ssyncadd.s32 $0xFFFFFFB0  }
0x7c: {  	[tilespmem:s28], [sflag:$0x4] =	stream.linear.gather [hbm4b:s19+s3], $0x2800, $0x38;
	[tilespmem:$0x1E200] =	vst v63  }
0x7d: {  	_ =	swait.ge [sflag:s29], $0x2800  }
0x7e: {  	[sflag:s29] =	ssyncset.done $0x0  }
0x7f: {  	[sflag:s29] =	ssyncadd.s32 $0xFFFFD800  }
0x80: {  	[spmem:s2] =	stream.indirect.scatter.add.f32 [tilespmem:s21], [sflag:$0x5], $0x80, s3, s30, $0xb8;
	[tilespmem:$0x1E200] =	vst v63  }
0x81: {  	_ =	swait.ge [sflag:s16], $0x2800  }
0x82: {  	[sflag:s16] =	ssyncset.done $0x0  }
0x83: {  	[sflag:s16] =	ssyncadd.s32 $0xFFFFD800  }
0x84: {  	_ =	swait.ge [sflag:s31], $0x2800  }
0x85: {  	[sflag:s31] =	ssyncset.done $0x0  }
0x86: {  	[sflag:s31] =	ssyncadd.s32 $0xFFFFD800  }
0x87: {  	[spmem:s2] =	stream.indirect.scatter.add.f32 [tilespmem:s23], [sflag:$0x5], $0x80, s22, s30, $0xb8;
	[tilespmem:$0x1E200] =	vst v63  }
0x88: {  	_ =	swait.ge [sflag:s16], $0x2800  }
0x89: {  	[sflag:s16] =	ssyncset.done $0x0  }
0x8a: {  	[sflag:s16] =	ssyncadd.s32 $0xFFFFD800  }
0x8b: {  	_ =	swait.ge [sflag:s0], $0x2800  }
0x8c: {  	[sflag:s0] =	ssyncset.done $0x0  }
0x8d: {  	[sflag:s0] =	ssyncadd.s32 $0xFFFFD800  }
0x8e: {  	[spmem:s2] =	stream.indirect.scatter.add.f32 [tilespmem:s25], [sflag:$0x5], $0x80, s24, s30, $0xb8;
	[tilespmem:$0x1E200] =	vst v63  }
0x8f: {  	_ =	swait.ge [sflag:s16], $0x2800  }
0x90: {  	[sflag:s16] =	ssyncset.done $0x0  }
0x91: {  	[sflag:s16] =	ssyncadd.s32 $0xFFFFD800  }
0x92: {  	_ =	swait.ge [sflag:s1], $0x2800  }
.Ltmp0:
0x93: {  	[sflag:s1] =	ssyncset.done $0x0;
	(pc) =	sbr.rel @p0 .LBB2_2-.Ltmp0, $4  }
0x94: {  	[sflag:s1] =	ssyncadd.s32 $0xFFFFD800  }
0x95: {  	[spmem:s2] =	stream.indirect.scatter.add.f32 [tilespmem:s28], [sflag:$0x5], $0x80, s26, s30, $0xb8;
	[tilespmem:$0x1E200] =	vst v63  }
0x96: {  	_ =	swait.ge [sflag:s16], $0x2800  }
0x97: {  	s9 =	sadd.s32 $0x28, s9;
	s8 =	sadd.s32 $0x28, s8;
	[sflag:s16] =	ssyncset.done $0x0  }
0x98: {  	[sflag:s16] =	ssyncadd.s32 $0xFFFFD800;
	s7 =	rddreg [dreg:$0x3]  }
0x99: {  	[tilespmem:s3], [sflag:$0x5] =	stream.linear.gather [hbm4b:s7+s3], $0x50, $0x38;
	[tilespmem:$0x1E200] =	vst v63  }
0x9a: {  	_ =	swait.ge [sflag:s16], $0x50  }
0x9b: {  	[sflag:s16] =	ssyncset.done $0x0  }
0x9c: {  	s12 =	rddreg [dreg:$0x4];
	[sflag:s16] =	ssyncadd.s32 $0xFFFFFFB0  }
0x9d: {  	[tilespmem:s21], [sflag:$0x1] =	stream.linear.gather [hbm4b:s12+s3], $0x2800, $0x38;
	[tilespmem:$0x1E200] =	vst v63  }
0x9e: {  	_ =	swait.ge [sflag:s29], $0x2800  }
0x9f: {  	[sflag:s29] =	ssyncset.done $0x0  }
0xa0: {  	[sflag:s29] =	ssyncadd.s32 $0xFFFFD800  }
0xa1: {  	[spmem:s2] =	stream.indirect.scatter.add.f32 [tilespmem:s21], [sflag:$0x5], $0x80, s3, s30, $0xb8;
	[tilespmem:$0x1E200] =	vst v63  }
0xa2: {  	_ =	swait.ge [sflag:s16], $0x2800  }
0xa3: {  	[sflag:s16] =	ssyncset.done $0x0  }
0xa4: {  	[sflag:s16] =	ssyncadd.s32 $0xFFFFD800  }
0xa5: {  	[bflag:$0x0] =	sbarrier.arrive $0xFFFF  }
0xa6: {  	s19 =	rddreg [dreg:$0x5]  }
0xa7: {  	[hbm:s19], [sflag:s5] =	dma.local [spmem:s15], $0x2800  }
0xa8: {  	_ =	swait.ge [sflag:s16], $0x2800  }
0xa9: {  	s6 =	sadd.s32 $0x1, s6;
	s20 =	rddreg [dreg:$0x6]  }
0xaa: {  	p0 =	sne.s32 s6, s20  }
.Ltmp1:
0xab: {  	_ = 	snop;
	(pc) =	sbr.rel @p0 .LBB2_1-.Ltmp1, $3  }
0xac: {  	_ =	sdelay $0x1  }
0xad: {  	[sflag:s16] =	ssyncset.done $0x0  }
0xae: {  	[sflag:s16] =	ssyncadd.s32 $0xFFFFD800  }
0xaf: {  	_ =	sfence.sel $0x180000  }
0xb0: {  	[bflag:$0x0] =	sbarrier.arrive $0xFFFF  }
0xb1: {  	_ =	strace $0x9000004D  }
0xb2: {  	s0 =	stileid.u32;
	[bflag:$0x2] =	sbarrier.arrive $0xFFFF  }
0xb3: {  	p0 =	sne.s32 s0, $0x0;
	s0 =	rddreg [dreg:$0x2]  }
0xb4: {  	s0 =	sadd.s32 @!p0 $0x100000, s0  }
0xb5: {  	[sflag:s0] =	ssyncadd.tile.s32 @!p0 $0x1;
	_ =	shalt  }
.Lfunc_end2:
_tile_overlayer_lowered:
.L_overlay_start_2:
0xb6: {  	(tag) =	ssettag $0x2  }
0xb7: {  	s0 =	rddreg [dreg:$0x0];
	s2 =	stileid.u32  }
0xb8: {  	s1 =	rddreg [dreg:$0x1];
	p0 =	sne.s32 s2, $0x0  }
0xb9: {  	s3 =	rddreg [dreg:$0x2];
	[bflag:$0x3] =	sbarrier.arrive $0xFFFF;
	s2 =	simm.s32 @!p0 $0x1C05  }
0xba: {  	[timem:s3], [sflag:s2] =	dma.local @!p0 [hbm:s0], s1  }
0xbb: {  	s0 =	simm.s32 @!p0 $0x5  }
0xbc: {  	_ =	swait.ge @!p0 [sflag:s0], s1  }
0xbd: {  	s1 =	ssub.s32 @!p0 $0x0, s1;
	[sflag:s0] =	ssyncset.done @!p0 $0x0  }
0xbe: {  	[sflag:s0] =	ssyncadd.s32 @!p0 s1  }
0xbf: {  	[bflag:$0x3] =	sbarrier.arrive $0xFFFF  }
0xc0: {  	_ =	shalt  }

// kernel: kernel.14.cloned.1.call-start
scs
__scs_entry_jumppad:
0x0: {  	(pc) =	sbr.rel $0x88, $3  }
0x1: {  	(tag) =	ssettag $0x0;
	lr =	simm.s32 $0x1  }
0x2: {  	[smem:$0x3F93] =	sst lr;
	_ =	strace $0xD0000000  }
0x3: {  	_ = 	snop  }
0x4: {  	_ = 	snop  }
0x5: {  	_ = 	snop  }
0x6: {  	_ = 	snop  }
0x7: {  	_ = 	snop  }
__scs_overlays_trampoline_lowered:
0x8: {  	[smem:$0x3FA2] =	sst s0  }
0x9: {  	[smem:$0x3FA3] =	sst s1  }
0xa: {  	[smem:$0x3FA4] =	sst s2  }
0xb: {  	[smem:$0x3FA5] =	sst s3  }
0xc: {  	[smem:$0x3FA6] =	sst s4  }
0xd: {  	[smem:$0x3FA7] =	sst s5  }
0xe: {  	[smem:$0x3FA8] =	sst s6  }
0xf: {  	[smem:$0x3FA9] =	sst s7  }
0x10: {  	[smem:$0x3FAA] =	sst s8  }
0x11: {  	[smem:$0x3FAB] =	sst s9;
	s0 =	simm.s32 @!p0 $0x0  }
0x12: {  	s1 =	sld [smem:$0x3F91];
	s0 =	simm.s32 @p0 $0x1  }
0x13: {  	[smem:$0x3FAC] =	sst s0;
	s0 =	simm.s32 @!p1 $0x0  }
0x14: {  	s2 =	sld [smem:$0x3F90];
	s0 =	simm.s32 @p1 $0x1  }
0x15: {  	[smem:$0x3FAD] =	sst s0;
	s0 =	simm.s32 @!p2 $0x0  }
0x16: {  	s3 =	sld [smem:$0x3FDB];
	s0 =	simm.s32 @p2 $0x1  }
0x17: {  	s4 =	simm.s32 $0x1BF5;
	[smem:$0x3FAF] =	sst s0  }
0x18: {  	s0 =	sld [smem:$0x3F92];
	_ =	swait.ge [sflag:s4], $0x0  }
0x19: {  	s7 =	sld [smem:$0x3F93]  }
0x1a: {  	s8 =	sadd.s32 $0xFFFFE003, lr  }
0x1b: {  	s9 =	sadd.s32 $0xFFFFFEF7, lr;
	s5 =	simm.s32 $0xFFFFFFFF;
	p2 =	slt.u32 s8, $0xFFFFF086  }
0x1c: {  	p1 =	slt.u32 s9, $0xF7A;
	s5 =	simm.s32 @!p2 $0x0  }
0x1d: {  	s5 =	simm.s32 @p1 $0x1;
	p0 =	seq.s32 s7, s2  }
0x1e: {  	s7 =	smul.u32 @!p0 $0xF7A, s2;
	p2 =	seq.s32 @!p0 s5, $0x0  }
0x1f: {  	s9 =	smul.u32 $0xF7A, s1;
	s8 =	simm.s32 @!p0 $0x1BF5;
	p2 =	por !p2, p0  }
0x20: {  	[sflag:s8] =	ssyncset.s32 @!p0 $0xFFFFF086;
	s6 =	sadd.s32 @!p0 s3, s7;
	s7 =	simm.s32 @!p0 $0x108  }
0x21: {  	s3 =	sadd.s32 s3, s9;
	s6 =	sadd.s32 @!p0 $0x88, s6;
	s7 =	simm.s32 @p2 $0x1082  }
0x22: {  	[simem:s7], [sflag:s8] =	dma.local @!p0 [hbm:s6], $0xF7A  }
0x23: {  	s9 =	sor.u32 $0xD0000000, s2;
	s6 =	simm.s32 $0x108;
	_ =	swait.ge @!p0 [sflag:s8], $0x0  }
0x24: {  	s3 =	sadd.s32 $0x88, s3;
	s6 =	simm.s32 @!p1 $0x1082;
	[sflag:s4] =	ssyncset.s32 $0xFFFFF086  }
0x25: {  	[simem:s6], [sflag:s4] =	dma.local [hbm:s3], $0xF7A  }
0x26: {  	[smem:$0x3F93] =	sst s1;
	(tag) =	ssettag s2;
	_ =	strace s9  }
0x27: {  	s1 =	sld [smem:$0x3FA3]  }
0x28: {  	s2 =	sld [smem:$0x3FA4]  }
0x29: {  	s4 =	sld [smem:$0x3FA6]  }
0x2a: {  	p0 =	seq.s32 s5, $0x0;
	s5 =	sld [smem:$0x3FA7]  }
0x2b: {  	s6 =	sld [smem:$0x3FA8]  }
0x2c: {  	s7 =	sld [smem:$0x3FA9]  }
0x2d: {  	s3 =	simm.s32 $0x108;
	s8 =	sld [smem:$0x3FAA]  }
0x2e: {  	s3 =	simm.s32 @!p0 $0x1082;
	s9 =	sld [smem:$0x3FAB]  }
0x2f: {  	lr =	sadd.s32 s0, s3;
	s0 =	sld [smem:$0x3FA2]  }
0x30: {  	s3 =	sld [smem:$0x3FA5]  }
0x31: {  	[smem:$0x3FAE] =	sst s10  }
0x32: {  	s10 =	sld [smem:$0x3FAC];
	_ =	sdelay $0x3  }
0x33: {  	p0 =	seq.s32 s10, $0x1;
	s10 =	sld [smem:$0x3FAE];
	_ =	sdelay $0x3  }
0x34: {  	[smem:$0x3FAE] =	sst s10  }
0x35: {  	s10 =	sld [smem:$0x3FAD];
	_ =	sdelay $0x3  }
0x36: {  	p1 =	seq.s32 s10, $0x1;
	s10 =	sld [smem:$0x3FAE];
	_ =	sdelay $0x3  }
0x37: {  	[smem:$0x3FAE] =	sst s10  }
0x38: {  	s10 =	sld [smem:$0x3FAF]  }
0x39: {  	_ = 	snop;
	(pc) =	sbr.ind lr, $3  }
0x3a: {  	_ = 	snop  }
0x3b: {  	_ = 	snop  }
0x3c: {  	p2 =	seq.s32 s10, $0x1;
	s10 =	sld [smem:$0x3FAE]  }
0x3d: {  	_ =	shalt  }
0x3e: {  	_ =	shalt  }
0x3f: {  	_ =	shalt  }
0x40: {  	_ =	shalt  }
0x41: {  	_ =	shalt  }
0x42: {  	_ =	shalt  }
0x43: {  	_ =	shalt  }
0x44: {  	_ =	shalt  }
0x45: {  	_ =	shalt  }
0x46: {  	_ =	shalt  }
0x47: {  	_ =	shalt  }
0x48: {  	_ =	shalt  }
0x49: {  	_ =	shalt  }
0x4a: {  	_ =	shalt  }
0x4b: {  	_ =	shalt  }
0x4c: {  	_ =	shalt  }
0x4d: {  	_ =	shalt  }
0x4e: {  	_ =	shalt  }
0x4f: {  	_ =	shalt  }
0x50: {  	_ =	shalt  }
0x51: {  	_ =	shalt  }
0x52: {  	_ =	shalt  }
0x53: {  	_ =	shalt  }
0x54: {  	_ =	shalt  }
0x55: {  	_ =	shalt  }
0x56: {  	_ =	shalt  }
0x57: {  	_ =	shalt  }
0x58: {  	_ =	shalt  }
0x59: {  	_ =	shalt  }
0x5a: {  	_ =	shalt  }
0x5b: {  	_ =	shalt  }
0x5c: {  	_ =	shalt  }
0x5d: {  	_ =	shalt  }
0x5e: {  	_ =	shalt  }
0x5f: {  	_ =	shalt  }
0x60: {  	_ =	shalt  }
0x61: {  	_ =	shalt  }
0x62: {  	_ =	shalt  }
0x63: {  	_ =	shalt  }
0x64: {  	_ =	shalt  }
0x65: {  	_ =	shalt  }
0x66: {  	_ =	shalt  }
0x67: {  	_ =	shalt  }
0x68: {  	_ =	shalt  }
0x69: {  	_ =	shalt  }
0x6a: {  	_ =	shalt  }
0x6b: {  	_ =	shalt  }
0x6c: {  	_ =	shalt  }
0x6d: {  	_ =	shalt  }
0x6e: {  	_ =	shalt  }
0x6f: {  	_ =	shalt  }
0x70: {  	_ =	shalt  }
0x71: {  	_ =	shalt  }
0x72: {  	_ =	shalt  }
0x73: {  	_ =	shalt  }
0x74: {  	_ =	shalt  }
0x75: {  	_ =	shalt  }
0x76: {  	_ =	shalt  }
0x77: {  	_ =	shalt  }
0x78: {  	_ =	shalt  }
0x79: {  	_ =	shalt  }
0x7a: {  	_ =	shalt  }
0x7b: {  	_ =	shalt  }
0x7c: {  	_ =	shalt  }
0x7d: {  	_ =	shalt  }
0x7e: {  	_ =	shalt  }
0x7f: {  	_ =	shalt  }
0x80: {  	_ =	shalt  }
0x81: {  	_ =	shalt  }
0x82: {  	_ =	shalt  }
0x83: {  	_ =	shalt  }
0x84: {  	_ =	shalt  }
0x85: {  	_ =	shalt  }
0x86: {  	_ =	shalt  }
0x87: {  	_ =	shalt  }
.Lfunc_end0:
.L_simem_size_0:
called_computation.2_lowered:
.L_overlay_start_0:
0x88: {  	s2 =	sld [smem:$0x3FD9]  }
0x89: {  	s3 =	sld [smem:$0x3FFE];
	_ =	sdelay $0x1  }
0x8a: {  	s1 =	srdreg.scid  }
0x8b: {  	s0 =	sand.u32 $0x1, s1  }
0x8c: {  	s15 =	sshll.u32 s0, $0xA;
	s2 =	sadd.s32 s3, s2  }
0x8d: {  	s2 =	sadd.s32 s2, s15  }
0x8e: {  	[smem:$0x3FBA] =	sst s2  }
0x8f: {  	_ = 	snop  }
0x90: {  	s2 =	sld [smem:$0x3FD0];
	_ =	sdelay $0x2  }
0x91: {  	s5 =	simm.s32 $0xC;
	s4 =	simm.s32 $0x10;
	s16 =	sld [smem:$0x3FC8]  }
0x92: {  	[smem:s4], [sflag:s5] =	dma.local [hbm:s2], $0x1  }
0x93: {  	_ =	swait.eq [sflag:s5], $0x1  }
0x94: {  	[sflag:s5] =	ssyncset.done $0x0  }
0x95: {  	s17 =	sld [smem:$0x10];
	[sflag:s5] =	ssyncadd.s32 $0xFFFFFFFF  }
0x96: {  	s18 =	sld [smem:$0x11];
	(tm) =	ssettm $0x1  }
0x97: {  	s19 =	sld [smem:$0x3FFB];
	_ =	sdelay $0x3  }
0x98: {  	_ =	strace s19  }
0x99: {  	s2 =	sld [smem:$0x3FFC];
	_ =	sdelay $0x3  }
0x9a: {  	_ =	strace s2  }
0x9b: {  	s2 =	sld [smem:$0x3FFD];
	_ =	sdelay $0x3  }
0x9c: {  	_ =	strace s2  }
0x9d: {  	_ =	strace $0x8FFFFFFF  }
0x9e: {  	s20 =	sld [smem:$0x3FDB];
	_ =	sdelay $0x1  }
0x9f: {  	s6 =	simm.s32 $_scs_section_size  }
0xa0: {  	s7 =	simm.s32 $_size__tile_overlayer_lowered;
	s8 =	simm.s32 $_tile_overlayer_lowered  }
0xa1: {  	s9 =	simm.s32 $0x1BFF;
	s21 =	sshll.u32 s8, $0x1;
	s6 =	sadd.s32 s6, s20  }
0xa2: {  	s22 =	simm.s32 $0x0;
	s7 =	sshll.u32 s7, $0x1;
	s8 =	sadd.s32 s21, s6  }
0xa3: {  	[timem:s22], [sflag:s9] =	dma.local [hbm:s8], s7  }
0xa4: {  	_ =	swait.ge [sflag:s9], s7  }
0xa5: {  	s7 =	ssub.s32 $0x0, s7;
	[sflag:s9] =	ssyncset.done $0x0  }
0xa6: {  	[sflag:s9] =	ssyncadd.s32 s7;
	_ =	sdelay $0x1  }
0xa7: {  	s23 =	simm.s32 $0x1B8B  }
0xa8: {  	_ =	swait.ge [sflag:s23], $0x1  }
0xa9: {  	[sflag:s23] =	ssyncset.done $0x0  }
0xaa: {  	[sflag:s23] =	ssyncadd.s32 $0xFFFFFFFF  }
0xab: {  	s7 =	sld [smem:$0x0]  }
0xac: {  	s8 =	sand.u32 $0xFFFFFFFE, s1  }
0xad: {  	p0 =	sne.s32 s1, s8  }
0xae: {  	s8 =	sshll.u32 @p0 s8, $0xE  }
0xaf: {  	s8 =	sadd.s32 @p0 $0x11B8D, s8;
	s9 =	sshll.u32 @p0 s7, $0x11  }
0xb0: {  	s8 =	sor.u32 @p0 s9, s8  }
0xb1: {  	[sflag:s8] =	ssyncadd.remote.s32 @p0 $0x1;
	_ =	sdelay $0x1  }
0xb2: {  	s8 =	simm.s32 @p0 $0x1B8D  }
0xb3: {  	_ =	swait.eq @p0 [sflag:s8], $0x1  }
0xb4: {  	[sflag:s8] =	ssyncadd.s32 @p0 $0xFFFFFFFF  }
0xb5: {  	s9 =	sshll.u32 @!p0 s1, $0xE  }
0xb6: {  	s9 =	sor.u32 @!p0 $0x4000, s9;
	s8 =	simm.s32 @!p0 $0x1B8D  }
0xb7: {  	s7 =	sshll.u32 @!p0 s7, $0x11;
	s9 =	sadd.s32 @!p0 $0x11B8D, s9;
	_ =	swait.eq @!p0 [sflag:s8], $0x1  }
0xb8: {  	s7 =	sor.u32 @!p0 s7, s9;
	[sflag:s8] =	ssyncadd.s32 @!p0 $0xFFFFFFFF  }
0xb9: {  	s25 =	simm.s32 $0x1B8E;
	s24 =	sld [smem:$0x3FFE];
	[sflag:s7] =	ssyncadd.remote.s32 @!p0 $0x1  }
0xba: {  	s26 =	simm.s32 $execute0_lowered;
	[smem:$0x3FD2] =	sst s25  }
0xbb: {  	s8 =	sshll.u32 s26, $0x1;
	_ =	strace $0x80000049;
	[dreg:$0x1] =	wrdreg $0xFFFFFFFF  }
0xbc: {  	s28 =	simm.s32 $_size_execute0_lowered;
	s6 =	sadd.s32 s6, s8;
	[dreg:$0x0] =	wrdreg $0x0  }
0xbd: {  	s8 =	sshll.u32 s28, $0x1;
	[dreg:$0x2] =	wrdreg s6  }
0xbe: {  	[dreg:$0x3] =	wrdreg s8  }
0xbf: {  	[dreg:$0x4] =	wrdreg $0xC0  }
0xc0: {  	_ =	task [dreg:s22], $0x5FFFF  }
0xc1: {  	[dreg:$0x1] =	wrdreg $0xFFFFFFFF  }
0xc2: {  	[dreg:$0x0] =	wrdreg $0x60  }
0xc3: {  	[dreg:$0x2] =	wrdreg s16  }
0xc4: {  	[dreg:$0x3] =	wrdreg s17  }
0xc5: {  	[dreg:$0x4] =	wrdreg s18  }
0xc6: {  	[dreg:$0x5] =	wrdreg s24  }
0xc7: {  	[dreg:$0x6] =	wrdreg $0xA4000  }
0xc8: {  	[dreg:$0x7] =	wrdreg $0xB  }
0xc9: {  	_ =	task.clear_ibuf [dreg:s22], $0x8FFFF;
	_ =	strace $0x90000049  }
0xca: {  	s29 =	simm.s32 $0xB;
	_ =	strace $0x8000004B  }
0xcb: {  	_ =	swait.ge [sflag:s29], $0x1  }
0xcc: {  	[sflag:s29] =	ssyncadd.s32 $0xFFFFFFFF  }
0xcd: {  	_ =	strace $0x9000004B  }
0xce: {  	_ =	sfence  }
0xcf: {  	s30 =	sld [smem:$0x0];
	_ =	sdelay $0x2  }
0xd0: {  	s31 =	sshll.u32 s1, $0xD;
	s1 =	sshrl.u32 s1, $0x2  }
0xd1: {  	s4 =	sand.u32 $0x4000, s31;
	s1 =	sadd.s32 s1, s30  }
0xd2: {  	s0 =	sor.u32 s4, s0;
	s1 =	sshll.u32 s1, $0x11  }
0xd3: {  	s0 =	sor.u32 s1, s0  }
0xd4: {  	s0 =	sadd.s32 $0x8F2B, s0  }
0xd5: {  	[sflag:s0] =	ssyncadd.remote.s32 $0x1  }
0xd6: {  	_ =	sfence.sel $0xFFFF  }
0xd7: {  	[dreg:$0x0] =	wrdreg $0xFFFFFFFF;
	(pc) =	sbr.abs _section_cstart, $3  }
0xd8: {  	[dreg:$0x1] =	wrdreg $0xFFFFFFFF  }
0xd9: {  	_ =	task.clear_ibuf [dreg:s22], $0x2FFFF;
	_ =	strace $0x9FFFFFFF  }
0xda: {  	(tm) =	ssettm $0x7FFFFFFF  }
0xdb: {  	_ =	shalt  }
tec
execute0_lowered:
.L_overlay_start_1:
0x0: {  	(tag) =	ssettag $0x1  }
0x1: {  	s1 =	rddreg [dreg:$0x0]  }
0x2: {  	s0 =	rddreg [dreg:$0x1]  }
0x3: {  	s2 =	rddreg [dreg:$0x2]  }
0x4: {  	s6 =	rddreg [dreg:$0x3]  }
0x5: {  	s3 =	rddreg [dreg:$0x4]  }
0x6: {  	s5 =	srdreg.scid;
	s12 =	stileid.u32;
	s4 =	simm.s32 $0x0  }
0x7: {  	s28 =	simm.s32 $0x5400;
	s29 =	simm.s32 $0x180;
	s30 =	simm.s32 $0x380  }
0x8: {  	s31 =	simm.s32 $0x7C00;
	s7 =	sand.u32 $0x1, s5;
	s15 =	smul.u32 $0x2800, s12  }
0x9: {  	[smem:$0x7FF] =	sst s4;
	s11 =	smul.u32 $0x50000, s12;
	s5 =	sadd.s32 $0x3400, s6  }
0xa: {  	s17 =	sshll.u32 s12, $0x1;
	s18 =	smul.u32 $0x4E20, s12;
	s12 =	sshll.u32 s12, $0x6  }
0xb: {  	s8 =	smul.u32 $0x28000, s7;
	_ =	strace $0x8000004A;
	s9 =	ssub.s32 $0x2, s7  }
0xc: {  	s13 =	smul.u32 $0x2710, s7;
	s10 =	sshrl.u32 s9, $0x1;
	s16 =	sshrl.u32 s11, $0x2  }
0xd: {  	s8 =	sadd.s32 s15, s8;
	s9 =	ssub.s32 s9, s10;
	s10 =	sor.u32 s7, s17  }
0xe: {  	s7 =	sor.u32 $0x1C05, s12;
	s11 =	sadd.s32 s13, s18;
	s8 =	sadd.s32 s8, s6  }
0xf: {  	s6 =	sadd.s32 s16, s3;
	s10 =	smul.u32 $0x2710, s10;
	s19 =	sadd.s32 $0xF0, s11  }
0x10: {  	s14 =	sadd.s32 $0xA0, s11;
	s24 =	sadd.s32 $0x50, s11;
	s15 =	sadd.s32 $0x4000, s6  }
0x11: {  	s16 =	sadd.s32 $0x8000, s6;
	s17 =	sadd.s32 $0xC000, s6;
	[dreg:$0xc] =	wrdreg s6  }
0x12: {  	s18 =	sadd.s32 $0x10000, s6;
	s12 =	sshrl.u32 s19, $0x3;
	s22 =	sshrl.u32 s14, $0x3  }
0x13: {  	s26 =	sshrl.u32 s24, $0x3;
	s19 =	sadd.s32 $0x53C00, s8;
	s8 =	simm.s32 $0x3  }
0x14: {  	s10 =	sshrl.u32 s10, $0x3;
	s21 =	sadd.s32 s12, s2;
	[dreg:$0xf] =	wrdreg s19  }
0x15: {  	s12 =	sadd.s32 s12, s0;
	s23 =	sadd.s32 s22, s2;
	[dreg:$0x6] =	wrdreg s21  }
0x16: {  	s25 =	sadd.s32 s22, s0;
	s14 =	sadd.s32 s26, s2;
	[dreg:$0x7] =	wrdreg s12  }
0x17: {  	s22 =	sshrl.u32 s11, $0x3;
	s24 =	sshrl.u32 s16, $0x3;
	[dreg:$0x8] =	wrdreg s23  }
0x18: {  	s19 =	simm.s32 $0x200;
	s10 =	sadd.s32 $0x4D8, s10;
	[dreg:$0x9] =	wrdreg s25  }
0x19: {  	[dreg:$0xa] =	wrdreg s14;
	s21 =	smax.u32 s9, $0x1;
	s12 =	sadd.s32 s22, s2  }
0x1a: {  	s13 =	sadd.s32 s22, s0;
	s14 =	simm.s32 $0x5;
	s23 =	sshrl.u32 s15, $0x3  }
0x1b: {  	[dreg:$0x12] =	wrdreg s24;
	s25 =	sshrl.u32 s17, $0x3;
	s22 =	simm.s32 $0x80  }
0x1c: {  	s24 =	simm.s32 $0x2C00;
	s9 =	simm.s32 $0x4;
	[dreg:$0x10] =	wrdreg s21  }
0x1d: {  	s20 =	sadd.s32 s0, s10;
	s10 =	sadd.s32 s2, s10;
	[dreg:$0x11] =	wrdreg s23  }
0x1e: {  	[dreg:$0x13] =	wrdreg s25;
	s21 =	simm.s32 $0x400;
	s23 =	simm.s32 $0x280  }
0x1f: {  	s25 =	simm.s32 $0x100;
	s2 =	simm.s32 $0x2;
	[dreg:$0xd] =	wrdreg s20  }
0x20: {  	[dreg:$0xe] =	wrdreg s10;
	s20 =	sadd.s32 s26, s0;
	s26 =	sshrl.u32 s18, $0x3  }
0x21: {  	s0 =	simm.s32 $0x1;
	s10 =	simm.s32 $0x0;
	[dreg:$0xb] =	wrdreg s20  }
0x22: {  	[dreg:$0x14] =	wrdreg s26;
	s20 =	simm.s32 $0x50;
	s26 =	simm.s32 $0x300  }
.LBB2_1:
0x23: {  	s6 =	rddreg [dreg:$0xc]  }
0x24: {  	s11 =	sshrl.u32 s6, $0x3  }
0x25: {  	[spmem:s11], [sflag:s7] =	dma.local [hbm:s5], $0x800  }
0x26: {  	_ =	swait.ge [sflag:s14], $0x800  }
0x27: {  	[sflag:s14] =	ssyncset.done $0x0  }
0x28: {  	s16 =	rddreg [dreg:$0x11];
	[sflag:s14] =	ssyncadd.s32 $0xFFFFF800  }
0x29: {  	[spmem:s16], [sflag:s7] =	dma.local [hbm:s5], $0x800  }
0x2a: {  	_ =	swait.ge [sflag:s14], $0x800  }
0x2b: {  	[sflag:s14] =	ssyncset.done $0x0  }
0x2c: {  	s17 =	rddreg [dreg:$0x12];
	[sflag:s14] =	ssyncadd.s32 $0xFFFFF800  }
0x2d: {  	[spmem:s17], [sflag:s7] =	dma.local [hbm:s5], $0x800  }
0x2e: {  	_ =	swait.ge [sflag:s14], $0x800  }
0x2f: {  	[sflag:s14] =	ssyncset.done $0x0  }
0x30: {  	s18 =	rddreg [dreg:$0x13];
	[sflag:s14] =	ssyncadd.s32 $0xFFFFF800  }
0x31: {  	[spmem:s18], [sflag:s7] =	dma.local [hbm:s5], $0x800  }
0x32: {  	_ =	swait.ge [sflag:s14], $0x800  }
0x33: {  	[sflag:s14] =	ssyncset.done $0x0  }
0x34: {  	s15 =	rddreg [dreg:$0x14];
	[sflag:s14] =	ssyncadd.s32 $0xFFFFF800  }
0x35: {  	[spmem:s15], [sflag:s7] =	dma.local [hbm:s5], $0x800  }
0x36: {  	_ =	swait.ge [sflag:s14], $0x800  }
0x37: {  	[sflag:s14] =	ssyncset.done $0x0  }
0x38: {  	[sflag:s14] =	ssyncadd.s32 $0xFFFFF800  }
0x39: {  	s15 =	sadd.s32 $0x0, s13;
	[bflag:$0x0] =	sbarrier.arrive $0xFFFF  }
0x3a: {  	[tilespmem:s4], [sflag:$0x5] =	stream.linear.gather [hbm4b:s15+s4], $0x50, $0x38;
	[tilespmem:$0x1E400] =	vst v63  }
0x3b: {  	_ =	swait.ge [sflag:s14], $0x50  }
0x3c: {  	[sflag:s14] =	ssyncset.done $0x0  }
0x3d: {  	s16 =	sadd.s32 $0x0, s12;
	[sflag:s14] =	ssyncadd.s32 $0xFFFFFFB0  }
0x3e: {  	[tilespmem:s19], [sflag:$0x5] =	stream.linear.gather [hbm4b:s16+s4], $0x50, $0x38;
	[tilespmem:$0x1E400] =	vst v63  }
0x3f: {  	_ =	swait.ge [sflag:s14], $0x50  }
0x40: {  	[sflag:s14] =	ssyncset.done $0x0  }
0x41: {  	s17 =	rddreg [dreg:$0xb];
	[sflag:s14] =	ssyncadd.s32 $0xFFFFFFB0  }
0x42: {  	[tilespmem:s21], [sflag:$0x1] =	stream.indirect.gather [hbm4b:s1+s20], $0x80, s4, s20, $0xb8;
	[tilespmem:$0x1E400] =	vst v63  }
0x43: {  	s15 =	sadd.s32 $0x0, s17  }
0x44: {  	[tilespmem:s22], [sflag:$0x5] =	stream.linear.gather [hbm4b:s15+s4], $0x50, $0x38;
	[tilespmem:$0x1E400] =	vst v63  }
0x45: {  	_ =	swait.ge [sflag:s14], $0x50  }
0x46: {  	s18 =	rddreg [dreg:$0xa];
	[sflag:s14] =	ssyncset.done $0x0  }
0x47: {  	[sflag:s14] =	ssyncadd.s32 $0xFFFFFFB0;
	s15 =	sadd.s32 $0x0, s18  }
0x48: {  	[tilespmem:s23], [sflag:$0x5] =	stream.linear.gather [hbm4b:s15+s4], $0x50, $0x38;
	[tilespmem:$0x1E400] =	vst v63  }
0x49: {  	_ =	swait.ge [sflag:s14], $0x50  }
0x4a: {  	[sflag:s14] =	ssyncset.done $0x0  }
0x4b: {  	s6 =	rddreg [dreg:$0x9];
	[sflag:s14] =	ssyncadd.s32 $0xFFFFFFB0  }
0x4c: {  	[tilespmem:s24], [sflag:$0x2] =	stream.indirect.gather [hbm4b:s1+s20], $0x80, s22, s20, $0xb8;
	[tilespmem:$0x1E400] =	vst v63  }
0x4d: {  	s15 =	sadd.s32 $0x0, s6  }
0x4e: {  	[tilespmem:s25], [sflag:$0x5] =	stream.linear.gather [hbm4b:s15+s4], $0x50, $0x38;
	[tilespmem:$0x1E400] =	vst v63  }
0x4f: {  	_ =	swait.ge [sflag:s14], $0x50  }
0x50: {  	s16 =	rddreg [dreg:$0x8];
	[sflag:s14] =	ssyncset.done $0x0  }
0x51: {  	[sflag:s14] =	ssyncadd.s32 $0xFFFFFFB0;
	s15 =	sadd.s32 $0x0, s16  }
0x52: {  	[tilespmem:s26], [sflag:$0x5] =	stream.linear.gather [hbm4b:s15+s4], $0x50, $0x38;
	[tilespmem:$0x1E400] =	vst v63  }
0x53: {  	_ =	swait.ge [sflag:s14], $0x50  }
0x54: {  	[sflag:s14] =	ssyncset.done $0x0  }
0x55: {  	s17 =	rddreg [dreg:$0x7];
	[sflag:s14] =	ssyncadd.s32 $0xFFFFFFB0  }
0x56: {  	[tilespmem:s28], [sflag:$0x3] =	stream.indirect.gather [hbm4b:s1+s20], $0x80, s25, s20, $0xb8;
	[tilespmem:$0x1E400] =	vst v63  }
0x57: {  	s15 =	sadd.s32 $0x0, s17  }
0x58: {  	[tilespmem:s29], [sflag:$0x5] =	stream.linear.gather [hbm4b:s15+s4], $0x50, $0x38;
	[tilespmem:$0x1E400] =	vst v63  }
0x59: {  	_ =	swait.ge [sflag:s14], $0x50  }
0x5a: {  	s18 =	rddreg [dreg:$0x6];
	[sflag:s14] =	ssyncset.done $0x0  }
0x5b: {  	[sflag:s14] =	ssyncadd.s32 $0xFFFFFFB0;
	s15 =	sadd.s32 $0x0, s18  }
0x5c: {  	[tilespmem:s30], [sflag:$0x5] =	stream.linear.gather [hbm4b:s15+s4], $0x50, $0x38;
	[tilespmem:$0x1E400] =	vst v63  }
0x5d: {  	_ =	swait.ge [sflag:s14], $0x50  }
0x5e: {  	[sflag:s14] =	ssyncset.done $0x0  }
0x5f: {  	[sflag:s14] =	ssyncadd.s32 $0xFFFFFFB0  }
0x60: {  	[tilespmem:s31], [sflag:$0x4] =	stream.indirect.gather [hbm4b:s1+s20], $0x80, s29, s20, $0xb8;
	[tilespmem:$0x1E400] =	vst v63  }
0x61: {  	_ =	swait.ge [sflag:s0], $0x2800  }
0x62: {  	[sflag:s0] =	ssyncset.done $0x0  }
0x63: {  	[sflag:s0] =	ssyncadd.s32 $0xFFFFD800  }
0x64: {  	[spmem:s3] =	stream.indirect.scatter.add.f32 [tilespmem:s21], [sflag:$0x5], $0x80, s19, s20, $0xb8;
	[tilespmem:$0x1E400] =	vst v63  }
0x65: {  	_ =	swait.ge [sflag:s14], $0x2800  }
0x66: {  	[sflag:s14] =	ssyncset.done $0x0  }
0x67: {  	[sflag:s14] =	ssyncadd.s32 $0xFFFFD800  }
0x68: {  	_ =	swait.ge [sflag:s2], $0x2800  }
0x69: {  	[sflag:s2] =	ssyncset.done $0x0  }
0x6a: {  	[sflag:s2] =	ssyncadd.s32 $0xFFFFD800  }
0x6b: {  	[spmem:s3] =	stream.indirect.scatter.add.f32 [tilespmem:s24], [sflag:$0x5], $0x80, s23, s20, $0xb8;
	[tilespmem:$0x1E400] =	vst v63  }
0x6c: {  	_ =	swait.ge [sflag:s14], $0x2800  }
0x6d: {  	[sflag:s14] =	ssyncset.done $0x0  }
0x6e: {  	[sflag:s14] =	ssyncadd.s32 $0xFFFFD800  }
0x6f: {  	_ =	swait.ge [sflag:s8], $0x2800  }
0x70: {  	[sflag:s8] =	ssyncset.done $0x0  }
0x71: {  	[sflag:s8] =	ssyncadd.s32 $0xFFFFD800  }
0x72: {  	[spmem:s3] =	stream.indirect.scatter.add.f32 [tilespmem:s28], [sflag:$0x5], $0x80, s26, s20, $0xb8;
	[tilespmem:$0x1E400] =	vst v63  }
0x73: {  	_ =	swait.ge [sflag:s14], $0x2800  }
0x74: {  	[sflag:s14] =	ssyncset.done $0x0  }
0x75: {  	[sflag:s14] =	ssyncadd.s32 $0xFFFFD800  }
0x76: {  	_ =	swait.ge [sflag:s9], $0x2800  }
0x77: {  	[sflag:s9] =	ssyncset.done $0x0  }
0x78: {  	[sflag:s9] =	ssyncadd.s32 $0xFFFFD800  }
0x79: {  	[spmem:s3] =	stream.indirect.scatter.add.f32 [tilespmem:s31], [sflag:$0x5], $0x80, s30, s20, $0xb8;
	[tilespmem:$0x1E400] =	vst v63  }
0x7a: {  	_ =	swait.ge [sflag:s14], $0x2800  }
0x7b: {  	s16 =	simm.s32 $0x50;
	s15 =	simm.s32 $0x28;
	[sflag:s14] =	ssyncset.done $0x0  }
.LBB2_2:
0x7c: {  	s6 =	sadd.s32 s15, s13;
	[sflag:s14] =	ssyncadd.s32 $0xFFFFD800  }
0x7d: {  	[tilespmem:s4], [sflag:$0x5] =	stream.linear.gather [hbm4b:s6+s4], $0x50, $0x38;
	[tilespmem:$0x1E400] =	vst v63  }
0x7e: {  	_ =	swait.ge [sflag:s14], $0x50  }
0x7f: {  	s17 =	smov.u32 s16;
	s18 =	sadd.s32 $0x28, s16;
	[sflag:s14] =	ssyncset.done $0x0  }
0x80: {  	p0 =	sne.s32 s16, $0x4B0;
	s16 =	sadd.s32 s15, s12;
	[sflag:s14] =	ssyncadd.s32 $0xFFFFFFB0  }
0x81: {  	[tilespmem:s19], [sflag:$0x5] =	stream.linear.gather [hbm4b:s16+s4], $0x50, $0x38;
	[tilespmem:$0x1E400] =	vst v63  }
0x82: {  	_ =	swait.ge [sflag:s14], $0x50  }
0x83: {  	[sflag:s14] =	ssyncset.done $0x0  }
0x84: {  	s16 =	rddreg [dreg:$0xb];
	[sflag:s14] =	ssyncadd.s32 $0xFFFFFFB0  }
0x85: {  	[tilespmem:s21], [sflag:$0x1] =	stream.indirect.gather [hbm4b:s1+s20], $0x80, s4, s20, $0xb8;
	[tilespmem:$0x1E400] =	vst v63  }
0x86: {  	s6 =	sadd.s32 s15, s16  }
0x87: {  	[tilespmem:s22], [sflag:$0x5] =	stream.linear.gather [hbm4b:s6+s4], $0x50, $0x38;
	[tilespmem:$0x1E400] =	vst v63  }
0x88: {  	_ =	swait.ge [sflag:s14], $0x50  }
0x89: {  	s16 =	rddreg [dreg:$0xa];
	[sflag:s14] =	ssyncset.done $0x0  }
0x8a: {  	[sflag:s14] =	ssyncadd.s32 $0xFFFFFFB0;
	s6 =	sadd.s32 s15, s16  }
0x8b: {  	[tilespmem:s23], [sflag:$0x5] =	stream.linear.gather [hbm4b:s6+s4], $0x50, $0x38;
	[tilespmem:$0x1E400] =	vst v63  }
0x8c: {  	_ =	swait.ge [sflag:s14], $0x50  }
0x8d: {  	[sflag:s14] =	ssyncset.done $0x0  }
0x8e: {  	s16 =	rddreg [dreg:$0x9];
	[sflag:s14] =	ssyncadd.s32 $0xFFFFFFB0  }
0x8f: {  	[tilespmem:s24], [sflag:$0x2] =	stream.indirect.gather [hbm4b:s1+s20], $0x80, s22, s20, $0xb8;
	[tilespmem:$0x1E400] =	vst v63  }
0x90: {  	s6 =	sadd.s32 s15, s16  }
0x91: {  	[tilespmem:s25], [sflag:$0x5] =	stream.linear.gather [hbm4b:s6+s4], $0x50, $0x38;
	[tilespmem:$0x1E400] =	vst v63  }
0x92: {  	_ =	swait.ge [sflag:s14], $0x50  }
0x93: {  	s16 =	rddreg [dreg:$0x8];
	[sflag:s14] =	ssyncset.done $0x0  }
0x94: {  	[sflag:s14] =	ssyncadd.s32 $0xFFFFFFB0;
	s6 =	sadd.s32 s15, s16  }
0x95: {  	[tilespmem:s26], [sflag:$0x5] =	stream.linear.gather [hbm4b:s6+s4], $0x50, $0x38;
	[tilespmem:$0x1E400] =	vst v63  }
0x96: {  	_ =	swait.ge [sflag:s14], $0x50  }
0x97: {  	[sflag:s14] =	ssyncset.done $0x0  }
0x98: {  	s16 =	rddreg [dreg:$0x7];
	[sflag:s14] =	ssyncadd.s32 $0xFFFFFFB0  }
0x99: {  	[tilespmem:s28], [sflag:$0x3] =	stream.indirect.gather [hbm4b:s1+s20], $0x80, s25, s20, $0xb8;
	[tilespmem:$0x1E400] =	vst v63  }
0x9a: {  	s6 =	sadd.s32 s15, s16  }
0x9b: {  	[tilespmem:s29], [sflag:$0x5] =	stream.linear.gather [hbm4b:s6+s4], $0x50, $0x38;
	[tilespmem:$0x1E400] =	vst v63  }
0x9c: {  	_ =	swait.ge [sflag:s14], $0x50  }
0x9d: {  	s16 =	rddreg [dreg:$0x6];
	[sflag:s14] =	ssyncset.done $0x0  }
0x9e: {  	[sflag:s14] =	ssyncadd.s32 $0xFFFFFFB0;
	s6 =	sadd.s32 s15, s16  }
0x9f: {  	[tilespmem:s30], [sflag:$0x5] =	stream.linear.gather [hbm4b:s6+s4], $0x50, $0x38;
	[tilespmem:$0x1E400] =	vst v63  }
0xa0: {  	_ =	swait.ge [sflag:s14], $0x50  }
0xa1: {  	[sflag:s14] =	ssyncset.done $0x0  }
0xa2: {  	[sflag:s14] =	ssyncadd.s32 $0xFFFFFFB0  }
0xa3: {  	[tilespmem:s31], [sflag:$0x4] =	stream.indirect.gather [hbm4b:s1+s20], $0x80, s29, s20, $0xb8;
	[tilespmem:$0x1E400] =	vst v63  }
0xa4: {  	_ =	swait.ge [sflag:s0], $0x2800  }
0xa5: {  	[sflag:s0] =	ssyncset.done $0x0  }
0xa6: {  	[sflag:s0] =	ssyncadd.s32 $0xFFFFD800  }
0xa7: {  	[spmem:s3] =	stream.indirect.scatter.add.f32 [tilespmem:s21], [sflag:$0x5], $0x80, s19, s20, $0xb8;
	[tilespmem:$0x1E400] =	vst v63  }
0xa8: {  	_ =	swait.ge [sflag:s14], $0x2800  }
0xa9: {  	[sflag:s14] =	ssyncset.done $0x0  }
0xaa: {  	[sflag:s14] =	ssyncadd.s32 $0xFFFFD800  }
0xab: {  	_ =	swait.ge [sflag:s2], $0x2800  }
0xac: {  	[sflag:s2] =	ssyncset.done $0x0  }
0xad: {  	[sflag:s2] =	ssyncadd.s32 $0xFFFFD800  }
0xae: {  	[spmem:s3] =	stream.indirect.scatter.add.f32 [tilespmem:s24], [sflag:$0x5], $0x80, s23, s20, $0xb8;
	[tilespmem:$0x1E400] =	vst v63  }
0xaf: {  	_ =	swait.ge [sflag:s14], $0x2800  }
0xb0: {  	[sflag:s14] =	ssyncset.done $0x0  }
0xb1: {  	[sflag:s14] =	ssyncadd.s32 $0xFFFFD800  }
0xb2: {  	_ =	swait.ge [sflag:s8], $0x2800  }
0xb3: {  	[sflag:s8] =	ssyncset.done $0x0  }
0xb4: {  	[sflag:s8] =	ssyncadd.s32 $0xFFFFD800  }
0xb5: {  	[spmem:s3] =	stream.indirect.scatter.add.f32 [tilespmem:s28], [sflag:$0x5], $0x80, s26, s20, $0xb8;
	[tilespmem:$0x1E400] =	vst v63  }
0xb6: {  	_ =	swait.ge [sflag:s14], $0x2800  }
0xb7: {  	[sflag:s14] =	ssyncset.done $0x0  }
0xb8: {  	[sflag:s14] =	ssyncadd.s32 $0xFFFFD800  }
0xb9: {  	_ =	swait.ge [sflag:s9], $0x2800  }
.Ltmp0:
0xba: {  	[sflag:s9] =	ssyncset.done $0x0;
	(pc) =	sbr.rel @p0 .LBB2_2-.Ltmp0, $4  }
0xbb: {  	[sflag:s9] =	ssyncadd.s32 $0xFFFFD800  }
0xbc: {  	[spmem:s3] =	stream.indirect.scatter.add.f32 [tilespmem:s31], [sflag:$0x5], $0x80, s30, s20, $0xb8;
	[tilespmem:$0x1E400] =	vst v63  }
0xbd: {  	_ =	swait.ge [sflag:s14], $0x2800  }
0xbe: {  	s15 =	smov.u32 s17;
	s16 =	smov.u32 s18;
	[sflag:s14] =	ssyncset.done $0x0  }
0xbf: {  	s6 =	sadd.s32 s15, s13;
	[sflag:s14] =	ssyncadd.s32 $0xFFFFD800  }
0xc0: {  	[tilespmem:s4], [sflag:$0x5] =	stream.linear.gather [hbm4b:s6+s4], $0x50, $0x38;
	[tilespmem:$0x1E400] =	vst v63  }
0xc1: {  	_ =	swait.ge [sflag:s14], $0x50  }
0xc2: {  	[sflag:s14] =	ssyncset.done $0x0  }
0xc3: {  	s18 =	sadd.s32 s15, s12;
	[sflag:s14] =	ssyncadd.s32 $0xFFFFFFB0  }
0xc4: {  	[tilespmem:s19], [sflag:$0x5] =	stream.linear.gather [hbm4b:s18+s4], $0x50, $0x38;
	[tilespmem:$0x1E400] =	vst v63  }
0xc5: {  	_ =	swait.ge [sflag:s14], $0x50  }
0xc6: {  	[sflag:s14] =	ssyncset.done $0x0  }
0xc7: {  	s16 =	rddreg [dreg:$0xb];
	[sflag:s14] =	ssyncadd.s32 $0xFFFFFFB0  }
0xc8: {  	[tilespmem:s21], [sflag:$0x1] =	stream.indirect.gather [hbm4b:s1+s20], $0x80, s4, s20, $0xb8;
	[tilespmem:$0x1E400] =	vst v63  }
0xc9: {  	s6 =	sadd.s32 s15, s16  }
0xca: {  	[tilespmem:s22], [sflag:$0x5] =	stream.linear.gather [hbm4b:s6+s4], $0x50, $0x38;
	[tilespmem:$0x1E400] =	vst v63  }
0xcb: {  	_ =	swait.ge [sflag:s14], $0x50  }
0xcc: {  	s17 =	rddreg [dreg:$0xa];
	[sflag:s14] =	ssyncset.done $0x0  }
0xcd: {  	[sflag:s14] =	ssyncadd.s32 $0xFFFFFFB0;
	s6 =	sadd.s32 s15, s17  }
0xce: {  	[tilespmem:s23], [sflag:$0x5] =	stream.linear.gather [hbm4b:s6+s4], $0x50, $0x38;
	[tilespmem:$0x1E400] =	vst v63  }
0xcf: {  	_ =	swait.ge [sflag:s14], $0x50  }
0xd0: {  	[sflag:s14] =	ssyncset.done $0x0  }
0xd1: {  	s18 =	rddreg [dreg:$0x9];
	[sflag:s14] =	ssyncadd.s32 $0xFFFFFFB0  }
0xd2: {  	[tilespmem:s24], [sflag:$0x2] =	stream.indirect.gather [hbm4b:s1+s20], $0x80, s22, s20, $0xb8;
	[tilespmem:$0x1E400] =	vst v63  }
0xd3: {  	s6 =	sadd.s32 s15, s18  }
0xd4: {  	[tilespmem:s25], [sflag:$0x5] =	stream.linear.gather [hbm4b:s6+s4], $0x50, $0x38;
	[tilespmem:$0x1E400] =	vst v63  }
0xd5: {  	_ =	swait.ge [sflag:s14], $0x50  }
0xd6: {  	s16 =	rddreg [dreg:$0x8];
	[sflag:s14] =	ssyncset.done $0x0  }
0xd7: {  	[sflag:s14] =	ssyncadd.s32 $0xFFFFFFB0;
	s6 =	sadd.s32 s15, s16  }
0xd8: {  	[tilespmem:s26], [sflag:$0x5] =	stream.linear.gather [hbm4b:s6+s4], $0x50, $0x38;
	[tilespmem:$0x1E400] =	vst v63  }
0xd9: {  	_ =	swait.ge [sflag:s14], $0x50  }
0xda: {  	[sflag:s14] =	ssyncset.done $0x0  }
0xdb: {  	s17 =	rddreg [dreg:$0x7];
	[sflag:s14] =	ssyncadd.s32 $0xFFFFFFB0  }
0xdc: {  	[tilespmem:s28], [sflag:$0x3] =	stream.indirect.gather [hbm4b:s1+s20], $0x80, s25, s20, $0xb8;
	[tilespmem:$0x1E400] =	vst v63  }
0xdd: {  	s6 =	sadd.s32 s15, s17  }
0xde: {  	[tilespmem:s29], [sflag:$0x5] =	stream.linear.gather [hbm4b:s6+s4], $0x50, $0x38;
	[tilespmem:$0x1E400] =	vst v63  }
0xdf: {  	_ =	swait.ge [sflag:s14], $0x50  }
0xe0: {  	s18 =	rddreg [dreg:$0x6];
	[sflag:s14] =	ssyncset.done $0x0  }
0xe1: {  	s6 =	sadd.s32 s15, s18;
	[sflag:s14] =	ssyncadd.s32 $0xFFFFFFB0  }
0xe2: {  	[tilespmem:s30], [sflag:$0x5] =	stream.linear.gather [hbm4b:s6+s4], $0x50, $0x38;
	[tilespmem:$0x1E400] =	vst v63  }
0xe3: {  	_ =	swait.ge [sflag:s14], $0x50  }
0xe4: {  	[sflag:s14] =	ssyncset.done $0x0  }
0xe5: {  	[sflag:s14] =	ssyncadd.s32 $0xFFFFFFB0  }
0xe6: {  	[tilespmem:s31], [sflag:$0x4] =	stream.indirect.gather [hbm4b:s1+s20], $0x80, s29, s20, $0xb8;
	[tilespmem:$0x1E400] =	vst v63  }
0xe7: {  	_ =	swait.ge [sflag:s0], $0x2800  }
0xe8: {  	[sflag:s0] =	ssyncset.done $0x0  }
0xe9: {  	[sflag:s0] =	ssyncadd.s32 $0xFFFFD800  }
0xea: {  	[spmem:s3] =	stream.indirect.scatter.add.f32 [tilespmem:s21], [sflag:$0x5], $0x80, s19, s20, $0xb8;
	[tilespmem:$0x1E400] =	vst v63  }
0xeb: {  	_ =	swait.ge [sflag:s14], $0x2800  }
0xec: {  	[sflag:s14] =	ssyncset.done $0x0  }
0xed: {  	[sflag:s14] =	ssyncadd.s32 $0xFFFFD800  }
0xee: {  	_ =	swait.ge [sflag:s2], $0x2800  }
0xef: {  	[sflag:s2] =	ssyncset.done $0x0  }
0xf0: {  	[sflag:s2] =	ssyncadd.s32 $0xFFFFD800  }
0xf1: {  	[spmem:s3] =	stream.indirect.scatter.add.f32 [tilespmem:s24], [sflag:$0x5], $0x80, s23, s20, $0xb8;
	[tilespmem:$0x1E400] =	vst v63  }
0xf2: {  	_ =	swait.ge [sflag:s14], $0x2800  }
0xf3: {  	[sflag:s14] =	ssyncset.done $0x0  }
0xf4: {  	[sflag:s14] =	ssyncadd.s32 $0xFFFFD800  }
0xf5: {  	_ =	swait.ge [sflag:s8], $0x2800  }
0xf6: {  	[sflag:s8] =	ssyncset.done $0x0  }
0xf7: {  	[sflag:s8] =	ssyncadd.s32 $0xFFFFD800  }
0xf8: {  	[spmem:s3] =	stream.indirect.scatter.add.f32 [tilespmem:s28], [sflag:$0x5], $0x80, s26, s20, $0xb8;
	[tilespmem:$0x1E400] =	vst v63  }
0xf9: {  	_ =	swait.ge [sflag:s14], $0x2800  }
0xfa: {  	[sflag:s14] =	ssyncset.done $0x0  }
0xfb: {  	[sflag:s14] =	ssyncadd.s32 $0xFFFFD800  }
0xfc: {  	_ =	swait.ge [sflag:s9], $0x2800  }
0xfd: {  	[sflag:s9] =	ssyncset.done $0x0  }
0xfe: {  	[sflag:s9] =	ssyncadd.s32 $0xFFFFD800  }
0xff: {  	[spmem:s3] =	stream.indirect.scatter.add.f32 [tilespmem:s31], [sflag:$0x5], $0x80, s30, s20, $0xb8;
	[tilespmem:$0x1E400] =	vst v63  }
0x100: {  	_ =	swait.ge [sflag:s14], $0x2800  }
0x101: {  	[sflag:s14] =	ssyncset.done $0x0  }
0x102: {  	s15 =	rddreg [dreg:$0xd];
	[sflag:s14] =	ssyncadd.s32 $0xFFFFD800  }
0x103: {  	[tilespmem:s4], [sflag:$0x5] =	stream.linear.gather [hbm4b:s15+s4], $0x50, $0x38;
	[tilespmem:$0x1E400] =	vst v63  }
0x104: {  	_ =	swait.ge [sflag:s14], $0x50  }
0x105: {  	[sflag:s14] =	ssyncset.done $0x0  }
0x106: {  	s16 =	rddreg [dreg:$0xe];
	[sflag:s14] =	ssyncadd.s32 $0xFFFFFFB0  }
0x107: {  	[tilespmem:s19], [sflag:$0x5] =	stream.linear.gather [hbm4b:s16+s4], $0x50, $0x38;
	[tilespmem:$0x1E400] =	vst v63  }
0x108: {  	_ =	swait.ge [sflag:s14], $0x50  }
0x109: {  	[sflag:s14] =	ssyncset.done $0x0  }
0x10a: {  	[sflag:s14] =	ssyncadd.s32 $0xFFFFFFB0  }
0x10b: {  	[tilespmem:s21], [sflag:$0x1] =	stream.indirect.gather [hbm4b:s1+s20], $0x80, s4, s20, $0xb8;
	[tilespmem:$0x1E400] =	vst v63  }
0x10c: {  	_ =	swait.ge [sflag:s0], $0x2800  }
0x10d: {  	[sflag:s0] =	ssyncset.done $0x0  }
0x10e: {  	[sflag:s0] =	ssyncadd.s32 $0xFFFFD800  }
0x10f: {  	[spmem:s3] =	stream.indirect.scatter.add.f32 [tilespmem:s21], [sflag:$0x5], $0x80, s19, s20, $0xb8;
	[tilespmem:$0x1E400] =	vst v63  }
0x110: {  	_ =	swait.ge [sflag:s14], $0x2800  }
0x111: {  	[sflag:s14] =	ssyncset.done $0x0  }
0x112: {  	[sflag:s14] =	ssyncadd.s32 $0xFFFFD800  }
0x113: {  	[bflag:$0x0] =	sbarrier.arrive $0xFFFF  }
0x114: {  	s17 =	rddreg [dreg:$0xf]  }
0x115: {  	[hbm:s17], [sflag:s7] =	dma.local [spmem:s11], $0x2800  }
0x116: {  	_ =	swait.ge [sflag:s14], $0x2800  }
0x117: {  	s10 =	sadd.s32 $0x1, s10;
	s18 =	rddreg [dreg:$0x10]  }
0x118: {  	p0 =	sne.s32 s10, s18  }
.Ltmp1:
0x119: {  	_ = 	snop;
	(pc) =	sbr.rel @p0 .LBB2_1-.Ltmp1, $3  }
0x11a: {  	_ =	sdelay $0x1  }
0x11b: {  	[sflag:s14] =	ssyncset.done $0x0  }
0x11c: {  	[sflag:s14] =	ssyncadd.s32 $0xFFFFD800  }
0x11d: {  	_ =	sfence.sel $0x180000  }
0x11e: {  	[bflag:$0x0] =	sbarrier.arrive $0xFFFF  }
0x11f: {  	_ =	strace $0x9000004A  }
0x120: {  	s0 =	stileid.u32;
	[bflag:$0x2] =	sbarrier.arrive $0xFFFF  }
0x121: {  	p0 =	sne.s32 s0, $0x0;
	s0 =	rddreg [dreg:$0x5]  }
0x122: {  	s0 =	sadd.s32 @!p0 $0x100000, s0  }
0x123: {  	[sflag:s0] =	ssyncadd.tile.s32 @!p0 $0x1;
	_ =	shalt  }
.Lfunc_end2:
_tile_overlayer_lowered:
.L_overlay_start_2:
0x124: {  	(tag) =	ssettag $0x2  }
0x125: {  	s0 =	rddreg [dreg:$0x0];
	s2 =	stileid.u32  }
0x126: {  	s1 =	rddreg [dreg:$0x1];
	p0 =	sne.s32 s2, $0x0  }
0x127: {  	s3 =	rddreg [dreg:$0x2];
	[bflag:$0x3] =	sbarrier.arrive $0xFFFF;
	s2 =	simm.s32 @!p0 $0x1C05  }
0x128: {  	[timem:s3], [sflag:s2] =	dma.local @!p0 [hbm:s0], s1  }
0x129: {  	s0 =	simm.s32 @!p0 $0x5  }
0x12a: {  	_ =	swait.ge @!p0 [sflag:s0], s1  }
0x12b: {  	s1 =	ssub.s32 @!p0 $0x0, s1;
	[sflag:s0] =	ssyncset.done @!p0 $0x0  }
0x12c: {  	[sflag:s0] =	ssyncadd.s32 @!p0 s1  }
0x12d: {  	[bflag:$0x3] =	sbarrier.arrive $0xFFFF  }
0x12e: {  	_ =	shalt  }

// kernel: kernel.17.cloned.1.call-start
scs
__scs_entry_jumppad:
0x0: {  	(pc) =	sbr.rel $0x88, $3  }
0x1: {  	(tag) =	ssettag $0x0;
	lr =	simm.s32 $0x1  }
0x2: {  	[smem:$0x3F93] =	sst lr;
	_ =	strace $0xD0000000  }
0x3: {  	_ = 	snop  }
0x4: {  	_ = 	snop  }
0x5: {  	_ = 	snop  }
0x6: {  	_ = 	snop  }
0x7: {  	_ = 	snop  }
__scs_overlays_trampoline_lowered:
0x8: {  	[smem:$0x3FA2] =	sst s0  }
0x9: {  	[smem:$0x3FA3] =	sst s1  }
0xa: {  	[smem:$0x3FA4] =	sst s2  }
0xb: {  	[smem:$0x3FA5] =	sst s3  }
0xc: {  	[smem:$0x3FA6] =	sst s4  }
0xd: {  	[smem:$0x3FA7] =	sst s5  }
0xe: {  	[smem:$0x3FA8] =	sst s6  }
0xf: {  	[smem:$0x3FA9] =	sst s7  }
0x10: {  	[smem:$0x3FAA] =	sst s8  }
0x11: {  	[smem:$0x3FAB] =	sst s9;
	s0 =	simm.s32 @!p0 $0x0  }
0x12: {  	s1 =	sld [smem:$0x3F91];
	s0 =	simm.s32 @p0 $0x1  }
0x13: {  	[smem:$0x3FAC] =	sst s0;
	s0 =	simm.s32 @!p1 $0x0  }
0x14: {  	s2 =	sld [smem:$0x3F90];
	s0 =	simm.s32 @p1 $0x1  }
0x15: {  	[smem:$0x3FAD] =	sst s0;
	s0 =	simm.s32 @!p2 $0x0  }
0x16: {  	s3 =	sld [smem:$0x3FDB];
	s0 =	simm.s32 @p2 $0x1  }
0x17: {  	s4 =	simm.s32 $0x1BF5;
	[smem:$0x3FAF] =	sst s0  }
0x18: {  	s0 =	sld [smem:$0x3F92];
	_ =	swait.ge [sflag:s4], $0x0  }
0x19: {  	s7 =	sld [smem:$0x3F93]  }
0x1a: {  	s8 =	sadd.s32 $0xFFFFE003, lr  }
0x1b: {  	s9 =	sadd.s32 $0xFFFFFEF7, lr;
	s5 =	simm.s32 $0xFFFFFFFF;
	p2 =	slt.u32 s8, $0xFFFFF086  }
0x1c: {  	p1 =	slt.u32 s9, $0xF7A;
	s5 =	simm.s32 @!p2 $0x0  }
0x1d: {  	s5 =	simm.s32 @p1 $0x1;
	p0 =	seq.s32 s7, s2  }
0x1e: {  	s7 =	smul.u32 @!p0 $0xF7A, s2;
	p2 =	seq.s32 @!p0 s5, $0x0  }
0x1f: {  	s9 =	smul.u32 $0xF7A, s1;
	s8 =	simm.s32 @!p0 $0x1BF5;
	p2 =	por !p2, p0  }
0x20: {  	[sflag:s8] =	ssyncset.s32 @!p0 $0xFFFFF086;
	s6 =	sadd.s32 @!p0 s3, s7;
	s7 =	simm.s32 @!p0 $0x108  }
0x21: {  	s3 =	sadd.s32 s3, s9;
	s6 =	sadd.s32 @!p0 $0x88, s6;
	s7 =	simm.s32 @p2 $0x1082  }
0x22: {  	[simem:s7], [sflag:s8] =	dma.local @!p0 [hbm:s6], $0xF7A  }
0x23: {  	s9 =	sor.u32 $0xD0000000, s2;
	s6 =	simm.s32 $0x108;
	_ =	swait.ge @!p0 [sflag:s8], $0x0  }
0x24: {  	s3 =	sadd.s32 $0x88, s3;
	s6 =	simm.s32 @!p1 $0x1082;
	[sflag:s4] =	ssyncset.s32 $0xFFFFF086  }
0x25: {  	[simem:s6], [sflag:s4] =	dma.local [hbm:s3], $0xF7A  }
0x26: {  	[smem:$0x3F93] =	sst s1;
	(tag) =	ssettag s2;
	_ =	strace s9  }
0x27: {  	s1 =	sld [smem:$0x3FA3]  }
0x28: {  	s2 =	sld [smem:$0x3FA4]  }
0x29: {  	s4 =	sld [smem:$0x3FA6]  }
0x2a: {  	p0 =	seq.s32 s5, $0x0;
	s5 =	sld [smem:$0x3FA7]  }
0x2b: {  	s6 =	sld [smem:$0x3FA8]  }
0x2c: {  	s7 =	sld [smem:$0x3FA9]  }
0x2d: {  	s3 =	simm.s32 $0x108;
	s8 =	sld [smem:$0x3FAA]  }
0x2e: {  	s3 =	simm.s32 @!p0 $0x1082;
	s9 =	sld [smem:$0x3FAB]  }
0x2f: {  	lr =	sadd.s32 s0, s3;
	s0 =	sld [smem:$0x3FA2]  }
0x30: {  	s3 =	sld [smem:$0x3FA5]  }
0x31: {  	[smem:$0x3FAE] =	sst s10  }
0x32: {  	s10 =	sld [smem:$0x3FAC];
	_ =	sdelay $0x3  }
0x33: {  	p0 =	seq.s32 s10, $0x1;
	s10 =	sld [smem:$0x3FAE];
	_ =	sdelay $0x3  }
0x34: {  	[smem:$0x3FAE] =	sst s10  }
0x35: {  	s10 =	sld [smem:$0x3FAD];
	_ =	sdelay $0x3  }
0x36: {  	p1 =	seq.s32 s10, $0x1;
	s10 =	sld [smem:$0x3FAE];
	_ =	sdelay $0x3  }
0x37: {  	[smem:$0x3FAE] =	sst s10  }
0x38: {  	s10 =	sld [smem:$0x3FAF]  }
0x39: {  	_ = 	snop;
	(pc) =	sbr.ind lr, $3  }
0x3a: {  	_ = 	snop  }
0x3b: {  	_ = 	snop  }
0x3c: {  	p2 =	seq.s32 s10, $0x1;
	s10 =	sld [smem:$0x3FAE]  }
0x3d: {  	_ =	shalt  }
0x3e: {  	_ =	shalt  }
0x3f: {  	_ =	shalt  }
0x40: {  	_ =	shalt  }
0x41: {  	_ =	shalt  }
0x42: {  	_ =	shalt  }
0x43: {  	_ =	shalt  }
0x44: {  	_ =	shalt  }
0x45: {  	_ =	shalt  }
0x46: {  	_ =	shalt  }
0x47: {  	_ =	shalt  }
0x48: {  	_ =	shalt  }
0x49: {  	_ =	shalt  }
0x4a: {  	_ =	shalt  }
0x4b: {  	_ =	shalt  }
0x4c: {  	_ =	shalt  }
0x4d: {  	_ =	shalt  }
0x4e: {  	_ =	shalt  }
0x4f: {  	_ =	shalt  }
0x50: {  	_ =	shalt  }
0x51: {  	_ =	shalt  }
0x52: {  	_ =	shalt  }
0x53: {  	_ =	shalt  }
0x54: {  	_ =	shalt  }
0x55: {  	_ =	shalt  }
0x56: {  	_ =	shalt  }
0x57: {  	_ =	shalt  }
0x58: {  	_ =	shalt  }
0x59: {  	_ =	shalt  }
0x5a: {  	_ =	shalt  }
0x5b: {  	_ =	shalt  }
0x5c: {  	_ =	shalt  }
0x5d: {  	_ =	shalt  }
0x5e: {  	_ =	shalt  }
0x5f: {  	_ =	shalt  }
0x60: {  	_ =	shalt  }
0x61: {  	_ =	shalt  }
0x62: {  	_ =	shalt  }
0x63: {  	_ =	shalt  }
0x64: {  	_ =	shalt  }
0x65: {  	_ =	shalt  }
0x66: {  	_ =	shalt  }
0x67: {  	_ =	shalt  }
0x68: {  	_ =	shalt  }
0x69: {  	_ =	shalt  }
0x6a: {  	_ =	shalt  }
0x6b: {  	_ =	shalt  }
0x6c: {  	_ =	shalt  }
0x6d: {  	_ =	shalt  }
0x6e: {  	_ =	shalt  }
0x6f: {  	_ =	shalt  }
0x70: {  	_ =	shalt  }
0x71: {  	_ =	shalt  }
0x72: {  	_ =	shalt  }
0x73: {  	_ =	shalt  }
0x74: {  	_ =	shalt  }
0x75: {  	_ =	shalt  }
0x76: {  	_ =	shalt  }
0x77: {  	_ =	shalt  }
0x78: {  	_ =	shalt  }
0x79: {  	_ =	shalt  }
0x7a: {  	_ =	shalt  }
0x7b: {  	_ =	shalt  }
0x7c: {  	_ =	shalt  }
0x7d: {  	_ =	shalt  }
0x7e: {  	_ =	shalt  }
0x7f: {  	_ =	shalt  }
0x80: {  	_ =	shalt  }
0x81: {  	_ =	shalt  }
0x82: {  	_ =	shalt  }
0x83: {  	_ =	shalt  }
0x84: {  	_ =	shalt  }
0x85: {  	_ =	shalt  }
0x86: {  	_ =	shalt  }
0x87: {  	_ =	shalt  }
.Lfunc_end0:
.L_simem_size_0:
called_computation.3_lowered:
.L_overlay_start_0:
0x88: {  	s2 =	sld [smem:$0x3FD9]  }
0x89: {  	s3 =	sld [smem:$0x3FFE];
	_ =	sdelay $0x1  }
0x8a: {  	s1 =	srdreg.scid  }
0x8b: {  	s0 =	sand.u32 $0x1, s1  }
0x8c: {  	s15 =	sshll.u32 s0, $0xA;
	s2 =	sadd.s32 s3, s2  }
0x8d: {  	s2 =	sadd.s32 s2, s15  }
0x8e: {  	[smem:$0x3FBA] =	sst s2  }
0x8f: {  	_ = 	snop  }
0x90: {  	s2 =	sld [smem:$0x3FD0];
	_ =	sdelay $0x2  }
0x91: {  	s16 =	simm.s32 $0xC;
	s4 =	simm.s32 $0x10  }
0x92: {  	[smem:s4], [sflag:s16] =	dma.local [hbm:s2], $0x1  }
0x93: {  	_ =	swait.eq [sflag:s16], $0x1  }
0x94: {  	[sflag:s16] =	ssyncset.done $0x0  }
0x95: {  	[sflag:s16] =	ssyncadd.s32 $0xFFFFFFFF  }
0x96: {  	s17 =	sld [smem:$0x10];
	(tm) =	ssettm $0x1  }
0x97: {  	s18 =	sld [smem:$0x3FFB];
	_ =	sdelay $0x3  }
0x98: {  	_ =	strace s18  }
0x99: {  	s2 =	sld [smem:$0x3FFC];
	_ =	sdelay $0x3  }
0x9a: {  	_ =	strace s2  }
0x9b: {  	s2 =	sld [smem:$0x3FFD];
	_ =	sdelay $0x3  }
0x9c: {  	_ =	strace s2  }
0x9d: {  	_ =	strace $0x8FFFFFFF  }
0x9e: {  	s19 =	sld [smem:$0x3FDB];
	_ =	sdelay $0x1  }
0x9f: {  	s20 =	simm.s32 $_scs_section_size  }
0xa0: {  	s5 =	simm.s32 $_size__tile_overlayer_lowered;
	s6 =	simm.s32 $_tile_overlayer_lowered  }
0xa1: {  	s7 =	simm.s32 $0x1BFF;
	s21 =	sshll.u32 s6, $0x1;
	s4 =	sadd.s32 s20, s19  }
0xa2: {  	s22 =	simm.s32 $0x0;
	s5 =	sshll.u32 s5, $0x1;
	s6 =	sadd.s32 s21, s4  }
0xa3: {  	[timem:s22], [sflag:s7] =	dma.local [hbm:s6], s5  }
0xa4: {  	_ =	swait.ge [sflag:s7], s5  }
0xa5: {  	s5 =	ssub.s32 $0x0, s5;
	[sflag:s7] =	ssyncset.done $0x0  }
0xa6: {  	[sflag:s7] =	ssyncadd.s32 s5;
	_ =	sdelay $0x1  }
0xa7: {  	s23 =	simm.s32 $0x1B8B  }
0xa8: {  	_ =	swait.ge [sflag:s23], $0x1  }
0xa9: {  	[sflag:s23] =	ssyncset.done $0x0  }
0xaa: {  	[sflag:s23] =	ssyncadd.s32 $0xFFFFFFFF  }
0xab: {  	s5 =	sld [smem:$0x0]  }
0xac: {  	s6 =	sand.u32 $0xFFFFFFFE, s1  }
0xad: {  	p0 =	sne.s32 s1, s6  }
0xae: {  	s6 =	sshll.u32 @p0 s6, $0xE  }
0xaf: {  	s6 =	sadd.s32 @p0 $0x11B8D, s6;
	s7 =	sshll.u32 @p0 s5, $0x11  }
0xb0: {  	s6 =	sor.u32 @p0 s7, s6  }
0xb1: {  	[sflag:s6] =	ssyncadd.remote.s32 @p0 $0x1;
	_ =	sdelay $0x1  }
0xb2: {  	s6 =	simm.s32 @p0 $0x1B8D  }
0xb3: {  	_ =	swait.eq @p0 [sflag:s6], $0x1  }
0xb4: {  	[sflag:s6] =	ssyncadd.s32 @p0 $0xFFFFFFFF  }
0xb5: {  	s7 =	sshll.u32 @!p0 s1, $0xE  }
0xb6: {  	s7 =	sor.u32 @!p0 $0x4000, s7;
	s6 =	simm.s32 @!p0 $0x1B8D  }
0xb7: {  	s5 =	sshll.u32 @!p0 s5, $0x11;
	s7 =	sadd.s32 @!p0 $0x11B8D, s7;
	_ =	swait.eq @!p0 [sflag:s6], $0x1  }
0xb8: {  	s5 =	sor.u32 @!p0 s5, s7;
	[sflag:s6] =	ssyncadd.s32 @!p0 $0xFFFFFFFF  }
0xb9: {  	s25 =	simm.s32 $0x1B8E;
	s24 =	sld [smem:$0x3FFE];
	[sflag:s5] =	ssyncadd.remote.s32 @!p0 $0x1  }
0xba: {  	s26 =	simm.s32 $execute0_lowered;
	[smem:$0x3FD2] =	sst s25  }
0xbb: {  	s6 =	sshll.u32 s26, $0x1;
	_ =	strace $0x8000004F;
	[dreg:$0x1] =	wrdreg $0xFFFFFFFF  }
0xbc: {  	s28 =	simm.s32 $_size_execute0_lowered;
	s4 =	sadd.s32 s4, s6;
	[dreg:$0x0] =	wrdreg $0x0  }
0xbd: {  	s6 =	sshll.u32 s28, $0x1;
	[dreg:$0x2] =	wrdreg s4  }
0xbe: {  	[dreg:$0x3] =	wrdreg s6  }
0xbf: {  	[dreg:$0x4] =	wrdreg $0xC0  }
0xc0: {  	_ =	task [dreg:s22], $0x5FFFF  }
0xc1: {  	[dreg:$0x1] =	wrdreg $0xFFFFFFFF  }
0xc2: {  	[dreg:$0x0] =	wrdreg $0x60  }
0xc3: {  	[dreg:$0x2] =	wrdreg s17  }
0xc4: {  	[dreg:$0x3] =	wrdreg s24  }
0xc5: {  	[dreg:$0x4] =	wrdreg $0xA4000  }
0xc6: {  	[dreg:$0x5] =	wrdreg $0xA  }
0xc7: {  	_ =	task.clear_ibuf [dreg:s22], $0x6FFFF;
	_ =	strace $0x9000004F  }
0xc8: {  	s29 =	simm.s32 $0xA;
	_ =	strace $0x80000051  }
0xc9: {  	_ =	swait.ge [sflag:s29], $0x1  }
0xca: {  	[sflag:s29] =	ssyncadd.s32 $0xFFFFFFFF  }
0xcb: {  	_ =	strace $0x90000051  }
0xcc: {  	_ =	sfence  }
0xcd: {  	s30 =	sld [smem:$0x0];
	_ =	sdelay $0x2  }
0xce: {  	s31 =	sshll.u32 s1, $0xD;
	s1 =	sshrl.u32 s1, $0x2  }
0xcf: {  	s4 =	sand.u32 $0x4000, s31;
	s1 =	sadd.s32 s1, s30  }
0xd0: {  	s0 =	sor.u32 s4, s0;
	s1 =	sshll.u32 s1, $0x11  }
0xd1: {  	s0 =	sor.u32 s1, s0  }
0xd2: {  	s0 =	sadd.s32 $0x8F2B, s0  }
0xd3: {  	[sflag:s0] =	ssyncadd.remote.s32 $0x1  }
0xd4: {  	_ =	sfence.sel $0xFFFF  }
0xd5: {  	[dreg:$0x0] =	wrdreg $0xFFFFFFFF;
	(pc) =	sbr.abs _section_cstart, $3  }
0xd6: {  	[dreg:$0x1] =	wrdreg $0xFFFFFFFF  }
0xd7: {  	_ =	task.clear_ibuf [dreg:s22], $0x2FFFF;
	_ =	strace $0x9FFFFFFF  }
0xd8: {  	(tm) =	ssettm $0x7FFFFFFF  }
0xd9: {  	_ =	shalt  }
tec
execute0_lowered:
.L_overlay_start_1:
0x0: {  	(tag) =	ssettag $0x1  }
0x1: {  	s1 =	rddreg [dreg:$0x0]  }
0x2: {  	s0 =	rddreg [dreg:$0x1]  }
0x3: {  	s3 =	rddreg [dreg:$0x2];
	s4 =	simm.s32 $0x0;
	s2 =	srdreg.scid  }
0x4: {  	s12 =	stileid.u32;
	s28 =	simm.s32 $0x5400;
	s29 =	simm.s32 $0x180  }
0x5: {  	s30 =	simm.s32 $0x380;
	s31 =	simm.s32 $0x7C00;
	[smem:$0x7FF] =	sst s4  }
0x6: {  	s2 =	sand.u32 $0x1, s2;
	s5 =	smul.u32 $0x2800, s12;
	s8 =	sadd.s32 $0xADA00, s0  }
0x7: {  	s9 =	sadd.s32 $0xA3C00, s0;
	s11 =	smul.u32 $0x50000, s12;
	s17 =	sshll.u32 s12, $0x1  }
0x8: {  	s18 =	smul.u32 $0x4E20, s12;
	s12 =	sshll.u32 s12, $0x6;
	_ =	strace $0x80000050  }
0x9: {  	s6 =	smul.u32 $0x28000, s2;
	s7 =	ssub.s32 $0x2, s2;
	s13 =	sor.u32 s2, s17  }
0xa: {  	s2 =	smul.u32 $0x2710, s2;
	s10 =	sshrl.u32 s7, $0x1;
	s16 =	sshrl.u32 s11, $0x2  }
0xb: {  	s19 =	smul.u32 $0x2710, s13;
	s6 =	sadd.s32 s5, s6;
	s5 =	sadd.s32 $0x3400, s0  }
0xc: {  	s10 =	ssub.s32 s7, s10;
	s7 =	sor.u32 $0x1C05, s12;
	s2 =	sadd.s32 s2, s18  }
0xd: {  	s0 =	sadd.s32 s6, s0;
	s6 =	sadd.s32 s16, s3;
	s12 =	sshrl.u32 s19, $0x3  }
0xe: {  	s20 =	sadd.s32 $0xF0, s2;
	s18 =	sadd.s32 $0xA0, s2;
	s24 =	sadd.s32 $0x50, s2  }
0xf: {  	s15 =	sadd.s32 $0x4000, s6;
	s16 =	sadd.s32 $0x8000, s6;
	s11 =	sadd.s32 $0xC000, s6  }
0x10: {  	[dreg:$0xa] =	wrdreg s6;
	s12 =	sadd.s32 $0x4D8, s12;
	s0 =	sadd.s32 $0x3C00, s0  }
0x11: {  	s13 =	sshrl.u32 s20, $0x3;
	s21 =	sadd.s32 s8, s12;
	[dreg:$0xd] =	wrdreg s0  }
0x12: {  	s17 =	sadd.s32 $0x10000, s6;
	s14 =	sadd.s32 s13, s9;
	[dreg:$0xb] =	wrdreg s21  }
0x13: {  	s22 =	sshrl.u32 s18, $0x3;
	s13 =	sadd.s32 s13, s8;
	[dreg:$0x4] =	wrdreg s14  }
0x14: {  	s26 =	sshrl.u32 s24, $0x3;
	s23 =	sadd.s32 s22, s9;
	[dreg:$0x5] =	wrdreg s13  }
0x15: {  	s25 =	sadd.s32 s22, s8;
	s18 =	sadd.s32 s9, s12;
	[dreg:$0x6] =	wrdreg s23  }
0x16: {  	s19 =	sadd.s32 s26, s9;
	s20 =	sadd.s32 s26, s8;
	[dreg:$0xc] =	wrdreg s18  }
0x17: {  	s22 =	sshrl.u32 s2, $0x3;
	s24 =	sshrl.u32 s16, $0x3;
	[dreg:$0x7] =	wrdreg s25  }
0x18: {  	s26 =	sshrl.u32 s17, $0x3;
	s0 =	simm.s32 $0x1;
	[dreg:$0x8] =	wrdreg s19  }
0x19: {  	s2 =	simm.s32 $0x2;
	s21 =	smax.u32 s10, $0x1;
	[dreg:$0x9] =	wrdreg s20  }
0x1a: {  	s12 =	sadd.s32 s22, s9;
	s13 =	sadd.s32 s22, s8;
	s14 =	simm.s32 $0x5  }
0x1b: {  	s23 =	sshrl.u32 s15, $0x3;
	[dreg:$0x10] =	wrdreg s24;
	s25 =	sshrl.u32 s11, $0x3  }
0x1c: {  	[dreg:$0x12] =	wrdreg s26;
	s19 =	simm.s32 $0x200;
	s20 =	simm.s32 $0x50  }
0x1d: {  	s22 =	simm.s32 $0x80;
	s24 =	simm.s32 $0x2C00;
	[dreg:$0xe] =	wrdreg s21  }
0x1e: {  	s26 =	simm.s32 $0x300;
	s8 =	simm.s32 $0x3;
	[dreg:$0xf] =	wrdreg s23  }
0x1f: {  	s9 =	simm.s32 $0x4;
	s10 =	simm.s32 $0x0;
	[dreg:$0x11] =	wrdreg s25  }
0x20: {  	s21 =	simm.s32 $0x400;
	s23 =	simm.s32 $0x280;
	s25 =	simm.s32 $0x100  }
.LBB2_1:
0x21: {  	s6 =	rddreg [dreg:$0xa]  }
0x22: {  	s11 =	sshrl.u32 s6, $0x3  }
0x23: {  	[spmem:s11], [sflag:s7] =	dma.local [hbm:s5], $0x800  }
0x24: {  	_ =	swait.ge [sflag:s14], $0x800  }
0x25: {  	[sflag:s14] =	ssyncset.done $0x0  }
0x26: {  	s16 =	rddreg [dreg:$0xf];
	[sflag:s14] =	ssyncadd.s32 $0xFFFFF800  }
0x27: {  	[spmem:s16], [sflag:s7] =	dma.local [hbm:s5], $0x800  }
0x28: {  	_ =	swait.ge [sflag:s14], $0x800  }
0x29: {  	[sflag:s14] =	ssyncset.done $0x0  }
0x2a: {  	s17 =	rddreg [dreg:$0x10];
	[sflag:s14] =	ssyncadd.s32 $0xFFFFF800  }
0x2b: {  	[spmem:s17], [sflag:s7] =	dma.local [hbm:s5], $0x800  }
0x2c: {  	_ =	swait.ge [sflag:s14], $0x800  }
0x2d: {  	[sflag:s14] =	ssyncset.done $0x0  }
0x2e: {  	s18 =	rddreg [dreg:$0x11];
	[sflag:s14] =	ssyncadd.s32 $0xFFFFF800  }
0x2f: {  	[spmem:s18], [sflag:s7] =	dma.local [hbm:s5], $0x800  }
0x30: {  	_ =	swait.ge [sflag:s14], $0x800  }
0x31: {  	[sflag:s14] =	ssyncset.done $0x0  }
0x32: {  	s15 =	rddreg [dreg:$0x12];
	[sflag:s14] =	ssyncadd.s32 $0xFFFFF800  }
0x33: {  	[spmem:s15], [sflag:s7] =	dma.local [hbm:s5], $0x800  }
0x34: {  	_ =	swait.ge [sflag:s14], $0x800  }
0x35: {  	[sflag:s14] =	ssyncset.done $0x0  }
0x36: {  	[sflag:s14] =	ssyncadd.s32 $0xFFFFF800  }
0x37: {  	s15 =	sadd.s32 $0x0, s13;
	[bflag:$0x0] =	sbarrier.arrive $0xFFFF  }
0x38: {  	[tilespmem:s4], [sflag:$0x5] =	stream.linear.gather [hbm4b:s15+s4], $0x50, $0x38;
	[tilespmem:$0x1E400] =	vst v63  }
0x39: {  	_ =	swait.ge [sflag:s14], $0x50  }
0x3a: {  	[sflag:s14] =	ssyncset.done $0x0  }
0x3b: {  	s16 =	sadd.s32 $0x0, s12;
	[sflag:s14] =	ssyncadd.s32 $0xFFFFFFB0  }
0x3c: {  	[tilespmem:s19], [sflag:$0x5] =	stream.linear.gather [hbm4b:s16+s4], $0x50, $0x38;
	[tilespmem:$0x1E400] =	vst v63  }
0x3d: {  	_ =	swait.ge [sflag:s14], $0x50  }
0x3e: {  	[sflag:s14] =	ssyncset.done $0x0  }
0x3f: {  	s17 =	rddreg [dreg:$0x9];
	[sflag:s14] =	ssyncadd.s32 $0xFFFFFFB0  }
0x40: {  	[tilespmem:s21], [sflag:$0x1] =	stream.indirect.gather [hbm4b:s1+s20], $0x80, s4, s20, $0xb8;
	[tilespmem:$0x1E400] =	vst v63  }
0x41: {  	s15 =	sadd.s32 $0x0, s17  }
0x42: {  	[tilespmem:s22], [sflag:$0x5] =	stream.linear.gather [hbm4b:s15+s4], $0x50, $0x38;
	[tilespmem:$0x1E400] =	vst v63  }
0x43: {  	_ =	swait.ge [sflag:s14], $0x50  }
0x44: {  	s18 =	rddreg [dreg:$0x8];
	[sflag:s14] =	ssyncset.done $0x0  }
0x45: {  	[sflag:s14] =	ssyncadd.s32 $0xFFFFFFB0;
	s15 =	sadd.s32 $0x0, s18  }
0x46: {  	[tilespmem:s23], [sflag:$0x5] =	stream.linear.gather [hbm4b:s15+s4], $0x50, $0x38;
	[tilespmem:$0x1E400] =	vst v63  }
0x47: {  	_ =	swait.ge [sflag:s14], $0x50  }
0x48: {  	[sflag:s14] =	ssyncset.done $0x0  }
0x49: {  	s6 =	rddreg [dreg:$0x7];
	[sflag:s14] =	ssyncadd.s32 $0xFFFFFFB0  }
0x4a: {  	[tilespmem:s24], [sflag:$0x2] =	stream.indirect.gather [hbm4b:s1+s20], $0x80, s22, s20, $0xb8;
	[tilespmem:$0x1E400] =	vst v63  }
0x4b: {  	s15 =	sadd.s32 $0x0, s6  }
0x4c: {  	[tilespmem:s25], [sflag:$0x5] =	stream.linear.gather [hbm4b:s15+s4], $0x50, $0x38;
	[tilespmem:$0x1E400] =	vst v63  }
0x4d: {  	_ =	swait.ge [sflag:s14], $0x50  }
0x4e: {  	s16 =	rddreg [dreg:$0x6];
	[sflag:s14] =	ssyncset.done $0x0  }
0x4f: {  	[sflag:s14] =	ssyncadd.s32 $0xFFFFFFB0;
	s15 =	sadd.s32 $0x0, s16  }
0x50: {  	[tilespmem:s26], [sflag:$0x5] =	stream.linear.gather [hbm4b:s15+s4], $0x50, $0x38;
	[tilespmem:$0x1E400] =	vst v63  }
0x51: {  	_ =	swait.ge [sflag:s14], $0x50  }
0x52: {  	[sflag:s14] =	ssyncset.done $0x0  }
0x53: {  	s17 =	rddreg [dreg:$0x5];
	[sflag:s14] =	ssyncadd.s32 $0xFFFFFFB0  }
0x54: {  	[tilespmem:s28], [sflag:$0x3] =	stream.indirect.gather [hbm4b:s1+s20], $0x80, s25, s20, $0xb8;
	[tilespmem:$0x1E400] =	vst v63  }
0x55: {  	s15 =	sadd.s32 $0x0, s17  }
0x56: {  	[tilespmem:s29], [sflag:$0x5] =	stream.linear.gather [hbm4b:s15+s4], $0x50, $0x38;
	[tilespmem:$0x1E400] =	vst v63  }
0x57: {  	_ =	swait.ge [sflag:s14], $0x50  }
0x58: {  	s18 =	rddreg [dreg:$0x4];
	[sflag:s14] =	ssyncset.done $0x0  }
0x59: {  	[sflag:s14] =	ssyncadd.s32 $0xFFFFFFB0;
	s15 =	sadd.s32 $0x0, s18  }
0x5a: {  	[tilespmem:s30], [sflag:$0x5] =	stream.linear.gather [hbm4b:s15+s4], $0x50, $0x38;
	[tilespmem:$0x1E400] =	vst v63  }
0x5b: {  	_ =	swait.ge [sflag:s14], $0x50  }
0x5c: {  	[sflag:s14] =	ssyncset.done $0x0  }
0x5d: {  	[sflag:s14] =	ssyncadd.s32 $0xFFFFFFB0  }
0x5e: {  	[tilespmem:s31], [sflag:$0x4] =	stream.indirect.gather [hbm4b:s1+s20], $0x80, s29, s20, $0xb8;
	[tilespmem:$0x1E400] =	vst v63  }
0x5f: {  	_ =	swait.ge [sflag:s0], $0x2800  }
0x60: {  	[sflag:s0] =	ssyncset.done $0x0  }
0x61: {  	[sflag:s0] =	ssyncadd.s32 $0xFFFFD800  }
0x62: {  	[spmem:s3] =	stream.indirect.scatter.add.f32 [tilespmem:s21], [sflag:$0x5], $0x80, s19, s20, $0xb8;
	[tilespmem:$0x1E400] =	vst v63  }
0x63: {  	_ =	swait.ge [sflag:s14], $0x2800  }
0x64: {  	[sflag:s14] =	ssyncset.done $0x0  }
0x65: {  	[sflag:s14] =	ssyncadd.s32 $0xFFFFD800  }
0x66: {  	_ =	swait.ge [sflag:s2], $0x2800  }
0x67: {  	[sflag:s2] =	ssyncset.done $0x0  }
0x68: {  	[sflag:s2] =	ssyncadd.s32 $0xFFFFD800  }
0x69: {  	[spmem:s3] =	stream.indirect.scatter.add.f32 [tilespmem:s24], [sflag:$0x5], $0x80, s23, s20, $0xb8;
	[tilespmem:$0x1E400] =	vst v63  }
0x6a: {  	_ =	swait.ge [sflag:s14], $0x2800  }
0x6b: {  	[sflag:s14] =	ssyncset.done $0x0  }
0x6c: {  	[sflag:s14] =	ssyncadd.s32 $0xFFFFD800  }
0x6d: {  	_ =	swait.ge [sflag:s8], $0x2800  }
0x6e: {  	[sflag:s8] =	ssyncset.done $0x0  }
0x6f: {  	[sflag:s8] =	ssyncadd.s32 $0xFFFFD800  }
0x70: {  	[spmem:s3] =	stream.indirect.scatter.add.f32 [tilespmem:s28], [sflag:$0x5], $0x80, s26, s20, $0xb8;
	[tilespmem:$0x1E400] =	vst v63  }
0x71: {  	_ =	swait.ge [sflag:s14], $0x2800  }
0x72: {  	[sflag:s14] =	ssyncset.done $0x0  }
0x73: {  	[sflag:s14] =	ssyncadd.s32 $0xFFFFD800  }
0x74: {  	_ =	swait.ge [sflag:s9], $0x2800  }
0x75: {  	[sflag:s9] =	ssyncset.done $0x0  }
0x76: {  	[sflag:s9] =	ssyncadd.s32 $0xFFFFD800  }
0x77: {  	[spmem:s3] =	stream.indirect.scatter.add.f32 [tilespmem:s31], [sflag:$0x5], $0x80, s30, s20, $0xb8;
	[tilespmem:$0x1E400] =	vst v63  }
0x78: {  	_ =	swait.ge [sflag:s14], $0x2800  }
0x79: {  	s16 =	simm.s32 $0x50;
	s15 =	simm.s32 $0x28;
	[sflag:s14] =	ssyncset.done $0x0  }
.LBB2_2:
0x7a: {  	s6 =	sadd.s32 s15, s13;
	[sflag:s14] =	ssyncadd.s32 $0xFFFFD800  }
0x7b: {  	[tilespmem:s4], [sflag:$0x5] =	stream.linear.gather [hbm4b:s6+s4], $0x50, $0x38;
	[tilespmem:$0x1E400] =	vst v63  }
0x7c: {  	_ =	swait.ge [sflag:s14], $0x50  }
0x7d: {  	s17 =	smov.u32 s16;
	s18 =	sadd.s32 $0x28, s16;
	[sflag:s14] =	ssyncset.done $0x0  }
0x7e: {  	p0 =	sne.s32 s16, $0x4B0;
	s16 =	sadd.s32 s15, s12;
	[sflag:s14] =	ssyncadd.s32 $0xFFFFFFB0  }
0x7f: {  	[tilespmem:s19], [sflag:$0x5] =	stream.linear.gather [hbm4b:s16+s4], $0x50, $0x38;
	[tilespmem:$0x1E400] =	vst v63  }
0x80: {  	_ =	swait.ge [sflag:s14], $0x50  }
0x81: {  	[sflag:s14] =	ssyncset.done $0x0  }
0x82: {  	s16 =	rddreg [dreg:$0x9];
	[sflag:s14] =	ssyncadd.s32 $0xFFFFFFB0  }
0x83: {  	[tilespmem:s21], [sflag:$0x1] =	stream.indirect.gather [hbm4b:s1+s20], $0x80, s4, s20, $0xb8;
	[tilespmem:$0x1E400] =	vst v63  }
0x84: {  	s6 =	sadd.s32 s15, s16  }
0x85: {  	[tilespmem:s22], [sflag:$0x5] =	stream.linear.gather [hbm4b:s6+s4], $0x50, $0x38;
	[tilespmem:$0x1E400] =	vst v63  }
0x86: {  	_ =	swait.ge [sflag:s14], $0x50  }
0x87: {  	s16 =	rddreg [dreg:$0x8];
	[sflag:s14] =	ssyncset.done $0x0  }
0x88: {  	[sflag:s14] =	ssyncadd.s32 $0xFFFFFFB0;
	s6 =	sadd.s32 s15, s16  }
0x89: {  	[tilespmem:s23], [sflag:$0x5] =	stream.linear.gather [hbm4b:s6+s4], $0x50, $0x38;
	[tilespmem:$0x1E400] =	vst v63  }
0x8a: {  	_ =	swait.ge [sflag:s14], $0x50  }
0x8b: {  	[sflag:s14] =	ssyncset.done $0x0  }
0x8c: {  	s16 =	rddreg [dreg:$0x7];
	[sflag:s14] =	ssyncadd.s32 $0xFFFFFFB0  }
0x8d: {  	[tilespmem:s24], [sflag:$0x2] =	stream.indirect.gather [hbm4b:s1+s20], $0x80, s22, s20, $0xb8;
	[tilespmem:$0x1E400] =	vst v63  }
0x8e: {  	s6 =	sadd.s32 s15, s16  }
0x8f: {  	[tilespmem:s25], [sflag:$0x5] =	stream.linear.gather [hbm4b:s6+s4], $0x50, $0x38;
	[tilespmem:$0x1E400] =	vst v63  }
0x90: {  	_ =	swait.ge [sflag:s14], $0x50  }
0x91: {  	s16 =	rddreg [dreg:$0x6];
	[sflag:s14] =	ssyncset.done $0x0  }
0x92: {  	[sflag:s14] =	ssyncadd.s32 $0xFFFFFFB0;
	s6 =	sadd.s32 s15, s16  }
0x93: {  	[tilespmem:s26], [sflag:$0x5] =	stream.linear.gather [hbm4b:s6+s4], $0x50, $0x38;
	[tilespmem:$0x1E400] =	vst v63  }
0x94: {  	_ =	swait.ge [sflag:s14], $0x50  }
0x95: {  	[sflag:s14] =	ssyncset.done $0x0  }
0x96: {  	s16 =	rddreg [dreg:$0x5];
	[sflag:s14] =	ssyncadd.s32 $0xFFFFFFB0  }
0x97: {  	[tilespmem:s28], [sflag:$0x3] =	stream.indirect.gather [hbm4b:s1+s20], $0x80, s25, s20, $0xb8;
	[tilespmem:$0x1E400] =	vst v63  }
0x98: {  	s6 =	sadd.s32 s15, s16  }
0x99: {  	[tilespmem:s29], [sflag:$0x5] =	stream.linear.gather [hbm4b:s6+s4], $0x50, $0x38;
	[tilespmem:$0x1E400] =	vst v63  }
0x9a: {  	_ =	swait.ge [sflag:s14], $0x50  }
0x9b: {  	s16 =	rddreg [dreg:$0x4];
	[sflag:s14] =	ssyncset.done $0x0  }
0x9c: {  	[sflag:s14] =	ssyncadd.s32 $0xFFFFFFB0;
	s6 =	sadd.s32 s15, s16  }
0x9d: {  	[tilespmem:s30], [sflag:$0x5] =	stream.linear.gather [hbm4b:s6+s4], $0x50, $0x38;
	[tilespmem:$0x1E400] =	vst v63  }
0x9e: {  	_ =	swait.ge [sflag:s14], $0x50  }
0x9f: {  	[sflag:s14] =	ssyncset.done $0x0  }
0xa0: {  	[sflag:s14] =	ssyncadd.s32 $0xFFFFFFB0  }
0xa1: {  	[tilespmem:s31], [sflag:$0x4] =	stream.indirect.gather [hbm4b:s1+s20], $0x80, s29, s20, $0xb8;
	[tilespmem:$0x1E400] =	vst v63  }
0xa2: {  	_ =	swait.ge [sflag:s0], $0x2800  }
0xa3: {  	[sflag:s0] =	ssyncset.done $0x0  }
0xa4: {  	[sflag:s0] =	ssyncadd.s32 $0xFFFFD800  }
0xa5: {  	[spmem:s3] =	stream.indirect.scatter.add.f32 [tilespmem:s21], [sflag:$0x5], $0x80, s19, s20, $0xb8;
	[tilespmem:$0x1E400] =	vst v63  }
0xa6: {  	_ =	swait.ge [sflag:s14], $0x2800  }
0xa7: {  	[sflag:s14] =	ssyncset.done $0x0  }
0xa8: {  	[sflag:s14] =	ssyncadd.s32 $0xFFFFD800  }
0xa9: {  	_ =	swait.ge [sflag:s2], $0x2800  }
0xaa: {  	[sflag:s2] =	ssyncset.done $0x0  }
0xab: {  	[sflag:s2] =	ssyncadd.s32 $0xFFFFD800  }
0xac: {  	[spmem:s3] =	stream.indirect.scatter.add.f32 [tilespmem:s24], [sflag:$0x5], $0x80, s23, s20, $0xb8;
	[tilespmem:$0x1E400] =	vst v63  }
0xad: {  	_ =	swait.ge [sflag:s14], $0x2800  }
0xae: {  	[sflag:s14] =	ssyncset.done $0x0  }
0xaf: {  	[sflag:s14] =	ssyncadd.s32 $0xFFFFD800  }
0xb0: {  	_ =	swait.ge [sflag:s8], $0x2800  }
0xb1: {  	[sflag:s8] =	ssyncset.done $0x0  }
0xb2: {  	[sflag:s8] =	ssyncadd.s32 $0xFFFFD800  }
0xb3: {  	[spmem:s3] =	stream.indirect.scatter.add.f32 [tilespmem:s28], [sflag:$0x5], $0x80, s26, s20, $0xb8;
	[tilespmem:$0x1E400] =	vst v63  }
0xb4: {  	_ =	swait.ge [sflag:s14], $0x2800  }
0xb5: {  	[sflag:s14] =	ssyncset.done $0x0  }
0xb6: {  	[sflag:s14] =	ssyncadd.s32 $0xFFFFD800  }
0xb7: {  	_ =	swait.ge [sflag:s9], $0x2800  }
.Ltmp0:
0xb8: {  	[sflag:s9] =	ssyncset.done $0x0;
	(pc) =	sbr.rel @p0 .LBB2_2-.Ltmp0, $4  }
0xb9: {  	[sflag:s9] =	ssyncadd.s32 $0xFFFFD800  }
0xba: {  	[spmem:s3] =	stream.indirect.scatter.add.f32 [tilespmem:s31], [sflag:$0x5], $0x80, s30, s20, $0xb8;
	[tilespmem:$0x1E400] =	vst v63  }
0xbb: {  	_ =	swait.ge [sflag:s14], $0x2800  }
0xbc: {  	s15 =	smov.u32 s17;
	s16 =	smov.u32 s18;
	[sflag:s14] =	ssyncset.done $0x0  }
0xbd: {  	s6 =	sadd.s32 s15, s13;
	[sflag:s14] =	ssyncadd.s32 $0xFFFFD800  }
0xbe: {  	[tilespmem:s4], [sflag:$0x5] =	stream.linear.gather [hbm4b:s6+s4], $0x50, $0x38;
	[tilespmem:$0x1E400] =	vst v63  }
0xbf: {  	_ =	swait.ge [sflag:s14], $0x50  }
0xc0: {  	[sflag:s14] =	ssyncset.done $0x0  }
0xc1: {  	s18 =	sadd.s32 s15, s12;
	[sflag:s14] =	ssyncadd.s32 $0xFFFFFFB0  }
0xc2: {  	[tilespmem:s19], [sflag:$0x5] =	stream.linear.gather [hbm4b:s18+s4], $0x50, $0x38;
	[tilespmem:$0x1E400] =	vst v63  }
0xc3: {  	_ =	swait.ge [sflag:s14], $0x50  }
0xc4: {  	[sflag:s14] =	ssyncset.done $0x0  }
0xc5: {  	s16 =	rddreg [dreg:$0x9];
	[sflag:s14] =	ssyncadd.s32 $0xFFFFFFB0  }
0xc6: {  	[tilespmem:s21], [sflag:$0x1] =	stream.indirect.gather [hbm4b:s1+s20], $0x80, s4, s20, $0xb8;
	[tilespmem:$0x1E400] =	vst v63  }
0xc7: {  	s6 =	sadd.s32 s15, s16  }
0xc8: {  	[tilespmem:s22], [sflag:$0x5] =	stream.linear.gather [hbm4b:s6+s4], $0x50, $0x38;
	[tilespmem:$0x1E400] =	vst v63  }
0xc9: {  	_ =	swait.ge [sflag:s14], $0x50  }
0xca: {  	s17 =	rddreg [dreg:$0x8];
	[sflag:s14] =	ssyncset.done $0x0  }
0xcb: {  	[sflag:s14] =	ssyncadd.s32 $0xFFFFFFB0;
	s6 =	sadd.s32 s15, s17  }
0xcc: {  	[tilespmem:s23], [sflag:$0x5] =	stream.linear.gather [hbm4b:s6+s4], $0x50, $0x38;
	[tilespmem:$0x1E400] =	vst v63  }
0xcd: {  	_ =	swait.ge [sflag:s14], $0x50  }
0xce: {  	[sflag:s14] =	ssyncset.done $0x0  }
0xcf: {  	s18 =	rddreg [dreg:$0x7];
	[sflag:s14] =	ssyncadd.s32 $0xFFFFFFB0  }
0xd0: {  	[tilespmem:s24], [sflag:$0x2] =	stream.indirect.gather [hbm4b:s1+s20], $0x80, s22, s20, $0xb8;
	[tilespmem:$0x1E400] =	vst v63  }
0xd1: {  	s6 =	sadd.s32 s15, s18  }
0xd2: {  	[tilespmem:s25], [sflag:$0x5] =	stream.linear.gather [hbm4b:s6+s4], $0x50, $0x38;
	[tilespmem:$0x1E400] =	vst v63  }
0xd3: {  	_ =	swait.ge [sflag:s14], $0x50  }
0xd4: {  	s16 =	rddreg [dreg:$0x6];
	[sflag:s14] =	ssyncset.done $0x0  }
0xd5: {  	[sflag:s14] =	ssyncadd.s32 $0xFFFFFFB0;
	s6 =	sadd.s32 s15, s16  }
0xd6: {  	[tilespmem:s26], [sflag:$0x5] =	stream.linear.gather [hbm4b:s6+s4], $0x50, $0x38;
	[tilespmem:$0x1E400] =	vst v63  }
0xd7: {  	_ =	swait.ge [sflag:s14], $0x50  }
0xd8: {  	[sflag:s14] =	ssyncset.done $0x0  }
0xd9: {  	s17 =	rddreg [dreg:$0x5];
	[sflag:s14] =	ssyncadd.s32 $0xFFFFFFB0  }
0xda: {  	[tilespmem:s28], [sflag:$0x3] =	stream.indirect.gather [hbm4b:s1+s20], $0x80, s25, s20, $0xb8;
	[tilespmem:$0x1E400] =	vst v63  }
0xdb: {  	s6 =	sadd.s32 s15, s17  }
0xdc: {  	[tilespmem:s29], [sflag:$0x5] =	stream.linear.gather [hbm4b:s6+s4], $0x50, $0x38;
	[tilespmem:$0x1E400] =	vst v63  }
0xdd: {  	_ =	swait.ge [sflag:s14], $0x50  }
0xde: {  	s18 =	rddreg [dreg:$0x4];
	[sflag:s14] =	ssyncset.done $0x0  }
0xdf: {  	s6 =	sadd.s32 s15, s18;
	[sflag:s14] =	ssyncadd.s32 $0xFFFFFFB0  }
0xe0: {  	[tilespmem:s30], [sflag:$0x5] =	stream.linear.gather [hbm4b:s6+s4], $0x50, $0x38;
	[tilespmem:$0x1E400] =	vst v63  }
0xe1: {  	_ =	swait.ge [sflag:s14], $0x50  }
0xe2: {  	[sflag:s14] =	ssyncset.done $0x0  }
0xe3: {  	[sflag:s14] =	ssyncadd.s32 $0xFFFFFFB0  }
0xe4: {  	[tilespmem:s31], [sflag:$0x4] =	stream.indirect.gather [hbm4b:s1+s20], $0x80, s29, s20, $0xb8;
	[tilespmem:$0x1E400] =	vst v63  }
0xe5: {  	_ =	swait.ge [sflag:s0], $0x2800  }
0xe6: {  	[sflag:s0] =	ssyncset.done $0x0  }
0xe7: {  	[sflag:s0] =	ssyncadd.s32 $0xFFFFD800  }
0xe8: {  	[spmem:s3] =	stream.indirect.scatter.add.f32 [tilespmem:s21], [sflag:$0x5], $0x80, s19, s20, $0xb8;
	[tilespmem:$0x1E400] =	vst v63  }
0xe9: {  	_ =	swait.ge [sflag:s14], $0x2800  }
0xea: {  	[sflag:s14] =	ssyncset.done $0x0  }
0xeb: {  	[sflag:s14] =	ssyncadd.s32 $0xFFFFD800  }
0xec: {  	_ =	swait.ge [sflag:s2], $0x2800  }
0xed: {  	[sflag:s2] =	ssyncset.done $0x0  }
0xee: {  	[sflag:s2] =	ssyncadd.s32 $0xFFFFD800  }
0xef: {  	[spmem:s3] =	stream.indirect.scatter.add.f32 [tilespmem:s24], [sflag:$0x5], $0x80, s23, s20, $0xb8;
	[tilespmem:$0x1E400] =	vst v63  }
0xf0: {  	_ =	swait.ge [sflag:s14], $0x2800  }
0xf1: {  	[sflag:s14] =	ssyncset.done $0x0  }
0xf2: {  	[sflag:s14] =	ssyncadd.s32 $0xFFFFD800  }
0xf3: {  	_ =	swait.ge [sflag:s8], $0x2800  }
0xf4: {  	[sflag:s8] =	ssyncset.done $0x0  }
0xf5: {  	[sflag:s8] =	ssyncadd.s32 $0xFFFFD800  }
0xf6: {  	[spmem:s3] =	stream.indirect.scatter.add.f32 [tilespmem:s28], [sflag:$0x5], $0x80, s26, s20, $0xb8;
	[tilespmem:$0x1E400] =	vst v63  }
0xf7: {  	_ =	swait.ge [sflag:s14], $0x2800  }
0xf8: {  	[sflag:s14] =	ssyncset.done $0x0  }
0xf9: {  	[sflag:s14] =	ssyncadd.s32 $0xFFFFD800  }
0xfa: {  	_ =	swait.ge [sflag:s9], $0x2800  }
0xfb: {  	[sflag:s9] =	ssyncset.done $0x0  }
0xfc: {  	[sflag:s9] =	ssyncadd.s32 $0xFFFFD800  }
0xfd: {  	[spmem:s3] =	stream.indirect.scatter.add.f32 [tilespmem:s31], [sflag:$0x5], $0x80, s30, s20, $0xb8;
	[tilespmem:$0x1E400] =	vst v63  }
0xfe: {  	_ =	swait.ge [sflag:s14], $0x2800  }
0xff: {  	[sflag:s14] =	ssyncset.done $0x0  }
0x100: {  	s15 =	rddreg [dreg:$0xb];
	[sflag:s14] =	ssyncadd.s32 $0xFFFFD800  }
0x101: {  	[tilespmem:s4], [sflag:$0x5] =	stream.linear.gather [hbm4b:s15+s4], $0x50, $0x38;
	[tilespmem:$0x1E400] =	vst v63  }
0x102: {  	_ =	swait.ge [sflag:s14], $0x50  }
0x103: {  	[sflag:s14] =	ssyncset.done $0x0  }
0x104: {  	s16 =	rddreg [dreg:$0xc];
	[sflag:s14] =	ssyncadd.s32 $0xFFFFFFB0  }
0x105: {  	[tilespmem:s19], [sflag:$0x5] =	stream.linear.gather [hbm4b:s16+s4], $0x50, $0x38;
	[tilespmem:$0x1E400] =	vst v63  }
0x106: {  	_ =	swait.ge [sflag:s14], $0x50  }
0x107: {  	[sflag:s14] =	ssyncset.done $0x0  }
0x108: {  	[sflag:s14] =	ssyncadd.s32 $0xFFFFFFB0  }
0x109: {  	[tilespmem:s21], [sflag:$0x1] =	stream.indirect.gather [hbm4b:s1+s20], $0x80, s4, s20, $0xb8;
	[tilespmem:$0x1E400] =	vst v63  }
0x10a: {  	_ =	swait.ge [sflag:s0], $0x2800  }
0x10b: {  	[sflag:s0] =	ssyncset.done $0x0  }
0x10c: {  	[sflag:s0] =	ssyncadd.s32 $0xFFFFD800  }
0x10d: {  	[spmem:s3] =	stream.indirect.scatter.add.f32 [tilespmem:s21], [sflag:$0x5], $0x80, s19, s20, $0xb8;
	[tilespmem:$0x1E400] =	vst v63  }
0x10e: {  	_ =	swait.ge [sflag:s14], $0x2800  }
0x10f: {  	[sflag:s14] =	ssyncset.done $0x0  }
0x110: {  	[sflag:s14] =	ssyncadd.s32 $0xFFFFD800  }
0x111: {  	[bflag:$0x0] =	sbarrier.arrive $0xFFFF  }
0x112: {  	s17 =	rddreg [dreg:$0xd]  }
0x113: {  	[hbm:s17], [sflag:s7] =	dma.local [spmem:s11], $0x2800  }
0x114: {  	_ =	swait.ge [sflag:s14], $0x2800  }
0x115: {  	s10 =	sadd.s32 $0x1, s10;
	s18 =	rddreg [dreg:$0xe]  }
0x116: {  	p0 =	sne.s32 s10, s18  }
.Ltmp1:
0x117: {  	_ = 	snop;
	(pc) =	sbr.rel @p0 .LBB2_1-.Ltmp1, $3  }
0x118: {  	_ =	sdelay $0x1  }
0x119: {  	[sflag:s14] =	ssyncset.done $0x0  }
0x11a: {  	[sflag:s14] =	ssyncadd.s32 $0xFFFFD800  }
0x11b: {  	_ =	sfence.sel $0x180000  }
0x11c: {  	[bflag:$0x0] =	sbarrier.arrive $0xFFFF  }
0x11d: {  	_ =	strace $0x90000050  }
0x11e: {  	s0 =	stileid.u32;
	[bflag:$0x2] =	sbarrier.arrive $0xFFFF  }
0x11f: {  	p0 =	sne.s32 s0, $0x0;
	s0 =	rddreg [dreg:$0x3]  }
0x120: {  	s0 =	sadd.s32 @!p0 $0x100000, s0  }
0x121: {  	[sflag:s0] =	ssyncadd.tile.s32 @!p0 $0x1;
	_ =	shalt  }
.Lfunc_end2:
_tile_overlayer_lowered:
.L_overlay_start_2:
0x122: {  	(tag) =	ssettag $0x2  }
0x123: {  	s0 =	rddreg [dreg:$0x0];
	s2 =	stileid.u32  }
0x124: {  	s1 =	rddreg [dreg:$0x1];
	p0 =	sne.s32 s2, $0x0  }
0x125: {  	s3 =	rddreg [dreg:$0x2];
	[bflag:$0x3] =	sbarrier.arrive $0xFFFF;
	s2 =	simm.s32 @!p0 $0x1C05  }
0x126: {  	[timem:s3], [sflag:s2] =	dma.local @!p0 [hbm:s0], s1  }
0x127: {  	s0 =	simm.s32 @!p0 $0x5  }
0x128: {  	_ =	swait.ge @!p0 [sflag:s0], s1  }
0x129: {  	s1 =	ssub.s32 @!p0 $0x0, s1;
	[sflag:s0] =	ssyncset.done @!p0 $0x0  }
0x12a: {  	[sflag:s0] =	ssyncadd.s32 @!p0 s1  }
0x12b: {  	[bflag:$0x3] =	sbarrier.arrive $0xFFFF  }
0x12c: {  	_ =	shalt  }

// kernel: kernel.8.cloned.1.call-start
scs
__scs_entry_jumppad:
0x0: {  	(pc) =	sbr.rel $0x88, $3  }
0x1: {  	(tag) =	ssettag $0x0;
	lr =	simm.s32 $0x1  }
0x2: {  	[smem:$0x3F93] =	sst lr;
	_ =	strace $0xD0000000  }
0x3: {  	_ = 	snop  }
0x4: {  	_ = 	snop  }
0x5: {  	_ = 	snop  }
0x6: {  	_ = 	snop  }
0x7: {  	_ = 	snop  }
__scs_overlays_trampoline_lowered:
0x8: {  	[smem:$0x3FA2] =	sst s0  }
0x9: {  	[smem:$0x3FA3] =	sst s1  }
0xa: {  	[smem:$0x3FA4] =	sst s2  }
0xb: {  	[smem:$0x3FA5] =	sst s3  }
0xc: {  	[smem:$0x3FA6] =	sst s4  }
0xd: {  	[smem:$0x3FA7] =	sst s5  }
0xe: {  	[smem:$0x3FA8] =	sst s6  }
0xf: {  	[smem:$0x3FA9] =	sst s7  }
0x10: {  	[smem:$0x3FAA] =	sst s8  }
0x11: {  	[smem:$0x3FAB] =	sst s9;
	s0 =	simm.s32 @!p0 $0x0  }
0x12: {  	s1 =	sld [smem:$0x3F91];
	s0 =	simm.s32 @p0 $0x1  }
0x13: {  	[smem:$0x3FAC] =	sst s0;
	s0 =	simm.s32 @!p1 $0x0  }
0x14: {  	s2 =	sld [smem:$0x3F90];
	s0 =	simm.s32 @p1 $0x1  }
0x15: {  	[smem:$0x3FAD] =	sst s0;
	s0 =	simm.s32 @!p2 $0x0  }
0x16: {  	s3 =	sld [smem:$0x3FDB];
	s0 =	simm.s32 @p2 $0x1  }
0x17: {  	s4 =	simm.s32 $0x1BF5;
	[smem:$0x3FAF] =	sst s0  }
0x18: {  	s0 =	sld [smem:$0x3F92];
	_ =	swait.ge [sflag:s4], $0x0  }
0x19: {  	s7 =	sld [smem:$0x3F93]  }
0x1a: {  	s8 =	sadd.s32 $0xFFFFE003, lr  }
0x1b: {  	s9 =	sadd.s32 $0xFFFFFEF7, lr;
	s5 =	simm.s32 $0xFFFFFFFF;
	p2 =	slt.u32 s8, $0xFFFFF086  }
0x1c: {  	p1 =	slt.u32 s9, $0xF7A;
	s5 =	simm.s32 @!p2 $0x0  }
0x1d: {  	s5 =	simm.s32 @p1 $0x1;
	p0 =	seq.s32 s7, s2  }
0x1e: {  	s7 =	smul.u32 @!p0 $0xF7A, s2;
	p2 =	seq.s32 @!p0 s5, $0x0  }
0x1f: {  	s9 =	smul.u32 $0xF7A, s1;
	s8 =	simm.s32 @!p0 $0x1BF5;
	p2 =	por !p2, p0  }
0x20: {  	[sflag:s8] =	ssyncset.s32 @!p0 $0xFFFFF086;
	s6 =	sadd.s32 @!p0 s3, s7;
	s7 =	simm.s32 @!p0 $0x108  }
0x21: {  	s3 =	sadd.s32 s3, s9;
	s6 =	sadd.s32 @!p0 $0x88, s6;
	s7 =	simm.s32 @p2 $0x1082  }
0x22: {  	[simem:s7], [sflag:s8] =	dma.local @!p0 [hbm:s6], $0xF7A  }
0x23: {  	s9 =	sor.u32 $0xD0000000, s2;
	s6 =	simm.s32 $0x108;
	_ =	swait.ge @!p0 [sflag:s8], $0x0  }
0x24: {  	s3 =	sadd.s32 $0x88, s3;
	s6 =	simm.s32 @!p1 $0x1082;
	[sflag:s4] =	ssyncset.s32 $0xFFFFF086  }
0x25: {  	[simem:s6], [sflag:s4] =	dma.local [hbm:s3], $0xF7A  }
0x26: {  	[smem:$0x3F93] =	sst s1;
	(tag) =	ssettag s2;
	_ =	strace s9  }
0x27: {  	s1 =	sld [smem:$0x3FA3]  }
0x28: {  	s2 =	sld [smem:$0x3FA4]  }
0x29: {  	s4 =	sld [smem:$0x3FA6]  }
0x2a: {  	p0 =	seq.s32 s5, $0x0;
	s5 =	sld [smem:$0x3FA7]  }
0x2b: {  	s6 =	sld [smem:$0x3FA8]  }
0x2c: {  	s7 =	sld [smem:$0x3FA9]  }
0x2d: {  	s3 =	simm.s32 $0x108;
	s8 =	sld [smem:$0x3FAA]  }
0x2e: {  	s3 =	simm.s32 @!p0 $0x1082;
	s9 =	sld [smem:$0x3FAB]  }
0x2f: {  	lr =	sadd.s32 s0, s3;
	s0 =	sld [smem:$0x3FA2]  }
0x30: {  	s3 =	sld [smem:$0x3FA5]  }
0x31: {  	[smem:$0x3FAE] =	sst s10  }
0x32: {  	s10 =	sld [smem:$0x3FAC];
	_ =	sdelay $0x3  }
0x33: {  	p0 =	seq.s32 s10, $0x1;
	s10 =	sld [smem:$0x3FAE];
	_ =	sdelay $0x3  }
0x34: {  	[smem:$0x3FAE] =	sst s10  }
0x35: {  	s10 =	sld [smem:$0x3FAD];
	_ =	sdelay $0x3  }
0x36: {  	p1 =	seq.s32 s10, $0x1;
	s10 =	sld [smem:$0x3FAE];
	_ =	sdelay $0x3  }
0x37: {  	[smem:$0x3FAE] =	sst s10  }
0x38: {  	s10 =	sld [smem:$0x3FAF]  }
0x39: {  	_ = 	snop;
	(pc) =	sbr.ind lr, $3  }
0x3a: {  	_ = 	snop  }
0x3b: {  	_ = 	snop  }
0x3c: {  	p2 =	seq.s32 s10, $0x1;
	s10 =	sld [smem:$0x3FAE]  }
0x3d: {  	_ =	shalt  }
0x3e: {  	_ =	shalt  }
0x3f: {  	_ =	shalt  }
0x40: {  	_ =	shalt  }
0x41: {  	_ =	shalt  }
0x42: {  	_ =	shalt  }
0x43: {  	_ =	shalt  }
0x44: {  	_ =	shalt  }
0x45: {  	_ =	shalt  }
0x46: {  	_ =	shalt  }
0x47: {  	_ =	shalt  }
0x48: {  	_ =	shalt  }
0x49: {  	_ =	shalt  }
0x4a: {  	_ =	shalt  }
0x4b: {  	_ =	shalt  }
0x4c: {  	_ =	shalt  }
0x4d: {  	_ =	shalt  }
0x4e: {  	_ =	shalt  }
0x4f: {  	_ =	shalt  }
0x50: {  	_ =	shalt  }
0x51: {  	_ =	shalt  }
0x52: {  	_ =	shalt  }
0x53: {  	_ =	shalt  }
0x54: {  	_ =	shalt  }
0x55: {  	_ =	shalt  }
0x56: {  	_ =	shalt  }
0x57: {  	_ =	shalt  }
0x58: {  	_ =	shalt  }
0x59: {  	_ =	shalt  }
0x5a: {  	_ =	shalt  }
0x5b: {  	_ =	shalt  }
0x5c: {  	_ =	shalt  }
0x5d: {  	_ =	shalt  }
0x5e: {  	_ =	shalt  }
0x5f: {  	_ =	shalt  }
0x60: {  	_ =	shalt  }
0x61: {  	_ =	shalt  }
0x62: {  	_ =	shalt  }
0x63: {  	_ =	shalt  }
0x64: {  	_ =	shalt  }
0x65: {  	_ =	shalt  }
0x66: {  	_ =	shalt  }
0x67: {  	_ =	shalt  }
0x68: {  	_ =	shalt  }
0x69: {  	_ =	shalt  }
0x6a: {  	_ =	shalt  }
0x6b: {  	_ =	shalt  }
0x6c: {  	_ =	shalt  }
0x6d: {  	_ =	shalt  }
0x6e: {  	_ =	shalt  }
0x6f: {  	_ =	shalt  }
0x70: {  	_ =	shalt  }
0x71: {  	_ =	shalt  }
0x72: {  	_ =	shalt  }
0x73: {  	_ =	shalt  }
0x74: {  	_ =	shalt  }
0x75: {  	_ =	shalt  }
0x76: {  	_ =	shalt  }
0x77: {  	_ =	shalt  }
0x78: {  	_ =	shalt  }
0x79: {  	_ =	shalt  }
0x7a: {  	_ =	shalt  }
0x7b: {  	_ =	shalt  }
0x7c: {  	_ =	shalt  }
0x7d: {  	_ =	shalt  }
0x7e: {  	_ =	shalt  }
0x7f: {  	_ =	shalt  }
0x80: {  	_ =	shalt  }
0x81: {  	_ =	shalt  }
0x82: {  	_ =	shalt  }
0x83: {  	_ =	shalt  }
0x84: {  	_ =	shalt  }
0x85: {  	_ =	shalt  }
0x86: {  	_ =	shalt  }
0x87: {  	_ =	shalt  }
.Lfunc_end0:
.L_simem_size_0:
called_computation_lowered:
.L_overlay_start_0:
0x88: {  	s2 =	sld [smem:$0x3FD9]  }
0x89: {  	s3 =	sld [smem:$0x3FFE];
	_ =	sdelay $0x1  }
0x8a: {  	s1 =	srdreg.scid  }
0x8b: {  	s0 =	sand.u32 $0x1, s1  }
0x8c: {  	s14 =	sshll.u32 s0, $0xA;
	s2 =	sadd.s32 s3, s2  }
0x8d: {  	s2 =	sadd.s32 s2, s14  }
0x8e: {  	[smem:$0x3FBA] =	sst s2  }
0x8f: {  	_ = 	snop  }
0x90: {  	s2 =	sld [smem:$0x3FD0];
	_ =	sdelay $0x2  }
0x91: {  	s15 =	simm.s32 $0xC;
	s4 =	simm.s32 $0x10  }
0x92: {  	[smem:s4], [sflag:s15] =	dma.local [hbm:s2], $0x1  }
0x93: {  	_ =	swait.eq [sflag:s15], $0x1  }
0x94: {  	[sflag:s15] =	ssyncset.done $0x0  }
0x95: {  	[sflag:s15] =	ssyncadd.s32 $0xFFFFFFFF  }
0x96: {  	s16 =	sld [smem:$0x11];
	(tm) =	ssettm $0x1  }
0x97: {  	s17 =	sld [smem:$0x3FFB];
	_ =	sdelay $0x3  }
0x98: {  	_ =	strace s17  }
0x99: {  	s3 =	sld [smem:$0x3FFC];
	_ =	sdelay $0x3  }
0x9a: {  	_ =	strace s3  }
0x9b: {  	s3 =	sld [smem:$0x3FFD];
	_ =	sdelay $0x3  }
0x9c: {  	_ =	strace s3  }
0x9d: {  	_ =	strace $0x8FFFFFFF  }
0x9e: {  	s18 =	sld [smem:$0x3FDB];
	_ =	sdelay $0x1  }
0x9f: {  	s19 =	simm.s32 $_scs_section_size  }
0xa0: {  	s5 =	simm.s32 $_size__tile_overlayer_lowered;
	s6 =	simm.s32 $_tile_overlayer_lowered  }
0xa1: {  	s22 =	simm.s32 $0x1BFF;
	s21 =	sshll.u32 s6, $0x1;
	s3 =	sadd.s32 s19, s18  }
0xa2: {  	s7 =	simm.s32 $0x0;
	s20 =	sshll.u32 s5, $0x1;
	s5 =	sadd.s32 s21, s3  }
0xa3: {  	[timem:s7], [sflag:s22] =	dma.local [hbm:s5], s20  }
0xa4: {  	_ =	swait.ge [sflag:s22], s20  }
0xa5: {  	s4 =	ssub.s32 $0x0, s20;
	[sflag:s22] =	ssyncset.done $0x0  }
0xa6: {  	[sflag:s22] =	ssyncadd.s32 s4;
	_ =	sdelay $0x1  }
0xa7: {  	s23 =	simm.s32 $0x1B8B  }
0xa8: {  	_ =	swait.ge [sflag:s23], $0x1  }
0xa9: {  	[sflag:s23] =	ssyncset.done $0x0  }
0xaa: {  	s25 =	simm.s32 $0x1B8E;
	s24 =	sld [smem:$0x3FFE];
	[sflag:s23] =	ssyncadd.s32 $0xFFFFFFFF  }
0xab: {  	s26 =	simm.s32 $execute0_lowered;
	[smem:$0x3FD2] =	sst s25  }
0xac: {  	s5 =	sshll.u32 s26, $0x1;
	_ =	strace $0x80000046;
	[dreg:$0x1] =	wrdreg $0xFFFFFFFF  }
0xad: {  	s28 =	simm.s32 $_size_execute0_lowered;
	s3 =	sadd.s32 s3, s5;
	[dreg:$0x0] =	wrdreg $0x0  }
0xae: {  	s5 =	sshll.u32 s28, $0x1;
	[dreg:$0x2] =	wrdreg s3  }
0xaf: {  	[dreg:$0x3] =	wrdreg s5  }
0xb0: {  	[dreg:$0x4] =	wrdreg $0xC0  }
0xb1: {  	_ =	task [dreg:s7], $0x5FFFF  }
0xb2: {  	[dreg:$0x1] =	wrdreg $0xFFFFFFFF  }
0xb3: {  	[dreg:$0x0] =	wrdreg $0x60  }
0xb4: {  	[dreg:$0x2] =	wrdreg s16  }
0xb5: {  	[dreg:$0x3] =	wrdreg s24  }
0xb6: {  	[dreg:$0x4] =	wrdreg $0xA2000  }
0xb7: {  	[dreg:$0x5] =	wrdreg $0xA  }
0xb8: {  	_ =	task.clear_ibuf [dreg:s7], $0x6FFFF;
	_ =	strace $0x90000046  }
0xb9: {  	s29 =	simm.s32 $0xA;
	_ =	strace $0x80000048  }
0xba: {  	_ =	swait.ge [sflag:s29], $0x1  }
0xbb: {  	[sflag:s29] =	ssyncadd.s32 $0xFFFFFFFF  }
0xbc: {  	_ =	strace $0x90000048  }
0xbd: {  	_ =	sfence  }
0xbe: {  	s30 =	sld [smem:$0x0];
	_ =	sdelay $0x2  }
0xbf: {  	s31 =	sshll.u32 s1, $0xD;
	s1 =	sshrl.u32 s1, $0x2  }
0xc0: {  	s3 =	sand.u32 $0x4000, s31;
	s1 =	sadd.s32 s1, s30  }
0xc1: {  	s0 =	sor.u32 s3, s0;
	s1 =	sshll.u32 s1, $0x11  }
0xc2: {  	s0 =	sor.u32 s1, s0  }
0xc3: {  	s0 =	sadd.s32 $0x8F2B, s0  }
0xc4: {  	[sflag:s0] =	ssyncadd.remote.s32 $0x1  }
0xc5: {  	_ =	sfence.sel $0xFFFF  }
0xc6: {  	[dreg:$0x0] =	wrdreg $0xFFFFFFFF;
	(pc) =	sbr.abs _section_cstart, $3  }
0xc7: {  	[dreg:$0x1] =	wrdreg $0xFFFFFFFF  }
0xc8: {  	_ =	task.clear_ibuf [dreg:s7], $0x2FFFF;
	_ =	strace $0x9FFFFFFF  }
0xc9: {  	(tm) =	ssettm $0x7FFFFFFF  }
tec
execute0_lowered:
.L_overlay_start_1:
0x0: {  	(tag) =	ssettag $0x1  }
0x1: {  	s0 =	rddreg [dreg:$0x0]  }
0x2: {  	s1 =	rddreg [dreg:$0x1]  }
0x3: {  	s2 =	rddreg [dreg:$0x2];
	s3 =	simm.s32 $0x0  }
0x4: {  	s4 =	srdreg.scid;
	s16 =	stileid.u32;
	s28 =	simm.s32 $0x7A00  }
0x5: {  	s29 =	simm.s32 $0x1;
	s30 =	simm.s32 $0x50;
	s5 =	smul.u32 $0x2800, s16  }
0x6: {  	s31 =	simm.s32 $0x2;
	[smem:$0x7FF] =	sst s3;
	s10 =	smul.u32 $0x50000, s16  }
0x7: {  	s6 =	sand.u32 $0x1, s4;
	s8 =	sadd.s32 $0x9C7400, s1;
	s13 =	smul.u32 $0x4E20, s16  }
0x8: {  	s4 =	sadd.s32 $0x3400, s1;
	s19 =	sshll.u32 s16, $0x1;
	s24 =	smul.u32 $0x4E200, s16  }
0x9: {  	s21 =	sshll.u32 s16, $0x6;
	_ =	strace $0x80000047;
	s7 =	smul.u32 $0x28000, s6  }
0xa: {  	s9 =	ssub.s32 $0x2, s6;
	s11 =	sor.u32 s6, s19;
	s15 =	smul.u32 $0x2710, s6  }
0xb: {  	s25 =	smul.u32 $0x27100, s6;
	s18 =	sshrl.u32 s9, $0x1;
	s20 =	sshrl.u32 s10, $0x2  }
0xc: {  	s22 =	smul.u32 $0x2710, s11;
	s5 =	sadd.s32 s5, s7;
	s7 =	ssub.s32 s9, s18  }
0xd: {  	s9 =	sadd.s32 s20, s2;
	s26 =	sadd.s32 s15, s13;
	s13 =	sadd.s32 s24, s8  }
0xe: {  	s1 =	sadd.s32 s5, s1;
	s5 =	sor.u32 $0x1C05, s21;
	s23 =	sadd.s32 $0x4000, s9  }
0xf: {  	s12 =	sadd.s32 $0x8000, s9;
	s19 =	sadd.s32 $0xC000, s9;
	s20 =	sadd.s32 $0x10000, s9  }
0x10: {  	s10 =	sadd.s32 $0x26C0, s22;
	s7 =	smax.u32 s7, $0x1;
	s16 =	sadd.s32 $0xA0, s26  }
0x11: {  	s21 =	sadd.s32 $0x50, s26;
	s6 =	sshrl.u32 s26, $0x3;
	s14 =	sshrl.u32 s10, $0x3  }
0x12: {  	s10 =	sshll.u32 s10, $0x4;
	s1 =	sadd.s32 $0x3C00, s1;
	[dreg:$0x7] =	wrdreg s7  }
0x13: {  	s18 =	sshrl.u32 s16, $0x3;
	s22 =	sshrl.u32 s21, $0x3;
	s16 =	simm.s32 $0x5  }
0x14: {  	s23 =	sshrl.u32 s23, $0x3;
	s24 =	sshrl.u32 s12, $0x3;
	[dreg:$0x6] =	wrdreg s1  }
0x15: {  	s21 =	simm.s32 $0x200;
	s14 =	sadd.s32 s0, s14;
	[dreg:$0x8] =	wrdreg s23  }
0x16: {  	s10 =	sadd.s32 s8, s10;
	s18 =	sadd.s32 s18, s0;
	[dreg:$0x9] =	wrdreg s24  }
0x17: {  	s23 =	simm.s32 $0x2A00;
	s24 =	simm.s32 $0x100;
	[dreg:$0x4] =	wrdreg s14  }
0x18: {  	s1 =	simm.s32 $0x4;
	[dreg:$0x5] =	wrdreg s10;
	s14 =	sadd.s32 $0xF0, s26  }
0x19: {  	s10 =	sadd.s32 s25, s13;
	s13 =	sadd.s32 s22, s0;
	s25 =	sshrl.u32 s19, $0x3  }
0x1a: {  	s26 =	sshrl.u32 s20, $0x3;
	s22 =	simm.s32 $0x80;
	[dreg:$0xa] =	wrdreg s25  }
0x1b: {  	s15 =	sshrl.u32 s14, $0x3;
	s14 =	sadd.s32 s6, s0;
	[dreg:$0xb] =	wrdreg s26  }
0x1c: {  	s25 =	simm.s32 $0x5200;
	s26 =	simm.s32 $0x180;
	s6 =	simm.s32 $0x0  }
0x1d: {  	s17 =	sadd.s32 s15, s0;
	s15 =	sshrl.u32 s9, $0x3;
	s0 =	simm.s32 $0x3  }
.LBB2_1:
0x1e: {  	[spmem:s15], [sflag:s5] =	dma.local [hbm:s4], $0x800  }
0x1f: {  	_ =	swait.ge [sflag:s16], $0x800  }
0x20: {  	[sflag:s16] =	ssyncset.done $0x0  }
0x21: {  	s7 =	rddreg [dreg:$0x8];
	[sflag:s16] =	ssyncadd.s32 $0xFFFFF800  }
0x22: {  	[spmem:s7], [sflag:s5] =	dma.local [hbm:s4], $0x800  }
0x23: {  	_ =	swait.ge [sflag:s16], $0x800  }
0x24: {  	[sflag:s16] =	ssyncset.done $0x0  }
0x25: {  	s9 =	rddreg [dreg:$0x9];
	[sflag:s16] =	ssyncadd.s32 $0xFFFFF800  }
0x26: {  	[spmem:s9], [sflag:s5] =	dma.local [hbm:s4], $0x800  }
0x27: {  	_ =	swait.ge [sflag:s16], $0x800  }
0x28: {  	[sflag:s16] =	ssyncset.done $0x0  }
0x29: {  	s11 =	rddreg [dreg:$0xa];
	[sflag:s16] =	ssyncadd.s32 $0xFFFFF800  }
0x2a: {  	[spmem:s11], [sflag:s5] =	dma.local [hbm:s4], $0x800  }
0x2b: {  	_ =	swait.ge [sflag:s16], $0x800  }
0x2c: {  	[sflag:s16] =	ssyncset.done $0x0  }
0x2d: {  	s12 =	rddreg [dreg:$0xb];
	[sflag:s16] =	ssyncadd.s32 $0xFFFFF800  }
0x2e: {  	[spmem:s12], [sflag:s5] =	dma.local [hbm:s4], $0x800  }
0x2f: {  	_ =	swait.ge [sflag:s16], $0x800  }
0x30: {  	[sflag:s16] =	ssyncset.done $0x0  }
0x31: {  	[sflag:s16] =	ssyncadd.s32 $0xFFFFF800  }
0x32: {  	[bflag:$0x0] =	sbarrier.arrive $0xFFFF  }
0x33: {  	[tilespmem:s3], [sflag:$0x5] =	stream.linear.gather [hbm4b:s14+s3], $0x50, $0x38;
	[tilespmem:$0x1E200] =	vst v63  }
0x34: {  	_ =	swait.ge [sflag:s16], $0x50  }
0x35: {  	[sflag:s16] =	ssyncset.done $0x0  }
0x36: {  	s19 =	sadd.s32 $0x0, s10;
	[sflag:s16] =	ssyncadd.s32 $0xFFFFFFB0  }
0x37: {  	[tilespmem:s21], [sflag:$0x1] =	stream.linear.gather [hbm4b:s19+s3], $0x2800, $0x38;
	[tilespmem:$0x1E200] =	vst v63  }
0x38: {  	_ = 	snop  }
0x39: {  	[tilespmem:s22], [sflag:$0x5] =	stream.linear.gather [hbm4b:s13+s3], $0x50, $0x38;
	[tilespmem:$0x1E200] =	vst v63  }
0x3a: {  	_ =	swait.ge [sflag:s16], $0x50  }
0x3b: {  	[sflag:s16] =	ssyncset.done $0x0  }
0x3c: {  	s8 =	sadd.s32 $0x500, s19;
	[sflag:s16] =	ssyncadd.s32 $0xFFFFFFB0  }
0x3d: {  	[tilespmem:s23], [sflag:$0x2] =	stream.linear.gather [hbm4b:s8+s3], $0x2800, $0x38;
	[tilespmem:$0x1E200] =	vst v63  }
0x3e: {  	_ = 	snop  }
0x3f: {  	[tilespmem:s24], [sflag:$0x5] =	stream.linear.gather [hbm4b:s18+s3], $0x50, $0x38;
	[tilespmem:$0x1E200] =	vst v63  }
0x40: {  	_ =	swait.ge [sflag:s16], $0x50  }
0x41: {  	[sflag:s16] =	ssyncset.done $0x0  }
0x42: {  	s20 =	sadd.s32 $0xA00, s19;
	[sflag:s16] =	ssyncadd.s32 $0xFFFFFFB0  }
0x43: {  	[tilespmem:s25], [sflag:$0x3] =	stream.linear.gather [hbm4b:s20+s3], $0x2800, $0x38;
	[tilespmem:$0x1E200] =	vst v63  }
0x44: {  	_ = 	snop  }
0x45: {  	[tilespmem:s26], [sflag:$0x5] =	stream.linear.gather [hbm4b:s17+s3], $0x50, $0x38;
	[tilespmem:$0x1E200] =	vst v63  }
0x46: {  	_ =	swait.ge [sflag:s16], $0x50  }
0x47: {  	[sflag:s16] =	ssyncset.done $0x0  }
0x48: {  	s7 =	sadd.s32 $0xF00, s19;
	[sflag:s16] =	ssyncadd.s32 $0xFFFFFFB0  }
0x49: {  	[tilespmem:s28], [sflag:$0x4] =	stream.linear.gather [hbm4b:s7+s3], $0x2800, $0x38;
	[tilespmem:$0x1E200] =	vst v63  }
0x4a: {  	_ =	swait.ge [sflag:s29], $0x2800  }
0x4b: {  	[sflag:s29] =	ssyncset.done $0x0  }
0x4c: {  	[sflag:s29] =	ssyncadd.s32 $0xFFFFD800  }
0x4d: {  	[spmem:s2] =	stream.indirect.scatter.add.f32 [tilespmem:s21], [sflag:$0x5], $0x80, s3, s30, $0xb8;
	[tilespmem:$0x1E200] =	vst v63  }
0x4e: {  	_ =	swait.ge [sflag:s16], $0x2800  }
0x4f: {  	[sflag:s16] =	ssyncset.done $0x0  }
0x50: {  	[sflag:s16] =	ssyncadd.s32 $0xFFFFD800  }
0x51: {  	_ =	swait.ge [sflag:s31], $0x2800  }
0x52: {  	[sflag:s31] =	ssyncset.done $0x0  }
0x53: {  	[sflag:s31] =	ssyncadd.s32 $0xFFFFD800  }
0x54: {  	[spmem:s2] =	stream.indirect.scatter.add.f32 [tilespmem:s23], [sflag:$0x5], $0x80, s22, s30, $0xb8;
	[tilespmem:$0x1E200] =	vst v63  }
0x55: {  	_ =	swait.ge [sflag:s16], $0x2800  }
0x56: {  	[sflag:s16] =	ssyncset.done $0x0  }
0x57: {  	[sflag:s16] =	ssyncadd.s32 $0xFFFFD800  }
0x58: {  	_ =	swait.ge [sflag:s0], $0x2800  }
0x59: {  	[sflag:s0] =	ssyncset.done $0x0  }
0x5a: {  	[sflag:s0] =	ssyncadd.s32 $0xFFFFD800  }
0x5b: {  	[spmem:s2] =	stream.indirect.scatter.add.f32 [tilespmem:s25], [sflag:$0x5], $0x80, s24, s30, $0xb8;
	[tilespmem:$0x1E200] =	vst v63  }
0x5c: {  	_ =	swait.ge [sflag:s16], $0x2800  }
0x5d: {  	[sflag:s16] =	ssyncset.done $0x0  }
0x5e: {  	[sflag:s16] =	ssyncadd.s32 $0xFFFFD800  }
0x5f: {  	_ =	swait.ge [sflag:s1], $0x2800  }
0x60: {  	[sflag:s1] =	ssyncset.done $0x0  }
0x61: {  	s9 =	sadd.s32 $0x28, s14;
	[sflag:s1] =	ssyncadd.s32 $0xFFFFD800  }
0x62: {  	[spmem:s2] =	stream.indirect.scatter.add.f32 [tilespmem:s28], [sflag:$0x5], $0x80, s26, s30, $0xb8;
	[tilespmem:$0x1E200] =	vst v63  }
0x63: {  	s11 =	smov.u32 s17;
	s12 =	smov.u32 s18;
	_ =	swait.ge [sflag:s16], $0x2800  }
0x64: {  	s8 =	sadd.s32 $0x28, s13;
	s7 =	simm.s32 $0x1400;
	[sflag:s16] =	ssyncset.done $0x0  }
.LBB2_2:
0x65: {  	[sflag:s16] =	ssyncadd.s32 $0xFFFFD800  }
0x66: {  	s11 =	sadd.s32 $0x28, s11;
	s12 =	sadd.s32 $0x28, s12;
	s19 =	smov.u32 s7  }
0x67: {  	[tilespmem:s3], [sflag:$0x5] =	stream.linear.gather [hbm4b:s9+s3], $0x50, $0x38;
	[tilespmem:$0x1E200] =	vst v63  }
0x68: {  	p0 =	sne.s32 s7, $0x25800;
	s7 =	sadd.s32 $0x1400, s7;
	_ =	swait.ge [sflag:s16], $0x50  }
0x69: {  	[sflag:s16] =	ssyncset.done $0x0  }
0x6a: {  	s19 =	sadd.s32 s19, s10;
	[sflag:s16] =	ssyncadd.s32 $0xFFFFFFB0  }
0x6b: {  	[tilespmem:s21], [sflag:$0x1] =	stream.linear.gather [hbm4b:s19+s3], $0x2800, $0x38;
	[tilespmem:$0x1E200] =	vst v63  }
0x6c: {  	_ = 	snop  }
0x6d: {  	[tilespmem:s22], [sflag:$0x5] =	stream.linear.gather [hbm4b:s8+s3], $0x50, $0x38;
	[tilespmem:$0x1E200] =	vst v63  }
0x6e: {  	_ =	swait.ge [sflag:s16], $0x50  }
0x6f: {  	[sflag:s16] =	ssyncset.done $0x0  }
0x70: {  	s20 =	sadd.s32 $0x500, s19;
	[sflag:s16] =	ssyncadd.s32 $0xFFFFFFB0  }
0x71: {  	[tilespmem:s23], [sflag:$0x2] =	stream.linear.gather [hbm4b:s20+s3], $0x2800, $0x38;
	[tilespmem:$0x1E200] =	vst v63  }
0x72: {  	_ = 	snop  }
0x73: {  	[tilespmem:s24], [sflag:$0x5] =	stream.linear.gather [hbm4b:s12+s3], $0x50, $0x38;
	[tilespmem:$0x1E200] =	vst v63  }
0x74: {  	_ =	swait.ge [sflag:s16], $0x50  }
0x75: {  	[sflag:s16] =	ssyncset.done $0x0  }
0x76: {  	s20 =	sadd.s32 $0xA00, s19;
	[sflag:s16] =	ssyncadd.s32 $0xFFFFFFB0  }
0x77: {  	[tilespmem:s25], [sflag:$0x3] =	stream.linear.gather [hbm4b:s20+s3], $0x2800, $0x38;
	[tilespmem:$0x1E200] =	vst v63  }
0x78: {  	_ = 	snop  }
0x79: {  	[tilespmem:s26], [sflag:$0x5] =	stream.linear.gather [hbm4b:s11+s3], $0x50, $0x38;
	[tilespmem:$0x1E200] =	vst v63  }
0x7a: {  	_ =	swait.ge [sflag:s16], $0x50  }
0x7b: {  	[sflag:s16] =	ssyncset.done $0x0  }
0x7c: {  	s19 =	sadd.s32 $0xF00, s19;
	[sflag:s16] =	ssyncadd.s32 $0xFFFFFFB0  }
0x7d: {  	[tilespmem:s28], [sflag:$0x4] =	stream.linear.gather [hbm4b:s19+s3], $0x2800, $0x38;
	[tilespmem:$0x1E200] =	vst v63  }
0x7e: {  	_ =	swait.ge [sflag:s29], $0x2800  }
0x7f: {  	[sflag:s29] =	ssyncset.done $0x0  }
0x80: {  	[sflag:s29] =	ssyncadd.s32 $0xFFFFD800  }
0x81: {  	[spmem:s2] =	stream.indirect.scatter.add.f32 [tilespmem:s21], [sflag:$0x5], $0x80, s3, s30, $0xb8;
	[tilespmem:$0x1E200] =	vst v63  }
0x82: {  	_ =	swait.ge [sflag:s16], $0x2800  }
0x83: {  	[sflag:s16] =	ssyncset.done $0x0  }
0x84: {  	[sflag:s16] =	ssyncadd.s32 $0xFFFFD800  }
0x85: {  	_ =	swait.ge [sflag:s31], $0x2800  }
0x86: {  	[sflag:s31] =	ssyncset.done $0x0  }
0x87: {  	[sflag:s31] =	ssyncadd.s32 $0xFFFFD800  }
0x88: {  	[spmem:s2] =	stream.indirect.scatter.add.f32 [tilespmem:s23], [sflag:$0x5], $0x80, s22, s30, $0xb8;
	[tilespmem:$0x1E200] =	vst v63  }
0x89: {  	_ =	swait.ge [sflag:s16], $0x2800  }
0x8a: {  	[sflag:s16] =	ssyncset.done $0x0  }
0x8b: {  	[sflag:s16] =	ssyncadd.s32 $0xFFFFD800  }
0x8c: {  	_ =	swait.ge [sflag:s0], $0x2800  }
0x8d: {  	[sflag:s0] =	ssyncset.done $0x0  }
0x8e: {  	[sflag:s0] =	ssyncadd.s32 $0xFFFFD800  }
0x8f: {  	[spmem:s2] =	stream.indirect.scatter.add.f32 [tilespmem:s25], [sflag:$0x5], $0x80, s24, s30, $0xb8;
	[tilespmem:$0x1E200] =	vst v63  }
0x90: {  	_ =	swait.ge [sflag:s16], $0x2800  }
0x91: {  	[sflag:s16] =	ssyncset.done $0x0  }
0x92: {  	[sflag:s16] =	ssyncadd.s32 $0xFFFFD800  }
0x93: {  	_ =	swait.ge [sflag:s1], $0x2800  }
.Ltmp0:
0x94: {  	[sflag:s1] =	ssyncset.done $0x0;
	(pc) =	sbr.rel @p0 .LBB2_2-.Ltmp0, $4  }
0x95: {  	[sflag:s1] =	ssyncadd.s32 $0xFFFFD800  }
0x96: {  	[spmem:s2] =	stream.indirect.scatter.add.f32 [tilespmem:s28], [sflag:$0x5], $0x80, s26, s30, $0xb8;
	[tilespmem:$0x1E200] =	vst v63  }
0x97: {  	_ =	swait.ge [sflag:s16], $0x2800  }
0x98: {  	s9 =	sadd.s32 $0x28, s9;
	s8 =	sadd.s32 $0x28, s8;
	[sflag:s16] =	ssyncset.done $0x0  }
0x99: {  	[sflag:s16] =	ssyncadd.s32 $0xFFFFD800;
	s7 =	rddreg [dreg:$0x4]  }
0x9a: {  	[tilespmem:s3], [sflag:$0x5] =	stream.linear.gather [hbm4b:s7+s3], $0x50, $0x38;
	[tilespmem:$0x1E200] =	vst v63  }
0x9b: {  	_ =	swait.ge [sflag:s16], $0x50  }
0x9c: {  	[sflag:s16] =	ssyncset.done $0x0  }
0x9d: {  	s12 =	rddreg [dreg:$0x5];
	[sflag:s16] =	ssyncadd.s32 $0xFFFFFFB0  }
0x9e: {  	[tilespmem:s21], [sflag:$0x1] =	stream.linear.gather [hbm4b:s12+s3], $0x2800, $0x38;
	[tilespmem:$0x1E200] =	vst v63  }
0x9f: {  	_ =	swait.ge [sflag:s29], $0x2800  }
0xa0: {  	[sflag:s29] =	ssyncset.done $0x0  }
0xa1: {  	[sflag:s29] =	ssyncadd.s32 $0xFFFFD800  }
0xa2: {  	[spmem:s2] =	stream.indirect.scatter.add.f32 [tilespmem:s21], [sflag:$0x5], $0x80, s3, s30, $0xb8;
	[tilespmem:$0x1E200] =	vst v63  }
0xa3: {  	_ =	swait.ge [sflag:s16], $0x2800  }
0xa4: {  	[sflag:s16] =	ssyncset.done $0x0  }
0xa5: {  	[sflag:s16] =	ssyncadd.s32 $0xFFFFD800  }
0xa6: {  	[bflag:$0x0] =	sbarrier.arrive $0xFFFF  }
0xa7: {  	s19 =	rddreg [dreg:$0x6]  }
0xa8: {  	[hbm:s19], [sflag:s5] =	dma.local [spmem:s15], $0x2800  }
0xa9: {  	_ =	swait.ge [sflag:s16], $0x2800  }
0xaa: {  	s6 =	sadd.s32 $0x1, s6;
	s20 =	rddreg [dreg:$0x7]  }
0xab: {  	p0 =	sne.s32 s6, s20  }
.Ltmp1:
0xac: {  	_ = 	snop;
	(pc) =	sbr.rel @p0 .LBB2_1-.Ltmp1, $3  }
0xad: {  	_ =	sdelay $0x1  }
0xae: {  	[sflag:s16] =	ssyncset.done $0x0  }
0xaf: {  	[sflag:s16] =	ssyncadd.s32 $0xFFFFD800  }
0xb0: {  	_ =	sfence.sel $0x180000  }
0xb1: {  	[bflag:$0x0] =	sbarrier.arrive $0xFFFF  }
0xb2: {  	_ =	strace $0x90000047  }
0xb3: {  	s0 =	stileid.u32;
	[bflag:$0x2] =	sbarrier.arrive $0xFFFF  }
0xb4: {  	p0 =	sne.s32 s0, $0x0;
	s0 =	rddreg [dreg:$0x3]  }
0xb5: {  	s0 =	sadd.s32 @!p0 $0x100000, s0  }
0xb6: {  	[sflag:s0] =	ssyncadd.tile.s32 @!p0 $0x1;
	_ =	shalt  }
.Lfunc_end2:
_tile_overlayer_lowered:
.L_overlay_start_2:
0xb7: {  	(tag) =	ssettag $0x2  }
0xb8: {  	s0 =	rddreg [dreg:$0x0];
	s2 =	stileid.u32  }
0xb9: {  	s1 =	rddreg [dreg:$0x1];
	p0 =	sne.s32 s2, $0x0  }
0xba: {  	s3 =	rddreg [dreg:$0x2];
	[bflag:$0x3] =	sbarrier.arrive $0xFFFF;
	s2 =	simm.s32 @!p0 $0x1C05  }
0xbb: {  	[timem:s3], [sflag:s2] =	dma.local @!p0 [hbm:s0], s1  }
0xbc: {  	s0 =	simm.s32 @!p0 $0x5  }
0xbd: {  	_ =	swait.ge @!p0 [sflag:s0], s1  }
0xbe: {  	s1 =	ssub.s32 @!p0 $0x0, s1;
	[sflag:s0] =	ssyncset.done @!p0 $0x0  }
0xbf: {  	[sflag:s0] =	ssyncadd.s32 @!p0 s1  }
0xc0: {  	[bflag:$0x3] =	sbarrier.arrive $0xFFFF  }
0xc1: {  	_ =	shalt  }

</sc_bundles>
